<compile_context>
chip_gen: v7x
topology: tpu7x:2x2x1
jax: 0.10.2.dev20260603
libtpu: 0.0.44.dev20260713+nightly
codegen_flags: <defaults>
</compile_context>

<pallas_src>
import functools

import jax
import jax.numpy as jnp
from jax import lax
from jax.experimental import pallas as pl
from jax.experimental.pallas import tpu as pltpu
from jax.experimental.pallas import tpu_sc as plsc

_B, _L, _D = 4096, 200, 32
_NC, _NS = 2, 16
_NW = _NC * _NS
_BT = _B // _NW
_LT = _L // 8
_NBUF = 4
_BP = 129


def _make_emb():
    mesh = plsc.VectorSubcoreMesh(core_axis_name="c", subcore_axis_name="s")

    @functools.partial(
        pl.kernel,
        mesh=mesh,
        out_type=jax.ShapeDtypeStruct((_D, _LT, _NW, 8, _BT), jnp.float32),
        compiler_params=pltpu.CompilerParams(
            use_tc_tiling_on_sc=False, needs_layout_passes=False,
            disable_bounds_checks=True),
        scratch_types=[
            pltpu.VMEM((_LT, 8, _BT), jnp.int32),
            pltpu.VMEM((_NBUF, _BT, _D), jnp.float32),
            pltpu.VMEM((_NBUF, _D, _BP), jnp.float32),
            pltpu.SemaphoreType.DMA((_NBUF,)),
            pltpu.SemaphoreType.DMA((_NBUF,)),
        ],
    )
    def emb(x4, table, out5, idx_v, rows_v, trans_v, sem_g, sem_o):
        wid = lax.axis_index("s") * _NC + lax.axis_index("c")
        pltpu.sync_copy(x4.at[:, wid], idx_v)

        def fire_gather(l, k):
            pltpu.async_copy(
                table.at[idx_v.at[lax.div(l, 8), lax.rem(l, 8)]],
                rows_v.at[k], sem_g.at[k])

        for k in range(_NBUF):
            fire_gather(k, k)

        iota = lax.iota(jnp.int32, 16)
        iota_hi = iota + 16

        def l_body(l, carry):
            k = lax.rem(l, _NBUF)

            pltpu.make_async_copy(
                table.at[pl.ds(0, _BT)], rows_v.at[k], sem_g.at[k]).wait()

            @pl.when(l >= _NBUF)
            def _():
                pltpu.make_async_copy(
                    trans_v.at[k, :, pl.ds(0, _BT)], out5.at[:, 0, 0, 0],
                    sem_o.at[k]).wait()

            for b in range(_BT):
                v0 = rows_v[k, b, pl.ds(0, 16)]
                v1 = rows_v[k, b, pl.ds(16, 16)]
                bvec = jnp.full((16,), b, jnp.int32)
                plsc.store_scatter(trans_v.at[k], [iota, bvec], v0)
                plsc.store_scatter(trans_v.at[k], [iota_hi, bvec], v1)

            @pl.when(l + _NBUF < _L)
            def _():
                fire_gather(l + _NBUF, k)

            pltpu.async_copy(
                trans_v.at[k, :, pl.ds(0, _BT)],
                out5.at[:, lax.div(l, 8), wid, lax.rem(l, 8)], sem_o.at[k])
            return carry

        lax.fori_loop(0, _L, l_body, 0)

        for k in range(_NBUF):
            pltpu.make_async_copy(
                trans_v.at[k, :, pl.ds(0, _BT)], out5.at[:, 0, 0, 0],
                sem_o.at[k]).wait()

    return emb


_EMB = _make_emb()


def kernel(x, embedding_table):
    x4 = x.astype(jnp.int32).reshape(_NW, _BT, _LT, 8).transpose((2, 0, 3, 1))
    out5 = _EMB(x4, embedding_table)
    return out5.transpose((2, 4, 0, 1, 3)).reshape(_B, _D, _L)

# --- scband reference (transcript-rebuilt; emitter-appended) ---
"""Pipeline reference for scband-embedding-decoder-40750649705083 (READ-ONLY COPY).

The authoritative reference and input builder live on the scoring server;
editing this copy changes nothing except your own understanding.
"""

import jax, jax.numpy as jnp
import numpy as np

NUM_CLASSES = 1000000
OUTPUT_DIM = 32
BATCH = 4096
HIST_LEN = 200


def setup_inputs(seed: int = 0) -> dict:
    key = jax.random.key(seed)
    k_idx, k_tab = jax.random.split(key)
    x = jax.random.randint(k_idx, (BATCH, HIST_LEN), 0, NUM_CLASSES, dtype=jnp.int64 if jax.config.jax_enable_x64 else jnp.int32)
    embedding_table = jax.random.normal(k_tab, (NUM_CLASSES, OUTPUT_DIM), dtype=jnp.float32)
    return {"x": x, "embedding_table": embedding_table}


def reference(x, embedding_table):
    # n_blocks == 0 path: embedding lookup then transpose(1, 2)
    emb = jnp.take(embedding_table, x, axis=0)  # [B, L, D]
    out = jnp.transpose(emb, (0, 2, 1))         # [B, D, L]
    return out

if __name__ == "__main__":
    import jax
    _d = setup_inputs()
    print(jax.jit(kernel)(*tuple(_d.values())))

</pallas_src>

<mosaic_0001>
#map = affine_map<(d0, d1) -> (0, 0, 0, 0)>
#map1 = affine_map<(d0, d1) -> (0, 0)>
#map2 = affine_map<(d0, d1) -> (0, 0, 0, 0, 0)>
module attributes {stable_mosaic.version = 14 : i64} {
  func.func @emb(%arg0: i32, %arg1: i32, %arg2: memref<25x32x8x128xi32, #tpu.memory_space<hbm>>, %arg3: memref<1000000x32xf32, #tpu.memory_space<hbm>>, %arg4: memref<32x25x32x8x128xf32, #tpu.memory_space<hbm>>, %arg5: memref<25x8x128xi32, #tpu.memory_space<vmem>>, %arg6: memref<4x128x32xf32, #tpu.memory_space<vmem>>, %arg7: memref<4x32x129xf32, #tpu.memory_space<vmem>>, %arg8: memref<4x!tpu.dma_semaphore, #tpu.memory_space<semaphore_mem>>, %arg9: memref<4x!tpu.dma_semaphore, #tpu.memory_space<semaphore_mem>>) attributes {dimension_semantics = [#tpu.dimension_semantics<core_parallel>, #tpu.dimension_semantics<subcore_parallel>], iteration_bounds = array<i64: 2, 16>, scalar_prefetch = 0 : i64, scratch_operands = 5 : i64, tpu.core_type = #tpu.core_type<sc_vector_subcore>, window_params = [{transform_indices = #map}, {transform_indices = #map1}, {transform_indices = #map2}]} {
    %mul3A = arith.constant 2 : i32
    %mul3A_0 = arith.muli %arg1, %mul3A : i32
    %add3A = arith.addi %mul3A_0, %arg0 : i32
    "tpu.region"() ({
      %run_scoped3A = tpu.sem_alloc : memref<!tpu.dma_semaphore, #tpu.memory_space<semaphore_mem>>
      %dma_start3A_177 = arith.constant 0 : i32
      %dma_start3A_178 = arith.constant 0 : i32
      %dma_start3A_179 = arith.constant 0 : i32
      %dma_start3A_180 = tpu.memref_slice %arg2[%dma_start3A_177, %add3A, %dma_start3A_178, %dma_start3A_179] : memref<25x32x8x128xi32, #tpu.memory_space<hbm>> -> memref<25x1x8x128xi32, #tpu.memory_space<hbm>>
      %dma_start3A_181 = tpu.memref_squeeze %dma_start3A_180 : memref<25x1x8x128xi32, #tpu.memory_space<hbm>> -> memref<25x8x128xi32, #tpu.memory_space<hbm>>
      %dma_start3A_182 = arith.constant 0 : i32
      %dma_start3A_183 = arith.constant 0 : i32
      %dma_start3A_184 = arith.constant 0 : i32
      %dma_start3A_185 = tpu.memref_slice %arg2[%dma_start3A_182, %add3A, %dma_start3A_183, %dma_start3A_184] : memref<25x32x8x128xi32, #tpu.memory_space<hbm>> -> memref<25x1x8x128xi32, #tpu.memory_space<hbm>>
      %dma_start3A_186 = tpu.memref_squeeze %dma_start3A_185 : memref<25x1x8x128xi32, #tpu.memory_space<hbm>> -> memref<25x8x128xi32, #tpu.memory_space<hbm>>
      tpu.enqueue_dma source(%dma_start3A_186 : memref<25x8x128xi32, #tpu.memory_space<hbm>>) target(%arg5 : memref<25x8x128xi32, #tpu.memory_space<vmem>>) target_semaphore(%run_scoped3A : memref<!tpu.dma_semaphore, #tpu.memory_space<semaphore_mem>>)
      %dma_wait3A_187 = arith.constant 0 : i32
      %dma_wait3A_188 = arith.constant 0 : i32
      %dma_wait3A_189 = arith.constant 0 : i32
      %dma_wait3A_190 = tpu.memref_slice %arg2[%dma_wait3A_187, %add3A, %dma_wait3A_188, %dma_wait3A_189] : memref<25x32x8x128xi32, #tpu.memory_space<hbm>> -> memref<25x1x8x128xi32, #tpu.memory_space<hbm>>
      %dma_wait3A_191 = tpu.memref_squeeze %dma_wait3A_190 : memref<25x1x8x128xi32, #tpu.memory_space<hbm>> -> memref<25x8x128xi32, #tpu.memory_space<hbm>>
      %dma_wait3A_192 = arith.constant 0 : i32
      %dma_wait3A_193 = arith.constant 0 : i32
      %dma_wait3A_194 = arith.constant 0 : i32
      %dma_wait3A_195 = tpu.memref_slice %arg2[%dma_wait3A_192, %add3A, %dma_wait3A_193, %dma_wait3A_194] : memref<25x32x8x128xi32, #tpu.memory_space<hbm>> -> memref<25x1x8x128xi32, #tpu.memory_space<hbm>>
      %dma_wait3A_196 = tpu.memref_squeeze %dma_wait3A_195 : memref<25x1x8x128xi32, #tpu.memory_space<hbm>> -> memref<25x8x128xi32, #tpu.memory_space<hbm>>
      tpu.wait_dma2 semaphore(%run_scoped3A : memref<!tpu.dma_semaphore, #tpu.memory_space<semaphore_mem>>) src(%dma_wait3A_196 : memref<25x8x128xi32, #tpu.memory_space<hbm>>) dst(%arg5 : memref<25x8x128xi32, #tpu.memory_space<vmem>>)
      tpu.yield
    }) : () -> ()
    %div3A = arith.constant 0 : i32
    %div3A_1 = arith.constant 8 : i32
    %div3A_2 = arith.divsi %div3A, %div3A_1 : i32
    %rem3A = arith.constant 0 : i32
    %rem3A_3 = arith.constant 8 : i32
    %rem3A_4 = arith.remsi %rem3A, %rem3A_3 : i32
    %dma_start3A = arith.constant 0 : i32
    %dma_start3A_5 = arith.constant 0 : i32
    %dma_start3A_6 = arith.constant 0 : i32
    %dma_start3A_7 = arith.constant 0 : i32
    %dma_start3A_8 = tpu.memref_slice %arg6[%dma_start3A, %dma_start3A_6, %dma_start3A_7] : memref<4x128x32xf32, #tpu.memory_space<vmem>> -> memref<1x128x32xf32, #tpu.memory_space<vmem>>
    %dma_start3A_9 = tpu.memref_squeeze %dma_start3A_8 : memref<1x128x32xf32, #tpu.memory_space<vmem>> -> memref<128x32xf32, #tpu.memory_space<vmem>>
    %dma_start3A_10 = arith.constant 0 : i32
    %dma_start3A_11 = tpu.memref_slice %arg5[%div3A_2, %rem3A_4, %dma_start3A_10] : memref<25x8x128xi32, #tpu.memory_space<vmem>> -> memref<1x1x128xi32, #tpu.memory_space<vmem>>
    %dma_start3A_12 = tpu.memref_squeeze %dma_start3A_11 : memref<1x1x128xi32, #tpu.memory_space<vmem>> -> memref<128xi32, #tpu.memory_space<vmem>>
    %dma_start3A_13 = arith.constant 0 : i32
    %dma_start3A_14 = arith.constant 0 : i32
    %dma_start3A_15 = tpu.memref_slice %arg3[%dma_start3A_13, %dma_start3A_14] : memref<1000000x32xf32, #tpu.memory_space<hbm>> -> memref<1000000x32xf32, #tpu.memory_space<hbm>>
    %dma_start3A_16 = tpu.memref_slice %arg8[%dma_start3A_5] : memref<4x!tpu.dma_semaphore, #tpu.memory_space<semaphore_mem>> -> memref<1x!tpu.dma_semaphore, #tpu.memory_space<semaphore_mem>>
    %dma_start3A_17 = tpu.memref_squeeze %dma_start3A_16 : memref<1x!tpu.dma_semaphore, #tpu.memory_space<semaphore_mem>> -> memref<!tpu.dma_semaphore, #tpu.memory_space<semaphore_mem>>
    tpu.enqueue_indirect_dma source(%dma_start3A_15 : memref<1000000x32xf32, #tpu.memory_space<hbm>>) target(%dma_start3A_9 : memref<128x32xf32, #tpu.memory_space<vmem>>) offsets(%dma_start3A_12 : memref<128xi32, #tpu.memory_space<vmem>>) semaphore(%dma_start3A_17 : memref<!tpu.dma_semaphore, #tpu.memory_space<semaphore_mem>>)
    %div3A_18 = arith.constant 1 : i32
    %div3A_19 = arith.constant 8 : i32
    %div3A_20 = arith.divsi %div3A_18, %div3A_19 : i32
    %rem3A_21 = arith.constant 1 : i32
    %rem3A_22 = arith.constant 8 : i32
    %rem3A_23 = arith.remsi %rem3A_21, %rem3A_22 : i32
    %dma_start3A_24 = arith.constant 1 : i32
    %dma_start3A_25 = arith.constant 1 : i32
    %dma_start3A_26 = arith.constant 0 : i32
    %dma_start3A_27 = arith.constant 0 : i32
    %dma_start3A_28 = tpu.memref_slice %arg6[%dma_start3A_24, %dma_start3A_26, %dma_start3A_27] : memref<4x128x32xf32, #tpu.memory_space<vmem>> -> memref<1x128x32xf32, #tpu.memory_space<vmem>>
    %dma_start3A_29 = tpu.memref_squeeze %dma_start3A_28 : memref<1x128x32xf32, #tpu.memory_space<vmem>> -> memref<128x32xf32, #tpu.memory_space<vmem>>
    %dma_start3A_30 = arith.constant 0 : i32
    %dma_start3A_31 = tpu.memref_slice %arg5[%div3A_20, %rem3A_23, %dma_start3A_30] : memref<25x8x128xi32, #tpu.memory_space<vmem>> -> memref<1x1x128xi32, #tpu.memory_space<vmem>>
    %dma_start3A_32 = tpu.memref_squeeze %dma_start3A_31 : memref<1x1x128xi32, #tpu.memory_space<vmem>> -> memref<128xi32, #tpu.memory_space<vmem>>
    %dma_start3A_33 = arith.constant 0 : i32
    %dma_start3A_34 = arith.constant 0 : i32
    %dma_start3A_35 = tpu.memref_slice %arg3[%dma_start3A_33, %dma_start3A_34] : memref<1000000x32xf32, #tpu.memory_space<hbm>> -> memref<1000000x32xf32, #tpu.memory_space<hbm>>
    %dma_start3A_36 = tpu.memref_slice %arg8[%dma_start3A_25] : memref<4x!tpu.dma_semaphore, #tpu.memory_space<semaphore_mem>> -> memref<1x!tpu.dma_semaphore, #tpu.memory_space<semaphore_mem>>
    %dma_start3A_37 = tpu.memref_squeeze %dma_start3A_36 : memref<1x!tpu.dma_semaphore, #tpu.memory_space<semaphore_mem>> -> memref<!tpu.dma_semaphore, #tpu.memory_space<semaphore_mem>>
    tpu.enqueue_indirect_dma source(%dma_start3A_35 : memref<1000000x32xf32, #tpu.memory_space<hbm>>) target(%dma_start3A_29 : memref<128x32xf32, #tpu.memory_space<vmem>>) offsets(%dma_start3A_32 : memref<128xi32, #tpu.memory_space<vmem>>) semaphore(%dma_start3A_37 : memref<!tpu.dma_semaphore, #tpu.memory_space<semaphore_mem>>)
    %div3A_38 = arith.constant 2 : i32
    %div3A_39 = arith.constant 8 : i32
    %div3A_40 = arith.divsi %div3A_38, %div3A_39 : i32
    %rem3A_41 = arith.constant 2 : i32
    %rem3A_42 = arith.constant 8 : i32
    %rem3A_43 = arith.remsi %rem3A_41, %rem3A_42 : i32
    %dma_start3A_44 = arith.constant 2 : i32
    %dma_start3A_45 = arith.constant 2 : i32
    %dma_start3A_46 = arith.constant 0 : i32
    %dma_start3A_47 = arith.constant 0 : i32
    %dma_start3A_48 = tpu.memref_slice %arg6[%dma_start3A_44, %dma_start3A_46, %dma_start3A_47] : memref<4x128x32xf32, #tpu.memory_space<vmem>> -> memref<1x128x32xf32, #tpu.memory_space<vmem>>
    %dma_start3A_49 = tpu.memref_squeeze %dma_start3A_48 : memref<1x128x32xf32, #tpu.memory_space<vmem>> -> memref<128x32xf32, #tpu.memory_space<vmem>>
    %dma_start3A_50 = arith.constant 0 : i32
    %dma_start3A_51 = tpu.memref_slice %arg5[%div3A_40, %rem3A_43, %dma_start3A_50] : memref<25x8x128xi32, #tpu.memory_space<vmem>> -> memref<1x1x128xi32, #tpu.memory_space<vmem>>
    %dma_start3A_52 = tpu.memref_squeeze %dma_start3A_51 : memref<1x1x128xi32, #tpu.memory_space<vmem>> -> memref<128xi32, #tpu.memory_space<vmem>>
    %dma_start3A_53 = arith.constant 0 : i32
    %dma_start3A_54 = arith.constant 0 : i32
    %dma_start3A_55 = tpu.memref_slice %arg3[%dma_start3A_53, %dma_start3A_54] : memref<1000000x32xf32, #tpu.memory_space<hbm>> -> memref<1000000x32xf32, #tpu.memory_space<hbm>>
    %dma_start3A_56 = tpu.memref_slice %arg8[%dma_start3A_45] : memref<4x!tpu.dma_semaphore, #tpu.memory_space<semaphore_mem>> -> memref<1x!tpu.dma_semaphore, #tpu.memory_space<semaphore_mem>>
    %dma_start3A_57 = tpu.memref_squeeze %dma_start3A_56 : memref<1x!tpu.dma_semaphore, #tpu.memory_space<semaphore_mem>> -> memref<!tpu.dma_semaphore, #tpu.memory_space<semaphore_mem>>
    tpu.enqueue_indirect_dma source(%dma_start3A_55 : memref<1000000x32xf32, #tpu.memory_space<hbm>>) target(%dma_start3A_49 : memref<128x32xf32, #tpu.memory_space<vmem>>) offsets(%dma_start3A_52 : memref<128xi32, #tpu.memory_space<vmem>>) semaphore(%dma_start3A_57 : memref<!tpu.dma_semaphore, #tpu.memory_space<semaphore_mem>>)
    %div3A_58 = arith.constant 3 : i32
    %div3A_59 = arith.constant 8 : i32
    %div3A_60 = arith.divsi %div3A_58, %div3A_59 : i32
    %rem3A_61 = arith.constant 3 : i32
    %rem3A_62 = arith.constant 8 : i32
    %rem3A_63 = arith.remsi %rem3A_61, %rem3A_62 : i32
    %dma_start3A_64 = arith.constant 3 : i32
    %dma_start3A_65 = arith.constant 3 : i32
    %dma_start3A_66 = arith.constant 0 : i32
    %dma_start3A_67 = arith.constant 0 : i32
    %dma_start3A_68 = tpu.memref_slice %arg6[%dma_start3A_64, %dma_start3A_66, %dma_start3A_67] : memref<4x128x32xf32, #tpu.memory_space<vmem>> -> memref<1x128x32xf32, #tpu.memory_space<vmem>>
    %dma_start3A_69 = tpu.memref_squeeze %dma_start3A_68 : memref<1x128x32xf32, #tpu.memory_space<vmem>> -> memref<128x32xf32, #tpu.memory_space<vmem>>
    %dma_start3A_70 = arith.constant 0 : i32
    %dma_start3A_71 = tpu.memref_slice %arg5[%div3A_60, %rem3A_63, %dma_start3A_70] : memref<25x8x128xi32, #tpu.memory_space<vmem>> -> memref<1x1x128xi32, #tpu.memory_space<vmem>>
    %dma_start3A_72 = tpu.memref_squeeze %dma_start3A_71 : memref<1x1x128xi32, #tpu.memory_space<vmem>> -> memref<128xi32, #tpu.memory_space<vmem>>
    %dma_start3A_73 = arith.constant 0 : i32
    %dma_start3A_74 = arith.constant 0 : i32
    %dma_start3A_75 = tpu.memref_slice %arg3[%dma_start3A_73, %dma_start3A_74] : memref<1000000x32xf32, #tpu.memory_space<hbm>> -> memref<1000000x32xf32, #tpu.memory_space<hbm>>
    %dma_start3A_76 = tpu.memref_slice %arg8[%dma_start3A_65] : memref<4x!tpu.dma_semaphore, #tpu.memory_space<semaphore_mem>> -> memref<1x!tpu.dma_semaphore, #tpu.memory_space<semaphore_mem>>
    %dma_start3A_77 = tpu.memref_squeeze %dma_start3A_76 : memref<1x!tpu.dma_semaphore, #tpu.memory_space<semaphore_mem>> -> memref<!tpu.dma_semaphore, #tpu.memory_space<semaphore_mem>>
    tpu.enqueue_indirect_dma source(%dma_start3A_75 : memref<1000000x32xf32, #tpu.memory_space<hbm>>) target(%dma_start3A_69 : memref<128x32xf32, #tpu.memory_space<vmem>>) offsets(%dma_start3A_72 : memref<128xi32, #tpu.memory_space<vmem>>) semaphore(%dma_start3A_77 : memref<!tpu.dma_semaphore, #tpu.memory_space<semaphore_mem>>)
    %iota3A = tpu.iota {dimensions = array<i32: 0>} : vector<16xi32>
    %add3A_78 = arith.constant 16 : i32
    %add3A_79 = vector.broadcast %add3A_78 : i32 to vector<16xi32>
    %add3A_80 = arith.addi %iota3A, %add3A_79 : vector<16xi32>
    %scan3A = arith.constant 0 : i32
    %scan3A_81 = arith.constant 0 : i32
    %scan3A_82 = arith.constant 200 : i32
    %scan3A_83 = arith.addi %scan3A_81, %scan3A_82 : i32
    %scan3A_84 = arith.constant 1 : i32
    scf.for %scan3A_177 = %scan3A_81 to %scan3A_83 step %scan3A_84  : i32 {
      %rem3A_178 = arith.constant 4 : i32
      %rem3A_179 = arith.remsi %scan3A_177, %rem3A_178 : i32
      %dma_wait3A_180 = arith.constant 0 : i32
      %dma_wait3A_181 = arith.constant 0 : i32
      %dma_wait3A_182 = tpu.memref_slice %arg6[%rem3A_179, %dma_wait3A_180, %dma_wait3A_181] : memref<4x128x32xf32, #tpu.memory_space<vmem>> -> memref<1x128x32xf32, #tpu.memory_space<vmem>>
      %dma_wait3A_183 = tpu.memref_squeeze %dma_wait3A_182 : memref<1x128x32xf32, #tpu.memory_space<vmem>> -> memref<128x32xf32, #tpu.memory_space<vmem>>
      %dma_wait3A_184 = arith.constant 0 : i32
      %dma_wait3A_185 = arith.constant 0 : i32
      %dma_wait3A_186 = tpu.memref_slice %arg3[%dma_wait3A_184, %dma_wait3A_185] : memref<1000000x32xf32, #tpu.memory_space<hbm>> -> memref<128x32xf32, #tpu.memory_space<hbm>>
      %dma_wait3A_187 = tpu.memref_slice %arg8[%rem3A_179] : memref<4x!tpu.dma_semaphore, #tpu.memory_space<semaphore_mem>> -> memref<1x!tpu.dma_semaphore, #tpu.memory_space<semaphore_mem>>
      %dma_wait3A_188 = tpu.memref_squeeze %dma_wait3A_187 : memref<1x!tpu.dma_semaphore, #tpu.memory_space<semaphore_mem>> -> memref<!tpu.dma_semaphore, #tpu.memory_space<semaphore_mem>>
      %dma_wait3A_189 = arith.constant 0 : i32
      %dma_wait3A_190 = arith.constant 0 : i32
      %dma_wait3A_191 = tpu.memref_slice %arg6[%rem3A_179, %dma_wait3A_189, %dma_wait3A_190] : memref<4x128x32xf32, #tpu.memory_space<vmem>> -> memref<1x128x32xf32, #tpu.memory_space<vmem>>
      %dma_wait3A_192 = tpu.memref_squeeze %dma_wait3A_191 : memref<1x128x32xf32, #tpu.memory_space<vmem>> -> memref<128x32xf32, #tpu.memory_space<vmem>>
      %dma_wait3A_193 = arith.constant 0 : i32
      %dma_wait3A_194 = arith.constant 0 : i32
      %dma_wait3A_195 = tpu.memref_slice %arg3[%dma_wait3A_193, %dma_wait3A_194] : memref<1000000x32xf32, #tpu.memory_space<hbm>> -> memref<128x32xf32, #tpu.memory_space<hbm>>
      tpu.wait_dma2 semaphore(%dma_wait3A_188 : memref<!tpu.dma_semaphore, #tpu.memory_space<semaphore_mem>>) src(%dma_wait3A_195 : memref<128x32xf32, #tpu.memory_space<hbm>>) dst(%dma_wait3A_192 : memref<128x32xf32, #tpu.memory_space<vmem>>)
      %ge3A = arith.constant 4 : i32
      %ge3A_196 = arith.cmpi sge, %scan3A_177, %ge3A : i32
      %convert_element_type3A = arith.extui %ge3A_196 : i1 to i32
      %cond3A = arith.constant 0 : i32
      %cond3A_197 = arith.cmpi ne, %convert_element_type3A, %cond3A : i32
      scf.if %cond3A_197 {
        %dma_wait3A_2783 = arith.constant 0 : i32
        %dma_wait3A_2784 = arith.constant 0 : i32
        %dma_wait3A_2785 = arith.constant 0 : i32
        %dma_wait3A_2786 = arith.constant 0 : i32
        %dma_wait3A_2787 = arith.constant 0 : i32
        %dma_wait3A_2788 = tpu.memref_slice %arg7[%rem3A_179, %dma_wait3A_2786, %dma_wait3A_2787] : memref<4x32x129xf32, #tpu.memory_space<vmem>> -> memref<1x32x128xf32, #tpu.memory_space<vmem>>
        %dma_wait3A_2789 = tpu.memref_squeeze %dma_wait3A_2788 : memref<1x32x128xf32, #tpu.memory_space<vmem>> -> memref<32x128xf32, #tpu.memory_space<vmem>>
        %dma_wait3A_2790 = arith.constant 0 : i32
        %dma_wait3A_2791 = arith.constant 0 : i32
        %dma_wait3A_2792 = tpu.memref_slice %arg4[%dma_wait3A_2790, %dma_wait3A_2783, %dma_wait3A_2784, %dma_wait3A_2785, %dma_wait3A_2791] : memref<32x25x32x8x128xf32, #tpu.memory_space<hbm>> -> memref<32x1x1x1x128xf32, #tpu.memory_space<hbm>>
        %dma_wait3A_2793 = tpu.memref_squeeze %dma_wait3A_2792 : memref<32x1x1x1x128xf32, #tpu.memory_space<hbm>> -> memref<32x128xf32, #tpu.memory_space<hbm>>
        %dma_wait3A_2794 = tpu.memref_slice %arg9[%rem3A_179] : memref<4x!tpu.dma_semaphore, #tpu.memory_space<semaphore_mem>> -> memref<1x!tpu.dma_semaphore, #tpu.memory_space<semaphore_mem>>
        %dma_wait3A_2795 = tpu.memref_squeeze %dma_wait3A_2794 : memref<1x!tpu.dma_semaphore, #tpu.memory_space<semaphore_mem>> -> memref<!tpu.dma_semaphore, #tpu.memory_space<semaphore_mem>>
        %dma_wait3A_2796 = arith.constant 0 : i32
        %dma_wait3A_2797 = arith.constant 0 : i32
        %dma_wait3A_2798 = tpu.memref_slice %arg4[%dma_wait3A_2796, %dma_wait3A_2783, %dma_wait3A_2784, %dma_wait3A_2785, %dma_wait3A_2797] : memref<32x25x32x8x128xf32, #tpu.memory_space<hbm>> -> memref<32x1x1x1x128xf32, #tpu.memory_space<hbm>>
        %dma_wait3A_2799 = tpu.memref_squeeze %dma_wait3A_2798 : memref<32x1x1x1x128xf32, #tpu.memory_space<hbm>> -> memref<32x128xf32, #tpu.memory_space<hbm>>
        %dma_wait3A_2800 = arith.constant 0 : i32
        %dma_wait3A_2801 = arith.constant 0 : i32
        %dma_wait3A_2802 = tpu.memref_slice %arg7[%rem3A_179, %dma_wait3A_2800, %dma_wait3A_2801] : memref<4x32x129xf32, #tpu.memory_space<vmem>> -> memref<1x32x128xf32, #tpu.memory_space<vmem>>
        %dma_wait3A_2803 = tpu.memref_squeeze %dma_wait3A_2802 : memref<1x32x128xf32, #tpu.memory_space<vmem>> -> memref<32x128xf32, #tpu.memory_space<vmem>>
        tpu.wait_dma2 semaphore(%dma_wait3A_2795 : memref<!tpu.dma_semaphore, #tpu.memory_space<semaphore_mem>>) src(%dma_wait3A_2803 : memref<32x128xf32, #tpu.memory_space<vmem>>) dst(%dma_wait3A_2799 : memref<32x128xf32, #tpu.memory_space<hbm>>)
      } else {
      }
      %get3A = arith.constant 0 : i32
      %get3A_198 = arith.index_cast %rem3A_179 : i32 to index
      %get3A_199 = arith.index_cast %get3A : i32 to index
      %get3A_200 = arith.constant 0 : index
      %get3A_201 = tpu.vector_load %arg6[%get3A_198, %get3A_199, %get3A_200] {strides = array<i32>} : memref<4x128x32xf32, #tpu.memory_space<vmem>>, vector<16xf32>,
      %get3A_202 = arith.constant 0 : i32
      %get3A_203 = arith.index_cast %rem3A_179 : i32 to index
      %get3A_204 = arith.index_cast %get3A_202 : i32 to index
      %get3A_205 = arith.constant 16 : index
      %get3A_206 = tpu.vector_load %arg6[%get3A_203, %get3A_204, %get3A_205] {strides = array<i32>} : memref<4x128x32xf32, #tpu.memory_space<vmem>>, vector<16xf32>,
      %broadcast_in_dim3A = arith.constant 0 : i32
      %broadcast_in_dim3A_207 = vector.broadcast %broadcast_in_dim3A : i32 to vector<16xi32>
      %scatter3A = arith.constant 0 : i32
      %scatter3A_208 = arith.constant 0 : i32
      %scatter3A_209 = tpu.memref_slice %arg7[%rem3A_179, %scatter3A, %scatter3A_208] : memref<4x32x129xf32, #tpu.memory_space<vmem>> -> memref<1x32x129xf32, #tpu.memory_space<vmem>>
      %scatter3A_210 = tpu.memref_squeeze %scatter3A_209 : memref<1x32x129xf32, #tpu.memory_space<vmem>> -> memref<32x129xf32, #tpu.memory_space<vmem>>
      tpu.vector_store_idx %scatter3A_210[%iota3A, %broadcast_in_dim3A_207], %get3A_201 : memref<32x129xf32, #tpu.memory_space<vmem>>[vector<16xi32>, vector<16xi32>], vector<16xf32>,
      %scatter3A_211 = arith.constant 0 : i32
      %scatter3A_212 = arith.constant 0 : i32
      %scatter3A_213 = tpu.memref_slice %arg7[%rem3A_179, %scatter3A_211, %scatter3A_212] : memref<4x32x129xf32, #tpu.memory_space<vmem>> -> memref<1x32x129xf32, #tpu.memory_space<vmem>>
      %scatter3A_214 = tpu.memref_squeeze %scatter3A_213 : memref<1x32x129xf32, #tpu.memory_space<vmem>> -> memref<32x129xf32, #tpu.memory_space<vmem>>
      tpu.vector_store_idx %scatter3A_214[%add3A_80, %broadcast_in_dim3A_207], %get3A_206 : memref<32x129xf32, #tpu.memory_space<vmem>>[vector<16xi32>, vector<16xi32>], vector<16xf32>,
      %get3A_215 = arith.constant 1 : i32
      %get3A_216 = arith.index_cast %rem3A_179 : i32 to index
      %get3A_217 = arith.index_cast %get3A_215 : i32 to index
      %get3A_218 = arith.constant 0 : index
      %get3A_219 = tpu.vector_load %arg6[%get3A_216, %get3A_217, %get3A_218] {strides = array<i32>} : memref<4x128x32xf32, #tpu.memory_space<vmem>>, vector<16xf32>,
      %get3A_220 = arith.constant 1 : i32
      %get3A_221 = arith.index_cast %rem3A_179 : i32 to index
      %get3A_222 = arith.index_cast %get3A_220 : i32 to index
      %get3A_223 = arith.constant 16 : index
      %get3A_224 = tpu.vector_load %arg6[%get3A_221, %get3A_222, %get3A_223] {strides = array<i32>} : memref<4x128x32xf32, #tpu.memory_space<vmem>>, vector<16xf32>,
      %broadcast_in_dim3A_225 = arith.constant 1 : i32
      %broadcast_in_dim3A_226 = vector.broadcast %broadcast_in_dim3A_225 : i32 to vector<16xi32>
      %scatter3A_227 = arith.constant 0 : i32
      %scatter3A_228 = arith.constant 0 : i32
      %scatter3A_229 = tpu.memref_slice %arg7[%rem3A_179, %scatter3A_227, %scatter3A_228] : memref<4x32x129xf32, #tpu.memory_space<vmem>> -> memref<1x32x129xf32, #tpu.memory_space<vmem>>
      %scatter3A_230 = tpu.memref_squeeze %scatter3A_229 : memref<1x32x129xf32, #tpu.memory_space<vmem>> -> memref<32x129xf32, #tpu.memory_space<vmem>>
      tpu.vector_store_idx %scatter3A_230[%iota3A, %broadcast_in_dim3A_226], %get3A_219 : memref<32x129xf32, #tpu.memory_space<vmem>>[vector<16xi32>, vector<16xi32>], vector<16xf32>,
      %scatter3A_231 = arith.constant 0 : i32
      %scatter3A_232 = arith.constant 0 : i32
      %scatter3A_233 = tpu.memref_slice %arg7[%rem3A_179, %scatter3A_231, %scatter3A_232] : memref<4x32x129xf32, #tpu.memory_space<vmem>> -> memref<1x32x129xf32, #tpu.memory_space<vmem>>
      %scatter3A_234 = tpu.memref_squeeze %scatter3A_233 : memref<1x32x129xf32, #tpu.memory_space<vmem>> -> memref<32x129xf32, #tpu.memory_space<vmem>>
      tpu.vector_store_idx %scatter3A_234[%add3A_80, %broadcast_in_dim3A_226], %get3A_224 : memref<32x129xf32, #tpu.memory_space<vmem>>[vector<16xi32>, vector<16xi32>], vector<16xf32>,
      %get3A_235 = arith.constant 2 : i32
      %get3A_236 = arith.index_cast %rem3A_179 : i32 to index
      %get3A_237 = arith.index_cast %get3A_235 : i32 to index
      %get3A_238 = arith.constant 0 : index
      %get3A_239 = tpu.vector_load %arg6[%get3A_236, %get3A_237, %get3A_238] {strides = array<i32>} : memref<4x128x32xf32, #tpu.memory_space<vmem>>, vector<16xf32>,
      %get3A_240 = arith.constant 2 : i32
      %get3A_241 = arith.index_cast %rem3A_179 : i32 to index
      %get3A_242 = arith.index_cast %get3A_240 : i32 to index
      %get3A_243 = arith.constant 16 : index
      %get3A_244 = tpu.vector_load %arg6[%get3A_241, %get3A_242, %get3A_243] {strides = array<i32>} : memref<4x128x32xf32, #tpu.memory_space<vmem>>, vector<16xf32>,
      %broadcast_in_dim3A_245 = arith.constant 2 : i32
      %broadcast_in_dim3A_246 = vector.broadcast %broadcast_in_dim3A_245 : i32 to vector<16xi32>
      %scatter3A_247 = arith.constant 0 : i32
      %scatter3A_248 = arith.constant 0 : i32
      %scatter3A_249 = tpu.memref_slice %arg7[%rem3A_179, %scatter3A_247, %scatter3A_248] : memref<4x32x129xf32, #tpu.memory_space<vmem>> -> memref<1x32x129xf32, #tpu.memory_space<vmem>>
      %scatter3A_250 = tpu.memref_squeeze %scatter3A_249 : memref<1x32x129xf32, #tpu.memory_space<vmem>> -> memref<32x129xf32, #tpu.memory_space<vmem>>
      tpu.vector_store_idx %scatter3A_250[%iota3A, %broadcast_in_dim3A_246], %get3A_239 : memref<32x129xf32, #tpu.memory_space<vmem>>[vector<16xi32>, vector<16xi32>], vector<16xf32>,
      %scatter3A_251 = arith.constant 0 : i32
      %scatter3A_252 = arith.constant 0 : i32
      %scatter3A_253 = tpu.memref_slice %arg7[%rem3A_179, %scatter3A_251, %scatter3A_252] : memref<4x32x129xf32, #tpu.memory_space<vmem>> -> memref<1x32x129xf32, #tpu.memory_space<vmem>>
      %scatter3A_254 = tpu.memref_squeeze %scatter3A_253 : memref<1x32x129xf32, #tpu.memory_space<vmem>> -> memref<32x129xf32, #tpu.memory_space<vmem>>
      tpu.vector_store_idx %scatter3A_254[%add3A_80, %broadcast_in_dim3A_246], %get3A_244 : memref<32x129xf32, #tpu.memory_space<vmem>>[vector<16xi32>, vector<16xi32>], vector<16xf32>,
      %get3A_255 = arith.constant 3 : i32
      %get3A_256 = arith.index_cast %rem3A_179 : i32 to index
      %get3A_257 = arith.index_cast %get3A_255 : i32 to index
      %get3A_258 = arith.constant 0 : index
      %get3A_259 = tpu.vector_load %arg6[%get3A_256, %get3A_257, %get3A_258] {strides = array<i32>} : memref<4x128x32xf32, #tpu.memory_space<vmem>>, vector<16xf32>,
      %get3A_260 = arith.constant 3 : i32
      %get3A_261 = arith.index_cast %rem3A_179 : i32 to index
      %get3A_262 = arith.index_cast %get3A_260 : i32 to index
      %get3A_263 = arith.constant 16 : index
      %get3A_264 = tpu.vector_load %arg6[%get3A_261, %get3A_262, %get3A_263] {strides = array<i32>} : memref<4x128x32xf32, #tpu.memory_space<vmem>>, vector<16xf32>,
      %broadcast_in_dim3A_265 = arith.constant 3 : i32
      %broadcast_in_dim3A_266 = vector.broadcast %broadcast_in_dim3A_265 : i32 to vector<16xi32>
      %scatter3A_267 = arith.constant 0 : i32
      %scatter3A_268 = arith.constant 0 : i32
      %scatter3A_269 = tpu.memref_slice %arg7[%rem3A_179, %scatter3A_267, %scatter3A_268] : memref<4x32x129xf32, #tpu.memory_space<vmem>> -> memref<1x32x129xf32, #tpu.memory_space<vmem>>
      %scatter3A_270 = tpu.memref_squeeze %scatter3A_269 : memref<1x32x129xf32, #tpu.memory_space<vmem>> -> memref<32x129xf32, #tpu.memory_space<vmem>>
      tpu.vector_store_idx %scatter3A_270[%iota3A, %broadcast_in_dim3A_266], %get3A_259 : memref<32x129xf32, #tpu.memory_space<vmem>>[vector<16xi32>, vector<16xi32>], vector<16xf32>,
      %scatter3A_271 = arith.constant 0 : i32
      %scatter3A_272 = arith.constant 0 : i32
      %scatter3A_273 = tpu.memref_slice %arg7[%rem3A_179, %scatter3A_271, %scatter3A_272] : memref<4x32x129xf32, #tpu.memory_space<vmem>> -> memref<1x32x129xf32, #tpu.memory_space<vmem>>
      %scatter3A_274 = tpu.memref_squeeze %scatter3A_273 : memref<1x32x129xf32, #tpu.memory_space<vmem>> -> memref<32x129xf32, #tpu.memory_space<vmem>>
      tpu.vector_store_idx %scatter3A_274[%add3A_80, %broadcast_in_dim3A_266], %get3A_264 : memref<32x129xf32, #tpu.memory_space<vmem>>[vector<16xi32>, vector<16xi32>], vector<16xf32>,
      %get3A_275 = arith.constant 4 : i32
      %get3A_276 = arith.index_cast %rem3A_179 : i32 to index
      %get3A_277 = arith.index_cast %get3A_275 : i32 to index
      %get3A_278 = arith.constant 0 : index
      %get3A_279 = tpu.vector_load %arg6[%get3A_276, %get3A_277, %get3A_278] {strides = array<i32>} : memref<4x128x32xf32, #tpu.memory_space<vmem>>, vector<16xf32>,
      %get3A_280 = arith.constant 4 : i32
      %get3A_281 = arith.index_cast %rem3A_179 : i32 to index
      %get3A_282 = arith.index_cast %get3A_280 : i32 to index
      %get3A_283 = arith.constant 16 : index
      %get3A_284 = tpu.vector_load %arg6[%get3A_281, %get3A_282, %get3A_283] {strides = array<i32>} : memref<4x128x32xf32, #tpu.memory_space<vmem>>, vector<16xf32>,
      %broadcast_in_dim3A_285 = arith.constant 4 : i32
      %broadcast_in_dim3A_286 = vector.broadcast %broadcast_in_dim3A_285 : i32 to vector<16xi32>
      %scatter3A_287 = arith.constant 0 : i32
      %scatter3A_288 = arith.constant 0 : i32
      %scatter3A_289 = tpu.memref_slice %arg7[%rem3A_179, %scatter3A_287, %scatter3A_288] : memref<4x32x129xf32, #tpu.memory_space<vmem>> -> memref<1x32x129xf32, #tpu.memory_space<vmem>>
      %scatter3A_290 = tpu.memref_squeeze %scatter3A_289 : memref<1x32x129xf32, #tpu.memory_space<vmem>> -> memref<32x129xf32, #tpu.memory_space<vmem>>
      tpu.vector_store_idx %scatter3A_290[%iota3A, %broadcast_in_dim3A_286], %get3A_279 : memref<32x129xf32, #tpu.memory_space<vmem>>[vector<16xi32>, vector<16xi32>], vector<16xf32>,
      %scatter3A_291 = arith.constant 0 : i32
      %scatter3A_292 = arith.constant 0 : i32
      %scatter3A_293 = tpu.memref_slice %arg7[%rem3A_179, %scatter3A_291, %scatter3A_292] : memref<4x32x129xf32, #tpu.memory_space<vmem>> -> memref<1x32x129xf32, #tpu.memory_space<vmem>>
      %scatter3A_294 = tpu.memref_squeeze %scatter3A_293 : memref<1x32x129xf32, #tpu.memory_space<vmem>> -> memref<32x129xf32, #tpu.memory_space<vmem>>
      tpu.vector_store_idx %scatter3A_294[%add3A_80, %broadcast_in_dim3A_286], %get3A_284 : memref<32x129xf32, #tpu.memory_space<vmem>>[vector<16xi32>, vector<16xi32>], vector<16xf32>,
      %get3A_295 = arith.constant 5 : i32
      %get3A_296 = arith.index_cast %rem3A_179 : i32 to index
      %get3A_297 = arith.index_cast %get3A_295 : i32 to index
      %get3A_298 = arith.constant 0 : index
      %get3A_299 = tpu.vector_load %arg6[%get3A_296, %get3A_297, %get3A_298] {strides = array<i32>} : memref<4x128x32xf32, #tpu.memory_space<vmem>>, vector<16xf32>,
      %get3A_300 = arith.constant 5 : i32
      %get3A_301 = arith.index_cast %rem3A_179 : i32 to index
      %get3A_302 = arith.index_cast %get3A_300 : i32 to index
      %get3A_303 = arith.constant 16 : index
      %get3A_304 = tpu.vector_load %arg6[%get3A_301, %get3A_302, %get3A_303] {strides = array<i32>} : memref<4x128x32xf32, #tpu.memory_space<vmem>>, vector<16xf32>,
      %broadcast_in_dim3A_305 = arith.constant 5 : i32
      %broadcast_in_dim3A_306 = vector.broadcast %broadcast_in_dim3A_305 : i32 to vector<16xi32>
      %scatter3A_307 = arith.constant 0 : i32
      %scatter3A_308 = arith.constant 0 : i32
      %scatter3A_309 = tpu.memref_slice %arg7[%rem3A_179, %scatter3A_307, %scatter3A_308] : memref<4x32x129xf32, #tpu.memory_space<vmem>> -> memref<1x32x129xf32, #tpu.memory_space<vmem>>
      %scatter3A_310 = tpu.memref_squeeze %scatter3A_309 : memref<1x32x129xf32, #tpu.memory_space<vmem>> -> memref<32x129xf32, #tpu.memory_space<vmem>>
      tpu.vector_store_idx %scatter3A_310[%iota3A, %broadcast_in_dim3A_306], %get3A_299 : memref<32x129xf32, #tpu.memory_space<vmem>>[vector<16xi32>, vector<16xi32>], vector<16xf32>,
      %scatter3A_311 = arith.constant 0 : i32
      %scatter3A_312 = arith.constant 0 : i32
      %scatter3A_313 = tpu.memref_slice %arg7[%rem3A_179, %scatter3A_311, %scatter3A_312] : memref<4x32x129xf32, #tpu.memory_space<vmem>> -> memref<1x32x129xf32, #tpu.memory_space<vmem>>
      %scatter3A_314 = tpu.memref_squeeze %scatter3A_313 : memref<1x32x129xf32, #tpu.memory_space<vmem>> -> memref<32x129xf32, #tpu.memory_space<vmem>>
      tpu.vector_store_idx %scatter3A_314[%add3A_80, %broadcast_in_dim3A_306], %get3A_304 : memref<32x129xf32, #tpu.memory_space<vmem>>[vector<16xi32>, vector<16xi32>], vector<16xf32>,
      %get3A_315 = arith.constant 6 : i32
      %get3A_316 = arith.index_cast %rem3A_179 : i32 to index
      %get3A_317 = arith.index_cast %get3A_315 : i32 to index
      %get3A_318 = arith.constant 0 : index
      %get3A_319 = tpu.vector_load %arg6[%get3A_316, %get3A_317, %get3A_318] {strides = array<i32>} : memref<4x128x32xf32, #tpu.memory_space<vmem>>, vector<16xf32>,
      %get3A_320 = arith.constant 6 : i32
      %get3A_321 = arith.index_cast %rem3A_179 : i32 to index
      %get3A_322 = arith.index_cast %get3A_320 : i32 to index
      %get3A_323 = arith.constant 16 : index
      %get3A_324 = tpu.vector_load %arg6[%get3A_321, %get3A_322, %get3A_323] {strides = array<i32>} : memref<4x128x32xf32, #tpu.memory_space<vmem>>, vector<16xf32>,
      %broadcast_in_dim3A_325 = arith.constant 6 : i32
      %broadcast_in_dim3A_326 = vector.broadcast %broadcast_in_dim3A_325 : i32 to vector<16xi32>
      %scatter3A_327 = arith.constant 0 : i32
      %scatter3A_328 = arith.constant 0 : i32
      %scatter3A_329 = tpu.memref_slice %arg7[%rem3A_179, %scatter3A_327, %scatter3A_328] : memref<4x32x129xf32, #tpu.memory_space<vmem>> -> memref<1x32x129xf32, #tpu.memory_space<vmem>>
      %scatter3A_330 = tpu.memref_squeeze %scatter3A_329 : memref<1x32x129xf32, #tpu.memory_space<vmem>> -> memref<32x129xf32, #tpu.memory_space<vmem>>
      tpu.vector_store_idx %scatter3A_330[%iota3A, %broadcast_in_dim3A_326], %get3A_319 : memref<32x129xf32, #tpu.memory_space<vmem>>[vector<16xi32>, vector<16xi32>], vector<16xf32>,
      %scatter3A_331 = arith.constant 0 : i32
      %scatter3A_332 = arith.constant 0 : i32
      %scatter3A_333 = tpu.memref_slice %arg7[%rem3A_179, %scatter3A_331, %scatter3A_332] : memref<4x32x129xf32, #tpu.memory_space<vmem>> -> memref<1x32x129xf32, #tpu.memory_space<vmem>>
      %scatter3A_334 = tpu.memref_squeeze %scatter3A_333 : memref<1x32x129xf32, #tpu.memory_space<vmem>> -> memref<32x129xf32, #tpu.memory_space<vmem>>
      tpu.vector_store_idx %scatter3A_334[%add3A_80, %broadcast_in_dim3A_326], %get3A_324 : memref<32x129xf32, #tpu.memory_space<vmem>>[vector<16xi32>, vector<16xi32>], vector<16xf32>,
      %get3A_335 = arith.constant 7 : i32
      %get3A_336 = arith.index_cast %rem3A_179 : i32 to index
      %get3A_337 = arith.index_cast %get3A_335 : i32 to index
      %get3A_338 = arith.constant 0 : index
      %get3A_339 = tpu.vector_load %arg6[%get3A_336, %get3A_337, %get3A_338] {strides = array<i32>} : memref<4x128x32xf32, #tpu.memory_space<vmem>>, vector<16xf32>,
      %get3A_340 = arith.constant 7 : i32
      %get3A_341 = arith.index_cast %rem3A_179 : i32 to index
      %get3A_342 = arith.index_cast %get3A_340 : i32 to index
      %get3A_343 = arith.constant 16 : index
      %get3A_344 = tpu.vector_load %arg6[%get3A_341, %get3A_342, %get3A_343] {strides = array<i32>} : memref<4x128x32xf32, #tpu.memory_space<vmem>>, vector<16xf32>,
      %broadcast_in_dim3A_345 = arith.constant 7 : i32
      %broadcast_in_dim3A_346 = vector.broadcast %broadcast_in_dim3A_345 : i32 to vector<16xi32>
      %scatter3A_347 = arith.constant 0 : i32
      %scatter3A_348 = arith.constant 0 : i32
      %scatter3A_349 = tpu.memref_slice %arg7[%rem3A_179, %scatter3A_347, %scatter3A_348] : memref<4x32x129xf32, #tpu.memory_space<vmem>> -> memref<1x32x129xf32, #tpu.memory_space<vmem>>
      %scatter3A_350 = tpu.memref_squeeze %scatter3A_349 : memref<1x32x129xf32, #tpu.memory_space<vmem>> -> memref<32x129xf32, #tpu.memory_space<vmem>>
      tpu.vector_store_idx %scatter3A_350[%iota3A, %broadcast_in_dim3A_346], %get3A_339 : memref<32x129xf32, #tpu.memory_space<vmem>>[vector<16xi32>, vector<16xi32>], vector<16xf32>,
      %scatter3A_351 = arith.constant 0 : i32
      %scatter3A_352 = arith.constant 0 : i32
      %scatter3A_353 = tpu.memref_slice %arg7[%rem3A_179, %scatter3A_351, %scatter3A_352] : memref<4x32x129xf32, #tpu.memory_space<vmem>> -> memref<1x32x129xf32, #tpu.memory_space<vmem>>
      %scatter3A_354 = tpu.memref_squeeze %scatter3A_353 : memref<1x32x129xf32, #tpu.memory_space<vmem>> -> memref<32x129xf32, #tpu.memory_space<vmem>>
      tpu.vector_store_idx %scatter3A_354[%add3A_80, %broadcast_in_dim3A_346], %get3A_344 : memref<32x129xf32, #tpu.memory_space<vmem>>[vector<16xi32>, vector<16xi32>], vector<16xf32>,
      %get3A_355 = arith.constant 8 : i32
      %get3A_356 = arith.index_cast %rem3A_179 : i32 to index
      %get3A_357 = arith.index_cast %get3A_355 : i32 to index
      %get3A_358 = arith.constant 0 : index
      %get3A_359 = tpu.vector_load %arg6[%get3A_356, %get3A_357, %get3A_358] {strides = array<i32>} : memref<4x128x32xf32, #tpu.memory_space<vmem>>, vector<16xf32>,
      %get3A_360 = arith.constant 8 : i32
      %get3A_361 = arith.index_cast %rem3A_179 : i32 to index
      %get3A_362 = arith.index_cast %get3A_360 : i32 to index
      %get3A_363 = arith.constant 16 : index
      %get3A_364 = tpu.vector_load %arg6[%get3A_361, %get3A_362, %get3A_363] {strides = array<i32>} : memref<4x128x32xf32, #tpu.memory_space<vmem>>, vector<16xf32>,
      %broadcast_in_dim3A_365 = arith.constant 8 : i32
      %broadcast_in_dim3A_366 = vector.broadcast %broadcast_in_dim3A_365 : i32 to vector<16xi32>
      %scatter3A_367 = arith.constant 0 : i32
      %scatter3A_368 = arith.constant 0 : i32
      %scatter3A_369 = tpu.memref_slice %arg7[%rem3A_179, %scatter3A_367, %scatter3A_368] : memref<4x32x129xf32, #tpu.memory_space<vmem>> -> memref<1x32x129xf32, #tpu.memory_space<vmem>>
      %scatter3A_370 = tpu.memref_squeeze %scatter3A_369 : memref<1x32x129xf32, #tpu.memory_space<vmem>> -> memref<32x129xf32, #tpu.memory_space<vmem>>
      tpu.vector_store_idx %scatter3A_370[%iota3A, %broadcast_in_dim3A_366], %get3A_359 : memref<32x129xf32, #tpu.memory_space<vmem>>[vector<16xi32>, vector<16xi32>], vector<16xf32>,
      %scatter3A_371 = arith.constant 0 : i32
      %scatter3A_372 = arith.constant 0 : i32
      %scatter3A_373 = tpu.memref_slice %arg7[%rem3A_179, %scatter3A_371, %scatter3A_372] : memref<4x32x129xf32, #tpu.memory_space<vmem>> -> memref<1x32x129xf32, #tpu.memory_space<vmem>>
      %scatter3A_374 = tpu.memref_squeeze %scatter3A_373 : memref<1x32x129xf32, #tpu.memory_space<vmem>> -> memref<32x129xf32, #tpu.memory_space<vmem>>
      tpu.vector_store_idx %scatter3A_374[%add3A_80, %broadcast_in_dim3A_366], %get3A_364 : memref<32x129xf32, #tpu.memory_space<vmem>>[vector<16xi32>, vector<16xi32>], vector<16xf32>,
      %get3A_375 = arith.constant 9 : i32
      %get3A_376 = arith.index_cast %rem3A_179 : i32 to index
      %get3A_377 = arith.index_cast %get3A_375 : i32 to index
      %get3A_378 = arith.constant 0 : index
      %get3A_379 = tpu.vector_load %arg6[%get3A_376, %get3A_377, %get3A_378] {strides = array<i32>} : memref<4x128x32xf32, #tpu.memory_space<vmem>>, vector<16xf32>,
      %get3A_380 = arith.constant 9 : i32
      %get3A_381 = arith.index_cast %rem3A_179 : i32 to index
      %get3A_382 = arith.index_cast %get3A_380 : i32 to index
      %get3A_383 = arith.constant 16 : index
      %get3A_384 = tpu.vector_load %arg6[%get3A_381, %get3A_382, %get3A_383] {strides = array<i32>} : memref<4x128x32xf32, #tpu.memory_space<vmem>>, vector<16xf32>,
      %broadcast_in_dim3A_385 = arith.constant 9 : i32
      %broadcast_in_dim3A_386 = vector.broadcast %broadcast_in_dim3A_385 : i32 to vector<16xi32>
      %scatter3A_387 = arith.constant 0 : i32
      %scatter3A_388 = arith.constant 0 : i32
      %scatter3A_389 = tpu.memref_slice %arg7[%rem3A_179, %scatter3A_387, %scatter3A_388] : memref<4x32x129xf32, #tpu.memory_space<vmem>> -> memref<1x32x129xf32, #tpu.memory_space<vmem>>
      %scatter3A_390 = tpu.memref_squeeze %scatter3A_389 : memref<1x32x129xf32, #tpu.memory_space<vmem>> -> memref<32x129xf32, #tpu.memory_space<vmem>>
      tpu.vector_store_idx %scatter3A_390[%iota3A, %broadcast_in_dim3A_386], %get3A_379 : memref<32x129xf32, #tpu.memory_space<vmem>>[vector<16xi32>, vector<16xi32>], vector<16xf32>,
      %scatter3A_391 = arith.constant 0 : i32
      %scatter3A_392 = arith.constant 0 : i32
      %scatter3A_393 = tpu.memref_slice %arg7[%rem3A_179, %scatter3A_391, %scatter3A_392] : memref<4x32x129xf32, #tpu.memory_space<vmem>> -> memref<1x32x129xf32, #tpu.memory_space<vmem>>
      %scatter3A_394 = tpu.memref_squeeze %scatter3A_393 : memref<1x32x129xf32, #tpu.memory_space<vmem>> -> memref<32x129xf32, #tpu.memory_space<vmem>>
      tpu.vector_store_idx %scatter3A_394[%add3A_80, %broadcast_in_dim3A_386], %get3A_384 : memref<32x129xf32, #tpu.memory_space<vmem>>[vector<16xi32>, vector<16xi32>], vector<16xf32>,
      %get3A_395 = arith.constant 10 : i32
      %get3A_396 = arith.index_cast %rem3A_179 : i32 to index
      %get3A_397 = arith.index_cast %get3A_395 : i32 to index
      %get3A_398 = arith.constant 0 : index
      %get3A_399 = tpu.vector_load %arg6[%get3A_396, %get3A_397, %get3A_398] {strides = array<i32>} : memref<4x128x32xf32, #tpu.memory_space<vmem>>, vector<16xf32>,
      %get3A_400 = arith.constant 10 : i32
      %get3A_401 = arith.index_cast %rem3A_179 : i32 to index
      %get3A_402 = arith.index_cast %get3A_400 : i32 to index
      %get3A_403 = arith.constant 16 : index
      %get3A_404 = tpu.vector_load %arg6[%get3A_401, %get3A_402, %get3A_403] {strides = array<i32>} : memref<4x128x32xf32, #tpu.memory_space<vmem>>, vector<16xf32>,
      %broadcast_in_dim3A_405 = arith.constant 10 : i32
      %broadcast_in_dim3A_406 = vector.broadcast %broadcast_in_dim3A_405 : i32 to vector<16xi32>
      %scatter3A_407 = arith.constant 0 : i32
      %scatter3A_408 = arith.constant 0 : i32
      %scatter3A_409 = tpu.memref_slice %arg7[%rem3A_179, %scatter3A_407, %scatter3A_408] : memref<4x32x129xf32, #tpu.memory_space<vmem>> -> memref<1x32x129xf32, #tpu.memory_space<vmem>>
      %scatter3A_410 = tpu.memref_squeeze %scatter3A_409 : memref<1x32x129xf32, #tpu.memory_space<vmem>> -> memref<32x129xf32, #tpu.memory_space<vmem>>
      tpu.vector_store_idx %scatter3A_410[%iota3A, %broadcast_in_dim3A_406], %get3A_399 : memref<32x129xf32, #tpu.memory_space<vmem>>[vector<16xi32>, vector<16xi32>], vector<16xf32>,
      %scatter3A_411 = arith.constant 0 : i32
      %scatter3A_412 = arith.constant 0 : i32
      %scatter3A_413 = tpu.memref_slice %arg7[%rem3A_179, %scatter3A_411, %scatter3A_412] : memref<4x32x129xf32, #tpu.memory_space<vmem>> -> memref<1x32x129xf32, #tpu.memory_space<vmem>>
      %scatter3A_414 = tpu.memref_squeeze %scatter3A_413 : memref<1x32x129xf32, #tpu.memory_space<vmem>> -> memref<32x129xf32, #tpu.memory_space<vmem>>
      tpu.vector_store_idx %scatter3A_414[%add3A_80, %broadcast_in_dim3A_406], %get3A_404 : memref<32x129xf32, #tpu.memory_space<vmem>>[vector<16xi32>, vector<16xi32>], vector<16xf32>,
      %get3A_415 = arith.constant 11 : i32
      %get3A_416 = arith.index_cast %rem3A_179 : i32 to index
      %get3A_417 = arith.index_cast %get3A_415 : i32 to index
      %get3A_418 = arith.constant 0 : index
      %get3A_419 = tpu.vector_load %arg6[%get3A_416, %get3A_417, %get3A_418] {strides = array<i32>} : memref<4x128x32xf32, #tpu.memory_space<vmem>>, vector<16xf32>,
      %get3A_420 = arith.constant 11 : i32
      %get3A_421 = arith.index_cast %rem3A_179 : i32 to index
      %get3A_422 = arith.index_cast %get3A_420 : i32 to index
      %get3A_423 = arith.constant 16 : index
      %get3A_424 = tpu.vector_load %arg6[%get3A_421, %get3A_422, %get3A_423] {strides = array<i32>} : memref<4x128x32xf32, #tpu.memory_space<vmem>>, vector<16xf32>,
      %broadcast_in_dim3A_425 = arith.constant 11 : i32
      %broadcast_in_dim3A_426 = vector.broadcast %broadcast_in_dim3A_425 : i32 to vector<16xi32>
      %scatter3A_427 = arith.constant 0 : i32
      %scatter3A_428 = arith.constant 0 : i32
      %scatter3A_429 = tpu.memref_slice %arg7[%rem3A_179, %scatter3A_427, %scatter3A_428] : memref<4x32x129xf32, #tpu.memory_space<vmem>> -> memref<1x32x129xf32, #tpu.memory_space<vmem>>
      %scatter3A_430 = tpu.memref_squeeze %scatter3A_429 : memref<1x32x129xf32, #tpu.memory_space<vmem>> -> memref<32x129xf32, #tpu.memory_space<vmem>>
      tpu.vector_store_idx %scatter3A_430[%iota3A, %broadcast_in_dim3A_426], %get3A_419 : memref<32x129xf32, #tpu.memory_space<vmem>>[vector<16xi32>, vector<16xi32>], vector<16xf32>,
      %scatter3A_431 = arith.constant 0 : i32
      %scatter3A_432 = arith.constant 0 : i32
      %scatter3A_433 = tpu.memref_slice %arg7[%rem3A_179, %scatter3A_431, %scatter3A_432] : memref<4x32x129xf32, #tpu.memory_space<vmem>> -> memref<1x32x129xf32, #tpu.memory_space<vmem>>
      %scatter3A_434 = tpu.memref_squeeze %scatter3A_433 : memref<1x32x129xf32, #tpu.memory_space<vmem>> -> memref<32x129xf32, #tpu.memory_space<vmem>>
      tpu.vector_store_idx %scatter3A_434[%add3A_80, %broadcast_in_dim3A_426], %get3A_424 : memref<32x129xf32, #tpu.memory_space<vmem>>[vector<16xi32>, vector<16xi32>], vector<16xf32>,
      %get3A_435 = arith.constant 12 : i32
      %get3A_436 = arith.index_cast %rem3A_179 : i32 to index
      %get3A_437 = arith.index_cast %get3A_435 : i32 to index
      %get3A_438 = arith.constant 0 : index
      %get3A_439 = tpu.vector_load %arg6[%get3A_436, %get3A_437, %get3A_438] {strides = array<i32>} : memref<4x128x32xf32, #tpu.memory_space<vmem>>, vector<16xf32>,
      %get3A_440 = arith.constant 12 : i32
      %get3A_441 = arith.index_cast %rem3A_179 : i32 to index
      %get3A_442 = arith.index_cast %get3A_440 : i32 to index
      %get3A_443 = arith.constant 16 : index
      %get3A_444 = tpu.vector_load %arg6[%get3A_441, %get3A_442, %get3A_443] {strides = array<i32>} : memref<4x128x32xf32, #tpu.memory_space<vmem>>, vector<16xf32>,
      %broadcast_in_dim3A_445 = arith.constant 12 : i32
      %broadcast_in_dim3A_446 = vector.broadcast %broadcast_in_dim3A_445 : i32 to vector<16xi32>
      %scatter3A_447 = arith.constant 0 : i32
      %scatter3A_448 = arith.constant 0 : i32
      %scatter3A_449 = tpu.memref_slice %arg7[%rem3A_179, %scatter3A_447, %scatter3A_448] : memref<4x32x129xf32, #tpu.memory_space<vmem>> -> memref<1x32x129xf32, #tpu.memory_space<vmem>>
      %scatter3A_450 = tpu.memref_squeeze %scatter3A_449 : memref<1x32x129xf32, #tpu.memory_space<vmem>> -> memref<32x129xf32, #tpu.memory_space<vmem>>
      tpu.vector_store_idx %scatter3A_450[%iota3A, %broadcast_in_dim3A_446], %get3A_439 : memref<32x129xf32, #tpu.memory_space<vmem>>[vector<16xi32>, vector<16xi32>], vector<16xf32>,
      %scatter3A_451 = arith.constant 0 : i32
      %scatter3A_452 = arith.constant 0 : i32
      %scatter3A_453 = tpu.memref_slice %arg7[%rem3A_179, %scatter3A_451, %scatter3A_452] : memref<4x32x129xf32, #tpu.memory_space<vmem>> -> memref<1x32x129xf32, #tpu.memory_space<vmem>>
      %scatter3A_454 = tpu.memref_squeeze %scatter3A_453 : memref<1x32x129xf32, #tpu.memory_space<vmem>> -> memref<32x129xf32, #tpu.memory_space<vmem>>
      tpu.vector_store_idx %scatter3A_454[%add3A_80, %broadcast_in_dim3A_446], %get3A_444 : memref<32x129xf32, #tpu.memory_space<vmem>>[vector<16xi32>, vector<16xi32>], vector<16xf32>,
      %get3A_455 = arith.constant 13 : i32
      %get3A_456 = arith.index_cast %rem3A_179 : i32 to index
      %get3A_457 = arith.index_cast %get3A_455 : i32 to index
      %get3A_458 = arith.constant 0 : index
      %get3A_459 = tpu.vector_load %arg6[%get3A_456, %get3A_457, %get3A_458] {strides = array<i32>} : memref<4x128x32xf32, #tpu.memory_space<vmem>>, vector<16xf32>,
      %get3A_460 = arith.constant 13 : i32
      %get3A_461 = arith.index_cast %rem3A_179 : i32 to index
      %get3A_462 = arith.index_cast %get3A_460 : i32 to index
      %get3A_463 = arith.constant 16 : index
      %get3A_464 = tpu.vector_load %arg6[%get3A_461, %get3A_462, %get3A_463] {strides = array<i32>} : memref<4x128x32xf32, #tpu.memory_space<vmem>>, vector<16xf32>,
      %broadcast_in_dim3A_465 = arith.constant 13 : i32
      %broadcast_in_dim3A_466 = vector.broadcast %broadcast_in_dim3A_465 : i32 to vector<16xi32>
      %scatter3A_467 = arith.constant 0 : i32
      %scatter3A_468 = arith.constant 0 : i32
      %scatter3A_469 = tpu.memref_slice %arg7[%rem3A_179, %scatter3A_467, %scatter3A_468] : memref<4x32x129xf32, #tpu.memory_space<vmem>> -> memref<1x32x129xf32, #tpu.memory_space<vmem>>
      %scatter3A_470 = tpu.memref_squeeze %scatter3A_469 : memref<1x32x129xf32, #tpu.memory_space<vmem>> -> memref<32x129xf32, #tpu.memory_space<vmem>>
      tpu.vector_store_idx %scatter3A_470[%iota3A, %broadcast_in_dim3A_466], %get3A_459 : memref<32x129xf32, #tpu.memory_space<vmem>>[vector<16xi32>, vector<16xi32>], vector<16xf32>,
      %scatter3A_471 = arith.constant 0 : i32
      %scatter3A_472 = arith.constant 0 : i32
      %scatter3A_473 = tpu.memref_slice %arg7[%rem3A_179, %scatter3A_471, %scatter3A_472] : memref<4x32x129xf32, #tpu.memory_space<vmem>> -> memref<1x32x129xf32, #tpu.memory_space<vmem>>
      %scatter3A_474 = tpu.memref_squeeze %scatter3A_473 : memref<1x32x129xf32, #tpu.memory_space<vmem>> -> memref<32x129xf32, #tpu.memory_space<vmem>>
      tpu.vector_store_idx %scatter3A_474[%add3A_80, %broadcast_in_dim3A_466], %get3A_464 : memref<32x129xf32, #tpu.memory_space<vmem>>[vector<16xi32>, vector<16xi32>], vector<16xf32>,
      %get3A_475 = arith.constant 14 : i32
      %get3A_476 = arith.index_cast %rem3A_179 : i32 to index
      %get3A_477 = arith.index_cast %get3A_475 : i32 to index
      %get3A_478 = arith.constant 0 : index
      %get3A_479 = tpu.vector_load %arg6[%get3A_476, %get3A_477, %get3A_478] {strides = array<i32>} : memref<4x128x32xf32, #tpu.memory_space<vmem>>, vector<16xf32>,
      %get3A_480 = arith.constant 14 : i32
      %get3A_481 = arith.index_cast %rem3A_179 : i32 to index
      %get3A_482 = arith.index_cast %get3A_480 : i32 to index
      %get3A_483 = arith.constant 16 : index
      %get3A_484 = tpu.vector_load %arg6[%get3A_481, %get3A_482, %get3A_483] {strides = array<i32>} : memref<4x128x32xf32, #tpu.memory_space<vmem>>, vector<16xf32>,
      %broadcast_in_dim3A_485 = arith.constant 14 : i32
      %broadcast_in_dim3A_486 = vector.broadcast %broadcast_in_dim3A_485 : i32 to vector<16xi32>
      %scatter3A_487 = arith.constant 0 : i32
      %scatter3A_488 = arith.constant 0 : i32
      %scatter3A_489 = tpu.memref_slice %arg7[%rem3A_179, %scatter3A_487, %scatter3A_488] : memref<4x32x129xf32, #tpu.memory_space<vmem>> -> memref<1x32x129xf32, #tpu.memory_space<vmem>>
      %scatter3A_490 = tpu.memref_squeeze %scatter3A_489 : memref<1x32x129xf32, #tpu.memory_space<vmem>> -> memref<32x129xf32, #tpu.memory_space<vmem>>
      tpu.vector_store_idx %scatter3A_490[%iota3A, %broadcast_in_dim3A_486], %get3A_479 : memref<32x129xf32, #tpu.memory_space<vmem>>[vector<16xi32>, vector<16xi32>], vector<16xf32>,
      %scatter3A_491 = arith.constant 0 : i32
      %scatter3A_492 = arith.constant 0 : i32
      %scatter3A_493 = tpu.memref_slice %arg7[%rem3A_179, %scatter3A_491, %scatter3A_492] : memref<4x32x129xf32, #tpu.memory_space<vmem>> -> memref<1x32x129xf32, #tpu.memory_space<vmem>>
      %scatter3A_494 = tpu.memref_squeeze %scatter3A_493 : memref<1x32x129xf32, #tpu.memory_space<vmem>> -> memref<32x129xf32, #tpu.memory_space<vmem>>
      tpu.vector_store_idx %scatter3A_494[%add3A_80, %broadcast_in_dim3A_486], %get3A_484 : memref<32x129xf32, #tpu.memory_space<vmem>>[vector<16xi32>, vector<16xi32>], vector<16xf32>,
      %get3A_495 = arith.constant 15 : i32
      %get3A_496 = arith.index_cast %rem3A_179 : i32 to index
      %get3A_497 = arith.index_cast %get3A_495 : i32 to index
      %get3A_498 = arith.constant 0 : index
      %get3A_499 = tpu.vector_load %arg6[%get3A_496, %get3A_497, %get3A_498] {strides = array<i32>} : memref<4x128x32xf32, #tpu.memory_space<vmem>>, vector<16xf32>,
      %get3A_500 = arith.constant 15 : i32
      %get3A_501 = arith.index_cast %rem3A_179 : i32 to index
      %get3A_502 = arith.index_cast %get3A_500 : i32 to index
      %get3A_503 = arith.constant 16 : index
      %get3A_504 = tpu.vector_load %arg6[%get3A_501, %get3A_502, %get3A_503] {strides = array<i32>} : memref<4x128x32xf32, #tpu.memory_space<vmem>>, vector<16xf32>,
      %broadcast_in_dim3A_505 = arith.constant 15 : i32
      %broadcast_in_dim3A_506 = vector.broadcast %broadcast_in_dim3A_505 : i32 to vector<16xi32>
      %scatter3A_507 = arith.constant 0 : i32
      %scatter3A_508 = arith.constant 0 : i32
      %scatter3A_509 = tpu.memref_slice %arg7[%rem3A_179, %scatter3A_507, %scatter3A_508] : memref<4x32x129xf32, #tpu.memory_space<vmem>> -> memref<1x32x129xf32, #tpu.memory_space<vmem>>
      %scatter3A_510 = tpu.memref_squeeze %scatter3A_509 : memref<1x32x129xf32, #tpu.memory_space<vmem>> -> memref<32x129xf32, #tpu.memory_space<vmem>>
      tpu.vector_store_idx %scatter3A_510[%iota3A, %broadcast_in_dim3A_506], %get3A_499 : memref<32x129xf32, #tpu.memory_space<vmem>>[vector<16xi32>, vector<16xi32>], vector<16xf32>,
      %scatter3A_511 = arith.constant 0 : i32
      %scatter3A_512 = arith.constant 0 : i32
      %scatter3A_513 = tpu.memref_slice %arg7[%rem3A_179, %scatter3A_511, %scatter3A_512] : memref<4x32x129xf32, #tpu.memory_space<vmem>> -> memref<1x32x129xf32, #tpu.memory_space<vmem>>
      %scatter3A_514 = tpu.memref_squeeze %scatter3A_513 : memref<1x32x129xf32, #tpu.memory_space<vmem>> -> memref<32x129xf32, #tpu.memory_space<vmem>>
      tpu.vector_store_idx %scatter3A_514[%add3A_80, %broadcast_in_dim3A_506], %get3A_504 : memref<32x129xf32, #tpu.memory_space<vmem>>[vector<16xi32>, vector<16xi32>], vector<16xf32>,
      %get3A_515 = arith.constant 16 : i32
      %get3A_516 = arith.index_cast %rem3A_179 : i32 to index
      %get3A_517 = arith.index_cast %get3A_515 : i32 to index
      %get3A_518 = arith.constant 0 : index
      %get3A_519 = tpu.vector_load %arg6[%get3A_516, %get3A_517, %get3A_518] {strides = array<i32>} : memref<4x128x32xf32, #tpu.memory_space<vmem>>, vector<16xf32>,
      %get3A_520 = arith.constant 16 : i32
      %get3A_521 = arith.index_cast %rem3A_179 : i32 to index
      %get3A_522 = arith.index_cast %get3A_520 : i32 to index
      %get3A_523 = arith.constant 16 : index
      %get3A_524 = tpu.vector_load %arg6[%get3A_521, %get3A_522, %get3A_523] {strides = array<i32>} : memref<4x128x32xf32, #tpu.memory_space<vmem>>, vector<16xf32>,
      %broadcast_in_dim3A_525 = arith.constant 16 : i32
      %broadcast_in_dim3A_526 = vector.broadcast %broadcast_in_dim3A_525 : i32 to vector<16xi32>
      %scatter3A_527 = arith.constant 0 : i32
      %scatter3A_528 = arith.constant 0 : i32
      %scatter3A_529 = tpu.memref_slice %arg7[%rem3A_179, %scatter3A_527, %scatter3A_528] : memref<4x32x129xf32, #tpu.memory_space<vmem>> -> memref<1x32x129xf32, #tpu.memory_space<vmem>>
      %scatter3A_530 = tpu.memref_squeeze %scatter3A_529 : memref<1x32x129xf32, #tpu.memory_space<vmem>> -> memref<32x129xf32, #tpu.memory_space<vmem>>
      tpu.vector_store_idx %scatter3A_530[%iota3A, %broadcast_in_dim3A_526], %get3A_519 : memref<32x129xf32, #tpu.memory_space<vmem>>[vector<16xi32>, vector<16xi32>], vector<16xf32>,
      %scatter3A_531 = arith.constant 0 : i32
      %scatter3A_532 = arith.constant 0 : i32
      %scatter3A_533 = tpu.memref_slice %arg7[%rem3A_179, %scatter3A_531, %scatter3A_532] : memref<4x32x129xf32, #tpu.memory_space<vmem>> -> memref<1x32x129xf32, #tpu.memory_space<vmem>>
      %scatter3A_534 = tpu.memref_squeeze %scatter3A_533 : memref<1x32x129xf32, #tpu.memory_space<vmem>> -> memref<32x129xf32, #tpu.memory_space<vmem>>
      tpu.vector_store_idx %scatter3A_534[%add3A_80, %broadcast_in_dim3A_526], %get3A_524 : memref<32x129xf32, #tpu.memory_space<vmem>>[vector<16xi32>, vector<16xi32>], vector<16xf32>,
      %get3A_535 = arith.constant 17 : i32
      %get3A_536 = arith.index_cast %rem3A_179 : i32 to index
      %get3A_537 = arith.index_cast %get3A_535 : i32 to index
      %get3A_538 = arith.constant 0 : index
      %get3A_539 = tpu.vector_load %arg6[%get3A_536, %get3A_537, %get3A_538] {strides = array<i32>} : memref<4x128x32xf32, #tpu.memory_space<vmem>>, vector<16xf32>,
      %get3A_540 = arith.constant 17 : i32
      %get3A_541 = arith.index_cast %rem3A_179 : i32 to index
      %get3A_542 = arith.index_cast %get3A_540 : i32 to index
      %get3A_543 = arith.constant 16 : index
      %get3A_544 = tpu.vector_load %arg6[%get3A_541, %get3A_542, %get3A_543] {strides = array<i32>} : memref<4x128x32xf32, #tpu.memory_space<vmem>>, vector<16xf32>,
      %broadcast_in_dim3A_545 = arith.constant 17 : i32
      %broadcast_in_dim3A_546 = vector.broadcast %broadcast_in_dim3A_545 : i32 to vector<16xi32>
      %scatter3A_547 = arith.constant 0 : i32
      %scatter3A_548 = arith.constant 0 : i32
      %scatter3A_549 = tpu.memref_slice %arg7[%rem3A_179, %scatter3A_547, %scatter3A_548] : memref<4x32x129xf32, #tpu.memory_space<vmem>> -> memref<1x32x129xf32, #tpu.memory_space<vmem>>
      %scatter3A_550 = tpu.memref_squeeze %scatter3A_549 : memref<1x32x129xf32, #tpu.memory_space<vmem>> -> memref<32x129xf32, #tpu.memory_space<vmem>>
      tpu.vector_store_idx %scatter3A_550[%iota3A, %broadcast_in_dim3A_546], %get3A_539 : memref<32x129xf32, #tpu.memory_space<vmem>>[vector<16xi32>, vector<16xi32>], vector<16xf32>,
      %scatter3A_551 = arith.constant 0 : i32
      %scatter3A_552 = arith.constant 0 : i32
      %scatter3A_553 = tpu.memref_slice %arg7[%rem3A_179, %scatter3A_551, %scatter3A_552] : memref<4x32x129xf32, #tpu.memory_space<vmem>> -> memref<1x32x129xf32, #tpu.memory_space<vmem>>
      %scatter3A_554 = tpu.memref_squeeze %scatter3A_553 : memref<1x32x129xf32, #tpu.memory_space<vmem>> -> memref<32x129xf32, #tpu.memory_space<vmem>>
      tpu.vector_store_idx %scatter3A_554[%add3A_80, %broadcast_in_dim3A_546], %get3A_544 : memref<32x129xf32, #tpu.memory_space<vmem>>[vector<16xi32>, vector<16xi32>], vector<16xf32>,
      %get3A_555 = arith.constant 18 : i32
      %get3A_556 = arith.index_cast %rem3A_179 : i32 to index
      %get3A_557 = arith.index_cast %get3A_555 : i32 to index
      %get3A_558 = arith.constant 0 : index
      %get3A_559 = tpu.vector_load %arg6[%get3A_556, %get3A_557, %get3A_558] {strides = array<i32>} : memref<4x128x32xf32, #tpu.memory_space<vmem>>, vector<16xf32>,
      %get3A_560 = arith.constant 18 : i32
      %get3A_561 = arith.index_cast %rem3A_179 : i32 to index
      %get3A_562 = arith.index_cast %get3A_560 : i32 to index
      %get3A_563 = arith.constant 16 : index
      %get3A_564 = tpu.vector_load %arg6[%get3A_561, %get3A_562, %get3A_563] {strides = array<i32>} : memref<4x128x32xf32, #tpu.memory_space<vmem>>, vector<16xf32>,
      %broadcast_in_dim3A_565 = arith.constant 18 : i32
      %broadcast_in_dim3A_566 = vector.broadcast %broadcast_in_dim3A_565 : i32 to vector<16xi32>
      %scatter3A_567 = arith.constant 0 : i32
      %scatter3A_568 = arith.constant 0 : i32
      %scatter3A_569 = tpu.memref_slice %arg7[%rem3A_179, %scatter3A_567, %scatter3A_568] : memref<4x32x129xf32, #tpu.memory_space<vmem>> -> memref<1x32x129xf32, #tpu.memory_space<vmem>>
      %scatter3A_570 = tpu.memref_squeeze %scatter3A_569 : memref<1x32x129xf32, #tpu.memory_space<vmem>> -> memref<32x129xf32, #tpu.memory_space<vmem>>
      tpu.vector_store_idx %scatter3A_570[%iota3A, %broadcast_in_dim3A_566], %get3A_559 : memref<32x129xf32, #tpu.memory_space<vmem>>[vector<16xi32>, vector<16xi32>], vector<16xf32>,
      %scatter3A_571 = arith.constant 0 : i32
      %scatter3A_572 = arith.constant 0 : i32
      %scatter3A_573 = tpu.memref_slice %arg7[%rem3A_179, %scatter3A_571, %scatter3A_572] : memref<4x32x129xf32, #tpu.memory_space<vmem>> -> memref<1x32x129xf32, #tpu.memory_space<vmem>>
      %scatter3A_574 = tpu.memref_squeeze %scatter3A_573 : memref<1x32x129xf32, #tpu.memory_space<vmem>> -> memref<32x129xf32, #tpu.memory_space<vmem>>
      tpu.vector_store_idx %scatter3A_574[%add3A_80, %broadcast_in_dim3A_566], %get3A_564 : memref<32x129xf32, #tpu.memory_space<vmem>>[vector<16xi32>, vector<16xi32>], vector<16xf32>,
      %get3A_575 = arith.constant 19 : i32
      %get3A_576 = arith.index_cast %rem3A_179 : i32 to index
      %get3A_577 = arith.index_cast %get3A_575 : i32 to index
      %get3A_578 = arith.constant 0 : index
      %get3A_579 = tpu.vector_load %arg6[%get3A_576, %get3A_577, %get3A_578] {strides = array<i32>} : memref<4x128x32xf32, #tpu.memory_space<vmem>>, vector<16xf32>,
      %get3A_580 = arith.constant 19 : i32
      %get3A_581 = arith.index_cast %rem3A_179 : i32 to index
      %get3A_582 = arith.index_cast %get3A_580 : i32 to index
      %get3A_583 = arith.constant 16 : index
      %get3A_584 = tpu.vector_load %arg6[%get3A_581, %get3A_582, %get3A_583] {strides = array<i32>} : memref<4x128x32xf32, #tpu.memory_space<vmem>>, vector<16xf32>,
      %broadcast_in_dim3A_585 = arith.constant 19 : i32
      %broadcast_in_dim3A_586 = vector.broadcast %broadcast_in_dim3A_585 : i32 to vector<16xi32>
      %scatter3A_587 = arith.constant 0 : i32
      %scatter3A_588 = arith.constant 0 : i32
      %scatter3A_589 = tpu.memref_slice %arg7[%rem3A_179, %scatter3A_587, %scatter3A_588] : memref<4x32x129xf32, #tpu.memory_space<vmem>> -> memref<1x32x129xf32, #tpu.memory_space<vmem>>
      %scatter3A_590 = tpu.memref_squeeze %scatter3A_589 : memref<1x32x129xf32, #tpu.memory_space<vmem>> -> memref<32x129xf32, #tpu.memory_space<vmem>>
      tpu.vector_store_idx %scatter3A_590[%iota3A, %broadcast_in_dim3A_586], %get3A_579 : memref<32x129xf32, #tpu.memory_space<vmem>>[vector<16xi32>, vector<16xi32>], vector<16xf32>,
      %scatter3A_591 = arith.constant 0 : i32
      %scatter3A_592 = arith.constant 0 : i32
      %scatter3A_593 = tpu.memref_slice %arg7[%rem3A_179, %scatter3A_591, %scatter3A_592] : memref<4x32x129xf32, #tpu.memory_space<vmem>> -> memref<1x32x129xf32, #tpu.memory_space<vmem>>
      %scatter3A_594 = tpu.memref_squeeze %scatter3A_593 : memref<1x32x129xf32, #tpu.memory_space<vmem>> -> memref<32x129xf32, #tpu.memory_space<vmem>>
      tpu.vector_store_idx %scatter3A_594[%add3A_80, %broadcast_in_dim3A_586], %get3A_584 : memref<32x129xf32, #tpu.memory_space<vmem>>[vector<16xi32>, vector<16xi32>], vector<16xf32>,
      %get3A_595 = arith.constant 20 : i32
      %get3A_596 = arith.index_cast %rem3A_179 : i32 to index
      %get3A_597 = arith.index_cast %get3A_595 : i32 to index
      %get3A_598 = arith.constant 0 : index
      %get3A_599 = tpu.vector_load %arg6[%get3A_596, %get3A_597, %get3A_598] {strides = array<i32>} : memref<4x128x32xf32, #tpu.memory_space<vmem>>, vector<16xf32>,
      %get3A_600 = arith.constant 20 : i32
      %get3A_601 = arith.index_cast %rem3A_179 : i32 to index
      %get3A_602 = arith.index_cast %get3A_600 : i32 to index
      %get3A_603 = arith.constant 16 : index
      %get3A_604 = tpu.vector_load %arg6[%get3A_601, %get3A_602, %get3A_603] {strides = array<i32>} : memref<4x128x32xf32, #tpu.memory_space<vmem>>, vector<16xf32>,
      %broadcast_in_dim3A_605 = arith.constant 20 : i32
      %broadcast_in_dim3A_606 = vector.broadcast %broadcast_in_dim3A_605 : i32 to vector<16xi32>
      %scatter3A_607 = arith.constant 0 : i32
      %scatter3A_608 = arith.constant 0 : i32
      %scatter3A_609 = tpu.memref_slice %arg7[%rem3A_179, %scatter3A_607, %scatter3A_608] : memref<4x32x129xf32, #tpu.memory_space<vmem>> -> memref<1x32x129xf32, #tpu.memory_space<vmem>>
      %scatter3A_610 = tpu.memref_squeeze %scatter3A_609 : memref<1x32x129xf32, #tpu.memory_space<vmem>> -> memref<32x129xf32, #tpu.memory_space<vmem>>
      tpu.vector_store_idx %scatter3A_610[%iota3A, %broadcast_in_dim3A_606], %get3A_599 : memref<32x129xf32, #tpu.memory_space<vmem>>[vector<16xi32>, vector<16xi32>], vector<16xf32>,
      %scatter3A_611 = arith.constant 0 : i32
      %scatter3A_612 = arith.constant 0 : i32
      %scatter3A_613 = tpu.memref_slice %arg7[%rem3A_179, %scatter3A_611, %scatter3A_612] : memref<4x32x129xf32, #tpu.memory_space<vmem>> -> memref<1x32x129xf32, #tpu.memory_space<vmem>>
      %scatter3A_614 = tpu.memref_squeeze %scatter3A_613 : memref<1x32x129xf32, #tpu.memory_space<vmem>> -> memref<32x129xf32, #tpu.memory_space<vmem>>
      tpu.vector_store_idx %scatter3A_614[%add3A_80, %broadcast_in_dim3A_606], %get3A_604 : memref<32x129xf32, #tpu.memory_space<vmem>>[vector<16xi32>, vector<16xi32>], vector<16xf32>,
      %get3A_615 = arith.constant 21 : i32
      %get3A_616 = arith.index_cast %rem3A_179 : i32 to index
      %get3A_617 = arith.index_cast %get3A_615 : i32 to index
      %get3A_618 = arith.constant 0 : index
      %get3A_619 = tpu.vector_load %arg6[%get3A_616, %get3A_617, %get3A_618] {strides = array<i32>} : memref<4x128x32xf32, #tpu.memory_space<vmem>>, vector<16xf32>,
      %get3A_620 = arith.constant 21 : i32
      %get3A_621 = arith.index_cast %rem3A_179 : i32 to index
      %get3A_622 = arith.index_cast %get3A_620 : i32 to index
      %get3A_623 = arith.constant 16 : index
      %get3A_624 = tpu.vector_load %arg6[%get3A_621, %get3A_622, %get3A_623] {strides = array<i32>} : memref<4x128x32xf32, #tpu.memory_space<vmem>>, vector<16xf32>,
      %broadcast_in_dim3A_625 = arith.constant 21 : i32
      %broadcast_in_dim3A_626 = vector.broadcast %broadcast_in_dim3A_625 : i32 to vector<16xi32>
      %scatter3A_627 = arith.constant 0 : i32
      %scatter3A_628 = arith.constant 0 : i32
      %scatter3A_629 = tpu.memref_slice %arg7[%rem3A_179, %scatter3A_627, %scatter3A_628] : memref<4x32x129xf32, #tpu.memory_space<vmem>> -> memref<1x32x129xf32, #tpu.memory_space<vmem>>
      %scatter3A_630 = tpu.memref_squeeze %scatter3A_629 : memref<1x32x129xf32, #tpu.memory_space<vmem>> -> memref<32x129xf32, #tpu.memory_space<vmem>>
      tpu.vector_store_idx %scatter3A_630[%iota3A, %broadcast_in_dim3A_626], %get3A_619 : memref<32x129xf32, #tpu.memory_space<vmem>>[vector<16xi32>, vector<16xi32>], vector<16xf32>,
      %scatter3A_631 = arith.constant 0 : i32
      %scatter3A_632 = arith.constant 0 : i32
      %scatter3A_633 = tpu.memref_slice %arg7[%rem3A_179, %scatter3A_631, %scatter3A_632] : memref<4x32x129xf32, #tpu.memory_space<vmem>> -> memref<1x32x129xf32, #tpu.memory_space<vmem>>
      %scatter3A_634 = tpu.memref_squeeze %scatter3A_633 : memref<1x32x129xf32, #tpu.memory_space<vmem>> -> memref<32x129xf32, #tpu.memory_space<vmem>>
      tpu.vector_store_idx %scatter3A_634[%add3A_80, %broadcast_in_dim3A_626], %get3A_624 : memref<32x129xf32, #tpu.memory_space<vmem>>[vector<16xi32>, vector<16xi32>], vector<16xf32>,
      %get3A_635 = arith.constant 22 : i32
      %get3A_636 = arith.index_cast %rem3A_179 : i32 to index
      %get3A_637 = arith.index_cast %get3A_635 : i32 to index
      %get3A_638 = arith.constant 0 : index
      %get3A_639 = tpu.vector_load %arg6[%get3A_636, %get3A_637, %get3A_638] {strides = array<i32>} : memref<4x128x32xf32, #tpu.memory_space<vmem>>, vector<16xf32>,
      %get3A_640 = arith.constant 22 : i32
      %get3A_641 = arith.index_cast %rem3A_179 : i32 to index
      %get3A_642 = arith.index_cast %get3A_640 : i32 to index
      %get3A_643 = arith.constant 16 : index
      %get3A_644 = tpu.vector_load %arg6[%get3A_641, %get3A_642, %get3A_643] {strides = array<i32>} : memref<4x128x32xf32, #tpu.memory_space<vmem>>, vector<16xf32>,
      %broadcast_in_dim3A_645 = arith.constant 22 : i32
      %broadcast_in_dim3A_646 = vector.broadcast %broadcast_in_dim3A_645 : i32 to vector<16xi32>
      %scatter3A_647 = arith.constant 0 : i32
      %scatter3A_648 = arith.constant 0 : i32
      %scatter3A_649 = tpu.memref_slice %arg7[%rem3A_179, %scatter3A_647, %scatter3A_648] : memref<4x32x129xf32, #tpu.memory_space<vmem>> -> memref<1x32x129xf32, #tpu.memory_space<vmem>>
      %scatter3A_650 = tpu.memref_squeeze %scatter3A_649 : memref<1x32x129xf32, #tpu.memory_space<vmem>> -> memref<32x129xf32, #tpu.memory_space<vmem>>
      tpu.vector_store_idx %scatter3A_650[%iota3A, %broadcast_in_dim3A_646], %get3A_639 : memref<32x129xf32, #tpu.memory_space<vmem>>[vector<16xi32>, vector<16xi32>], vector<16xf32>,
      %scatter3A_651 = arith.constant 0 : i32
      %scatter3A_652 = arith.constant 0 : i32
      %scatter3A_653 = tpu.memref_slice %arg7[%rem3A_179, %scatter3A_651, %scatter3A_652] : memref<4x32x129xf32, #tpu.memory_space<vmem>> -> memref<1x32x129xf32, #tpu.memory_space<vmem>>
      %scatter3A_654 = tpu.memref_squeeze %scatter3A_653 : memref<1x32x129xf32, #tpu.memory_space<vmem>> -> memref<32x129xf32, #tpu.memory_space<vmem>>
      tpu.vector_store_idx %scatter3A_654[%add3A_80, %broadcast_in_dim3A_646], %get3A_644 : memref<32x129xf32, #tpu.memory_space<vmem>>[vector<16xi32>, vector<16xi32>], vector<16xf32>,
      %get3A_655 = arith.constant 23 : i32
      %get3A_656 = arith.index_cast %rem3A_179 : i32 to index
      %get3A_657 = arith.index_cast %get3A_655 : i32 to index
      %get3A_658 = arith.constant 0 : index
      %get3A_659 = tpu.vector_load %arg6[%get3A_656, %get3A_657, %get3A_658] {strides = array<i32>} : memref<4x128x32xf32, #tpu.memory_space<vmem>>, vector<16xf32>,
      %get3A_660 = arith.constant 23 : i32
      %get3A_661 = arith.index_cast %rem3A_179 : i32 to index
      %get3A_662 = arith.index_cast %get3A_660 : i32 to index
      %get3A_663 = arith.constant 16 : index
      %get3A_664 = tpu.vector_load %arg6[%get3A_661, %get3A_662, %get3A_663] {strides = array<i32>} : memref<4x128x32xf32, #tpu.memory_space<vmem>>, vector<16xf32>,
      %broadcast_in_dim3A_665 = arith.constant 23 : i32
      %broadcast_in_dim3A_666 = vector.broadcast %broadcast_in_dim3A_665 : i32 to vector<16xi32>
      %scatter3A_667 = arith.constant 0 : i32
      %scatter3A_668 = arith.constant 0 : i32
      %scatter3A_669 = tpu.memref_slice %arg7[%rem3A_179, %scatter3A_667, %scatter3A_668] : memref<4x32x129xf32, #tpu.memory_space<vmem>> -> memref<1x32x129xf32, #tpu.memory_space<vmem>>
      %scatter3A_670 = tpu.memref_squeeze %scatter3A_669 : memref<1x32x129xf32, #tpu.memory_space<vmem>> -> memref<32x129xf32, #tpu.memory_space<vmem>>
      tpu.vector_store_idx %scatter3A_670[%iota3A, %broadcast_in_dim3A_666], %get3A_659 : memref<32x129xf32, #tpu.memory_space<vmem>>[vector<16xi32>, vector<16xi32>], vector<16xf32>,
      %scatter3A_671 = arith.constant 0 : i32
      %scatter3A_672 = arith.constant 0 : i32
      %scatter3A_673 = tpu.memref_slice %arg7[%rem3A_179, %scatter3A_671, %scatter3A_672] : memref<4x32x129xf32, #tpu.memory_space<vmem>> -> memref<1x32x129xf32, #tpu.memory_space<vmem>>
      %scatter3A_674 = tpu.memref_squeeze %scatter3A_673 : memref<1x32x129xf32, #tpu.memory_space<vmem>> -> memref<32x129xf32, #tpu.memory_space<vmem>>
      tpu.vector_store_idx %scatter3A_674[%add3A_80, %broadcast_in_dim3A_666], %get3A_664 : memref<32x129xf32, #tpu.memory_space<vmem>>[vector<16xi32>, vector<16xi32>], vector<16xf32>,
      %get3A_675 = arith.constant 24 : i32
      %get3A_676 = arith.index_cast %rem3A_179 : i32 to index
      %get3A_677 = arith.index_cast %get3A_675 : i32 to index
      %get3A_678 = arith.constant 0 : index
      %get3A_679 = tpu.vector_load %arg6[%get3A_676, %get3A_677, %get3A_678] {strides = array<i32>} : memref<4x128x32xf32, #tpu.memory_space<vmem>>, vector<16xf32>,
      %get3A_680 = arith.constant 24 : i32
      %get3A_681 = arith.index_cast %rem3A_179 : i32 to index
      %get3A_682 = arith.index_cast %get3A_680 : i32 to index
      %get3A_683 = arith.constant 16 : index
      %get3A_684 = tpu.vector_load %arg6[%get3A_681, %get3A_682, %get3A_683] {strides = array<i32>} : memref<4x128x32xf32, #tpu.memory_space<vmem>>, vector<16xf32>,
      %broadcast_in_dim3A_685 = arith.constant 24 : i32
      %broadcast_in_dim3A_686 = vector.broadcast %broadcast_in_dim3A_685 : i32 to vector<16xi32>
      %scatter3A_687 = arith.constant 0 : i32
      %scatter3A_688 = arith.constant 0 : i32
      %scatter3A_689 = tpu.memref_slice %arg7[%rem3A_179, %scatter3A_687, %scatter3A_688] : memref<4x32x129xf32, #tpu.memory_space<vmem>> -> memref<1x32x129xf32, #tpu.memory_space<vmem>>
      %scatter3A_690 = tpu.memref_squeeze %scatter3A_689 : memref<1x32x129xf32, #tpu.memory_space<vmem>> -> memref<32x129xf32, #tpu.memory_space<vmem>>
      tpu.vector_store_idx %scatter3A_690[%iota3A, %broadcast_in_dim3A_686], %get3A_679 : memref<32x129xf32, #tpu.memory_space<vmem>>[vector<16xi32>, vector<16xi32>], vector<16xf32>,
      %scatter3A_691 = arith.constant 0 : i32
      %scatter3A_692 = arith.constant 0 : i32
      %scatter3A_693 = tpu.memref_slice %arg7[%rem3A_179, %scatter3A_691, %scatter3A_692] : memref<4x32x129xf32, #tpu.memory_space<vmem>> -> memref<1x32x129xf32, #tpu.memory_space<vmem>>
      %scatter3A_694 = tpu.memref_squeeze %scatter3A_693 : memref<1x32x129xf32, #tpu.memory_space<vmem>> -> memref<32x129xf32, #tpu.memory_space<vmem>>
      tpu.vector_store_idx %scatter3A_694[%add3A_80, %broadcast_in_dim3A_686], %get3A_684 : memref<32x129xf32, #tpu.memory_space<vmem>>[vector<16xi32>, vector<16xi32>], vector<16xf32>,
      %get3A_695 = arith.constant 25 : i32
      %get3A_696 = arith.index_cast %rem3A_179 : i32 to index
      %get3A_697 = arith.index_cast %get3A_695 : i32 to index
      %get3A_698 = arith.constant 0 : index
      %get3A_699 = tpu.vector_load %arg6[%get3A_696, %get3A_697, %get3A_698] {strides = array<i32>} : memref<4x128x32xf32, #tpu.memory_space<vmem>>, vector<16xf32>,
      %get3A_700 = arith.constant 25 : i32
      %get3A_701 = arith.index_cast %rem3A_179 : i32 to index
      %get3A_702 = arith.index_cast %get3A_700 : i32 to index
      %get3A_703 = arith.constant 16 : index
      %get3A_704 = tpu.vector_load %arg6[%get3A_701, %get3A_702, %get3A_703] {strides = array<i32>} : memref<4x128x32xf32, #tpu.memory_space<vmem>>, vector<16xf32>,
      %broadcast_in_dim3A_705 = arith.constant 25 : i32
      %broadcast_in_dim3A_706 = vector.broadcast %broadcast_in_dim3A_705 : i32 to vector<16xi32>
      %scatter3A_707 = arith.constant 0 : i32
      %scatter3A_708 = arith.constant 0 : i32
      %scatter3A_709 = tpu.memref_slice %arg7[%rem3A_179, %scatter3A_707, %scatter3A_708] : memref<4x32x129xf32, #tpu.memory_space<vmem>> -> memref<1x32x129xf32, #tpu.memory_space<vmem>>
      %scatter3A_710 = tpu.memref_squeeze %scatter3A_709 : memref<1x32x129xf32, #tpu.memory_space<vmem>> -> memref<32x129xf32, #tpu.memory_space<vmem>>
      tpu.vector_store_idx %scatter3A_710[%iota3A, %broadcast_in_dim3A_706], %get3A_699 : memref<32x129xf32, #tpu.memory_space<vmem>>[vector<16xi32>, vector<16xi32>], vector<16xf32>,
      %scatter3A_711 = arith.constant 0 : i32
      %scatter3A_712 = arith.constant 0 : i32
      %scatter3A_713 = tpu.memref_slice %arg7[%rem3A_179, %scatter3A_711, %scatter3A_712] : memref<4x32x129xf32, #tpu.memory_space<vmem>> -> memref<1x32x129xf32, #tpu.memory_space<vmem>>
      %scatter3A_714 = tpu.memref_squeeze %scatter3A_713 : memref<1x32x129xf32, #tpu.memory_space<vmem>> -> memref<32x129xf32, #tpu.memory_space<vmem>>
      tpu.vector_store_idx %scatter3A_714[%add3A_80, %broadcast_in_dim3A_706], %get3A_704 : memref<32x129xf32, #tpu.memory_space<vmem>>[vector<16xi32>, vector<16xi32>], vector<16xf32>,
      %get3A_715 = arith.constant 26 : i32
      %get3A_716 = arith.index_cast %rem3A_179 : i32 to index
      %get3A_717 = arith.index_cast %get3A_715 : i32 to index
      %get3A_718 = arith.constant 0 : index
      %get3A_719 = tpu.vector_load %arg6[%get3A_716, %get3A_717, %get3A_718] {strides = array<i32>} : memref<4x128x32xf32, #tpu.memory_space<vmem>>, vector<16xf32>,
      %get3A_720 = arith.constant 26 : i32
      %get3A_721 = arith.index_cast %rem3A_179 : i32 to index
      %get3A_722 = arith.index_cast %get3A_720 : i32 to index
      %get3A_723 = arith.constant 16 : index
      %get3A_724 = tpu.vector_load %arg6[%get3A_721, %get3A_722, %get3A_723] {strides = array<i32>} : memref<4x128x32xf32, #tpu.memory_space<vmem>>, vector<16xf32>,
      %broadcast_in_dim3A_725 = arith.constant 26 : i32
      %broadcast_in_dim3A_726 = vector.broadcast %broadcast_in_dim3A_725 : i32 to vector<16xi32>
      %scatter3A_727 = arith.constant 0 : i32
      %scatter3A_728 = arith.constant 0 : i32
      %scatter3A_729 = tpu.memref_slice %arg7[%rem3A_179, %scatter3A_727, %scatter3A_728] : memref<4x32x129xf32, #tpu.memory_space<vmem>> -> memref<1x32x129xf32, #tpu.memory_space<vmem>>
      %scatter3A_730 = tpu.memref_squeeze %scatter3A_729 : memref<1x32x129xf32, #tpu.memory_space<vmem>> -> memref<32x129xf32, #tpu.memory_space<vmem>>
      tpu.vector_store_idx %scatter3A_730[%iota3A, %broadcast_in_dim3A_726], %get3A_719 : memref<32x129xf32, #tpu.memory_space<vmem>>[vector<16xi32>, vector<16xi32>], vector<16xf32>,
      %scatter3A_731 = arith.constant 0 : i32
      %scatter3A_732 = arith.constant 0 : i32
      %scatter3A_733 = tpu.memref_slice %arg7[%rem3A_179, %scatter3A_731, %scatter3A_732] : memref<4x32x129xf32, #tpu.memory_space<vmem>> -> memref<1x32x129xf32, #tpu.memory_space<vmem>>
      %scatter3A_734 = tpu.memref_squeeze %scatter3A_733 : memref<1x32x129xf32, #tpu.memory_space<vmem>> -> memref<32x129xf32, #tpu.memory_space<vmem>>
      tpu.vector_store_idx %scatter3A_734[%add3A_80, %broadcast_in_dim3A_726], %get3A_724 : memref<32x129xf32, #tpu.memory_space<vmem>>[vector<16xi32>, vector<16xi32>], vector<16xf32>,
      %get3A_735 = arith.constant 27 : i32
      %get3A_736 = arith.index_cast %rem3A_179 : i32 to index
      %get3A_737 = arith.index_cast %get3A_735 : i32 to index
      %get3A_738 = arith.constant 0 : index
      %get3A_739 = tpu.vector_load %arg6[%get3A_736, %get3A_737, %get3A_738] {strides = array<i32>} : memref<4x128x32xf32, #tpu.memory_space<vmem>>, vector<16xf32>,
      %get3A_740 = arith.constant 27 : i32
      %get3A_741 = arith.index_cast %rem3A_179 : i32 to index
      %get3A_742 = arith.index_cast %get3A_740 : i32 to index
      %get3A_743 = arith.constant 16 : index
      %get3A_744 = tpu.vector_load %arg6[%get3A_741, %get3A_742, %get3A_743] {strides = array<i32>} : memref<4x128x32xf32, #tpu.memory_space<vmem>>, vector<16xf32>,
      %broadcast_in_dim3A_745 = arith.constant 27 : i32
      %broadcast_in_dim3A_746 = vector.broadcast %broadcast_in_dim3A_745 : i32 to vector<16xi32>
      %scatter3A_747 = arith.constant 0 : i32
      %scatter3A_748 = arith.constant 0 : i32
      %scatter3A_749 = tpu.memref_slice %arg7[%rem3A_179, %scatter3A_747, %scatter3A_748] : memref<4x32x129xf32, #tpu.memory_space<vmem>> -> memref<1x32x129xf32, #tpu.memory_space<vmem>>
      %scatter3A_750 = tpu.memref_squeeze %scatter3A_749 : memref<1x32x129xf32, #tpu.memory_space<vmem>> -> memref<32x129xf32, #tpu.memory_space<vmem>>
      tpu.vector_store_idx %scatter3A_750[%iota3A, %broadcast_in_dim3A_746], %get3A_739 : memref<32x129xf32, #tpu.memory_space<vmem>>[vector<16xi32>, vector<16xi32>], vector<16xf32>,
      %scatter3A_751 = arith.constant 0 : i32
      %scatter3A_752 = arith.constant 0 : i32
      %scatter3A_753 = tpu.memref_slice %arg7[%rem3A_179, %scatter3A_751, %scatter3A_752] : memref<4x32x129xf32, #tpu.memory_space<vmem>> -> memref<1x32x129xf32, #tpu.memory_space<vmem>>
      %scatter3A_754 = tpu.memref_squeeze %scatter3A_753 : memref<1x32x129xf32, #tpu.memory_space<vmem>> -> memref<32x129xf32, #tpu.memory_space<vmem>>
      tpu.vector_store_idx %scatter3A_754[%add3A_80, %broadcast_in_dim3A_746], %get3A_744 : memref<32x129xf32, #tpu.memory_space<vmem>>[vector<16xi32>, vector<16xi32>], vector<16xf32>,
      %get3A_755 = arith.constant 28 : i32
      %get3A_756 = arith.index_cast %rem3A_179 : i32 to index
      %get3A_757 = arith.index_cast %get3A_755 : i32 to index
      %get3A_758 = arith.constant 0 : index
      %get3A_759 = tpu.vector_load %arg6[%get3A_756, %get3A_757, %get3A_758] {strides = array<i32>} : memref<4x128x32xf32, #tpu.memory_space<vmem>>, vector<16xf32>,
      %get3A_760 = arith.constant 28 : i32
      %get3A_761 = arith.index_cast %rem3A_179 : i32 to index
      %get3A_762 = arith.index_cast %get3A_760 : i32 to index
      %get3A_763 = arith.constant 16 : index
      %get3A_764 = tpu.vector_load %arg6[%get3A_761, %get3A_762, %get3A_763] {strides = array<i32>} : memref<4x128x32xf32, #tpu.memory_space<vmem>>, vector<16xf32>,
      %broadcast_in_dim3A_765 = arith.constant 28 : i32
      %broadcast_in_dim3A_766 = vector.broadcast %broadcast_in_dim3A_765 : i32 to vector<16xi32>
      %scatter3A_767 = arith.constant 0 : i32
      %scatter3A_768 = arith.constant 0 : i32
      %scatter3A_769 = tpu.memref_slice %arg7[%rem3A_179, %scatter3A_767, %scatter3A_768] : memref<4x32x129xf32, #tpu.memory_space<vmem>> -> memref<1x32x129xf32, #tpu.memory_space<vmem>>
      %scatter3A_770 = tpu.memref_squeeze %scatter3A_769 : memref<1x32x129xf32, #tpu.memory_space<vmem>> -> memref<32x129xf32, #tpu.memory_space<vmem>>
      tpu.vector_store_idx %scatter3A_770[%iota3A, %broadcast_in_dim3A_766], %get3A_759 : memref<32x129xf32, #tpu.memory_space<vmem>>[vector<16xi32>, vector<16xi32>], vector<16xf32>,
      %scatter3A_771 = arith.constant 0 : i32
      %scatter3A_772 = arith.constant 0 : i32
      %scatter3A_773 = tpu.memref_slice %arg7[%rem3A_179, %scatter3A_771, %scatter3A_772] : memref<4x32x129xf32, #tpu.memory_space<vmem>> -> memref<1x32x129xf32, #tpu.memory_space<vmem>>
      %scatter3A_774 = tpu.memref_squeeze %scatter3A_773 : memref<1x32x129xf32, #tpu.memory_space<vmem>> -> memref<32x129xf32, #tpu.memory_space<vmem>>
      tpu.vector_store_idx %scatter3A_774[%add3A_80, %broadcast_in_dim3A_766], %get3A_764 : memref<32x129xf32, #tpu.memory_space<vmem>>[vector<16xi32>, vector<16xi32>], vector<16xf32>,
      %get3A_775 = arith.constant 29 : i32
      %get3A_776 = arith.index_cast %rem3A_179 : i32 to index
      %get3A_777 = arith.index_cast %get3A_775 : i32 to index
      %get3A_778 = arith.constant 0 : index
      %get3A_779 = tpu.vector_load %arg6[%get3A_776, %get3A_777, %get3A_778] {strides = array<i32>} : memref<4x128x32xf32, #tpu.memory_space<vmem>>, vector<16xf32>,
      %get3A_780 = arith.constant 29 : i32
      %get3A_781 = arith.index_cast %rem3A_179 : i32 to index
      %get3A_782 = arith.index_cast %get3A_780 : i32 to index
      %get3A_783 = arith.constant 16 : index
      %get3A_784 = tpu.vector_load %arg6[%get3A_781, %get3A_782, %get3A_783] {strides = array<i32>} : memref<4x128x32xf32, #tpu.memory_space<vmem>>, vector<16xf32>,
      %broadcast_in_dim3A_785 = arith.constant 29 : i32
      %broadcast_in_dim3A_786 = vector.broadcast %broadcast_in_dim3A_785 : i32 to vector<16xi32>
      %scatter3A_787 = arith.constant 0 : i32
      %scatter3A_788 = arith.constant 0 : i32
      %scatter3A_789 = tpu.memref_slice %arg7[%rem3A_179, %scatter3A_787, %scatter3A_788] : memref<4x32x129xf32, #tpu.memory_space<vmem>> -> memref<1x32x129xf32, #tpu.memory_space<vmem>>
      %scatter3A_790 = tpu.memref_squeeze %scatter3A_789 : memref<1x32x129xf32, #tpu.memory_space<vmem>> -> memref<32x129xf32, #tpu.memory_space<vmem>>
      tpu.vector_store_idx %scatter3A_790[%iota3A, %broadcast_in_dim3A_786], %get3A_779 : memref<32x129xf32, #tpu.memory_space<vmem>>[vector<16xi32>, vector<16xi32>], vector<16xf32>,
      %scatter3A_791 = arith.constant 0 : i32
      %scatter3A_792 = arith.constant 0 : i32
      %scatter3A_793 = tpu.memref_slice %arg7[%rem3A_179, %scatter3A_791, %scatter3A_792] : memref<4x32x129xf32, #tpu.memory_space<vmem>> -> memref<1x32x129xf32, #tpu.memory_space<vmem>>
      %scatter3A_794 = tpu.memref_squeeze %scatter3A_793 : memref<1x32x129xf32, #tpu.memory_space<vmem>> -> memref<32x129xf32, #tpu.memory_space<vmem>>
      tpu.vector_store_idx %scatter3A_794[%add3A_80, %broadcast_in_dim3A_786], %get3A_784 : memref<32x129xf32, #tpu.memory_space<vmem>>[vector<16xi32>, vector<16xi32>], vector<16xf32>,
      %get3A_795 = arith.constant 30 : i32
      %get3A_796 = arith.index_cast %rem3A_179 : i32 to index
      %get3A_797 = arith.index_cast %get3A_795 : i32 to index
      %get3A_798 = arith.constant 0 : index
      %get3A_799 = tpu.vector_load %arg6[%get3A_796, %get3A_797, %get3A_798] {strides = array<i32>} : memref<4x128x32xf32, #tpu.memory_space<vmem>>, vector<16xf32>,
      %get3A_800 = arith.constant 30 : i32
      %get3A_801 = arith.index_cast %rem3A_179 : i32 to index
      %get3A_802 = arith.index_cast %get3A_800 : i32 to index
      %get3A_803 = arith.constant 16 : index
      %get3A_804 = tpu.vector_load %arg6[%get3A_801, %get3A_802, %get3A_803] {strides = array<i32>} : memref<4x128x32xf32, #tpu.memory_space<vmem>>, vector<16xf32>,
      %broadcast_in_dim3A_805 = arith.constant 30 : i32
      %broadcast_in_dim3A_806 = vector.broadcast %broadcast_in_dim3A_805 : i32 to vector<16xi32>
      %scatter3A_807 = arith.constant 0 : i32
      %scatter3A_808 = arith.constant 0 : i32
      %scatter3A_809 = tpu.memref_slice %arg7[%rem3A_179, %scatter3A_807, %scatter3A_808] : memref<4x32x129xf32, #tpu.memory_space<vmem>> -> memref<1x32x129xf32, #tpu.memory_space<vmem>>
      %scatter3A_810 = tpu.memref_squeeze %scatter3A_809 : memref<1x32x129xf32, #tpu.memory_space<vmem>> -> memref<32x129xf32, #tpu.memory_space<vmem>>
      tpu.vector_store_idx %scatter3A_810[%iota3A, %broadcast_in_dim3A_806], %get3A_799 : memref<32x129xf32, #tpu.memory_space<vmem>>[vector<16xi32>, vector<16xi32>], vector<16xf32>,
      %scatter3A_811 = arith.constant 0 : i32
      %scatter3A_812 = arith.constant 0 : i32
      %scatter3A_813 = tpu.memref_slice %arg7[%rem3A_179, %scatter3A_811, %scatter3A_812] : memref<4x32x129xf32, #tpu.memory_space<vmem>> -> memref<1x32x129xf32, #tpu.memory_space<vmem>>
      %scatter3A_814 = tpu.memref_squeeze %scatter3A_813 : memref<1x32x129xf32, #tpu.memory_space<vmem>> -> memref<32x129xf32, #tpu.memory_space<vmem>>
      tpu.vector_store_idx %scatter3A_814[%add3A_80, %broadcast_in_dim3A_806], %get3A_804 : memref<32x129xf32, #tpu.memory_space<vmem>>[vector<16xi32>, vector<16xi32>], vector<16xf32>,
      %get3A_815 = arith.constant 31 : i32
      %get3A_816 = arith.index_cast %rem3A_179 : i32 to index
      %get3A_817 = arith.index_cast %get3A_815 : i32 to index
      %get3A_818 = arith.constant 0 : index
      %get3A_819 = tpu.vector_load %arg6[%get3A_816, %get3A_817, %get3A_818] {strides = array<i32>} : memref<4x128x32xf32, #tpu.memory_space<vmem>>, vector<16xf32>,
      %get3A_820 = arith.constant 31 : i32
      %get3A_821 = arith.index_cast %rem3A_179 : i32 to index
      %get3A_822 = arith.index_cast %get3A_820 : i32 to index
      %get3A_823 = arith.constant 16 : index
      %get3A_824 = tpu.vector_load %arg6[%get3A_821, %get3A_822, %get3A_823] {strides = array<i32>} : memref<4x128x32xf32, #tpu.memory_space<vmem>>, vector<16xf32>,
      %broadcast_in_dim3A_825 = arith.constant 31 : i32
      %broadcast_in_dim3A_826 = vector.broadcast %broadcast_in_dim3A_825 : i32 to vector<16xi32>
      %scatter3A_827 = arith.constant 0 : i32
      %scatter3A_828 = arith.constant 0 : i32
      %scatter3A_829 = tpu.memref_slice %arg7[%rem3A_179, %scatter3A_827, %scatter3A_828] : memref<4x32x129xf32, #tpu.memory_space<vmem>> -> memref<1x32x129xf32, #tpu.memory_space<vmem>>
      %scatter3A_830 = tpu.memref_squeeze %scatter3A_829 : memref<1x32x129xf32, #tpu.memory_space<vmem>> -> memref<32x129xf32, #tpu.memory_space<vmem>>
      tpu.vector_store_idx %scatter3A_830[%iota3A, %broadcast_in_dim3A_826], %get3A_819 : memref<32x129xf32, #tpu.memory_space<vmem>>[vector<16xi32>, vector<16xi32>], vector<16xf32>,
      %scatter3A_831 = arith.constant 0 : i32
      %scatter3A_832 = arith.constant 0 : i32
      %scatter3A_833 = tpu.memref_slice %arg7[%rem3A_179, %scatter3A_831, %scatter3A_832] : memref<4x32x129xf32, #tpu.memory_space<vmem>> -> memref<1x32x129xf32, #tpu.memory_space<vmem>>
      %scatter3A_834 = tpu.memref_squeeze %scatter3A_833 : memref<1x32x129xf32, #tpu.memory_space<vmem>> -> memref<32x129xf32, #tpu.memory_space<vmem>>
      tpu.vector_store_idx %scatter3A_834[%add3A_80, %broadcast_in_dim3A_826], %get3A_824 : memref<32x129xf32, #tpu.memory_space<vmem>>[vector<16xi32>, vector<16xi32>], vector<16xf32>,
      %get3A_835 = arith.constant 32 : i32
      %get3A_836 = arith.index_cast %rem3A_179 : i32 to index
      %get3A_837 = arith.index_cast %get3A_835 : i32 to index
      %get3A_838 = arith.constant 0 : index
      %get3A_839 = tpu.vector_load %arg6[%get3A_836, %get3A_837, %get3A_838] {strides = array<i32>} : memref<4x128x32xf32, #tpu.memory_space<vmem>>, vector<16xf32>,
      %get3A_840 = arith.constant 32 : i32
      %get3A_841 = arith.index_cast %rem3A_179 : i32 to index
      %get3A_842 = arith.index_cast %get3A_840 : i32 to index
      %get3A_843 = arith.constant 16 : index
      %get3A_844 = tpu.vector_load %arg6[%get3A_841, %get3A_842, %get3A_843] {strides = array<i32>} : memref<4x128x32xf32, #tpu.memory_space<vmem>>, vector<16xf32>,
      %broadcast_in_dim3A_845 = arith.constant 32 : i32
      %broadcast_in_dim3A_846 = vector.broadcast %broadcast_in_dim3A_845 : i32 to vector<16xi32>
      %scatter3A_847 = arith.constant 0 : i32
      %scatter3A_848 = arith.constant 0 : i32
      %scatter3A_849 = tpu.memref_slice %arg7[%rem3A_179, %scatter3A_847, %scatter3A_848] : memref<4x32x129xf32, #tpu.memory_space<vmem>> -> memref<1x32x129xf32, #tpu.memory_space<vmem>>
      %scatter3A_850 = tpu.memref_squeeze %scatter3A_849 : memref<1x32x129xf32, #tpu.memory_space<vmem>> -> memref<32x129xf32, #tpu.memory_space<vmem>>
      tpu.vector_store_idx %scatter3A_850[%iota3A, %broadcast_in_dim3A_846], %get3A_839 : memref<32x129xf32, #tpu.memory_space<vmem>>[vector<16xi32>, vector<16xi32>], vector<16xf32>,
      %scatter3A_851 = arith.constant 0 : i32
      %scatter3A_852 = arith.constant 0 : i32
      %scatter3A_853 = tpu.memref_slice %arg7[%rem3A_179, %scatter3A_851, %scatter3A_852] : memref<4x32x129xf32, #tpu.memory_space<vmem>> -> memref<1x32x129xf32, #tpu.memory_space<vmem>>
      %scatter3A_854 = tpu.memref_squeeze %scatter3A_853 : memref<1x32x129xf32, #tpu.memory_space<vmem>> -> memref<32x129xf32, #tpu.memory_space<vmem>>
      tpu.vector_store_idx %scatter3A_854[%add3A_80, %broadcast_in_dim3A_846], %get3A_844 : memref<32x129xf32, #tpu.memory_space<vmem>>[vector<16xi32>, vector<16xi32>], vector<16xf32>,
      %get3A_855 = arith.constant 33 : i32
      %get3A_856 = arith.index_cast %rem3A_179 : i32 to index
      %get3A_857 = arith.index_cast %get3A_855 : i32 to index
      %get3A_858 = arith.constant 0 : index
      %get3A_859 = tpu.vector_load %arg6[%get3A_856, %get3A_857, %get3A_858] {strides = array<i32>} : memref<4x128x32xf32, #tpu.memory_space<vmem>>, vector<16xf32>,
      %get3A_860 = arith.constant 33 : i32
      %get3A_861 = arith.index_cast %rem3A_179 : i32 to index
      %get3A_862 = arith.index_cast %get3A_860 : i32 to index
      %get3A_863 = arith.constant 16 : index
      %get3A_864 = tpu.vector_load %arg6[%get3A_861, %get3A_862, %get3A_863] {strides = array<i32>} : memref<4x128x32xf32, #tpu.memory_space<vmem>>, vector<16xf32>,
      %broadcast_in_dim3A_865 = arith.constant 33 : i32
      %broadcast_in_dim3A_866 = vector.broadcast %broadcast_in_dim3A_865 : i32 to vector<16xi32>
      %scatter3A_867 = arith.constant 0 : i32
      %scatter3A_868 = arith.constant 0 : i32
      %scatter3A_869 = tpu.memref_slice %arg7[%rem3A_179, %scatter3A_867, %scatter3A_868] : memref<4x32x129xf32, #tpu.memory_space<vmem>> -> memref<1x32x129xf32, #tpu.memory_space<vmem>>
      %scatter3A_870 = tpu.memref_squeeze %scatter3A_869 : memref<1x32x129xf32, #tpu.memory_space<vmem>> -> memref<32x129xf32, #tpu.memory_space<vmem>>
      tpu.vector_store_idx %scatter3A_870[%iota3A, %broadcast_in_dim3A_866], %get3A_859 : memref<32x129xf32, #tpu.memory_space<vmem>>[vector<16xi32>, vector<16xi32>], vector<16xf32>,
      %scatter3A_871 = arith.constant 0 : i32
      %scatter3A_872 = arith.constant 0 : i32
      %scatter3A_873 = tpu.memref_slice %arg7[%rem3A_179, %scatter3A_871, %scatter3A_872] : memref<4x32x129xf32, #tpu.memory_space<vmem>> -> memref<1x32x129xf32, #tpu.memory_space<vmem>>
      %scatter3A_874 = tpu.memref_squeeze %scatter3A_873 : memref<1x32x129xf32, #tpu.memory_space<vmem>> -> memref<32x129xf32, #tpu.memory_space<vmem>>
      tpu.vector_store_idx %scatter3A_874[%add3A_80, %broadcast_in_dim3A_866], %get3A_864 : memref<32x129xf32, #tpu.memory_space<vmem>>[vector<16xi32>, vector<16xi32>], vector<16xf32>,
      %get3A_875 = arith.constant 34 : i32
      %get3A_876 = arith.index_cast %rem3A_179 : i32 to index
      %get3A_877 = arith.index_cast %get3A_875 : i32 to index
      %get3A_878 = arith.constant 0 : index
      %get3A_879 = tpu.vector_load %arg6[%get3A_876, %get3A_877, %get3A_878] {strides = array<i32>} : memref<4x128x32xf32, #tpu.memory_space<vmem>>, vector<16xf32>,
      %get3A_880 = arith.constant 34 : i32
      %get3A_881 = arith.index_cast %rem3A_179 : i32 to index
      %get3A_882 = arith.index_cast %get3A_880 : i32 to index
      %get3A_883 = arith.constant 16 : index
      %get3A_884 = tpu.vector_load %arg6[%get3A_881, %get3A_882, %get3A_883] {strides = array<i32>} : memref<4x128x32xf32, #tpu.memory_space<vmem>>, vector<16xf32>,
      %broadcast_in_dim3A_885 = arith.constant 34 : i32
      %broadcast_in_dim3A_886 = vector.broadcast %broadcast_in_dim3A_885 : i32 to vector<16xi32>
      %scatter3A_887 = arith.constant 0 : i32
      %scatter3A_888 = arith.constant 0 : i32
      %scatter3A_889 = tpu.memref_slice %arg7[%rem3A_179, %scatter3A_887, %scatter3A_888] : memref<4x32x129xf32, #tpu.memory_space<vmem>> -> memref<1x32x129xf32, #tpu.memory_space<vmem>>
      %scatter3A_890 = tpu.memref_squeeze %scatter3A_889 : memref<1x32x129xf32, #tpu.memory_space<vmem>> -> memref<32x129xf32, #tpu.memory_space<vmem>>
      tpu.vector_store_idx %scatter3A_890[%iota3A, %broadcast_in_dim3A_886], %get3A_879 : memref<32x129xf32, #tpu.memory_space<vmem>>[vector<16xi32>, vector<16xi32>], vector<16xf32>,
      %scatter3A_891 = arith.constant 0 : i32
      %scatter3A_892 = arith.constant 0 : i32
      %scatter3A_893 = tpu.memref_slice %arg7[%rem3A_179, %scatter3A_891, %scatter3A_892] : memref<4x32x129xf32, #tpu.memory_space<vmem>> -> memref<1x32x129xf32, #tpu.memory_space<vmem>>
      %scatter3A_894 = tpu.memref_squeeze %scatter3A_893 : memref<1x32x129xf32, #tpu.memory_space<vmem>> -> memref<32x129xf32, #tpu.memory_space<vmem>>
      tpu.vector_store_idx %scatter3A_894[%add3A_80, %broadcast_in_dim3A_886], %get3A_884 : memref<32x129xf32, #tpu.memory_space<vmem>>[vector<16xi32>, vector<16xi32>], vector<16xf32>,
      %get3A_895 = arith.constant 35 : i32
      %get3A_896 = arith.index_cast %rem3A_179 : i32 to index
      %get3A_897 = arith.index_cast %get3A_895 : i32 to index
      %get3A_898 = arith.constant 0 : index
      %get3A_899 = tpu.vector_load %arg6[%get3A_896, %get3A_897, %get3A_898] {strides = array<i32>} : memref<4x128x32xf32, #tpu.memory_space<vmem>>, vector<16xf32>,
      %get3A_900 = arith.constant 35 : i32
      %get3A_901 = arith.index_cast %rem3A_179 : i32 to index
      %get3A_902 = arith.index_cast %get3A_900 : i32 to index
      %get3A_903 = arith.constant 16 : index
      %get3A_904 = tpu.vector_load %arg6[%get3A_901, %get3A_902, %get3A_903] {strides = array<i32>} : memref<4x128x32xf32, #tpu.memory_space<vmem>>, vector<16xf32>,
      %broadcast_in_dim3A_905 = arith.constant 35 : i32
      %broadcast_in_dim3A_906 = vector.broadcast %broadcast_in_dim3A_905 : i32 to vector<16xi32>
      %scatter3A_907 = arith.constant 0 : i32
      %scatter3A_908 = arith.constant 0 : i32
      %scatter3A_909 = tpu.memref_slice %arg7[%rem3A_179, %scatter3A_907, %scatter3A_908] : memref<4x32x129xf32, #tpu.memory_space<vmem>> -> memref<1x32x129xf32, #tpu.memory_space<vmem>>
      %scatter3A_910 = tpu.memref_squeeze %scatter3A_909 : memref<1x32x129xf32, #tpu.memory_space<vmem>> -> memref<32x129xf32, #tpu.memory_space<vmem>>
      tpu.vector_store_idx %scatter3A_910[%iota3A, %broadcast_in_dim3A_906], %get3A_899 : memref<32x129xf32, #tpu.memory_space<vmem>>[vector<16xi32>, vector<16xi32>], vector<16xf32>,
      %scatter3A_911 = arith.constant 0 : i32
      %scatter3A_912 = arith.constant 0 : i32
      %scatter3A_913 = tpu.memref_slice %arg7[%rem3A_179, %scatter3A_911, %scatter3A_912] : memref<4x32x129xf32, #tpu.memory_space<vmem>> -> memref<1x32x129xf32, #tpu.memory_space<vmem>>
      %scatter3A_914 = tpu.memref_squeeze %scatter3A_913 : memref<1x32x129xf32, #tpu.memory_space<vmem>> -> memref<32x129xf32, #tpu.memory_space<vmem>>
      tpu.vector_store_idx %scatter3A_914[%add3A_80, %broadcast_in_dim3A_906], %get3A_904 : memref<32x129xf32, #tpu.memory_space<vmem>>[vector<16xi32>, vector<16xi32>], vector<16xf32>,
      %get3A_915 = arith.constant 36 : i32
      %get3A_916 = arith.index_cast %rem3A_179 : i32 to index
      %get3A_917 = arith.index_cast %get3A_915 : i32 to index
      %get3A_918 = arith.constant 0 : index
      %get3A_919 = tpu.vector_load %arg6[%get3A_916, %get3A_917, %get3A_918] {strides = array<i32>} : memref<4x128x32xf32, #tpu.memory_space<vmem>>, vector<16xf32>,
      %get3A_920 = arith.constant 36 : i32
      %get3A_921 = arith.index_cast %rem3A_179 : i32 to index
      %get3A_922 = arith.index_cast %get3A_920 : i32 to index
      %get3A_923 = arith.constant 16 : index
      %get3A_924 = tpu.vector_load %arg6[%get3A_921, %get3A_922, %get3A_923] {strides = array<i32>} : memref<4x128x32xf32, #tpu.memory_space<vmem>>, vector<16xf32>,
      %broadcast_in_dim3A_925 = arith.constant 36 : i32
      %broadcast_in_dim3A_926 = vector.broadcast %broadcast_in_dim3A_925 : i32 to vector<16xi32>
      %scatter3A_927 = arith.constant 0 : i32
      %scatter3A_928 = arith.constant 0 : i32
      %scatter3A_929 = tpu.memref_slice %arg7[%rem3A_179, %scatter3A_927, %scatter3A_928] : memref<4x32x129xf32, #tpu.memory_space<vmem>> -> memref<1x32x129xf32, #tpu.memory_space<vmem>>
      %scatter3A_930 = tpu.memref_squeeze %scatter3A_929 : memref<1x32x129xf32, #tpu.memory_space<vmem>> -> memref<32x129xf32, #tpu.memory_space<vmem>>
      tpu.vector_store_idx %scatter3A_930[%iota3A, %broadcast_in_dim3A_926], %get3A_919 : memref<32x129xf32, #tpu.memory_space<vmem>>[vector<16xi32>, vector<16xi32>], vector<16xf32>,
      %scatter3A_931 = arith.constant 0 : i32
      %scatter3A_932 = arith.constant 0 : i32
      %scatter3A_933 = tpu.memref_slice %arg7[%rem3A_179, %scatter3A_931, %scatter3A_932] : memref<4x32x129xf32, #tpu.memory_space<vmem>> -> memref<1x32x129xf32, #tpu.memory_space<vmem>>
      %scatter3A_934 = tpu.memref_squeeze %scatter3A_933 : memref<1x32x129xf32, #tpu.memory_space<vmem>> -> memref<32x129xf32, #tpu.memory_space<vmem>>
      tpu.vector_store_idx %scatter3A_934[%add3A_80, %broadcast_in_dim3A_926], %get3A_924 : memref<32x129xf32, #tpu.memory_space<vmem>>[vector<16xi32>, vector<16xi32>], vector<16xf32>,
      %get3A_935 = arith.constant 37 : i32
      %get3A_936 = arith.index_cast %rem3A_179 : i32 to index
      %get3A_937 = arith.index_cast %get3A_935 : i32 to index
      %get3A_938 = arith.constant 0 : index
      %get3A_939 = tpu.vector_load %arg6[%get3A_936, %get3A_937, %get3A_938] {strides = array<i32>} : memref<4x128x32xf32, #tpu.memory_space<vmem>>, vector<16xf32>,
      %get3A_940 = arith.constant 37 : i32
      %get3A_941 = arith.index_cast %rem3A_179 : i32 to index
      %get3A_942 = arith.index_cast %get3A_940 : i32 to index
      %get3A_943 = arith.constant 16 : index
      %get3A_944 = tpu.vector_load %arg6[%get3A_941, %get3A_942, %get3A_943] {strides = array<i32>} : memref<4x128x32xf32, #tpu.memory_space<vmem>>, vector<16xf32>,
      %broadcast_in_dim3A_945 = arith.constant 37 : i32
      %broadcast_in_dim3A_946 = vector.broadcast %broadcast_in_dim3A_945 : i32 to vector<16xi32>
      %scatter3A_947 = arith.constant 0 : i32
      %scatter3A_948 = arith.constant 0 : i32
      %scatter3A_949 = tpu.memref_slice %arg7[%rem3A_179, %scatter3A_947, %scatter3A_948] : memref<4x32x129xf32, #tpu.memory_space<vmem>> -> memref<1x32x129xf32, #tpu.memory_space<vmem>>
      %scatter3A_950 = tpu.memref_squeeze %scatter3A_949 : memref<1x32x129xf32, #tpu.memory_space<vmem>> -> memref<32x129xf32, #tpu.memory_space<vmem>>
      tpu.vector_store_idx %scatter3A_950[%iota3A, %broadcast_in_dim3A_946], %get3A_939 : memref<32x129xf32, #tpu.memory_space<vmem>>[vector<16xi32>, vector<16xi32>], vector<16xf32>,
      %scatter3A_951 = arith.constant 0 : i32
      %scatter3A_952 = arith.constant 0 : i32
      %scatter3A_953 = tpu.memref_slice %arg7[%rem3A_179, %scatter3A_951, %scatter3A_952] : memref<4x32x129xf32, #tpu.memory_space<vmem>> -> memref<1x32x129xf32, #tpu.memory_space<vmem>>
      %scatter3A_954 = tpu.memref_squeeze %scatter3A_953 : memref<1x32x129xf32, #tpu.memory_space<vmem>> -> memref<32x129xf32, #tpu.memory_space<vmem>>
      tpu.vector_store_idx %scatter3A_954[%add3A_80, %broadcast_in_dim3A_946], %get3A_944 : memref<32x129xf32, #tpu.memory_space<vmem>>[vector<16xi32>, vector<16xi32>], vector<16xf32>,
      %get3A_955 = arith.constant 38 : i32
      %get3A_956 = arith.index_cast %rem3A_179 : i32 to index
      %get3A_957 = arith.index_cast %get3A_955 : i32 to index
      %get3A_958 = arith.constant 0 : index
      %get3A_959 = tpu.vector_load %arg6[%get3A_956, %get3A_957, %get3A_958] {strides = array<i32>} : memref<4x128x32xf32, #tpu.memory_space<vmem>>, vector<16xf32>,
      %get3A_960 = arith.constant 38 : i32
      %get3A_961 = arith.index_cast %rem3A_179 : i32 to index
      %get3A_962 = arith.index_cast %get3A_960 : i32 to index
      %get3A_963 = arith.constant 16 : index
      %get3A_964 = tpu.vector_load %arg6[%get3A_961, %get3A_962, %get3A_963] {strides = array<i32>} : memref<4x128x32xf32, #tpu.memory_space<vmem>>, vector<16xf32>,
      %broadcast_in_dim3A_965 = arith.constant 38 : i32
      %broadcast_in_dim3A_966 = vector.broadcast %broadcast_in_dim3A_965 : i32 to vector<16xi32>
      %scatter3A_967 = arith.constant 0 : i32
      %scatter3A_968 = arith.constant 0 : i32
      %scatter3A_969 = tpu.memref_slice %arg7[%rem3A_179, %scatter3A_967, %scatter3A_968] : memref<4x32x129xf32, #tpu.memory_space<vmem>> -> memref<1x32x129xf32, #tpu.memory_space<vmem>>
      %scatter3A_970 = tpu.memref_squeeze %scatter3A_969 : memref<1x32x129xf32, #tpu.memory_space<vmem>> -> memref<32x129xf32, #tpu.memory_space<vmem>>
      tpu.vector_store_idx %scatter3A_970[%iota3A, %broadcast_in_dim3A_966], %get3A_959 : memref<32x129xf32, #tpu.memory_space<vmem>>[vector<16xi32>, vector<16xi32>], vector<16xf32>,
      %scatter3A_971 = arith.constant 0 : i32
      %scatter3A_972 = arith.constant 0 : i32
      %scatter3A_973 = tpu.memref_slice %arg7[%rem3A_179, %scatter3A_971, %scatter3A_972] : memref<4x32x129xf32, #tpu.memory_space<vmem>> -> memref<1x32x129xf32, #tpu.memory_space<vmem>>
      %scatter3A_974 = tpu.memref_squeeze %scatter3A_973 : memref<1x32x129xf32, #tpu.memory_space<vmem>> -> memref<32x129xf32, #tpu.memory_space<vmem>>
      tpu.vector_store_idx %scatter3A_974[%add3A_80, %broadcast_in_dim3A_966], %get3A_964 : memref<32x129xf32, #tpu.memory_space<vmem>>[vector<16xi32>, vector<16xi32>], vector<16xf32>,
      %get3A_975 = arith.constant 39 : i32
      %get3A_976 = arith.index_cast %rem3A_179 : i32 to index
      %get3A_977 = arith.index_cast %get3A_975 : i32 to index
      %get3A_978 = arith.constant 0 : index
      %get3A_979 = tpu.vector_load %arg6[%get3A_976, %get3A_977, %get3A_978] {strides = array<i32>} : memref<4x128x32xf32, #tpu.memory_space<vmem>>, vector<16xf32>,
      %get3A_980 = arith.constant 39 : i32
      %get3A_981 = arith.index_cast %rem3A_179 : i32 to index
      %get3A_982 = arith.index_cast %get3A_980 : i32 to index
      %get3A_983 = arith.constant 16 : index
      %get3A_984 = tpu.vector_load %arg6[%get3A_981, %get3A_982, %get3A_983] {strides = array<i32>} : memref<4x128x32xf32, #tpu.memory_space<vmem>>, vector<16xf32>,
      %broadcast_in_dim3A_985 = arith.constant 39 : i32
      %broadcast_in_dim3A_986 = vector.broadcast %broadcast_in_dim3A_985 : i32 to vector<16xi32>
      %scatter3A_987 = arith.constant 0 : i32
      %scatter3A_988 = arith.constant 0 : i32
      %scatter3A_989 = tpu.memref_slice %arg7[%rem3A_179, %scatter3A_987, %scatter3A_988] : memref<4x32x129xf32, #tpu.memory_space<vmem>> -> memref<1x32x129xf32, #tpu.memory_space<vmem>>
      %scatter3A_990 = tpu.memref_squeeze %scatter3A_989 : memref<1x32x129xf32, #tpu.memory_space<vmem>> -> memref<32x129xf32, #tpu.memory_space<vmem>>
      tpu.vector_store_idx %scatter3A_990[%iota3A, %broadcast_in_dim3A_986], %get3A_979 : memref<32x129xf32, #tpu.memory_space<vmem>>[vector<16xi32>, vector<16xi32>], vector<16xf32>,
      %scatter3A_991 = arith.constant 0 : i32
      %scatter3A_992 = arith.constant 0 : i32
      %scatter3A_993 = tpu.memref_slice %arg7[%rem3A_179, %scatter3A_991, %scatter3A_992] : memref<4x32x129xf32, #tpu.memory_space<vmem>> -> memref<1x32x129xf32, #tpu.memory_space<vmem>>
      %scatter3A_994 = tpu.memref_squeeze %scatter3A_993 : memref<1x32x129xf32, #tpu.memory_space<vmem>> -> memref<32x129xf32, #tpu.memory_space<vmem>>
      tpu.vector_store_idx %scatter3A_994[%add3A_80, %broadcast_in_dim3A_986], %get3A_984 : memref<32x129xf32, #tpu.memory_space<vmem>>[vector<16xi32>, vector<16xi32>], vector<16xf32>,
      %get3A_995 = arith.constant 40 : i32
      %get3A_996 = arith.index_cast %rem3A_179 : i32 to index
      %get3A_997 = arith.index_cast %get3A_995 : i32 to index
      %get3A_998 = arith.constant 0 : index
      %get3A_999 = tpu.vector_load %arg6[%get3A_996, %get3A_997, %get3A_998] {strides = array<i32>} : memref<4x128x32xf32, #tpu.memory_space<vmem>>, vector<16xf32>,
      %get3A_1000 = arith.constant 40 : i32
      %get3A_1001 = arith.index_cast %rem3A_179 : i32 to index
      %get3A_1002 = arith.index_cast %get3A_1000 : i32 to index
      %get3A_1003 = arith.constant 16 : index
      %get3A_1004 = tpu.vector_load %arg6[%get3A_1001, %get3A_1002, %get3A_1003] {strides = array<i32>} : memref<4x128x32xf32, #tpu.memory_space<vmem>>, vector<16xf32>,
      %broadcast_in_dim3A_1005 = arith.constant 40 : i32
      %broadcast_in_dim3A_1006 = vector.broadcast %broadcast_in_dim3A_1005 : i32 to vector<16xi32>
      %scatter3A_1007 = arith.constant 0 : i32
      %scatter3A_1008 = arith.constant 0 : i32
      %scatter3A_1009 = tpu.memref_slice %arg7[%rem3A_179, %scatter3A_1007, %scatter3A_1008] : memref<4x32x129xf32, #tpu.memory_space<vmem>> -> memref<1x32x129xf32, #tpu.memory_space<vmem>>
      %scatter3A_1010 = tpu.memref_squeeze %scatter3A_1009 : memref<1x32x129xf32, #tpu.memory_space<vmem>> -> memref<32x129xf32, #tpu.memory_space<vmem>>
      tpu.vector_store_idx %scatter3A_1010[%iota3A, %broadcast_in_dim3A_1006], %get3A_999 : memref<32x129xf32, #tpu.memory_space<vmem>>[vector<16xi32>, vector<16xi32>], vector<16xf32>,
      %scatter3A_1011 = arith.constant 0 : i32
      %scatter3A_1012 = arith.constant 0 : i32
      %scatter3A_1013 = tpu.memref_slice %arg7[%rem3A_179, %scatter3A_1011, %scatter3A_1012] : memref<4x32x129xf32, #tpu.memory_space<vmem>> -> memref<1x32x129xf32, #tpu.memory_space<vmem>>
      %scatter3A_1014 = tpu.memref_squeeze %scatter3A_1013 : memref<1x32x129xf32, #tpu.memory_space<vmem>> -> memref<32x129xf32, #tpu.memory_space<vmem>>
      tpu.vector_store_idx %scatter3A_1014[%add3A_80, %broadcast_in_dim3A_1006], %get3A_1004 : memref<32x129xf32, #tpu.memory_space<vmem>>[vector<16xi32>, vector<16xi32>], vector<16xf32>,
      %get3A_1015 = arith.constant 41 : i32
      %get3A_1016 = arith.index_cast %rem3A_179 : i32 to index
      %get3A_1017 = arith.index_cast %get3A_1015 : i32 to index
      %get3A_1018 = arith.constant 0 : index
      %get3A_1019 = tpu.vector_load %arg6[%get3A_1016, %get3A_1017, %get3A_1018] {strides = array<i32>} : memref<4x128x32xf32, #tpu.memory_space<vmem>>, vector<16xf32>,
      %get3A_1020 = arith.constant 41 : i32
      %get3A_1021 = arith.index_cast %rem3A_179 : i32 to index
      %get3A_1022 = arith.index_cast %get3A_1020 : i32 to index
      %get3A_1023 = arith.constant 16 : index
      %get3A_1024 = tpu.vector_load %arg6[%get3A_1021, %get3A_1022, %get3A_1023] {strides = array<i32>} : memref<4x128x32xf32, #tpu.memory_space<vmem>>, vector<16xf32>,
      %broadcast_in_dim3A_1025 = arith.constant 41 : i32
      %broadcast_in_dim3A_1026 = vector.broadcast %broadcast_in_dim3A_1025 : i32 to vector<16xi32>
      %scatter3A_1027 = arith.constant 0 : i32
      %scatter3A_1028 = arith.constant 0 : i32
      %scatter3A_1029 = tpu.memref_slice %arg7[%rem3A_179, %scatter3A_1027, %scatter3A_1028] : memref<4x32x129xf32, #tpu.memory_space<vmem>> -> memref<1x32x129xf32, #tpu.memory_space<vmem>>
      %scatter3A_1030 = tpu.memref_squeeze %scatter3A_1029 : memref<1x32x129xf32, #tpu.memory_space<vmem>> -> memref<32x129xf32, #tpu.memory_space<vmem>>
      tpu.vector_store_idx %scatter3A_1030[%iota3A, %broadcast_in_dim3A_1026], %get3A_1019 : memref<32x129xf32, #tpu.memory_space<vmem>>[vector<16xi32>, vector<16xi32>], vector<16xf32>,
      %scatter3A_1031 = arith.constant 0 : i32
      %scatter3A_1032 = arith.constant 0 : i32
      %scatter3A_1033 = tpu.memref_slice %arg7[%rem3A_179, %scatter3A_1031, %scatter3A_1032] : memref<4x32x129xf32, #tpu.memory_space<vmem>> -> memref<1x32x129xf32, #tpu.memory_space<vmem>>
      %scatter3A_1034 = tpu.memref_squeeze %scatter3A_1033 : memref<1x32x129xf32, #tpu.memory_space<vmem>> -> memref<32x129xf32, #tpu.memory_space<vmem>>
      tpu.vector_store_idx %scatter3A_1034[%add3A_80, %broadcast_in_dim3A_1026], %get3A_1024 : memref<32x129xf32, #tpu.memory_space<vmem>>[vector<16xi32>, vector<16xi32>], vector<16xf32>,
      %get3A_1035 = arith.constant 42 : i32
      %get3A_1036 = arith.index_cast %rem3A_179 : i32 to index
      %get3A_1037 = arith.index_cast %get3A_1035 : i32 to index
      %get3A_1038 = arith.constant 0 : index
      %get3A_1039 = tpu.vector_load %arg6[%get3A_1036, %get3A_1037, %get3A_1038] {strides = array<i32>} : memref<4x128x32xf32, #tpu.memory_space<vmem>>, vector<16xf32>,
      %get3A_1040 = arith.constant 42 : i32
      %get3A_1041 = arith.index_cast %rem3A_179 : i32 to index
      %get3A_1042 = arith.index_cast %get3A_1040 : i32 to index
      %get3A_1043 = arith.constant 16 : index
      %get3A_1044 = tpu.vector_load %arg6[%get3A_1041, %get3A_1042, %get3A_1043] {strides = array<i32>} : memref<4x128x32xf32, #tpu.memory_space<vmem>>, vector<16xf32>,
      %broadcast_in_dim3A_1045 = arith.constant 42 : i32
      %broadcast_in_dim3A_1046 = vector.broadcast %broadcast_in_dim3A_1045 : i32 to vector<16xi32>
      %scatter3A_1047 = arith.constant 0 : i32
      %scatter3A_1048 = arith.constant 0 : i32
      %scatter3A_1049 = tpu.memref_slice %arg7[%rem3A_179, %scatter3A_1047, %scatter3A_1048] : memref<4x32x129xf32, #tpu.memory_space<vmem>> -> memref<1x32x129xf32, #tpu.memory_space<vmem>>
      %scatter3A_1050 = tpu.memref_squeeze %scatter3A_1049 : memref<1x32x129xf32, #tpu.memory_space<vmem>> -> memref<32x129xf32, #tpu.memory_space<vmem>>
      tpu.vector_store_idx %scatter3A_1050[%iota3A, %broadcast_in_dim3A_1046], %get3A_1039 : memref<32x129xf32, #tpu.memory_space<vmem>>[vector<16xi32>, vector<16xi32>], vector<16xf32>,
      %scatter3A_1051 = arith.constant 0 : i32
      %scatter3A_1052 = arith.constant 0 : i32
      %scatter3A_1053 = tpu.memref_slice %arg7[%rem3A_179, %scatter3A_1051, %scatter3A_1052] : memref<4x32x129xf32, #tpu.memory_space<vmem>> -> memref<1x32x129xf32, #tpu.memory_space<vmem>>
      %scatter3A_1054 = tpu.memref_squeeze %scatter3A_1053 : memref<1x32x129xf32, #tpu.memory_space<vmem>> -> memref<32x129xf32, #tpu.memory_space<vmem>>
      tpu.vector_store_idx %scatter3A_1054[%add3A_80, %broadcast_in_dim3A_1046], %get3A_1044 : memref<32x129xf32, #tpu.memory_space<vmem>>[vector<16xi32>, vector<16xi32>], vector<16xf32>,
      %get3A_1055 = arith.constant 43 : i32
      %get3A_1056 = arith.index_cast %rem3A_179 : i32 to index
      %get3A_1057 = arith.index_cast %get3A_1055 : i32 to index
      %get3A_1058 = arith.constant 0 : index
      %get3A_1059 = tpu.vector_load %arg6[%get3A_1056, %get3A_1057, %get3A_1058] {strides = array<i32>} : memref<4x128x32xf32, #tpu.memory_space<vmem>>, vector<16xf32>,
      %get3A_1060 = arith.constant 43 : i32
      %get3A_1061 = arith.index_cast %rem3A_179 : i32 to index
      %get3A_1062 = arith.index_cast %get3A_1060 : i32 to index
      %get3A_1063 = arith.constant 16 : index
      %get3A_1064 = tpu.vector_load %arg6[%get3A_1061, %get3A_1062, %get3A_1063] {strides = array<i32>} : memref<4x128x32xf32, #tpu.memory_space<vmem>>, vector<16xf32>,
      %broadcast_in_dim3A_1065 = arith.constant 43 : i32
      %broadcast_in_dim3A_1066 = vector.broadcast %broadcast_in_dim3A_1065 : i32 to vector<16xi32>
      %scatter3A_1067 = arith.constant 0 : i32
      %scatter3A_1068 = arith.constant 0 : i32
      %scatter3A_1069 = tpu.memref_slice %arg7[%rem3A_179, %scatter3A_1067, %scatter3A_1068] : memref<4x32x129xf32, #tpu.memory_space<vmem>> -> memref<1x32x129xf32, #tpu.memory_space<vmem>>
      %scatter3A_1070 = tpu.memref_squeeze %scatter3A_1069 : memref<1x32x129xf32, #tpu.memory_space<vmem>> -> memref<32x129xf32, #tpu.memory_space<vmem>>
      tpu.vector_store_idx %scatter3A_1070[%iota3A, %broadcast_in_dim3A_1066], %get3A_1059 : memref<32x129xf32, #tpu.memory_space<vmem>>[vector<16xi32>, vector<16xi32>], vector<16xf32>,
      %scatter3A_1071 = arith.constant 0 : i32
      %scatter3A_1072 = arith.constant 0 : i32
      %scatter3A_1073 = tpu.memref_slice %arg7[%rem3A_179, %scatter3A_1071, %scatter3A_1072] : memref<4x32x129xf32, #tpu.memory_space<vmem>> -> memref<1x32x129xf32, #tpu.memory_space<vmem>>
      %scatter3A_1074 = tpu.memref_squeeze %scatter3A_1073 : memref<1x32x129xf32, #tpu.memory_space<vmem>> -> memref<32x129xf32, #tpu.memory_space<vmem>>
      tpu.vector_store_idx %scatter3A_1074[%add3A_80, %broadcast_in_dim3A_1066], %get3A_1064 : memref<32x129xf32, #tpu.memory_space<vmem>>[vector<16xi32>, vector<16xi32>], vector<16xf32>,
      %get3A_1075 = arith.constant 44 : i32
      %get3A_1076 = arith.index_cast %rem3A_179 : i32 to index
      %get3A_1077 = arith.index_cast %get3A_1075 : i32 to index
      %get3A_1078 = arith.constant 0 : index
      %get3A_1079 = tpu.vector_load %arg6[%get3A_1076, %get3A_1077, %get3A_1078] {strides = array<i32>} : memref<4x128x32xf32, #tpu.memory_space<vmem>>, vector<16xf32>,
      %get3A_1080 = arith.constant 44 : i32
      %get3A_1081 = arith.index_cast %rem3A_179 : i32 to index
      %get3A_1082 = arith.index_cast %get3A_1080 : i32 to index
      %get3A_1083 = arith.constant 16 : index
      %get3A_1084 = tpu.vector_load %arg6[%get3A_1081, %get3A_1082, %get3A_1083] {strides = array<i32>} : memref<4x128x32xf32, #tpu.memory_space<vmem>>, vector<16xf32>,
      %broadcast_in_dim3A_1085 = arith.constant 44 : i32
      %broadcast_in_dim3A_1086 = vector.broadcast %broadcast_in_dim3A_1085 : i32 to vector<16xi32>
      %scatter3A_1087 = arith.constant 0 : i32
      %scatter3A_1088 = arith.constant 0 : i32
      %scatter3A_1089 = tpu.memref_slice %arg7[%rem3A_179, %scatter3A_1087, %scatter3A_1088] : memref<4x32x129xf32, #tpu.memory_space<vmem>> -> memref<1x32x129xf32, #tpu.memory_space<vmem>>
      %scatter3A_1090 = tpu.memref_squeeze %scatter3A_1089 : memref<1x32x129xf32, #tpu.memory_space<vmem>> -> memref<32x129xf32, #tpu.memory_space<vmem>>
      tpu.vector_store_idx %scatter3A_1090[%iota3A, %broadcast_in_dim3A_1086], %get3A_1079 : memref<32x129xf32, #tpu.memory_space<vmem>>[vector<16xi32>, vector<16xi32>], vector<16xf32>,
      %scatter3A_1091 = arith.constant 0 : i32
      %scatter3A_1092 = arith.constant 0 : i32
      %scatter3A_1093 = tpu.memref_slice %arg7[%rem3A_179, %scatter3A_1091, %scatter3A_1092] : memref<4x32x129xf32, #tpu.memory_space<vmem>> -> memref<1x32x129xf32, #tpu.memory_space<vmem>>
      %scatter3A_1094 = tpu.memref_squeeze %scatter3A_1093 : memref<1x32x129xf32, #tpu.memory_space<vmem>> -> memref<32x129xf32, #tpu.memory_space<vmem>>
      tpu.vector_store_idx %scatter3A_1094[%add3A_80, %broadcast_in_dim3A_1086], %get3A_1084 : memref<32x129xf32, #tpu.memory_space<vmem>>[vector<16xi32>, vector<16xi32>], vector<16xf32>,
      %get3A_1095 = arith.constant 45 : i32
      %get3A_1096 = arith.index_cast %rem3A_179 : i32 to index
      %get3A_1097 = arith.index_cast %get3A_1095 : i32 to index
      %get3A_1098 = arith.constant 0 : index
      %get3A_1099 = tpu.vector_load %arg6[%get3A_1096, %get3A_1097, %get3A_1098] {strides = array<i32>} : memref<4x128x32xf32, #tpu.memory_space<vmem>>, vector<16xf32>,
      %get3A_1100 = arith.constant 45 : i32
      %get3A_1101 = arith.index_cast %rem3A_179 : i32 to index
      %get3A_1102 = arith.index_cast %get3A_1100 : i32 to index
      %get3A_1103 = arith.constant 16 : index
      %get3A_1104 = tpu.vector_load %arg6[%get3A_1101, %get3A_1102, %get3A_1103] {strides = array<i32>} : memref<4x128x32xf32, #tpu.memory_space<vmem>>, vector<16xf32>,
      %broadcast_in_dim3A_1105 = arith.constant 45 : i32
      %broadcast_in_dim3A_1106 = vector.broadcast %broadcast_in_dim3A_1105 : i32 to vector<16xi32>
      %scatter3A_1107 = arith.constant 0 : i32
      %scatter3A_1108 = arith.constant 0 : i32
      %scatter3A_1109 = tpu.memref_slice %arg7[%rem3A_179, %scatter3A_1107, %scatter3A_1108] : memref<4x32x129xf32, #tpu.memory_space<vmem>> -> memref<1x32x129xf32, #tpu.memory_space<vmem>>
      %scatter3A_1110 = tpu.memref_squeeze %scatter3A_1109 : memref<1x32x129xf32, #tpu.memory_space<vmem>> -> memref<32x129xf32, #tpu.memory_space<vmem>>
      tpu.vector_store_idx %scatter3A_1110[%iota3A, %broadcast_in_dim3A_1106], %get3A_1099 : memref<32x129xf32, #tpu.memory_space<vmem>>[vector<16xi32>, vector<16xi32>], vector<16xf32>,
      %scatter3A_1111 = arith.constant 0 : i32
      %scatter3A_1112 = arith.constant 0 : i32
      %scatter3A_1113 = tpu.memref_slice %arg7[%rem3A_179, %scatter3A_1111, %scatter3A_1112] : memref<4x32x129xf32, #tpu.memory_space<vmem>> -> memref<1x32x129xf32, #tpu.memory_space<vmem>>
      %scatter3A_1114 = tpu.memref_squeeze %scatter3A_1113 : memref<1x32x129xf32, #tpu.memory_space<vmem>> -> memref<32x129xf32, #tpu.memory_space<vmem>>
      tpu.vector_store_idx %scatter3A_1114[%add3A_80, %broadcast_in_dim3A_1106], %get3A_1104 : memref<32x129xf32, #tpu.memory_space<vmem>>[vector<16xi32>, vector<16xi32>], vector<16xf32>,
      %get3A_1115 = arith.constant 46 : i32
      %get3A_1116 = arith.index_cast %rem3A_179 : i32 to index
      %get3A_1117 = arith.index_cast %get3A_1115 : i32 to index
      %get3A_1118 = arith.constant 0 : index
      %get3A_1119 = tpu.vector_load %arg6[%get3A_1116, %get3A_1117, %get3A_1118] {strides = array<i32>} : memref<4x128x32xf32, #tpu.memory_space<vmem>>, vector<16xf32>,
      %get3A_1120 = arith.constant 46 : i32
      %get3A_1121 = arith.index_cast %rem3A_179 : i32 to index
      %get3A_1122 = arith.index_cast %get3A_1120 : i32 to index
      %get3A_1123 = arith.constant 16 : index
      %get3A_1124 = tpu.vector_load %arg6[%get3A_1121, %get3A_1122, %get3A_1123] {strides = array<i32>} : memref<4x128x32xf32, #tpu.memory_space<vmem>>, vector<16xf32>,
      %broadcast_in_dim3A_1125 = arith.constant 46 : i32
      %broadcast_in_dim3A_1126 = vector.broadcast %broadcast_in_dim3A_1125 : i32 to vector<16xi32>
      %scatter3A_1127 = arith.constant 0 : i32
      %scatter3A_1128 = arith.constant 0 : i32
      %scatter3A_1129 = tpu.memref_slice %arg7[%rem3A_179, %scatter3A_1127, %scatter3A_1128] : memref<4x32x129xf32, #tpu.memory_space<vmem>> -> memref<1x32x129xf32, #tpu.memory_space<vmem>>
      %scatter3A_1130 = tpu.memref_squeeze %scatter3A_1129 : memref<1x32x129xf32, #tpu.memory_space<vmem>> -> memref<32x129xf32, #tpu.memory_space<vmem>>
      tpu.vector_store_idx %scatter3A_1130[%iota3A, %broadcast_in_dim3A_1126], %get3A_1119 : memref<32x129xf32, #tpu.memory_space<vmem>>[vector<16xi32>, vector<16xi32>], vector<16xf32>,
      %scatter3A_1131 = arith.constant 0 : i32
      %scatter3A_1132 = arith.constant 0 : i32
      %scatter3A_1133 = tpu.memref_slice %arg7[%rem3A_179, %scatter3A_1131, %scatter3A_1132] : memref<4x32x129xf32, #tpu.memory_space<vmem>> -> memref<1x32x129xf32, #tpu.memory_space<vmem>>
      %scatter3A_1134 = tpu.memref_squeeze %scatter3A_1133 : memref<1x32x129xf32, #tpu.memory_space<vmem>> -> memref<32x129xf32, #tpu.memory_space<vmem>>
      tpu.vector_store_idx %scatter3A_1134[%add3A_80, %broadcast_in_dim3A_1126], %get3A_1124 : memref<32x129xf32, #tpu.memory_space<vmem>>[vector<16xi32>, vector<16xi32>], vector<16xf32>,
      %get3A_1135 = arith.constant 47 : i32
      %get3A_1136 = arith.index_cast %rem3A_179 : i32 to index
      %get3A_1137 = arith.index_cast %get3A_1135 : i32 to index
      %get3A_1138 = arith.constant 0 : index
      %get3A_1139 = tpu.vector_load %arg6[%get3A_1136, %get3A_1137, %get3A_1138] {strides = array<i32>} : memref<4x128x32xf32, #tpu.memory_space<vmem>>, vector<16xf32>,
      %get3A_1140 = arith.constant 47 : i32
      %get3A_1141 = arith.index_cast %rem3A_179 : i32 to index
      %get3A_1142 = arith.index_cast %get3A_1140 : i32 to index
      %get3A_1143 = arith.constant 16 : index
      %get3A_1144 = tpu.vector_load %arg6[%get3A_1141, %get3A_1142, %get3A_1143] {strides = array<i32>} : memref<4x128x32xf32, #tpu.memory_space<vmem>>, vector<16xf32>,
      %broadcast_in_dim3A_1145 = arith.constant 47 : i32
      %broadcast_in_dim3A_1146 = vector.broadcast %broadcast_in_dim3A_1145 : i32 to vector<16xi32>
      %scatter3A_1147 = arith.constant 0 : i32
      %scatter3A_1148 = arith.constant 0 : i32
      %scatter3A_1149 = tpu.memref_slice %arg7[%rem3A_179, %scatter3A_1147, %scatter3A_1148] : memref<4x32x129xf32, #tpu.memory_space<vmem>> -> memref<1x32x129xf32, #tpu.memory_space<vmem>>
      %scatter3A_1150 = tpu.memref_squeeze %scatter3A_1149 : memref<1x32x129xf32, #tpu.memory_space<vmem>> -> memref<32x129xf32, #tpu.memory_space<vmem>>
      tpu.vector_store_idx %scatter3A_1150[%iota3A, %broadcast_in_dim3A_1146], %get3A_1139 : memref<32x129xf32, #tpu.memory_space<vmem>>[vector<16xi32>, vector<16xi32>], vector<16xf32>,
      %scatter3A_1151 = arith.constant 0 : i32
      %scatter3A_1152 = arith.constant 0 : i32
      %scatter3A_1153 = tpu.memref_slice %arg7[%rem3A_179, %scatter3A_1151, %scatter3A_1152] : memref<4x32x129xf32, #tpu.memory_space<vmem>> -> memref<1x32x129xf32, #tpu.memory_space<vmem>>
      %scatter3A_1154 = tpu.memref_squeeze %scatter3A_1153 : memref<1x32x129xf32, #tpu.memory_space<vmem>> -> memref<32x129xf32, #tpu.memory_space<vmem>>
      tpu.vector_store_idx %scatter3A_1154[%add3A_80, %broadcast_in_dim3A_1146], %get3A_1144 : memref<32x129xf32, #tpu.memory_space<vmem>>[vector<16xi32>, vector<16xi32>], vector<16xf32>,
      %get3A_1155 = arith.constant 48 : i32
      %get3A_1156 = arith.index_cast %rem3A_179 : i32 to index
      %get3A_1157 = arith.index_cast %get3A_1155 : i32 to index
      %get3A_1158 = arith.constant 0 : index
      %get3A_1159 = tpu.vector_load %arg6[%get3A_1156, %get3A_1157, %get3A_1158] {strides = array<i32>} : memref<4x128x32xf32, #tpu.memory_space<vmem>>, vector<16xf32>,
      %get3A_1160 = arith.constant 48 : i32
      %get3A_1161 = arith.index_cast %rem3A_179 : i32 to index
      %get3A_1162 = arith.index_cast %get3A_1160 : i32 to index
      %get3A_1163 = arith.constant 16 : index
      %get3A_1164 = tpu.vector_load %arg6[%get3A_1161, %get3A_1162, %get3A_1163] {strides = array<i32>} : memref<4x128x32xf32, #tpu.memory_space<vmem>>, vector<16xf32>,
      %broadcast_in_dim3A_1165 = arith.constant 48 : i32
      %broadcast_in_dim3A_1166 = vector.broadcast %broadcast_in_dim3A_1165 : i32 to vector<16xi32>
      %scatter3A_1167 = arith.constant 0 : i32
      %scatter3A_1168 = arith.constant 0 : i32
      %scatter3A_1169 = tpu.memref_slice %arg7[%rem3A_179, %scatter3A_1167, %scatter3A_1168] : memref<4x32x129xf32, #tpu.memory_space<vmem>> -> memref<1x32x129xf32, #tpu.memory_space<vmem>>
      %scatter3A_1170 = tpu.memref_squeeze %scatter3A_1169 : memref<1x32x129xf32, #tpu.memory_space<vmem>> -> memref<32x129xf32, #tpu.memory_space<vmem>>
      tpu.vector_store_idx %scatter3A_1170[%iota3A, %broadcast_in_dim3A_1166], %get3A_1159 : memref<32x129xf32, #tpu.memory_space<vmem>>[vector<16xi32>, vector<16xi32>], vector<16xf32>,
      %scatter3A_1171 = arith.constant 0 : i32
      %scatter3A_1172 = arith.constant 0 : i32
      %scatter3A_1173 = tpu.memref_slice %arg7[%rem3A_179, %scatter3A_1171, %scatter3A_1172] : memref<4x32x129xf32, #tpu.memory_space<vmem>> -> memref<1x32x129xf32, #tpu.memory_space<vmem>>
      %scatter3A_1174 = tpu.memref_squeeze %scatter3A_1173 : memref<1x32x129xf32, #tpu.memory_space<vmem>> -> memref<32x129xf32, #tpu.memory_space<vmem>>
      tpu.vector_store_idx %scatter3A_1174[%add3A_80, %broadcast_in_dim3A_1166], %get3A_1164 : memref<32x129xf32, #tpu.memory_space<vmem>>[vector<16xi32>, vector<16xi32>], vector<16xf32>,
      %get3A_1175 = arith.constant 49 : i32
      %get3A_1176 = arith.index_cast %rem3A_179 : i32 to index
      %get3A_1177 = arith.index_cast %get3A_1175 : i32 to index
      %get3A_1178 = arith.constant 0 : index
      %get3A_1179 = tpu.vector_load %arg6[%get3A_1176, %get3A_1177, %get3A_1178] {strides = array<i32>} : memref<4x128x32xf32, #tpu.memory_space<vmem>>, vector<16xf32>,
      %get3A_1180 = arith.constant 49 : i32
      %get3A_1181 = arith.index_cast %rem3A_179 : i32 to index
      %get3A_1182 = arith.index_cast %get3A_1180 : i32 to index
      %get3A_1183 = arith.constant 16 : index
      %get3A_1184 = tpu.vector_load %arg6[%get3A_1181, %get3A_1182, %get3A_1183] {strides = array<i32>} : memref<4x128x32xf32, #tpu.memory_space<vmem>>, vector<16xf32>,
      %broadcast_in_dim3A_1185 = arith.constant 49 : i32
      %broadcast_in_dim3A_1186 = vector.broadcast %broadcast_in_dim3A_1185 : i32 to vector<16xi32>
      %scatter3A_1187 = arith.constant 0 : i32
      %scatter3A_1188 = arith.constant 0 : i32
      %scatter3A_1189 = tpu.memref_slice %arg7[%rem3A_179, %scatter3A_1187, %scatter3A_1188] : memref<4x32x129xf32, #tpu.memory_space<vmem>> -> memref<1x32x129xf32, #tpu.memory_space<vmem>>
      %scatter3A_1190 = tpu.memref_squeeze %scatter3A_1189 : memref<1x32x129xf32, #tpu.memory_space<vmem>> -> memref<32x129xf32, #tpu.memory_space<vmem>>
      tpu.vector_store_idx %scatter3A_1190[%iota3A, %broadcast_in_dim3A_1186], %get3A_1179 : memref<32x129xf32, #tpu.memory_space<vmem>>[vector<16xi32>, vector<16xi32>], vector<16xf32>,
      %scatter3A_1191 = arith.constant 0 : i32
      %scatter3A_1192 = arith.constant 0 : i32
      %scatter3A_1193 = tpu.memref_slice %arg7[%rem3A_179, %scatter3A_1191, %scatter3A_1192] : memref<4x32x129xf32, #tpu.memory_space<vmem>> -> memref<1x32x129xf32, #tpu.memory_space<vmem>>
      %scatter3A_1194 = tpu.memref_squeeze %scatter3A_1193 : memref<1x32x129xf32, #tpu.memory_space<vmem>> -> memref<32x129xf32, #tpu.memory_space<vmem>>
      tpu.vector_store_idx %scatter3A_1194[%add3A_80, %broadcast_in_dim3A_1186], %get3A_1184 : memref<32x129xf32, #tpu.memory_space<vmem>>[vector<16xi32>, vector<16xi32>], vector<16xf32>,
      %get3A_1195 = arith.constant 50 : i32
      %get3A_1196 = arith.index_cast %rem3A_179 : i32 to index
      %get3A_1197 = arith.index_cast %get3A_1195 : i32 to index
      %get3A_1198 = arith.constant 0 : index
      %get3A_1199 = tpu.vector_load %arg6[%get3A_1196, %get3A_1197, %get3A_1198] {strides = array<i32>} : memref<4x128x32xf32, #tpu.memory_space<vmem>>, vector<16xf32>,
      %get3A_1200 = arith.constant 50 : i32
      %get3A_1201 = arith.index_cast %rem3A_179 : i32 to index
      %get3A_1202 = arith.index_cast %get3A_1200 : i32 to index
      %get3A_1203 = arith.constant 16 : index
      %get3A_1204 = tpu.vector_load %arg6[%get3A_1201, %get3A_1202, %get3A_1203] {strides = array<i32>} : memref<4x128x32xf32, #tpu.memory_space<vmem>>, vector<16xf32>,
      %broadcast_in_dim3A_1205 = arith.constant 50 : i32
      %broadcast_in_dim3A_1206 = vector.broadcast %broadcast_in_dim3A_1205 : i32 to vector<16xi32>
      %scatter3A_1207 = arith.constant 0 : i32
      %scatter3A_1208 = arith.constant 0 : i32
      %scatter3A_1209 = tpu.memref_slice %arg7[%rem3A_179, %scatter3A_1207, %scatter3A_1208] : memref<4x32x129xf32, #tpu.memory_space<vmem>> -> memref<1x32x129xf32, #tpu.memory_space<vmem>>
      %scatter3A_1210 = tpu.memref_squeeze %scatter3A_1209 : memref<1x32x129xf32, #tpu.memory_space<vmem>> -> memref<32x129xf32, #tpu.memory_space<vmem>>
      tpu.vector_store_idx %scatter3A_1210[%iota3A, %broadcast_in_dim3A_1206], %get3A_1199 : memref<32x129xf32, #tpu.memory_space<vmem>>[vector<16xi32>, vector<16xi32>], vector<16xf32>,
      %scatter3A_1211 = arith.constant 0 : i32
      %scatter3A_1212 = arith.constant 0 : i32
      %scatter3A_1213 = tpu.memref_slice %arg7[%rem3A_179, %scatter3A_1211, %scatter3A_1212] : memref<4x32x129xf32, #tpu.memory_space<vmem>> -> memref<1x32x129xf32, #tpu.memory_space<vmem>>
      %scatter3A_1214 = tpu.memref_squeeze %scatter3A_1213 : memref<1x32x129xf32, #tpu.memory_space<vmem>> -> memref<32x129xf32, #tpu.memory_space<vmem>>
      tpu.vector_store_idx %scatter3A_1214[%add3A_80, %broadcast_in_dim3A_1206], %get3A_1204 : memref<32x129xf32, #tpu.memory_space<vmem>>[vector<16xi32>, vector<16xi32>], vector<16xf32>,
      %get3A_1215 = arith.constant 51 : i32
      %get3A_1216 = arith.index_cast %rem3A_179 : i32 to index
      %get3A_1217 = arith.index_cast %get3A_1215 : i32 to index
      %get3A_1218 = arith.constant 0 : index
      %get3A_1219 = tpu.vector_load %arg6[%get3A_1216, %get3A_1217, %get3A_1218] {strides = array<i32>} : memref<4x128x32xf32, #tpu.memory_space<vmem>>, vector<16xf32>,
      %get3A_1220 = arith.constant 51 : i32
      %get3A_1221 = arith.index_cast %rem3A_179 : i32 to index
      %get3A_1222 = arith.index_cast %get3A_1220 : i32 to index
      %get3A_1223 = arith.constant 16 : index
      %get3A_1224 = tpu.vector_load %arg6[%get3A_1221, %get3A_1222, %get3A_1223] {strides = array<i32>} : memref<4x128x32xf32, #tpu.memory_space<vmem>>, vector<16xf32>,
      %broadcast_in_dim3A_1225 = arith.constant 51 : i32
      %broadcast_in_dim3A_1226 = vector.broadcast %broadcast_in_dim3A_1225 : i32 to vector<16xi32>
      %scatter3A_1227 = arith.constant 0 : i32
      %scatter3A_1228 = arith.constant 0 : i32
      %scatter3A_1229 = tpu.memref_slice %arg7[%rem3A_179, %scatter3A_1227, %scatter3A_1228] : memref<4x32x129xf32, #tpu.memory_space<vmem>> -> memref<1x32x129xf32, #tpu.memory_space<vmem>>
      %scatter3A_1230 = tpu.memref_squeeze %scatter3A_1229 : memref<1x32x129xf32, #tpu.memory_space<vmem>> -> memref<32x129xf32, #tpu.memory_space<vmem>>
      tpu.vector_store_idx %scatter3A_1230[%iota3A, %broadcast_in_dim3A_1226], %get3A_1219 : memref<32x129xf32, #tpu.memory_space<vmem>>[vector<16xi32>, vector<16xi32>], vector<16xf32>,
      %scatter3A_1231 = arith.constant 0 : i32
      %scatter3A_1232 = arith.constant 0 : i32
      %scatter3A_1233 = tpu.memref_slice %arg7[%rem3A_179, %scatter3A_1231, %scatter3A_1232] : memref<4x32x129xf32, #tpu.memory_space<vmem>> -> memref<1x32x129xf32, #tpu.memory_space<vmem>>
      %scatter3A_1234 = tpu.memref_squeeze %scatter3A_1233 : memref<1x32x129xf32, #tpu.memory_space<vmem>> -> memref<32x129xf32, #tpu.memory_space<vmem>>
      tpu.vector_store_idx %scatter3A_1234[%add3A_80, %broadcast_in_dim3A_1226], %get3A_1224 : memref<32x129xf32, #tpu.memory_space<vmem>>[vector<16xi32>, vector<16xi32>], vector<16xf32>,
      %get3A_1235 = arith.constant 52 : i32
      %get3A_1236 = arith.index_cast %rem3A_179 : i32 to index
      %get3A_1237 = arith.index_cast %get3A_1235 : i32 to index
      %get3A_1238 = arith.constant 0 : index
      %get3A_1239 = tpu.vector_load %arg6[%get3A_1236, %get3A_1237, %get3A_1238] {strides = array<i32>} : memref<4x128x32xf32, #tpu.memory_space<vmem>>, vector<16xf32>,
      %get3A_1240 = arith.constant 52 : i32
      %get3A_1241 = arith.index_cast %rem3A_179 : i32 to index
      %get3A_1242 = arith.index_cast %get3A_1240 : i32 to index
      %get3A_1243 = arith.constant 16 : index
      %get3A_1244 = tpu.vector_load %arg6[%get3A_1241, %get3A_1242, %get3A_1243] {strides = array<i32>} : memref<4x128x32xf32, #tpu.memory_space<vmem>>, vector<16xf32>,
      %broadcast_in_dim3A_1245 = arith.constant 52 : i32
      %broadcast_in_dim3A_1246 = vector.broadcast %broadcast_in_dim3A_1245 : i32 to vector<16xi32>
      %scatter3A_1247 = arith.constant 0 : i32
      %scatter3A_1248 = arith.constant 0 : i32
      %scatter3A_1249 = tpu.memref_slice %arg7[%rem3A_179, %scatter3A_1247, %scatter3A_1248] : memref<4x32x129xf32, #tpu.memory_space<vmem>> -> memref<1x32x129xf32, #tpu.memory_space<vmem>>
      %scatter3A_1250 = tpu.memref_squeeze %scatter3A_1249 : memref<1x32x129xf32, #tpu.memory_space<vmem>> -> memref<32x129xf32, #tpu.memory_space<vmem>>
      tpu.vector_store_idx %scatter3A_1250[%iota3A, %broadcast_in_dim3A_1246], %get3A_1239 : memref<32x129xf32, #tpu.memory_space<vmem>>[vector<16xi32>, vector<16xi32>], vector<16xf32>,
      %scatter3A_1251 = arith.constant 0 : i32
      %scatter3A_1252 = arith.constant 0 : i32
      %scatter3A_1253 = tpu.memref_slice %arg7[%rem3A_179, %scatter3A_1251, %scatter3A_1252] : memref<4x32x129xf32, #tpu.memory_space<vmem>> -> memref<1x32x129xf32, #tpu.memory_space<vmem>>
      %scatter3A_1254 = tpu.memref_squeeze %scatter3A_1253 : memref<1x32x129xf32, #tpu.memory_space<vmem>> -> memref<32x129xf32, #tpu.memory_space<vmem>>
      tpu.vector_store_idx %scatter3A_1254[%add3A_80, %broadcast_in_dim3A_1246], %get3A_1244 : memref<32x129xf32, #tpu.memory_space<vmem>>[vector<16xi32>, vector<16xi32>], vector<16xf32>,
      %get3A_1255 = arith.constant 53 : i32
      %get3A_1256 = arith.index_cast %rem3A_179 : i32 to index
      %get3A_1257 = arith.index_cast %get3A_1255 : i32 to index
      %get3A_1258 = arith.constant 0 : index
      %get3A_1259 = tpu.vector_load %arg6[%get3A_1256, %get3A_1257, %get3A_1258] {strides = array<i32>} : memref<4x128x32xf32, #tpu.memory_space<vmem>>, vector<16xf32>,
      %get3A_1260 = arith.constant 53 : i32
      %get3A_1261 = arith.index_cast %rem3A_179 : i32 to index
      %get3A_1262 = arith.index_cast %get3A_1260 : i32 to index
      %get3A_1263 = arith.constant 16 : index
      %get3A_1264 = tpu.vector_load %arg6[%get3A_1261, %get3A_1262, %get3A_1263] {strides = array<i32>} : memref<4x128x32xf32, #tpu.memory_space<vmem>>, vector<16xf32>,
      %broadcast_in_dim3A_1265 = arith.constant 53 : i32
      %broadcast_in_dim3A_1266 = vector.broadcast %broadcast_in_dim3A_1265 : i32 to vector<16xi32>
      %scatter3A_1267 = arith.constant 0 : i32
      %scatter3A_1268 = arith.constant 0 : i32
      %scatter3A_1269 = tpu.memref_slice %arg7[%rem3A_179, %scatter3A_1267, %scatter3A_1268] : memref<4x32x129xf32, #tpu.memory_space<vmem>> -> memref<1x32x129xf32, #tpu.memory_space<vmem>>
      %scatter3A_1270 = tpu.memref_squeeze %scatter3A_1269 : memref<1x32x129xf32, #tpu.memory_space<vmem>> -> memref<32x129xf32, #tpu.memory_space<vmem>>
      tpu.vector_store_idx %scatter3A_1270[%iota3A, %broadcast_in_dim3A_1266], %get3A_1259 : memref<32x129xf32, #tpu.memory_space<vmem>>[vector<16xi32>, vector<16xi32>], vector<16xf32>,
      %scatter3A_1271 = arith.constant 0 : i32
      %scatter3A_1272 = arith.constant 0 : i32
      %scatter3A_1273 = tpu.memref_slice %arg7[%rem3A_179, %scatter3A_1271, %scatter3A_1272] : memref<4x32x129xf32, #tpu.memory_space<vmem>> -> memref<1x32x129xf32, #tpu.memory_space<vmem>>
      %scatter3A_1274 = tpu.memref_squeeze %scatter3A_1273 : memref<1x32x129xf32, #tpu.memory_space<vmem>> -> memref<32x129xf32, #tpu.memory_space<vmem>>
      tpu.vector_store_idx %scatter3A_1274[%add3A_80, %broadcast_in_dim3A_1266], %get3A_1264 : memref<32x129xf32, #tpu.memory_space<vmem>>[vector<16xi32>, vector<16xi32>], vector<16xf32>,
      %get3A_1275 = arith.constant 54 : i32
      %get3A_1276 = arith.index_cast %rem3A_179 : i32 to index
      %get3A_1277 = arith.index_cast %get3A_1275 : i32 to index
      %get3A_1278 = arith.constant 0 : index
      %get3A_1279 = tpu.vector_load %arg6[%get3A_1276, %get3A_1277, %get3A_1278] {strides = array<i32>} : memref<4x128x32xf32, #tpu.memory_space<vmem>>, vector<16xf32>,
      %get3A_1280 = arith.constant 54 : i32
      %get3A_1281 = arith.index_cast %rem3A_179 : i32 to index
      %get3A_1282 = arith.index_cast %get3A_1280 : i32 to index
      %get3A_1283 = arith.constant 16 : index
      %get3A_1284 = tpu.vector_load %arg6[%get3A_1281, %get3A_1282, %get3A_1283] {strides = array<i32>} : memref<4x128x32xf32, #tpu.memory_space<vmem>>, vector<16xf32>,
      %broadcast_in_dim3A_1285 = arith.constant 54 : i32
      %broadcast_in_dim3A_1286 = vector.broadcast %broadcast_in_dim3A_1285 : i32 to vector<16xi32>
      %scatter3A_1287 = arith.constant 0 : i32
      %scatter3A_1288 = arith.constant 0 : i32
      %scatter3A_1289 = tpu.memref_slice %arg7[%rem3A_179, %scatter3A_1287, %scatter3A_1288] : memref<4x32x129xf32, #tpu.memory_space<vmem>> -> memref<1x32x129xf32, #tpu.memory_space<vmem>>
      %scatter3A_1290 = tpu.memref_squeeze %scatter3A_1289 : memref<1x32x129xf32, #tpu.memory_space<vmem>> -> memref<32x129xf32, #tpu.memory_space<vmem>>
      tpu.vector_store_idx %scatter3A_1290[%iota3A, %broadcast_in_dim3A_1286], %get3A_1279 : memref<32x129xf32, #tpu.memory_space<vmem>>[vector<16xi32>, vector<16xi32>], vector<16xf32>,
      %scatter3A_1291 = arith.constant 0 : i32
      %scatter3A_1292 = arith.constant 0 : i32
      %scatter3A_1293 = tpu.memref_slice %arg7[%rem3A_179, %scatter3A_1291, %scatter3A_1292] : memref<4x32x129xf32, #tpu.memory_space<vmem>> -> memref<1x32x129xf32, #tpu.memory_space<vmem>>
      %scatter3A_1294 = tpu.memref_squeeze %scatter3A_1293 : memref<1x32x129xf32, #tpu.memory_space<vmem>> -> memref<32x129xf32, #tpu.memory_space<vmem>>
      tpu.vector_store_idx %scatter3A_1294[%add3A_80, %broadcast_in_dim3A_1286], %get3A_1284 : memref<32x129xf32, #tpu.memory_space<vmem>>[vector<16xi32>, vector<16xi32>], vector<16xf32>,
      %get3A_1295 = arith.constant 55 : i32
      %get3A_1296 = arith.index_cast %rem3A_179 : i32 to index
      %get3A_1297 = arith.index_cast %get3A_1295 : i32 to index
      %get3A_1298 = arith.constant 0 : index
      %get3A_1299 = tpu.vector_load %arg6[%get3A_1296, %get3A_1297, %get3A_1298] {strides = array<i32>} : memref<4x128x32xf32, #tpu.memory_space<vmem>>, vector<16xf32>,
      %get3A_1300 = arith.constant 55 : i32
      %get3A_1301 = arith.index_cast %rem3A_179 : i32 to index
      %get3A_1302 = arith.index_cast %get3A_1300 : i32 to index
      %get3A_1303 = arith.constant 16 : index
      %get3A_1304 = tpu.vector_load %arg6[%get3A_1301, %get3A_1302, %get3A_1303] {strides = array<i32>} : memref<4x128x32xf32, #tpu.memory_space<vmem>>, vector<16xf32>,
      %broadcast_in_dim3A_1305 = arith.constant 55 : i32
      %broadcast_in_dim3A_1306 = vector.broadcast %broadcast_in_dim3A_1305 : i32 to vector<16xi32>
      %scatter3A_1307 = arith.constant 0 : i32
      %scatter3A_1308 = arith.constant 0 : i32
      %scatter3A_1309 = tpu.memref_slice %arg7[%rem3A_179, %scatter3A_1307, %scatter3A_1308] : memref<4x32x129xf32, #tpu.memory_space<vmem>> -> memref<1x32x129xf32, #tpu.memory_space<vmem>>
      %scatter3A_1310 = tpu.memref_squeeze %scatter3A_1309 : memref<1x32x129xf32, #tpu.memory_space<vmem>> -> memref<32x129xf32, #tpu.memory_space<vmem>>
      tpu.vector_store_idx %scatter3A_1310[%iota3A, %broadcast_in_dim3A_1306], %get3A_1299 : memref<32x129xf32, #tpu.memory_space<vmem>>[vector<16xi32>, vector<16xi32>], vector<16xf32>,
      %scatter3A_1311 = arith.constant 0 : i32
      %scatter3A_1312 = arith.constant 0 : i32
      %scatter3A_1313 = tpu.memref_slice %arg7[%rem3A_179, %scatter3A_1311, %scatter3A_1312] : memref<4x32x129xf32, #tpu.memory_space<vmem>> -> memref<1x32x129xf32, #tpu.memory_space<vmem>>
      %scatter3A_1314 = tpu.memref_squeeze %scatter3A_1313 : memref<1x32x129xf32, #tpu.memory_space<vmem>> -> memref<32x129xf32, #tpu.memory_space<vmem>>
      tpu.vector_store_idx %scatter3A_1314[%add3A_80, %broadcast_in_dim3A_1306], %get3A_1304 : memref<32x129xf32, #tpu.memory_space<vmem>>[vector<16xi32>, vector<16xi32>], vector<16xf32>,
      %get3A_1315 = arith.constant 56 : i32
      %get3A_1316 = arith.index_cast %rem3A_179 : i32 to index
      %get3A_1317 = arith.index_cast %get3A_1315 : i32 to index
      %get3A_1318 = arith.constant 0 : index
      %get3A_1319 = tpu.vector_load %arg6[%get3A_1316, %get3A_1317, %get3A_1318] {strides = array<i32>} : memref<4x128x32xf32, #tpu.memory_space<vmem>>, vector<16xf32>,
      %get3A_1320 = arith.constant 56 : i32
      %get3A_1321 = arith.index_cast %rem3A_179 : i32 to index
      %get3A_1322 = arith.index_cast %get3A_1320 : i32 to index
      %get3A_1323 = arith.constant 16 : index
      %get3A_1324 = tpu.vector_load %arg6[%get3A_1321, %get3A_1322, %get3A_1323] {strides = array<i32>} : memref<4x128x32xf32, #tpu.memory_space<vmem>>, vector<16xf32>,
      %broadcast_in_dim3A_1325 = arith.constant 56 : i32
      %broadcast_in_dim3A_1326 = vector.broadcast %broadcast_in_dim3A_1325 : i32 to vector<16xi32>
      %scatter3A_1327 = arith.constant 0 : i32
      %scatter3A_1328 = arith.constant 0 : i32
      %scatter3A_1329 = tpu.memref_slice %arg7[%rem3A_179, %scatter3A_1327, %scatter3A_1328] : memref<4x32x129xf32, #tpu.memory_space<vmem>> -> memref<1x32x129xf32, #tpu.memory_space<vmem>>
      %scatter3A_1330 = tpu.memref_squeeze %scatter3A_1329 : memref<1x32x129xf32, #tpu.memory_space<vmem>> -> memref<32x129xf32, #tpu.memory_space<vmem>>
      tpu.vector_store_idx %scatter3A_1330[%iota3A, %broadcast_in_dim3A_1326], %get3A_1319 : memref<32x129xf32, #tpu.memory_space<vmem>>[vector<16xi32>, vector<16xi32>], vector<16xf32>,
      %scatter3A_1331 = arith.constant 0 : i32
      %scatter3A_1332 = arith.constant 0 : i32
      %scatter3A_1333 = tpu.memref_slice %arg7[%rem3A_179, %scatter3A_1331, %scatter3A_1332] : memref<4x32x129xf32, #tpu.memory_space<vmem>> -> memref<1x32x129xf32, #tpu.memory_space<vmem>>
      %scatter3A_1334 = tpu.memref_squeeze %scatter3A_1333 : memref<1x32x129xf32, #tpu.memory_space<vmem>> -> memref<32x129xf32, #tpu.memory_space<vmem>>
      tpu.vector_store_idx %scatter3A_1334[%add3A_80, %broadcast_in_dim3A_1326], %get3A_1324 : memref<32x129xf32, #tpu.memory_space<vmem>>[vector<16xi32>, vector<16xi32>], vector<16xf32>,
      %get3A_1335 = arith.constant 57 : i32
      %get3A_1336 = arith.index_cast %rem3A_179 : i32 to index
      %get3A_1337 = arith.index_cast %get3A_1335 : i32 to index
      %get3A_1338 = arith.constant 0 : index
      %get3A_1339 = tpu.vector_load %arg6[%get3A_1336, %get3A_1337, %get3A_1338] {strides = array<i32>} : memref<4x128x32xf32, #tpu.memory_space<vmem>>, vector<16xf32>,
      %get3A_1340 = arith.constant 57 : i32
      %get3A_1341 = arith.index_cast %rem3A_179 : i32 to index
      %get3A_1342 = arith.index_cast %get3A_1340 : i32 to index
      %get3A_1343 = arith.constant 16 : index
      %get3A_1344 = tpu.vector_load %arg6[%get3A_1341, %get3A_1342, %get3A_1343] {strides = array<i32>} : memref<4x128x32xf32, #tpu.memory_space<vmem>>, vector<16xf32>,
      %broadcast_in_dim3A_1345 = arith.constant 57 : i32
      %broadcast_in_dim3A_1346 = vector.broadcast %broadcast_in_dim3A_1345 : i32 to vector<16xi32>
      %scatter3A_1347 = arith.constant 0 : i32
      %scatter3A_1348 = arith.constant 0 : i32
      %scatter3A_1349 = tpu.memref_slice %arg7[%rem3A_179, %scatter3A_1347, %scatter3A_1348] : memref<4x32x129xf32, #tpu.memory_space<vmem>> -> memref<1x32x129xf32, #tpu.memory_space<vmem>>
      %scatter3A_1350 = tpu.memref_squeeze %scatter3A_1349 : memref<1x32x129xf32, #tpu.memory_space<vmem>> -> memref<32x129xf32, #tpu.memory_space<vmem>>
      tpu.vector_store_idx %scatter3A_1350[%iota3A, %broadcast_in_dim3A_1346], %get3A_1339 : memref<32x129xf32, #tpu.memory_space<vmem>>[vector<16xi32>, vector<16xi32>], vector<16xf32>,
      %scatter3A_1351 = arith.constant 0 : i32
      %scatter3A_1352 = arith.constant 0 : i32
      %scatter3A_1353 = tpu.memref_slice %arg7[%rem3A_179, %scatter3A_1351, %scatter3A_1352] : memref<4x32x129xf32, #tpu.memory_space<vmem>> -> memref<1x32x129xf32, #tpu.memory_space<vmem>>
      %scatter3A_1354 = tpu.memref_squeeze %scatter3A_1353 : memref<1x32x129xf32, #tpu.memory_space<vmem>> -> memref<32x129xf32, #tpu.memory_space<vmem>>
      tpu.vector_store_idx %scatter3A_1354[%add3A_80, %broadcast_in_dim3A_1346], %get3A_1344 : memref<32x129xf32, #tpu.memory_space<vmem>>[vector<16xi32>, vector<16xi32>], vector<16xf32>,
      %get3A_1355 = arith.constant 58 : i32
      %get3A_1356 = arith.index_cast %rem3A_179 : i32 to index
      %get3A_1357 = arith.index_cast %get3A_1355 : i32 to index
      %get3A_1358 = arith.constant 0 : index
      %get3A_1359 = tpu.vector_load %arg6[%get3A_1356, %get3A_1357, %get3A_1358] {strides = array<i32>} : memref<4x128x32xf32, #tpu.memory_space<vmem>>, vector<16xf32>,
      %get3A_1360 = arith.constant 58 : i32
      %get3A_1361 = arith.index_cast %rem3A_179 : i32 to index
      %get3A_1362 = arith.index_cast %get3A_1360 : i32 to index
      %get3A_1363 = arith.constant 16 : index
      %get3A_1364 = tpu.vector_load %arg6[%get3A_1361, %get3A_1362, %get3A_1363] {strides = array<i32>} : memref<4x128x32xf32, #tpu.memory_space<vmem>>, vector<16xf32>,
      %broadcast_in_dim3A_1365 = arith.constant 58 : i32
      %broadcast_in_dim3A_1366 = vector.broadcast %broadcast_in_dim3A_1365 : i32 to vector<16xi32>
      %scatter3A_1367 = arith.constant 0 : i32
      %scatter3A_1368 = arith.constant 0 : i32
      %scatter3A_1369 = tpu.memref_slice %arg7[%rem3A_179, %scatter3A_1367, %scatter3A_1368] : memref<4x32x129xf32, #tpu.memory_space<vmem>> -> memref<1x32x129xf32, #tpu.memory_space<vmem>>
      %scatter3A_1370 = tpu.memref_squeeze %scatter3A_1369 : memref<1x32x129xf32, #tpu.memory_space<vmem>> -> memref<32x129xf32, #tpu.memory_space<vmem>>
      tpu.vector_store_idx %scatter3A_1370[%iota3A, %broadcast_in_dim3A_1366], %get3A_1359 : memref<32x129xf32, #tpu.memory_space<vmem>>[vector<16xi32>, vector<16xi32>], vector<16xf32>,
      %scatter3A_1371 = arith.constant 0 : i32
      %scatter3A_1372 = arith.constant 0 : i32
      %scatter3A_1373 = tpu.memref_slice %arg7[%rem3A_179, %scatter3A_1371, %scatter3A_1372] : memref<4x32x129xf32, #tpu.memory_space<vmem>> -> memref<1x32x129xf32, #tpu.memory_space<vmem>>
      %scatter3A_1374 = tpu.memref_squeeze %scatter3A_1373 : memref<1x32x129xf32, #tpu.memory_space<vmem>> -> memref<32x129xf32, #tpu.memory_space<vmem>>
      tpu.vector_store_idx %scatter3A_1374[%add3A_80, %broadcast_in_dim3A_1366], %get3A_1364 : memref<32x129xf32, #tpu.memory_space<vmem>>[vector<16xi32>, vector<16xi32>], vector<16xf32>,
      %get3A_1375 = arith.constant 59 : i32
      %get3A_1376 = arith.index_cast %rem3A_179 : i32 to index
      %get3A_1377 = arith.index_cast %get3A_1375 : i32 to index
      %get3A_1378 = arith.constant 0 : index
      %get3A_1379 = tpu.vector_load %arg6[%get3A_1376, %get3A_1377, %get3A_1378] {strides = array<i32>} : memref<4x128x32xf32, #tpu.memory_space<vmem>>, vector<16xf32>,
      %get3A_1380 = arith.constant 59 : i32
      %get3A_1381 = arith.index_cast %rem3A_179 : i32 to index
      %get3A_1382 = arith.index_cast %get3A_1380 : i32 to index
      %get3A_1383 = arith.constant 16 : index
      %get3A_1384 = tpu.vector_load %arg6[%get3A_1381, %get3A_1382, %get3A_1383] {strides = array<i32>} : memref<4x128x32xf32, #tpu.memory_space<vmem>>, vector<16xf32>,
      %broadcast_in_dim3A_1385 = arith.constant 59 : i32
      %broadcast_in_dim3A_1386 = vector.broadcast %broadcast_in_dim3A_1385 : i32 to vector<16xi32>
      %scatter3A_1387 = arith.constant 0 : i32
      %scatter3A_1388 = arith.constant 0 : i32
      %scatter3A_1389 = tpu.memref_slice %arg7[%rem3A_179, %scatter3A_1387, %scatter3A_1388] : memref<4x32x129xf32, #tpu.memory_space<vmem>> -> memref<1x32x129xf32, #tpu.memory_space<vmem>>
      %scatter3A_1390 = tpu.memref_squeeze %scatter3A_1389 : memref<1x32x129xf32, #tpu.memory_space<vmem>> -> memref<32x129xf32, #tpu.memory_space<vmem>>
      tpu.vector_store_idx %scatter3A_1390[%iota3A, %broadcast_in_dim3A_1386], %get3A_1379 : memref<32x129xf32, #tpu.memory_space<vmem>>[vector<16xi32>, vector<16xi32>], vector<16xf32>,
      %scatter3A_1391 = arith.constant 0 : i32
      %scatter3A_1392 = arith.constant 0 : i32
      %scatter3A_1393 = tpu.memref_slice %arg7[%rem3A_179, %scatter3A_1391, %scatter3A_1392] : memref<4x32x129xf32, #tpu.memory_space<vmem>> -> memref<1x32x129xf32, #tpu.memory_space<vmem>>
      %scatter3A_1394 = tpu.memref_squeeze %scatter3A_1393 : memref<1x32x129xf32, #tpu.memory_space<vmem>> -> memref<32x129xf32, #tpu.memory_space<vmem>>
      tpu.vector_store_idx %scatter3A_1394[%add3A_80, %broadcast_in_dim3A_1386], %get3A_1384 : memref<32x129xf32, #tpu.memory_space<vmem>>[vector<16xi32>, vector<16xi32>], vector<16xf32>,
      %get3A_1395 = arith.constant 60 : i32
      %get3A_1396 = arith.index_cast %rem3A_179 : i32 to index
      %get3A_1397 = arith.index_cast %get3A_1395 : i32 to index
      %get3A_1398 = arith.constant 0 : index
      %get3A_1399 = tpu.vector_load %arg6[%get3A_1396, %get3A_1397, %get3A_1398] {strides = array<i32>} : memref<4x128x32xf32, #tpu.memory_space<vmem>>, vector<16xf32>,
      %get3A_1400 = arith.constant 60 : i32
      %get3A_1401 = arith.index_cast %rem3A_179 : i32 to index
      %get3A_1402 = arith.index_cast %get3A_1400 : i32 to index
      %get3A_1403 = arith.constant 16 : index
      %get3A_1404 = tpu.vector_load %arg6[%get3A_1401, %get3A_1402, %get3A_1403] {strides = array<i32>} : memref<4x128x32xf32, #tpu.memory_space<vmem>>, vector<16xf32>,
      %broadcast_in_dim3A_1405 = arith.constant 60 : i32
      %broadcast_in_dim3A_1406 = vector.broadcast %broadcast_in_dim3A_1405 : i32 to vector<16xi32>
      %scatter3A_1407 = arith.constant 0 : i32
      %scatter3A_1408 = arith.constant 0 : i32
      %scatter3A_1409 = tpu.memref_slice %arg7[%rem3A_179, %scatter3A_1407, %scatter3A_1408] : memref<4x32x129xf32, #tpu.memory_space<vmem>> -> memref<1x32x129xf32, #tpu.memory_space<vmem>>
      %scatter3A_1410 = tpu.memref_squeeze %scatter3A_1409 : memref<1x32x129xf32, #tpu.memory_space<vmem>> -> memref<32x129xf32, #tpu.memory_space<vmem>>
      tpu.vector_store_idx %scatter3A_1410[%iota3A, %broadcast_in_dim3A_1406], %get3A_1399 : memref<32x129xf32, #tpu.memory_space<vmem>>[vector<16xi32>, vector<16xi32>], vector<16xf32>,
      %scatter3A_1411 = arith.constant 0 : i32
      %scatter3A_1412 = arith.constant 0 : i32
      %scatter3A_1413 = tpu.memref_slice %arg7[%rem3A_179, %scatter3A_1411, %scatter3A_1412] : memref<4x32x129xf32, #tpu.memory_space<vmem>> -> memref<1x32x129xf32, #tpu.memory_space<vmem>>
      %scatter3A_1414 = tpu.memref_squeeze %scatter3A_1413 : memref<1x32x129xf32, #tpu.memory_space<vmem>> -> memref<32x129xf32, #tpu.memory_space<vmem>>
      tpu.vector_store_idx %scatter3A_1414[%add3A_80, %broadcast_in_dim3A_1406], %get3A_1404 : memref<32x129xf32, #tpu.memory_space<vmem>>[vector<16xi32>, vector<16xi32>], vector<16xf32>,
      %get3A_1415 = arith.constant 61 : i32
      %get3A_1416 = arith.index_cast %rem3A_179 : i32 to index
      %get3A_1417 = arith.index_cast %get3A_1415 : i32 to index
      %get3A_1418 = arith.constant 0 : index
      %get3A_1419 = tpu.vector_load %arg6[%get3A_1416, %get3A_1417, %get3A_1418] {strides = array<i32>} : memref<4x128x32xf32, #tpu.memory_space<vmem>>, vector<16xf32>,
      %get3A_1420 = arith.constant 61 : i32
      %get3A_1421 = arith.index_cast %rem3A_179 : i32 to index
      %get3A_1422 = arith.index_cast %get3A_1420 : i32 to index
      %get3A_1423 = arith.constant 16 : index
      %get3A_1424 = tpu.vector_load %arg6[%get3A_1421, %get3A_1422, %get3A_1423] {strides = array<i32>} : memref<4x128x32xf32, #tpu.memory_space<vmem>>, vector<16xf32>,
      %broadcast_in_dim3A_1425 = arith.constant 61 : i32
      %broadcast_in_dim3A_1426 = vector.broadcast %broadcast_in_dim3A_1425 : i32 to vector<16xi32>
      %scatter3A_1427 = arith.constant 0 : i32
      %scatter3A_1428 = arith.constant 0 : i32
      %scatter3A_1429 = tpu.memref_slice %arg7[%rem3A_179, %scatter3A_1427, %scatter3A_1428] : memref<4x32x129xf32, #tpu.memory_space<vmem>> -> memref<1x32x129xf32, #tpu.memory_space<vmem>>
      %scatter3A_1430 = tpu.memref_squeeze %scatter3A_1429 : memref<1x32x129xf32, #tpu.memory_space<vmem>> -> memref<32x129xf32, #tpu.memory_space<vmem>>
      tpu.vector_store_idx %scatter3A_1430[%iota3A, %broadcast_in_dim3A_1426], %get3A_1419 : memref<32x129xf32, #tpu.memory_space<vmem>>[vector<16xi32>, vector<16xi32>], vector<16xf32>,
      %scatter3A_1431 = arith.constant 0 : i32
      %scatter3A_1432 = arith.constant 0 : i32
      %scatter3A_1433 = tpu.memref_slice %arg7[%rem3A_179, %scatter3A_1431, %scatter3A_1432] : memref<4x32x129xf32, #tpu.memory_space<vmem>> -> memref<1x32x129xf32, #tpu.memory_space<vmem>>
      %scatter3A_1434 = tpu.memref_squeeze %scatter3A_1433 : memref<1x32x129xf32, #tpu.memory_space<vmem>> -> memref<32x129xf32, #tpu.memory_space<vmem>>
      tpu.vector_store_idx %scatter3A_1434[%add3A_80, %broadcast_in_dim3A_1426], %get3A_1424 : memref<32x129xf32, #tpu.memory_space<vmem>>[vector<16xi32>, vector<16xi32>], vector<16xf32>,
      %get3A_1435 = arith.constant 62 : i32
      %get3A_1436 = arith.index_cast %rem3A_179 : i32 to index
      %get3A_1437 = arith.index_cast %get3A_1435 : i32 to index
      %get3A_1438 = arith.constant 0 : index
      %get3A_1439 = tpu.vector_load %arg6[%get3A_1436, %get3A_1437, %get3A_1438] {strides = array<i32>} : memref<4x128x32xf32, #tpu.memory_space<vmem>>, vector<16xf32>,
      %get3A_1440 = arith.constant 62 : i32
      %get3A_1441 = arith.index_cast %rem3A_179 : i32 to index
      %get3A_1442 = arith.index_cast %get3A_1440 : i32 to index
      %get3A_1443 = arith.constant 16 : index
      %get3A_1444 = tpu.vector_load %arg6[%get3A_1441, %get3A_1442, %get3A_1443] {strides = array<i32>} : memref<4x128x32xf32, #tpu.memory_space<vmem>>, vector<16xf32>,
      %broadcast_in_dim3A_1445 = arith.constant 62 : i32
      %broadcast_in_dim3A_1446 = vector.broadcast %broadcast_in_dim3A_1445 : i32 to vector<16xi32>
      %scatter3A_1447 = arith.constant 0 : i32
      %scatter3A_1448 = arith.constant 0 : i32
      %scatter3A_1449 = tpu.memref_slice %arg7[%rem3A_179, %scatter3A_1447, %scatter3A_1448] : memref<4x32x129xf32, #tpu.memory_space<vmem>> -> memref<1x32x129xf32, #tpu.memory_space<vmem>>
      %scatter3A_1450 = tpu.memref_squeeze %scatter3A_1449 : memref<1x32x129xf32, #tpu.memory_space<vmem>> -> memref<32x129xf32, #tpu.memory_space<vmem>>
      tpu.vector_store_idx %scatter3A_1450[%iota3A, %broadcast_in_dim3A_1446], %get3A_1439 : memref<32x129xf32, #tpu.memory_space<vmem>>[vector<16xi32>, vector<16xi32>], vector<16xf32>,
      %scatter3A_1451 = arith.constant 0 : i32
      %scatter3A_1452 = arith.constant 0 : i32
      %scatter3A_1453 = tpu.memref_slice %arg7[%rem3A_179, %scatter3A_1451, %scatter3A_1452] : memref<4x32x129xf32, #tpu.memory_space<vmem>> -> memref<1x32x129xf32, #tpu.memory_space<vmem>>
      %scatter3A_1454 = tpu.memref_squeeze %scatter3A_1453 : memref<1x32x129xf32, #tpu.memory_space<vmem>> -> memref<32x129xf32, #tpu.memory_space<vmem>>
      tpu.vector_store_idx %scatter3A_1454[%add3A_80, %broadcast_in_dim3A_1446], %get3A_1444 : memref<32x129xf32, #tpu.memory_space<vmem>>[vector<16xi32>, vector<16xi32>], vector<16xf32>,
      %get3A_1455 = arith.constant 63 : i32
      %get3A_1456 = arith.index_cast %rem3A_179 : i32 to index
      %get3A_1457 = arith.index_cast %get3A_1455 : i32 to index
      %get3A_1458 = arith.constant 0 : index
      %get3A_1459 = tpu.vector_load %arg6[%get3A_1456, %get3A_1457, %get3A_1458] {strides = array<i32>} : memref<4x128x32xf32, #tpu.memory_space<vmem>>, vector<16xf32>,
      %get3A_1460 = arith.constant 63 : i32
      %get3A_1461 = arith.index_cast %rem3A_179 : i32 to index
      %get3A_1462 = arith.index_cast %get3A_1460 : i32 to index
      %get3A_1463 = arith.constant 16 : index
      %get3A_1464 = tpu.vector_load %arg6[%get3A_1461, %get3A_1462, %get3A_1463] {strides = array<i32>} : memref<4x128x32xf32, #tpu.memory_space<vmem>>, vector<16xf32>,
      %broadcast_in_dim3A_1465 = arith.constant 63 : i32
      %broadcast_in_dim3A_1466 = vector.broadcast %broadcast_in_dim3A_1465 : i32 to vector<16xi32>
      %scatter3A_1467 = arith.constant 0 : i32
      %scatter3A_1468 = arith.constant 0 : i32
      %scatter3A_1469 = tpu.memref_slice %arg7[%rem3A_179, %scatter3A_1467, %scatter3A_1468] : memref<4x32x129xf32, #tpu.memory_space<vmem>> -> memref<1x32x129xf32, #tpu.memory_space<vmem>>
      %scatter3A_1470 = tpu.memref_squeeze %scatter3A_1469 : memref<1x32x129xf32, #tpu.memory_space<vmem>> -> memref<32x129xf32, #tpu.memory_space<vmem>>
      tpu.vector_store_idx %scatter3A_1470[%iota3A, %broadcast_in_dim3A_1466], %get3A_1459 : memref<32x129xf32, #tpu.memory_space<vmem>>[vector<16xi32>, vector<16xi32>], vector<16xf32>,
      %scatter3A_1471 = arith.constant 0 : i32
      %scatter3A_1472 = arith.constant 0 : i32
      %scatter3A_1473 = tpu.memref_slice %arg7[%rem3A_179, %scatter3A_1471, %scatter3A_1472] : memref<4x32x129xf32, #tpu.memory_space<vmem>> -> memref<1x32x129xf32, #tpu.memory_space<vmem>>
      %scatter3A_1474 = tpu.memref_squeeze %scatter3A_1473 : memref<1x32x129xf32, #tpu.memory_space<vmem>> -> memref<32x129xf32, #tpu.memory_space<vmem>>
      tpu.vector_store_idx %scatter3A_1474[%add3A_80, %broadcast_in_dim3A_1466], %get3A_1464 : memref<32x129xf32, #tpu.memory_space<vmem>>[vector<16xi32>, vector<16xi32>], vector<16xf32>,
      %get3A_1475 = arith.constant 64 : i32
      %get3A_1476 = arith.index_cast %rem3A_179 : i32 to index
      %get3A_1477 = arith.index_cast %get3A_1475 : i32 to index
      %get3A_1478 = arith.constant 0 : index
      %get3A_1479 = tpu.vector_load %arg6[%get3A_1476, %get3A_1477, %get3A_1478] {strides = array<i32>} : memref<4x128x32xf32, #tpu.memory_space<vmem>>, vector<16xf32>,
      %get3A_1480 = arith.constant 64 : i32
      %get3A_1481 = arith.index_cast %rem3A_179 : i32 to index
      %get3A_1482 = arith.index_cast %get3A_1480 : i32 to index
      %get3A_1483 = arith.constant 16 : index
      %get3A_1484 = tpu.vector_load %arg6[%get3A_1481, %get3A_1482, %get3A_1483] {strides = array<i32>} : memref<4x128x32xf32, #tpu.memory_space<vmem>>, vector<16xf32>,
      %broadcast_in_dim3A_1485 = arith.constant 64 : i32
      %broadcast_in_dim3A_1486 = vector.broadcast %broadcast_in_dim3A_1485 : i32 to vector<16xi32>
      %scatter3A_1487 = arith.constant 0 : i32
      %scatter3A_1488 = arith.constant 0 : i32
      %scatter3A_1489 = tpu.memref_slice %arg7[%rem3A_179, %scatter3A_1487, %scatter3A_1488] : memref<4x32x129xf32, #tpu.memory_space<vmem>> -> memref<1x32x129xf32, #tpu.memory_space<vmem>>
      %scatter3A_1490 = tpu.memref_squeeze %scatter3A_1489 : memref<1x32x129xf32, #tpu.memory_space<vmem>> -> memref<32x129xf32, #tpu.memory_space<vmem>>
      tpu.vector_store_idx %scatter3A_1490[%iota3A, %broadcast_in_dim3A_1486], %get3A_1479 : memref<32x129xf32, #tpu.memory_space<vmem>>[vector<16xi32>, vector<16xi32>], vector<16xf32>,
      %scatter3A_1491 = arith.constant 0 : i32
      %scatter3A_1492 = arith.constant 0 : i32
      %scatter3A_1493 = tpu.memref_slice %arg7[%rem3A_179, %scatter3A_1491, %scatter3A_1492] : memref<4x32x129xf32, #tpu.memory_space<vmem>> -> memref<1x32x129xf32, #tpu.memory_space<vmem>>
      %scatter3A_1494 = tpu.memref_squeeze %scatter3A_1493 : memref<1x32x129xf32, #tpu.memory_space<vmem>> -> memref<32x129xf32, #tpu.memory_space<vmem>>
      tpu.vector_store_idx %scatter3A_1494[%add3A_80, %broadcast_in_dim3A_1486], %get3A_1484 : memref<32x129xf32, #tpu.memory_space<vmem>>[vector<16xi32>, vector<16xi32>], vector<16xf32>,
      %get3A_1495 = arith.constant 65 : i32
      %get3A_1496 = arith.index_cast %rem3A_179 : i32 to index
      %get3A_1497 = arith.index_cast %get3A_1495 : i32 to index
      %get3A_1498 = arith.constant 0 : index
      %get3A_1499 = tpu.vector_load %arg6[%get3A_1496, %get3A_1497, %get3A_1498] {strides = array<i32>} : memref<4x128x32xf32, #tpu.memory_space<vmem>>, vector<16xf32>,
      %get3A_1500 = arith.constant 65 : i32
      %get3A_1501 = arith.index_cast %rem3A_179 : i32 to index
      %get3A_1502 = arith.index_cast %get3A_1500 : i32 to index
      %get3A_1503 = arith.constant 16 : index
      %get3A_1504 = tpu.vector_load %arg6[%get3A_1501, %get3A_1502, %get3A_1503] {strides = array<i32>} : memref<4x128x32xf32, #tpu.memory_space<vmem>>, vector<16xf32>,
      %broadcast_in_dim3A_1505 = arith.constant 65 : i32
      %broadcast_in_dim3A_1506 = vector.broadcast %broadcast_in_dim3A_1505 : i32 to vector<16xi32>
      %scatter3A_1507 = arith.constant 0 : i32
      %scatter3A_1508 = arith.constant 0 : i32
      %scatter3A_1509 = tpu.memref_slice %arg7[%rem3A_179, %scatter3A_1507, %scatter3A_1508] : memref<4x32x129xf32, #tpu.memory_space<vmem>> -> memref<1x32x129xf32, #tpu.memory_space<vmem>>
      %scatter3A_1510 = tpu.memref_squeeze %scatter3A_1509 : memref<1x32x129xf32, #tpu.memory_space<vmem>> -> memref<32x129xf32, #tpu.memory_space<vmem>>
      tpu.vector_store_idx %scatter3A_1510[%iota3A, %broadcast_in_dim3A_1506], %get3A_1499 : memref<32x129xf32, #tpu.memory_space<vmem>>[vector<16xi32>, vector<16xi32>], vector<16xf32>,
      %scatter3A_1511 = arith.constant 0 : i32
      %scatter3A_1512 = arith.constant 0 : i32
      %scatter3A_1513 = tpu.memref_slice %arg7[%rem3A_179, %scatter3A_1511, %scatter3A_1512] : memref<4x32x129xf32, #tpu.memory_space<vmem>> -> memref<1x32x129xf32, #tpu.memory_space<vmem>>
      %scatter3A_1514 = tpu.memref_squeeze %scatter3A_1513 : memref<1x32x129xf32, #tpu.memory_space<vmem>> -> memref<32x129xf32, #tpu.memory_space<vmem>>
      tpu.vector_store_idx %scatter3A_1514[%add3A_80, %broadcast_in_dim3A_1506], %get3A_1504 : memref<32x129xf32, #tpu.memory_space<vmem>>[vector<16xi32>, vector<16xi32>], vector<16xf32>,
      %get3A_1515 = arith.constant 66 : i32
      %get3A_1516 = arith.index_cast %rem3A_179 : i32 to index
      %get3A_1517 = arith.index_cast %get3A_1515 : i32 to index
      %get3A_1518 = arith.constant 0 : index
      %get3A_1519 = tpu.vector_load %arg6[%get3A_1516, %get3A_1517, %get3A_1518] {strides = array<i32>} : memref<4x128x32xf32, #tpu.memory_space<vmem>>, vector<16xf32>,
      %get3A_1520 = arith.constant 66 : i32
      %get3A_1521 = arith.index_cast %rem3A_179 : i32 to index
      %get3A_1522 = arith.index_cast %get3A_1520 : i32 to index
      %get3A_1523 = arith.constant 16 : index
      %get3A_1524 = tpu.vector_load %arg6[%get3A_1521, %get3A_1522, %get3A_1523] {strides = array<i32>} : memref<4x128x32xf32, #tpu.memory_space<vmem>>, vector<16xf32>,
      %broadcast_in_dim3A_1525 = arith.constant 66 : i32
      %broadcast_in_dim3A_1526 = vector.broadcast %broadcast_in_dim3A_1525 : i32 to vector<16xi32>
      %scatter3A_1527 = arith.constant 0 : i32
      %scatter3A_1528 = arith.constant 0 : i32
      %scatter3A_1529 = tpu.memref_slice %arg7[%rem3A_179, %scatter3A_1527, %scatter3A_1528] : memref<4x32x129xf32, #tpu.memory_space<vmem>> -> memref<1x32x129xf32, #tpu.memory_space<vmem>>
      %scatter3A_1530 = tpu.memref_squeeze %scatter3A_1529 : memref<1x32x129xf32, #tpu.memory_space<vmem>> -> memref<32x129xf32, #tpu.memory_space<vmem>>
      tpu.vector_store_idx %scatter3A_1530[%iota3A, %broadcast_in_dim3A_1526], %get3A_1519 : memref<32x129xf32, #tpu.memory_space<vmem>>[vector<16xi32>, vector<16xi32>], vector<16xf32>,
      %scatter3A_1531 = arith.constant 0 : i32
      %scatter3A_1532 = arith.constant 0 : i32
      %scatter3A_1533 = tpu.memref_slice %arg7[%rem3A_179, %scatter3A_1531, %scatter3A_1532] : memref<4x32x129xf32, #tpu.memory_space<vmem>> -> memref<1x32x129xf32, #tpu.memory_space<vmem>>
      %scatter3A_1534 = tpu.memref_squeeze %scatter3A_1533 : memref<1x32x129xf32, #tpu.memory_space<vmem>> -> memref<32x129xf32, #tpu.memory_space<vmem>>
      tpu.vector_store_idx %scatter3A_1534[%add3A_80, %broadcast_in_dim3A_1526], %get3A_1524 : memref<32x129xf32, #tpu.memory_space<vmem>>[vector<16xi32>, vector<16xi32>], vector<16xf32>,
      %get3A_1535 = arith.constant 67 : i32
      %get3A_1536 = arith.index_cast %rem3A_179 : i32 to index
      %get3A_1537 = arith.index_cast %get3A_1535 : i32 to index
      %get3A_1538 = arith.constant 0 : index
      %get3A_1539 = tpu.vector_load %arg6[%get3A_1536, %get3A_1537, %get3A_1538] {strides = array<i32>} : memref<4x128x32xf32, #tpu.memory_space<vmem>>, vector<16xf32>,
      %get3A_1540 = arith.constant 67 : i32
      %get3A_1541 = arith.index_cast %rem3A_179 : i32 to index
      %get3A_1542 = arith.index_cast %get3A_1540 : i32 to index
      %get3A_1543 = arith.constant 16 : index
      %get3A_1544 = tpu.vector_load %arg6[%get3A_1541, %get3A_1542, %get3A_1543] {strides = array<i32>} : memref<4x128x32xf32, #tpu.memory_space<vmem>>, vector<16xf32>,
      %broadcast_in_dim3A_1545 = arith.constant 67 : i32
      %broadcast_in_dim3A_1546 = vector.broadcast %broadcast_in_dim3A_1545 : i32 to vector<16xi32>
      %scatter3A_1547 = arith.constant 0 : i32
      %scatter3A_1548 = arith.constant 0 : i32
      %scatter3A_1549 = tpu.memref_slice %arg7[%rem3A_179, %scatter3A_1547, %scatter3A_1548] : memref<4x32x129xf32, #tpu.memory_space<vmem>> -> memref<1x32x129xf32, #tpu.memory_space<vmem>>
      %scatter3A_1550 = tpu.memref_squeeze %scatter3A_1549 : memref<1x32x129xf32, #tpu.memory_space<vmem>> -> memref<32x129xf32, #tpu.memory_space<vmem>>
      tpu.vector_store_idx %scatter3A_1550[%iota3A, %broadcast_in_dim3A_1546], %get3A_1539 : memref<32x129xf32, #tpu.memory_space<vmem>>[vector<16xi32>, vector<16xi32>], vector<16xf32>,
      %scatter3A_1551 = arith.constant 0 : i32
      %scatter3A_1552 = arith.constant 0 : i32
      %scatter3A_1553 = tpu.memref_slice %arg7[%rem3A_179, %scatter3A_1551, %scatter3A_1552] : memref<4x32x129xf32, #tpu.memory_space<vmem>> -> memref<1x32x129xf32, #tpu.memory_space<vmem>>
      %scatter3A_1554 = tpu.memref_squeeze %scatter3A_1553 : memref<1x32x129xf32, #tpu.memory_space<vmem>> -> memref<32x129xf32, #tpu.memory_space<vmem>>
      tpu.vector_store_idx %scatter3A_1554[%add3A_80, %broadcast_in_dim3A_1546], %get3A_1544 : memref<32x129xf32, #tpu.memory_space<vmem>>[vector<16xi32>, vector<16xi32>], vector<16xf32>,
      %get3A_1555 = arith.constant 68 : i32
      %get3A_1556 = arith.index_cast %rem3A_179 : i32 to index
      %get3A_1557 = arith.index_cast %get3A_1555 : i32 to index
      %get3A_1558 = arith.constant 0 : index
      %get3A_1559 = tpu.vector_load %arg6[%get3A_1556, %get3A_1557, %get3A_1558] {strides = array<i32>} : memref<4x128x32xf32, #tpu.memory_space<vmem>>, vector<16xf32>,
      %get3A_1560 = arith.constant 68 : i32
      %get3A_1561 = arith.index_cast %rem3A_179 : i32 to index
      %get3A_1562 = arith.index_cast %get3A_1560 : i32 to index
      %get3A_1563 = arith.constant 16 : index
      %get3A_1564 = tpu.vector_load %arg6[%get3A_1561, %get3A_1562, %get3A_1563] {strides = array<i32>} : memref<4x128x32xf32, #tpu.memory_space<vmem>>, vector<16xf32>,
      %broadcast_in_dim3A_1565 = arith.constant 68 : i32
      %broadcast_in_dim3A_1566 = vector.broadcast %broadcast_in_dim3A_1565 : i32 to vector<16xi32>
      %scatter3A_1567 = arith.constant 0 : i32
      %scatter3A_1568 = arith.constant 0 : i32
      %scatter3A_1569 = tpu.memref_slice %arg7[%rem3A_179, %scatter3A_1567, %scatter3A_1568] : memref<4x32x129xf32, #tpu.memory_space<vmem>> -> memref<1x32x129xf32, #tpu.memory_space<vmem>>
      %scatter3A_1570 = tpu.memref_squeeze %scatter3A_1569 : memref<1x32x129xf32, #tpu.memory_space<vmem>> -> memref<32x129xf32, #tpu.memory_space<vmem>>
      tpu.vector_store_idx %scatter3A_1570[%iota3A, %broadcast_in_dim3A_1566], %get3A_1559 : memref<32x129xf32, #tpu.memory_space<vmem>>[vector<16xi32>, vector<16xi32>], vector<16xf32>,
      %scatter3A_1571 = arith.constant 0 : i32
      %scatter3A_1572 = arith.constant 0 : i32
      %scatter3A_1573 = tpu.memref_slice %arg7[%rem3A_179, %scatter3A_1571, %scatter3A_1572] : memref<4x32x129xf32, #tpu.memory_space<vmem>> -> memref<1x32x129xf32, #tpu.memory_space<vmem>>
      %scatter3A_1574 = tpu.memref_squeeze %scatter3A_1573 : memref<1x32x129xf32, #tpu.memory_space<vmem>> -> memref<32x129xf32, #tpu.memory_space<vmem>>
      tpu.vector_store_idx %scatter3A_1574[%add3A_80, %broadcast_in_dim3A_1566], %get3A_1564 : memref<32x129xf32, #tpu.memory_space<vmem>>[vector<16xi32>, vector<16xi32>], vector<16xf32>,
      %get3A_1575 = arith.constant 69 : i32
      %get3A_1576 = arith.index_cast %rem3A_179 : i32 to index
      %get3A_1577 = arith.index_cast %get3A_1575 : i32 to index
      %get3A_1578 = arith.constant 0 : index
      %get3A_1579 = tpu.vector_load %arg6[%get3A_1576, %get3A_1577, %get3A_1578] {strides = array<i32>} : memref<4x128x32xf32, #tpu.memory_space<vmem>>, vector<16xf32>,
      %get3A_1580 = arith.constant 69 : i32
      %get3A_1581 = arith.index_cast %rem3A_179 : i32 to index
      %get3A_1582 = arith.index_cast %get3A_1580 : i32 to index
      %get3A_1583 = arith.constant 16 : index
      %get3A_1584 = tpu.vector_load %arg6[%get3A_1581, %get3A_1582, %get3A_1583] {strides = array<i32>} : memref<4x128x32xf32, #tpu.memory_space<vmem>>, vector<16xf32>,
      %broadcast_in_dim3A_1585 = arith.constant 69 : i32
      %broadcast_in_dim3A_1586 = vector.broadcast %broadcast_in_dim3A_1585 : i32 to vector<16xi32>
      %scatter3A_1587 = arith.constant 0 : i32
      %scatter3A_1588 = arith.constant 0 : i32
      %scatter3A_1589 = tpu.memref_slice %arg7[%rem3A_179, %scatter3A_1587, %scatter3A_1588] : memref<4x32x129xf32, #tpu.memory_space<vmem>> -> memref<1x32x129xf32, #tpu.memory_space<vmem>>
      %scatter3A_1590 = tpu.memref_squeeze %scatter3A_1589 : memref<1x32x129xf32, #tpu.memory_space<vmem>> -> memref<32x129xf32, #tpu.memory_space<vmem>>
      tpu.vector_store_idx %scatter3A_1590[%iota3A, %broadcast_in_dim3A_1586], %get3A_1579 : memref<32x129xf32, #tpu.memory_space<vmem>>[vector<16xi32>, vector<16xi32>], vector<16xf32>,
      %scatter3A_1591 = arith.constant 0 : i32
      %scatter3A_1592 = arith.constant 0 : i32
      %scatter3A_1593 = tpu.memref_slice %arg7[%rem3A_179, %scatter3A_1591, %scatter3A_1592] : memref<4x32x129xf32, #tpu.memory_space<vmem>> -> memref<1x32x129xf32, #tpu.memory_space<vmem>>
      %scatter3A_1594 = tpu.memref_squeeze %scatter3A_1593 : memref<1x32x129xf32, #tpu.memory_space<vmem>> -> memref<32x129xf32, #tpu.memory_space<vmem>>
      tpu.vector_store_idx %scatter3A_1594[%add3A_80, %broadcast_in_dim3A_1586], %get3A_1584 : memref<32x129xf32, #tpu.memory_space<vmem>>[vector<16xi32>, vector<16xi32>], vector<16xf32>,
      %get3A_1595 = arith.constant 70 : i32
      %get3A_1596 = arith.index_cast %rem3A_179 : i32 to index
      %get3A_1597 = arith.index_cast %get3A_1595 : i32 to index
      %get3A_1598 = arith.constant 0 : index
      %get3A_1599 = tpu.vector_load %arg6[%get3A_1596, %get3A_1597, %get3A_1598] {strides = array<i32>} : memref<4x128x32xf32, #tpu.memory_space<vmem>>, vector<16xf32>,
      %get3A_1600 = arith.constant 70 : i32
      %get3A_1601 = arith.index_cast %rem3A_179 : i32 to index
      %get3A_1602 = arith.index_cast %get3A_1600 : i32 to index
      %get3A_1603 = arith.constant 16 : index
      %get3A_1604 = tpu.vector_load %arg6[%get3A_1601, %get3A_1602, %get3A_1603] {strides = array<i32>} : memref<4x128x32xf32, #tpu.memory_space<vmem>>, vector<16xf32>,
      %broadcast_in_dim3A_1605 = arith.constant 70 : i32
      %broadcast_in_dim3A_1606 = vector.broadcast %broadcast_in_dim3A_1605 : i32 to vector<16xi32>
      %scatter3A_1607 = arith.constant 0 : i32
      %scatter3A_1608 = arith.constant 0 : i32
      %scatter3A_1609 = tpu.memref_slice %arg7[%rem3A_179, %scatter3A_1607, %scatter3A_1608] : memref<4x32x129xf32, #tpu.memory_space<vmem>> -> memref<1x32x129xf32, #tpu.memory_space<vmem>>
      %scatter3A_1610 = tpu.memref_squeeze %scatter3A_1609 : memref<1x32x129xf32, #tpu.memory_space<vmem>> -> memref<32x129xf32, #tpu.memory_space<vmem>>
      tpu.vector_store_idx %scatter3A_1610[%iota3A, %broadcast_in_dim3A_1606], %get3A_1599 : memref<32x129xf32, #tpu.memory_space<vmem>>[vector<16xi32>, vector<16xi32>], vector<16xf32>,
      %scatter3A_1611 = arith.constant 0 : i32
      %scatter3A_1612 = arith.constant 0 : i32
      %scatter3A_1613 = tpu.memref_slice %arg7[%rem3A_179, %scatter3A_1611, %scatter3A_1612] : memref<4x32x129xf32, #tpu.memory_space<vmem>> -> memref<1x32x129xf32, #tpu.memory_space<vmem>>
      %scatter3A_1614 = tpu.memref_squeeze %scatter3A_1613 : memref<1x32x129xf32, #tpu.memory_space<vmem>> -> memref<32x129xf32, #tpu.memory_space<vmem>>
      tpu.vector_store_idx %scatter3A_1614[%add3A_80, %broadcast_in_dim3A_1606], %get3A_1604 : memref<32x129xf32, #tpu.memory_space<vmem>>[vector<16xi32>, vector<16xi32>], vector<16xf32>,
      %get3A_1615 = arith.constant 71 : i32
      %get3A_1616 = arith.index_cast %rem3A_179 : i32 to index
      %get3A_1617 = arith.index_cast %get3A_1615 : i32 to index
      %get3A_1618 = arith.constant 0 : index
      %get3A_1619 = tpu.vector_load %arg6[%get3A_1616, %get3A_1617, %get3A_1618] {strides = array<i32>} : memref<4x128x32xf32, #tpu.memory_space<vmem>>, vector<16xf32>,
      %get3A_1620 = arith.constant 71 : i32
      %get3A_1621 = arith.index_cast %rem3A_179 : i32 to index
      %get3A_1622 = arith.index_cast %get3A_1620 : i32 to index
      %get3A_1623 = arith.constant 16 : index
      %get3A_1624 = tpu.vector_load %arg6[%get3A_1621, %get3A_1622, %get3A_1623] {strides = array<i32>} : memref<4x128x32xf32, #tpu.memory_space<vmem>>, vector<16xf32>,
      %broadcast_in_dim3A_1625 = arith.constant 71 : i32
      %broadcast_in_dim3A_1626 = vector.broadcast %broadcast_in_dim3A_1625 : i32 to vector<16xi32>
      %scatter3A_1627 = arith.constant 0 : i32
      %scatter3A_1628 = arith.constant 0 : i32
      %scatter3A_1629 = tpu.memref_slice %arg7[%rem3A_179, %scatter3A_1627, %scatter3A_1628] : memref<4x32x129xf32, #tpu.memory_space<vmem>> -> memref<1x32x129xf32, #tpu.memory_space<vmem>>
      %scatter3A_1630 = tpu.memref_squeeze %scatter3A_1629 : memref<1x32x129xf32, #tpu.memory_space<vmem>> -> memref<32x129xf32, #tpu.memory_space<vmem>>
      tpu.vector_store_idx %scatter3A_1630[%iota3A, %broadcast_in_dim3A_1626], %get3A_1619 : memref<32x129xf32, #tpu.memory_space<vmem>>[vector<16xi32>, vector<16xi32>], vector<16xf32>,
      %scatter3A_1631 = arith.constant 0 : i32
      %scatter3A_1632 = arith.constant 0 : i32
      %scatter3A_1633 = tpu.memref_slice %arg7[%rem3A_179, %scatter3A_1631, %scatter3A_1632] : memref<4x32x129xf32, #tpu.memory_space<vmem>> -> memref<1x32x129xf32, #tpu.memory_space<vmem>>
      %scatter3A_1634 = tpu.memref_squeeze %scatter3A_1633 : memref<1x32x129xf32, #tpu.memory_space<vmem>> -> memref<32x129xf32, #tpu.memory_space<vmem>>
      tpu.vector_store_idx %scatter3A_1634[%add3A_80, %broadcast_in_dim3A_1626], %get3A_1624 : memref<32x129xf32, #tpu.memory_space<vmem>>[vector<16xi32>, vector<16xi32>], vector<16xf32>,
      %get3A_1635 = arith.constant 72 : i32
      %get3A_1636 = arith.index_cast %rem3A_179 : i32 to index
      %get3A_1637 = arith.index_cast %get3A_1635 : i32 to index
      %get3A_1638 = arith.constant 0 : index
      %get3A_1639 = tpu.vector_load %arg6[%get3A_1636, %get3A_1637, %get3A_1638] {strides = array<i32>} : memref<4x128x32xf32, #tpu.memory_space<vmem>>, vector<16xf32>,
      %get3A_1640 = arith.constant 72 : i32
      %get3A_1641 = arith.index_cast %rem3A_179 : i32 to index
      %get3A_1642 = arith.index_cast %get3A_1640 : i32 to index
      %get3A_1643 = arith.constant 16 : index
      %get3A_1644 = tpu.vector_load %arg6[%get3A_1641, %get3A_1642, %get3A_1643] {strides = array<i32>} : memref<4x128x32xf32, #tpu.memory_space<vmem>>, vector<16xf32>,
      %broadcast_in_dim3A_1645 = arith.constant 72 : i32
      %broadcast_in_dim3A_1646 = vector.broadcast %broadcast_in_dim3A_1645 : i32 to vector<16xi32>
      %scatter3A_1647 = arith.constant 0 : i32
      %scatter3A_1648 = arith.constant 0 : i32
      %scatter3A_1649 = tpu.memref_slice %arg7[%rem3A_179, %scatter3A_1647, %scatter3A_1648] : memref<4x32x129xf32, #tpu.memory_space<vmem>> -> memref<1x32x129xf32, #tpu.memory_space<vmem>>
      %scatter3A_1650 = tpu.memref_squeeze %scatter3A_1649 : memref<1x32x129xf32, #tpu.memory_space<vmem>> -> memref<32x129xf32, #tpu.memory_space<vmem>>
      tpu.vector_store_idx %scatter3A_1650[%iota3A, %broadcast_in_dim3A_1646], %get3A_1639 : memref<32x129xf32, #tpu.memory_space<vmem>>[vector<16xi32>, vector<16xi32>], vector<16xf32>,
      %scatter3A_1651 = arith.constant 0 : i32
      %scatter3A_1652 = arith.constant 0 : i32
      %scatter3A_1653 = tpu.memref_slice %arg7[%rem3A_179, %scatter3A_1651, %scatter3A_1652] : memref<4x32x129xf32, #tpu.memory_space<vmem>> -> memref<1x32x129xf32, #tpu.memory_space<vmem>>
      %scatter3A_1654 = tpu.memref_squeeze %scatter3A_1653 : memref<1x32x129xf32, #tpu.memory_space<vmem>> -> memref<32x129xf32, #tpu.memory_space<vmem>>
      tpu.vector_store_idx %scatter3A_1654[%add3A_80, %broadcast_in_dim3A_1646], %get3A_1644 : memref<32x129xf32, #tpu.memory_space<vmem>>[vector<16xi32>, vector<16xi32>], vector<16xf32>,
      %get3A_1655 = arith.constant 73 : i32
      %get3A_1656 = arith.index_cast %rem3A_179 : i32 to index
      %get3A_1657 = arith.index_cast %get3A_1655 : i32 to index
      %get3A_1658 = arith.constant 0 : index
      %get3A_1659 = tpu.vector_load %arg6[%get3A_1656, %get3A_1657, %get3A_1658] {strides = array<i32>} : memref<4x128x32xf32, #tpu.memory_space<vmem>>, vector<16xf32>,
      %get3A_1660 = arith.constant 73 : i32
      %get3A_1661 = arith.index_cast %rem3A_179 : i32 to index
      %get3A_1662 = arith.index_cast %get3A_1660 : i32 to index
      %get3A_1663 = arith.constant 16 : index
      %get3A_1664 = tpu.vector_load %arg6[%get3A_1661, %get3A_1662, %get3A_1663] {strides = array<i32>} : memref<4x128x32xf32, #tpu.memory_space<vmem>>, vector<16xf32>,
      %broadcast_in_dim3A_1665 = arith.constant 73 : i32
      %broadcast_in_dim3A_1666 = vector.broadcast %broadcast_in_dim3A_1665 : i32 to vector<16xi32>
      %scatter3A_1667 = arith.constant 0 : i32
      %scatter3A_1668 = arith.constant 0 : i32
      %scatter3A_1669 = tpu.memref_slice %arg7[%rem3A_179, %scatter3A_1667, %scatter3A_1668] : memref<4x32x129xf32, #tpu.memory_space<vmem>> -> memref<1x32x129xf32, #tpu.memory_space<vmem>>
      %scatter3A_1670 = tpu.memref_squeeze %scatter3A_1669 : memref<1x32x129xf32, #tpu.memory_space<vmem>> -> memref<32x129xf32, #tpu.memory_space<vmem>>
      tpu.vector_store_idx %scatter3A_1670[%iota3A, %broadcast_in_dim3A_1666], %get3A_1659 : memref<32x129xf32, #tpu.memory_space<vmem>>[vector<16xi32>, vector<16xi32>], vector<16xf32>,
      %scatter3A_1671 = arith.constant 0 : i32
      %scatter3A_1672 = arith.constant 0 : i32
      %scatter3A_1673 = tpu.memref_slice %arg7[%rem3A_179, %scatter3A_1671, %scatter3A_1672] : memref<4x32x129xf32, #tpu.memory_space<vmem>> -> memref<1x32x129xf32, #tpu.memory_space<vmem>>
      %scatter3A_1674 = tpu.memref_squeeze %scatter3A_1673 : memref<1x32x129xf32, #tpu.memory_space<vmem>> -> memref<32x129xf32, #tpu.memory_space<vmem>>
      tpu.vector_store_idx %scatter3A_1674[%add3A_80, %broadcast_in_dim3A_1666], %get3A_1664 : memref<32x129xf32, #tpu.memory_space<vmem>>[vector<16xi32>, vector<16xi32>], vector<16xf32>,
      %get3A_1675 = arith.constant 74 : i32
      %get3A_1676 = arith.index_cast %rem3A_179 : i32 to index
      %get3A_1677 = arith.index_cast %get3A_1675 : i32 to index
      %get3A_1678 = arith.constant 0 : index
      %get3A_1679 = tpu.vector_load %arg6[%get3A_1676, %get3A_1677, %get3A_1678] {strides = array<i32>} : memref<4x128x32xf32, #tpu.memory_space<vmem>>, vector<16xf32>,
      %get3A_1680 = arith.constant 74 : i32
      %get3A_1681 = arith.index_cast %rem3A_179 : i32 to index
      %get3A_1682 = arith.index_cast %get3A_1680 : i32 to index
      %get3A_1683 = arith.constant 16 : index
      %get3A_1684 = tpu.vector_load %arg6[%get3A_1681, %get3A_1682, %get3A_1683] {strides = array<i32>} : memref<4x128x32xf32, #tpu.memory_space<vmem>>, vector<16xf32>,
      %broadcast_in_dim3A_1685 = arith.constant 74 : i32
      %broadcast_in_dim3A_1686 = vector.broadcast %broadcast_in_dim3A_1685 : i32 to vector<16xi32>
      %scatter3A_1687 = arith.constant 0 : i32
      %scatter3A_1688 = arith.constant 0 : i32
      %scatter3A_1689 = tpu.memref_slice %arg7[%rem3A_179, %scatter3A_1687, %scatter3A_1688] : memref<4x32x129xf32, #tpu.memory_space<vmem>> -> memref<1x32x129xf32, #tpu.memory_space<vmem>>
      %scatter3A_1690 = tpu.memref_squeeze %scatter3A_1689 : memref<1x32x129xf32, #tpu.memory_space<vmem>> -> memref<32x129xf32, #tpu.memory_space<vmem>>
      tpu.vector_store_idx %scatter3A_1690[%iota3A, %broadcast_in_dim3A_1686], %get3A_1679 : memref<32x129xf32, #tpu.memory_space<vmem>>[vector<16xi32>, vector<16xi32>], vector<16xf32>,
      %scatter3A_1691 = arith.constant 0 : i32
      %scatter3A_1692 = arith.constant 0 : i32
      %scatter3A_1693 = tpu.memref_slice %arg7[%rem3A_179, %scatter3A_1691, %scatter3A_1692] : memref<4x32x129xf32, #tpu.memory_space<vmem>> -> memref<1x32x129xf32, #tpu.memory_space<vmem>>
      %scatter3A_1694 = tpu.memref_squeeze %scatter3A_1693 : memref<1x32x129xf32, #tpu.memory_space<vmem>> -> memref<32x129xf32, #tpu.memory_space<vmem>>
      tpu.vector_store_idx %scatter3A_1694[%add3A_80, %broadcast_in_dim3A_1686], %get3A_1684 : memref<32x129xf32, #tpu.memory_space<vmem>>[vector<16xi32>, vector<16xi32>], vector<16xf32>,
      %get3A_1695 = arith.constant 75 : i32
      %get3A_1696 = arith.index_cast %rem3A_179 : i32 to index
      %get3A_1697 = arith.index_cast %get3A_1695 : i32 to index
      %get3A_1698 = arith.constant 0 : index
      %get3A_1699 = tpu.vector_load %arg6[%get3A_1696, %get3A_1697, %get3A_1698] {strides = array<i32>} : memref<4x128x32xf32, #tpu.memory_space<vmem>>, vector<16xf32>,
      %get3A_1700 = arith.constant 75 : i32
      %get3A_1701 = arith.index_cast %rem3A_179 : i32 to index
      %get3A_1702 = arith.index_cast %get3A_1700 : i32 to index
      %get3A_1703 = arith.constant 16 : index
      %get3A_1704 = tpu.vector_load %arg6[%get3A_1701, %get3A_1702, %get3A_1703] {strides = array<i32>} : memref<4x128x32xf32, #tpu.memory_space<vmem>>, vector<16xf32>,
      %broadcast_in_dim3A_1705 = arith.constant 75 : i32
      %broadcast_in_dim3A_1706 = vector.broadcast %broadcast_in_dim3A_1705 : i32 to vector<16xi32>
      %scatter3A_1707 = arith.constant 0 : i32
      %scatter3A_1708 = arith.constant 0 : i32
      %scatter3A_1709 = tpu.memref_slice %arg7[%rem3A_179, %scatter3A_1707, %scatter3A_1708] : memref<4x32x129xf32, #tpu.memory_space<vmem>> -> memref<1x32x129xf32, #tpu.memory_space<vmem>>
      %scatter3A_1710 = tpu.memref_squeeze %scatter3A_1709 : memref<1x32x129xf32, #tpu.memory_space<vmem>> -> memref<32x129xf32, #tpu.memory_space<vmem>>
      tpu.vector_store_idx %scatter3A_1710[%iota3A, %broadcast_in_dim3A_1706], %get3A_1699 : memref<32x129xf32, #tpu.memory_space<vmem>>[vector<16xi32>, vector<16xi32>], vector<16xf32>,
      %scatter3A_1711 = arith.constant 0 : i32
      %scatter3A_1712 = arith.constant 0 : i32
      %scatter3A_1713 = tpu.memref_slice %arg7[%rem3A_179, %scatter3A_1711, %scatter3A_1712] : memref<4x32x129xf32, #tpu.memory_space<vmem>> -> memref<1x32x129xf32, #tpu.memory_space<vmem>>
      %scatter3A_1714 = tpu.memref_squeeze %scatter3A_1713 : memref<1x32x129xf32, #tpu.memory_space<vmem>> -> memref<32x129xf32, #tpu.memory_space<vmem>>
      tpu.vector_store_idx %scatter3A_1714[%add3A_80, %broadcast_in_dim3A_1706], %get3A_1704 : memref<32x129xf32, #tpu.memory_space<vmem>>[vector<16xi32>, vector<16xi32>], vector<16xf32>,
      %get3A_1715 = arith.constant 76 : i32
      %get3A_1716 = arith.index_cast %rem3A_179 : i32 to index
      %get3A_1717 = arith.index_cast %get3A_1715 : i32 to index
      %get3A_1718 = arith.constant 0 : index
      %get3A_1719 = tpu.vector_load %arg6[%get3A_1716, %get3A_1717, %get3A_1718] {strides = array<i32>} : memref<4x128x32xf32, #tpu.memory_space<vmem>>, vector<16xf32>,
      %get3A_1720 = arith.constant 76 : i32
      %get3A_1721 = arith.index_cast %rem3A_179 : i32 to index
      %get3A_1722 = arith.index_cast %get3A_1720 : i32 to index
      %get3A_1723 = arith.constant 16 : index
      %get3A_1724 = tpu.vector_load %arg6[%get3A_1721, %get3A_1722, %get3A_1723] {strides = array<i32>} : memref<4x128x32xf32, #tpu.memory_space<vmem>>, vector<16xf32>,
      %broadcast_in_dim3A_1725 = arith.constant 76 : i32
      %broadcast_in_dim3A_1726 = vector.broadcast %broadcast_in_dim3A_1725 : i32 to vector<16xi32>
      %scatter3A_1727 = arith.constant 0 : i32
      %scatter3A_1728 = arith.constant 0 : i32
      %scatter3A_1729 = tpu.memref_slice %arg7[%rem3A_179, %scatter3A_1727, %scatter3A_1728] : memref<4x32x129xf32, #tpu.memory_space<vmem>> -> memref<1x32x129xf32, #tpu.memory_space<vmem>>
      %scatter3A_1730 = tpu.memref_squeeze %scatter3A_1729 : memref<1x32x129xf32, #tpu.memory_space<vmem>> -> memref<32x129xf32, #tpu.memory_space<vmem>>
      tpu.vector_store_idx %scatter3A_1730[%iota3A, %broadcast_in_dim3A_1726], %get3A_1719 : memref<32x129xf32, #tpu.memory_space<vmem>>[vector<16xi32>, vector<16xi32>], vector<16xf32>,
      %scatter3A_1731 = arith.constant 0 : i32
      %scatter3A_1732 = arith.constant 0 : i32
      %scatter3A_1733 = tpu.memref_slice %arg7[%rem3A_179, %scatter3A_1731, %scatter3A_1732] : memref<4x32x129xf32, #tpu.memory_space<vmem>> -> memref<1x32x129xf32, #tpu.memory_space<vmem>>
      %scatter3A_1734 = tpu.memref_squeeze %scatter3A_1733 : memref<1x32x129xf32, #tpu.memory_space<vmem>> -> memref<32x129xf32, #tpu.memory_space<vmem>>
      tpu.vector_store_idx %scatter3A_1734[%add3A_80, %broadcast_in_dim3A_1726], %get3A_1724 : memref<32x129xf32, #tpu.memory_space<vmem>>[vector<16xi32>, vector<16xi32>], vector<16xf32>,
      %get3A_1735 = arith.constant 77 : i32
      %get3A_1736 = arith.index_cast %rem3A_179 : i32 to index
      %get3A_1737 = arith.index_cast %get3A_1735 : i32 to index
      %get3A_1738 = arith.constant 0 : index
      %get3A_1739 = tpu.vector_load %arg6[%get3A_1736, %get3A_1737, %get3A_1738] {strides = array<i32>} : memref<4x128x32xf32, #tpu.memory_space<vmem>>, vector<16xf32>,
      %get3A_1740 = arith.constant 77 : i32
      %get3A_1741 = arith.index_cast %rem3A_179 : i32 to index
      %get3A_1742 = arith.index_cast %get3A_1740 : i32 to index
      %get3A_1743 = arith.constant 16 : index
      %get3A_1744 = tpu.vector_load %arg6[%get3A_1741, %get3A_1742, %get3A_1743] {strides = array<i32>} : memref<4x128x32xf32, #tpu.memory_space<vmem>>, vector<16xf32>,
      %broadcast_in_dim3A_1745 = arith.constant 77 : i32
      %broadcast_in_dim3A_1746 = vector.broadcast %broadcast_in_dim3A_1745 : i32 to vector<16xi32>
      %scatter3A_1747 = arith.constant 0 : i32
      %scatter3A_1748 = arith.constant 0 : i32
      %scatter3A_1749 = tpu.memref_slice %arg7[%rem3A_179, %scatter3A_1747, %scatter3A_1748] : memref<4x32x129xf32, #tpu.memory_space<vmem>> -> memref<1x32x129xf32, #tpu.memory_space<vmem>>
      %scatter3A_1750 = tpu.memref_squeeze %scatter3A_1749 : memref<1x32x129xf32, #tpu.memory_space<vmem>> -> memref<32x129xf32, #tpu.memory_space<vmem>>
      tpu.vector_store_idx %scatter3A_1750[%iota3A, %broadcast_in_dim3A_1746], %get3A_1739 : memref<32x129xf32, #tpu.memory_space<vmem>>[vector<16xi32>, vector<16xi32>], vector<16xf32>,
      %scatter3A_1751 = arith.constant 0 : i32
      %scatter3A_1752 = arith.constant 0 : i32
      %scatter3A_1753 = tpu.memref_slice %arg7[%rem3A_179, %scatter3A_1751, %scatter3A_1752] : memref<4x32x129xf32, #tpu.memory_space<vmem>> -> memref<1x32x129xf32, #tpu.memory_space<vmem>>
      %scatter3A_1754 = tpu.memref_squeeze %scatter3A_1753 : memref<1x32x129xf32, #tpu.memory_space<vmem>> -> memref<32x129xf32, #tpu.memory_space<vmem>>
      tpu.vector_store_idx %scatter3A_1754[%add3A_80, %broadcast_in_dim3A_1746], %get3A_1744 : memref<32x129xf32, #tpu.memory_space<vmem>>[vector<16xi32>, vector<16xi32>], vector<16xf32>,
      %get3A_1755 = arith.constant 78 : i32
      %get3A_1756 = arith.index_cast %rem3A_179 : i32 to index
      %get3A_1757 = arith.index_cast %get3A_1755 : i32 to index
      %get3A_1758 = arith.constant 0 : index
      %get3A_1759 = tpu.vector_load %arg6[%get3A_1756, %get3A_1757, %get3A_1758] {strides = array<i32>} : memref<4x128x32xf32, #tpu.memory_space<vmem>>, vector<16xf32>,
      %get3A_1760 = arith.constant 78 : i32
      %get3A_1761 = arith.index_cast %rem3A_179 : i32 to index
      %get3A_1762 = arith.index_cast %get3A_1760 : i32 to index
      %get3A_1763 = arith.constant 16 : index
      %get3A_1764 = tpu.vector_load %arg6[%get3A_1761, %get3A_1762, %get3A_1763] {strides = array<i32>} : memref<4x128x32xf32, #tpu.memory_space<vmem>>, vector<16xf32>,
      %broadcast_in_dim3A_1765 = arith.constant 78 : i32
      %broadcast_in_dim3A_1766 = vector.broadcast %broadcast_in_dim3A_1765 : i32 to vector<16xi32>
      %scatter3A_1767 = arith.constant 0 : i32
      %scatter3A_1768 = arith.constant 0 : i32
      %scatter3A_1769 = tpu.memref_slice %arg7[%rem3A_179, %scatter3A_1767, %scatter3A_1768] : memref<4x32x129xf32, #tpu.memory_space<vmem>> -> memref<1x32x129xf32, #tpu.memory_space<vmem>>
      %scatter3A_1770 = tpu.memref_squeeze %scatter3A_1769 : memref<1x32x129xf32, #tpu.memory_space<vmem>> -> memref<32x129xf32, #tpu.memory_space<vmem>>
      tpu.vector_store_idx %scatter3A_1770[%iota3A, %broadcast_in_dim3A_1766], %get3A_1759 : memref<32x129xf32, #tpu.memory_space<vmem>>[vector<16xi32>, vector<16xi32>], vector<16xf32>,
      %scatter3A_1771 = arith.constant 0 : i32
      %scatter3A_1772 = arith.constant 0 : i32
      %scatter3A_1773 = tpu.memref_slice %arg7[%rem3A_179, %scatter3A_1771, %scatter3A_1772] : memref<4x32x129xf32, #tpu.memory_space<vmem>> -> memref<1x32x129xf32, #tpu.memory_space<vmem>>
      %scatter3A_1774 = tpu.memref_squeeze %scatter3A_1773 : memref<1x32x129xf32, #tpu.memory_space<vmem>> -> memref<32x129xf32, #tpu.memory_space<vmem>>
      tpu.vector_store_idx %scatter3A_1774[%add3A_80, %broadcast_in_dim3A_1766], %get3A_1764 : memref<32x129xf32, #tpu.memory_space<vmem>>[vector<16xi32>, vector<16xi32>], vector<16xf32>,
      %get3A_1775 = arith.constant 79 : i32
      %get3A_1776 = arith.index_cast %rem3A_179 : i32 to index
      %get3A_1777 = arith.index_cast %get3A_1775 : i32 to index
      %get3A_1778 = arith.constant 0 : index
      %get3A_1779 = tpu.vector_load %arg6[%get3A_1776, %get3A_1777, %get3A_1778] {strides = array<i32>} : memref<4x128x32xf32, #tpu.memory_space<vmem>>, vector<16xf32>,
      %get3A_1780 = arith.constant 79 : i32
      %get3A_1781 = arith.index_cast %rem3A_179 : i32 to index
      %get3A_1782 = arith.index_cast %get3A_1780 : i32 to index
      %get3A_1783 = arith.constant 16 : index
      %get3A_1784 = tpu.vector_load %arg6[%get3A_1781, %get3A_1782, %get3A_1783] {strides = array<i32>} : memref<4x128x32xf32, #tpu.memory_space<vmem>>, vector<16xf32>,
      %broadcast_in_dim3A_1785 = arith.constant 79 : i32
      %broadcast_in_dim3A_1786 = vector.broadcast %broadcast_in_dim3A_1785 : i32 to vector<16xi32>
      %scatter3A_1787 = arith.constant 0 : i32
      %scatter3A_1788 = arith.constant 0 : i32
      %scatter3A_1789 = tpu.memref_slice %arg7[%rem3A_179, %scatter3A_1787, %scatter3A_1788] : memref<4x32x129xf32, #tpu.memory_space<vmem>> -> memref<1x32x129xf32, #tpu.memory_space<vmem>>
      %scatter3A_1790 = tpu.memref_squeeze %scatter3A_1789 : memref<1x32x129xf32, #tpu.memory_space<vmem>> -> memref<32x129xf32, #tpu.memory_space<vmem>>
      tpu.vector_store_idx %scatter3A_1790[%iota3A, %broadcast_in_dim3A_1786], %get3A_1779 : memref<32x129xf32, #tpu.memory_space<vmem>>[vector<16xi32>, vector<16xi32>], vector<16xf32>,
      %scatter3A_1791 = arith.constant 0 : i32
      %scatter3A_1792 = arith.constant 0 : i32
      %scatter3A_1793 = tpu.memref_slice %arg7[%rem3A_179, %scatter3A_1791, %scatter3A_1792] : memref<4x32x129xf32, #tpu.memory_space<vmem>> -> memref<1x32x129xf32, #tpu.memory_space<vmem>>
      %scatter3A_1794 = tpu.memref_squeeze %scatter3A_1793 : memref<1x32x129xf32, #tpu.memory_space<vmem>> -> memref<32x129xf32, #tpu.memory_space<vmem>>
      tpu.vector_store_idx %scatter3A_1794[%add3A_80, %broadcast_in_dim3A_1786], %get3A_1784 : memref<32x129xf32, #tpu.memory_space<vmem>>[vector<16xi32>, vector<16xi32>], vector<16xf32>,
      %get3A_1795 = arith.constant 80 : i32
      %get3A_1796 = arith.index_cast %rem3A_179 : i32 to index
      %get3A_1797 = arith.index_cast %get3A_1795 : i32 to index
      %get3A_1798 = arith.constant 0 : index
      %get3A_1799 = tpu.vector_load %arg6[%get3A_1796, %get3A_1797, %get3A_1798] {strides = array<i32>} : memref<4x128x32xf32, #tpu.memory_space<vmem>>, vector<16xf32>,
      %get3A_1800 = arith.constant 80 : i32
      %get3A_1801 = arith.index_cast %rem3A_179 : i32 to index
      %get3A_1802 = arith.index_cast %get3A_1800 : i32 to index
      %get3A_1803 = arith.constant 16 : index
      %get3A_1804 = tpu.vector_load %arg6[%get3A_1801, %get3A_1802, %get3A_1803] {strides = array<i32>} : memref<4x128x32xf32, #tpu.memory_space<vmem>>, vector<16xf32>,
      %broadcast_in_dim3A_1805 = arith.constant 80 : i32
      %broadcast_in_dim3A_1806 = vector.broadcast %broadcast_in_dim3A_1805 : i32 to vector<16xi32>
      %scatter3A_1807 = arith.constant 0 : i32
      %scatter3A_1808 = arith.constant 0 : i32
      %scatter3A_1809 = tpu.memref_slice %arg7[%rem3A_179, %scatter3A_1807, %scatter3A_1808] : memref<4x32x129xf32, #tpu.memory_space<vmem>> -> memref<1x32x129xf32, #tpu.memory_space<vmem>>
      %scatter3A_1810 = tpu.memref_squeeze %scatter3A_1809 : memref<1x32x129xf32, #tpu.memory_space<vmem>> -> memref<32x129xf32, #tpu.memory_space<vmem>>
      tpu.vector_store_idx %scatter3A_1810[%iota3A, %broadcast_in_dim3A_1806], %get3A_1799 : memref<32x129xf32, #tpu.memory_space<vmem>>[vector<16xi32>, vector<16xi32>], vector<16xf32>,
      %scatter3A_1811 = arith.constant 0 : i32
      %scatter3A_1812 = arith.constant 0 : i32
      %scatter3A_1813 = tpu.memref_slice %arg7[%rem3A_179, %scatter3A_1811, %scatter3A_1812] : memref<4x32x129xf32, #tpu.memory_space<vmem>> -> memref<1x32x129xf32, #tpu.memory_space<vmem>>
      %scatter3A_1814 = tpu.memref_squeeze %scatter3A_1813 : memref<1x32x129xf32, #tpu.memory_space<vmem>> -> memref<32x129xf32, #tpu.memory_space<vmem>>
      tpu.vector_store_idx %scatter3A_1814[%add3A_80, %broadcast_in_dim3A_1806], %get3A_1804 : memref<32x129xf32, #tpu.memory_space<vmem>>[vector<16xi32>, vector<16xi32>], vector<16xf32>,
      %get3A_1815 = arith.constant 81 : i32
      %get3A_1816 = arith.index_cast %rem3A_179 : i32 to index
      %get3A_1817 = arith.index_cast %get3A_1815 : i32 to index
      %get3A_1818 = arith.constant 0 : index
      %get3A_1819 = tpu.vector_load %arg6[%get3A_1816, %get3A_1817, %get3A_1818] {strides = array<i32>} : memref<4x128x32xf32, #tpu.memory_space<vmem>>, vector<16xf32>,
      %get3A_1820 = arith.constant 81 : i32
      %get3A_1821 = arith.index_cast %rem3A_179 : i32 to index
      %get3A_1822 = arith.index_cast %get3A_1820 : i32 to index
      %get3A_1823 = arith.constant 16 : index
      %get3A_1824 = tpu.vector_load %arg6[%get3A_1821, %get3A_1822, %get3A_1823] {strides = array<i32>} : memref<4x128x32xf32, #tpu.memory_space<vmem>>, vector<16xf32>,
      %broadcast_in_dim3A_1825 = arith.constant 81 : i32
      %broadcast_in_dim3A_1826 = vector.broadcast %broadcast_in_dim3A_1825 : i32 to vector<16xi32>
      %scatter3A_1827 = arith.constant 0 : i32
      %scatter3A_1828 = arith.constant 0 : i32
      %scatter3A_1829 = tpu.memref_slice %arg7[%rem3A_179, %scatter3A_1827, %scatter3A_1828] : memref<4x32x129xf32, #tpu.memory_space<vmem>> -> memref<1x32x129xf32, #tpu.memory_space<vmem>>
      %scatter3A_1830 = tpu.memref_squeeze %scatter3A_1829 : memref<1x32x129xf32, #tpu.memory_space<vmem>> -> memref<32x129xf32, #tpu.memory_space<vmem>>
      tpu.vector_store_idx %scatter3A_1830[%iota3A, %broadcast_in_dim3A_1826], %get3A_1819 : memref<32x129xf32, #tpu.memory_space<vmem>>[vector<16xi32>, vector<16xi32>], vector<16xf32>,
      %scatter3A_1831 = arith.constant 0 : i32
      %scatter3A_1832 = arith.constant 0 : i32
      %scatter3A_1833 = tpu.memref_slice %arg7[%rem3A_179, %scatter3A_1831, %scatter3A_1832] : memref<4x32x129xf32, #tpu.memory_space<vmem>> -> memref<1x32x129xf32, #tpu.memory_space<vmem>>
      %scatter3A_1834 = tpu.memref_squeeze %scatter3A_1833 : memref<1x32x129xf32, #tpu.memory_space<vmem>> -> memref<32x129xf32, #tpu.memory_space<vmem>>
      tpu.vector_store_idx %scatter3A_1834[%add3A_80, %broadcast_in_dim3A_1826], %get3A_1824 : memref<32x129xf32, #tpu.memory_space<vmem>>[vector<16xi32>, vector<16xi32>], vector<16xf32>,
      %get3A_1835 = arith.constant 82 : i32
      %get3A_1836 = arith.index_cast %rem3A_179 : i32 to index
      %get3A_1837 = arith.index_cast %get3A_1835 : i32 to index
      %get3A_1838 = arith.constant 0 : index
      %get3A_1839 = tpu.vector_load %arg6[%get3A_1836, %get3A_1837, %get3A_1838] {strides = array<i32>} : memref<4x128x32xf32, #tpu.memory_space<vmem>>, vector<16xf32>,
      %get3A_1840 = arith.constant 82 : i32
      %get3A_1841 = arith.index_cast %rem3A_179 : i32 to index
      %get3A_1842 = arith.index_cast %get3A_1840 : i32 to index
      %get3A_1843 = arith.constant 16 : index
      %get3A_1844 = tpu.vector_load %arg6[%get3A_1841, %get3A_1842, %get3A_1843] {strides = array<i32>} : memref<4x128x32xf32, #tpu.memory_space<vmem>>, vector<16xf32>,
      %broadcast_in_dim3A_1845 = arith.constant 82 : i32
      %broadcast_in_dim3A_1846 = vector.broadcast %broadcast_in_dim3A_1845 : i32 to vector<16xi32>
      %scatter3A_1847 = arith.constant 0 : i32
      %scatter3A_1848 = arith.constant 0 : i32
      %scatter3A_1849 = tpu.memref_slice %arg7[%rem3A_179, %scatter3A_1847, %scatter3A_1848] : memref<4x32x129xf32, #tpu.memory_space<vmem>> -> memref<1x32x129xf32, #tpu.memory_space<vmem>>
      %scatter3A_1850 = tpu.memref_squeeze %scatter3A_1849 : memref<1x32x129xf32, #tpu.memory_space<vmem>> -> memref<32x129xf32, #tpu.memory_space<vmem>>
      tpu.vector_store_idx %scatter3A_1850[%iota3A, %broadcast_in_dim3A_1846], %get3A_1839 : memref<32x129xf32, #tpu.memory_space<vmem>>[vector<16xi32>, vector<16xi32>], vector<16xf32>,
      %scatter3A_1851 = arith.constant 0 : i32
      %scatter3A_1852 = arith.constant 0 : i32
      %scatter3A_1853 = tpu.memref_slice %arg7[%rem3A_179, %scatter3A_1851, %scatter3A_1852] : memref<4x32x129xf32, #tpu.memory_space<vmem>> -> memref<1x32x129xf32, #tpu.memory_space<vmem>>
      %scatter3A_1854 = tpu.memref_squeeze %scatter3A_1853 : memref<1x32x129xf32, #tpu.memory_space<vmem>> -> memref<32x129xf32, #tpu.memory_space<vmem>>
      tpu.vector_store_idx %scatter3A_1854[%add3A_80, %broadcast_in_dim3A_1846], %get3A_1844 : memref<32x129xf32, #tpu.memory_space<vmem>>[vector<16xi32>, vector<16xi32>], vector<16xf32>,
      %get3A_1855 = arith.constant 83 : i32
      %get3A_1856 = arith.index_cast %rem3A_179 : i32 to index
      %get3A_1857 = arith.index_cast %get3A_1855 : i32 to index
      %get3A_1858 = arith.constant 0 : index
      %get3A_1859 = tpu.vector_load %arg6[%get3A_1856, %get3A_1857, %get3A_1858] {strides = array<i32>} : memref<4x128x32xf32, #tpu.memory_space<vmem>>, vector<16xf32>,
      %get3A_1860 = arith.constant 83 : i32
      %get3A_1861 = arith.index_cast %rem3A_179 : i32 to index
      %get3A_1862 = arith.index_cast %get3A_1860 : i32 to index
      %get3A_1863 = arith.constant 16 : index
      %get3A_1864 = tpu.vector_load %arg6[%get3A_1861, %get3A_1862, %get3A_1863] {strides = array<i32>} : memref<4x128x32xf32, #tpu.memory_space<vmem>>, vector<16xf32>,
      %broadcast_in_dim3A_1865 = arith.constant 83 : i32
      %broadcast_in_dim3A_1866 = vector.broadcast %broadcast_in_dim3A_1865 : i32 to vector<16xi32>
      %scatter3A_1867 = arith.constant 0 : i32
      %scatter3A_1868 = arith.constant 0 : i32
      %scatter3A_1869 = tpu.memref_slice %arg7[%rem3A_179, %scatter3A_1867, %scatter3A_1868] : memref<4x32x129xf32, #tpu.memory_space<vmem>> -> memref<1x32x129xf32, #tpu.memory_space<vmem>>
      %scatter3A_1870 = tpu.memref_squeeze %scatter3A_1869 : memref<1x32x129xf32, #tpu.memory_space<vmem>> -> memref<32x129xf32, #tpu.memory_space<vmem>>
      tpu.vector_store_idx %scatter3A_1870[%iota3A, %broadcast_in_dim3A_1866], %get3A_1859 : memref<32x129xf32, #tpu.memory_space<vmem>>[vector<16xi32>, vector<16xi32>], vector<16xf32>,
      %scatter3A_1871 = arith.constant 0 : i32
      %scatter3A_1872 = arith.constant 0 : i32
      %scatter3A_1873 = tpu.memref_slice %arg7[%rem3A_179, %scatter3A_1871, %scatter3A_1872] : memref<4x32x129xf32, #tpu.memory_space<vmem>> -> memref<1x32x129xf32, #tpu.memory_space<vmem>>
      %scatter3A_1874 = tpu.memref_squeeze %scatter3A_1873 : memref<1x32x129xf32, #tpu.memory_space<vmem>> -> memref<32x129xf32, #tpu.memory_space<vmem>>
      tpu.vector_store_idx %scatter3A_1874[%add3A_80, %broadcast_in_dim3A_1866], %get3A_1864 : memref<32x129xf32, #tpu.memory_space<vmem>>[vector<16xi32>, vector<16xi32>], vector<16xf32>,
      %get3A_1875 = arith.constant 84 : i32
      %get3A_1876 = arith.index_cast %rem3A_179 : i32 to index
      %get3A_1877 = arith.index_cast %get3A_1875 : i32 to index
      %get3A_1878 = arith.constant 0 : index
      %get3A_1879 = tpu.vector_load %arg6[%get3A_1876, %get3A_1877, %get3A_1878] {strides = array<i32>} : memref<4x128x32xf32, #tpu.memory_space<vmem>>, vector<16xf32>,
      %get3A_1880 = arith.constant 84 : i32
      %get3A_1881 = arith.index_cast %rem3A_179 : i32 to index
      %get3A_1882 = arith.index_cast %get3A_1880 : i32 to index
      %get3A_1883 = arith.constant 16 : index
      %get3A_1884 = tpu.vector_load %arg6[%get3A_1881, %get3A_1882, %get3A_1883] {strides = array<i32>} : memref<4x128x32xf32, #tpu.memory_space<vmem>>, vector<16xf32>,
      %broadcast_in_dim3A_1885 = arith.constant 84 : i32
      %broadcast_in_dim3A_1886 = vector.broadcast %broadcast_in_dim3A_1885 : i32 to vector<16xi32>
      %scatter3A_1887 = arith.constant 0 : i32
      %scatter3A_1888 = arith.constant 0 : i32
      %scatter3A_1889 = tpu.memref_slice %arg7[%rem3A_179, %scatter3A_1887, %scatter3A_1888] : memref<4x32x129xf32, #tpu.memory_space<vmem>> -> memref<1x32x129xf32, #tpu.memory_space<vmem>>
      %scatter3A_1890 = tpu.memref_squeeze %scatter3A_1889 : memref<1x32x129xf32, #tpu.memory_space<vmem>> -> memref<32x129xf32, #tpu.memory_space<vmem>>
      tpu.vector_store_idx %scatter3A_1890[%iota3A, %broadcast_in_dim3A_1886], %get3A_1879 : memref<32x129xf32, #tpu.memory_space<vmem>>[vector<16xi32>, vector<16xi32>], vector<16xf32>,
      %scatter3A_1891 = arith.constant 0 : i32
      %scatter3A_1892 = arith.constant 0 : i32
      %scatter3A_1893 = tpu.memref_slice %arg7[%rem3A_179, %scatter3A_1891, %scatter3A_1892] : memref<4x32x129xf32, #tpu.memory_space<vmem>> -> memref<1x32x129xf32, #tpu.memory_space<vmem>>
      %scatter3A_1894 = tpu.memref_squeeze %scatter3A_1893 : memref<1x32x129xf32, #tpu.memory_space<vmem>> -> memref<32x129xf32, #tpu.memory_space<vmem>>
      tpu.vector_store_idx %scatter3A_1894[%add3A_80, %broadcast_in_dim3A_1886], %get3A_1884 : memref<32x129xf32, #tpu.memory_space<vmem>>[vector<16xi32>, vector<16xi32>], vector<16xf32>,
      %get3A_1895 = arith.constant 85 : i32
      %get3A_1896 = arith.index_cast %rem3A_179 : i32 to index
      %get3A_1897 = arith.index_cast %get3A_1895 : i32 to index
      %get3A_1898 = arith.constant 0 : index
      %get3A_1899 = tpu.vector_load %arg6[%get3A_1896, %get3A_1897, %get3A_1898] {strides = array<i32>} : memref<4x128x32xf32, #tpu.memory_space<vmem>>, vector<16xf32>,
      %get3A_1900 = arith.constant 85 : i32
      %get3A_1901 = arith.index_cast %rem3A_179 : i32 to index
      %get3A_1902 = arith.index_cast %get3A_1900 : i32 to index
      %get3A_1903 = arith.constant 16 : index
      %get3A_1904 = tpu.vector_load %arg6[%get3A_1901, %get3A_1902, %get3A_1903] {strides = array<i32>} : memref<4x128x32xf32, #tpu.memory_space<vmem>>, vector<16xf32>,
      %broadcast_in_dim3A_1905 = arith.constant 85 : i32
      %broadcast_in_dim3A_1906 = vector.broadcast %broadcast_in_dim3A_1905 : i32 to vector<16xi32>
      %scatter3A_1907 = arith.constant 0 : i32
      %scatter3A_1908 = arith.constant 0 : i32
      %scatter3A_1909 = tpu.memref_slice %arg7[%rem3A_179, %scatter3A_1907, %scatter3A_1908] : memref<4x32x129xf32, #tpu.memory_space<vmem>> -> memref<1x32x129xf32, #tpu.memory_space<vmem>>
      %scatter3A_1910 = tpu.memref_squeeze %scatter3A_1909 : memref<1x32x129xf32, #tpu.memory_space<vmem>> -> memref<32x129xf32, #tpu.memory_space<vmem>>
      tpu.vector_store_idx %scatter3A_1910[%iota3A, %broadcast_in_dim3A_1906], %get3A_1899 : memref<32x129xf32, #tpu.memory_space<vmem>>[vector<16xi32>, vector<16xi32>], vector<16xf32>,
      %scatter3A_1911 = arith.constant 0 : i32
      %scatter3A_1912 = arith.constant 0 : i32
      %scatter3A_1913 = tpu.memref_slice %arg7[%rem3A_179, %scatter3A_1911, %scatter3A_1912] : memref<4x32x129xf32, #tpu.memory_space<vmem>> -> memref<1x32x129xf32, #tpu.memory_space<vmem>>
      %scatter3A_1914 = tpu.memref_squeeze %scatter3A_1913 : memref<1x32x129xf32, #tpu.memory_space<vmem>> -> memref<32x129xf32, #tpu.memory_space<vmem>>
      tpu.vector_store_idx %scatter3A_1914[%add3A_80, %broadcast_in_dim3A_1906], %get3A_1904 : memref<32x129xf32, #tpu.memory_space<vmem>>[vector<16xi32>, vector<16xi32>], vector<16xf32>,
      %get3A_1915 = arith.constant 86 : i32
      %get3A_1916 = arith.index_cast %rem3A_179 : i32 to index
      %get3A_1917 = arith.index_cast %get3A_1915 : i32 to index
      %get3A_1918 = arith.constant 0 : index
      %get3A_1919 = tpu.vector_load %arg6[%get3A_1916, %get3A_1917, %get3A_1918] {strides = array<i32>} : memref<4x128x32xf32, #tpu.memory_space<vmem>>, vector<16xf32>,
      %get3A_1920 = arith.constant 86 : i32
      %get3A_1921 = arith.index_cast %rem3A_179 : i32 to index
      %get3A_1922 = arith.index_cast %get3A_1920 : i32 to index
      %get3A_1923 = arith.constant 16 : index
      %get3A_1924 = tpu.vector_load %arg6[%get3A_1921, %get3A_1922, %get3A_1923] {strides = array<i32>} : memref<4x128x32xf32, #tpu.memory_space<vmem>>, vector<16xf32>,
      %broadcast_in_dim3A_1925 = arith.constant 86 : i32
      %broadcast_in_dim3A_1926 = vector.broadcast %broadcast_in_dim3A_1925 : i32 to vector<16xi32>
      %scatter3A_1927 = arith.constant 0 : i32
      %scatter3A_1928 = arith.constant 0 : i32
      %scatter3A_1929 = tpu.memref_slice %arg7[%rem3A_179, %scatter3A_1927, %scatter3A_1928] : memref<4x32x129xf32, #tpu.memory_space<vmem>> -> memref<1x32x129xf32, #tpu.memory_space<vmem>>
      %scatter3A_1930 = tpu.memref_squeeze %scatter3A_1929 : memref<1x32x129xf32, #tpu.memory_space<vmem>> -> memref<32x129xf32, #tpu.memory_space<vmem>>
      tpu.vector_store_idx %scatter3A_1930[%iota3A, %broadcast_in_dim3A_1926], %get3A_1919 : memref<32x129xf32, #tpu.memory_space<vmem>>[vector<16xi32>, vector<16xi32>], vector<16xf32>,
      %scatter3A_1931 = arith.constant 0 : i32
      %scatter3A_1932 = arith.constant 0 : i32
      %scatter3A_1933 = tpu.memref_slice %arg7[%rem3A_179, %scatter3A_1931, %scatter3A_1932] : memref<4x32x129xf32, #tpu.memory_space<vmem>> -> memref<1x32x129xf32, #tpu.memory_space<vmem>>
      %scatter3A_1934 = tpu.memref_squeeze %scatter3A_1933 : memref<1x32x129xf32, #tpu.memory_space<vmem>> -> memref<32x129xf32, #tpu.memory_space<vmem>>
      tpu.vector_store_idx %scatter3A_1934[%add3A_80, %broadcast_in_dim3A_1926], %get3A_1924 : memref<32x129xf32, #tpu.memory_space<vmem>>[vector<16xi32>, vector<16xi32>], vector<16xf32>,
      %get3A_1935 = arith.constant 87 : i32
      %get3A_1936 = arith.index_cast %rem3A_179 : i32 to index
      %get3A_1937 = arith.index_cast %get3A_1935 : i32 to index
      %get3A_1938 = arith.constant 0 : index
      %get3A_1939 = tpu.vector_load %arg6[%get3A_1936, %get3A_1937, %get3A_1938] {strides = array<i32>} : memref<4x128x32xf32, #tpu.memory_space<vmem>>, vector<16xf32>,
      %get3A_1940 = arith.constant 87 : i32
      %get3A_1941 = arith.index_cast %rem3A_179 : i32 to index
      %get3A_1942 = arith.index_cast %get3A_1940 : i32 to index
      %get3A_1943 = arith.constant 16 : index
      %get3A_1944 = tpu.vector_load %arg6[%get3A_1941, %get3A_1942, %get3A_1943] {strides = array<i32>} : memref<4x128x32xf32, #tpu.memory_space<vmem>>, vector<16xf32>,
      %broadcast_in_dim3A_1945 = arith.constant 87 : i32
      %broadcast_in_dim3A_1946 = vector.broadcast %broadcast_in_dim3A_1945 : i32 to vector<16xi32>
      %scatter3A_1947 = arith.constant 0 : i32
      %scatter3A_1948 = arith.constant 0 : i32
      %scatter3A_1949 = tpu.memref_slice %arg7[%rem3A_179, %scatter3A_1947, %scatter3A_1948] : memref<4x32x129xf32, #tpu.memory_space<vmem>> -> memref<1x32x129xf32, #tpu.memory_space<vmem>>
      %scatter3A_1950 = tpu.memref_squeeze %scatter3A_1949 : memref<1x32x129xf32, #tpu.memory_space<vmem>> -> memref<32x129xf32, #tpu.memory_space<vmem>>
      tpu.vector_store_idx %scatter3A_1950[%iota3A, %broadcast_in_dim3A_1946], %get3A_1939 : memref<32x129xf32, #tpu.memory_space<vmem>>[vector<16xi32>, vector<16xi32>], vector<16xf32>,
      %scatter3A_1951 = arith.constant 0 : i32
      %scatter3A_1952 = arith.constant 0 : i32
      %scatter3A_1953 = tpu.memref_slice %arg7[%rem3A_179, %scatter3A_1951, %scatter3A_1952] : memref<4x32x129xf32, #tpu.memory_space<vmem>> -> memref<1x32x129xf32, #tpu.memory_space<vmem>>
      %scatter3A_1954 = tpu.memref_squeeze %scatter3A_1953 : memref<1x32x129xf32, #tpu.memory_space<vmem>> -> memref<32x129xf32, #tpu.memory_space<vmem>>
      tpu.vector_store_idx %scatter3A_1954[%add3A_80, %broadcast_in_dim3A_1946], %get3A_1944 : memref<32x129xf32, #tpu.memory_space<vmem>>[vector<16xi32>, vector<16xi32>], vector<16xf32>,
      %get3A_1955 = arith.constant 88 : i32
      %get3A_1956 = arith.index_cast %rem3A_179 : i32 to index
      %get3A_1957 = arith.index_cast %get3A_1955 : i32 to index
      %get3A_1958 = arith.constant 0 : index
      %get3A_1959 = tpu.vector_load %arg6[%get3A_1956, %get3A_1957, %get3A_1958] {strides = array<i32>} : memref<4x128x32xf32, #tpu.memory_space<vmem>>, vector<16xf32>,
      %get3A_1960 = arith.constant 88 : i32
      %get3A_1961 = arith.index_cast %rem3A_179 : i32 to index
      %get3A_1962 = arith.index_cast %get3A_1960 : i32 to index
      %get3A_1963 = arith.constant 16 : index
      %get3A_1964 = tpu.vector_load %arg6[%get3A_1961, %get3A_1962, %get3A_1963] {strides = array<i32>} : memref<4x128x32xf32, #tpu.memory_space<vmem>>, vector<16xf32>,
      %broadcast_in_dim3A_1965 = arith.constant 88 : i32
      %broadcast_in_dim3A_1966 = vector.broadcast %broadcast_in_dim3A_1965 : i32 to vector<16xi32>
      %scatter3A_1967 = arith.constant 0 : i32
      %scatter3A_1968 = arith.constant 0 : i32
      %scatter3A_1969 = tpu.memref_slice %arg7[%rem3A_179, %scatter3A_1967, %scatter3A_1968] : memref<4x32x129xf32, #tpu.memory_space<vmem>> -> memref<1x32x129xf32, #tpu.memory_space<vmem>>
      %scatter3A_1970 = tpu.memref_squeeze %scatter3A_1969 : memref<1x32x129xf32, #tpu.memory_space<vmem>> -> memref<32x129xf32, #tpu.memory_space<vmem>>
      tpu.vector_store_idx %scatter3A_1970[%iota3A, %broadcast_in_dim3A_1966], %get3A_1959 : memref<32x129xf32, #tpu.memory_space<vmem>>[vector<16xi32>, vector<16xi32>], vector<16xf32>,
      %scatter3A_1971 = arith.constant 0 : i32
      %scatter3A_1972 = arith.constant 0 : i32
      %scatter3A_1973 = tpu.memref_slice %arg7[%rem3A_179, %scatter3A_1971, %scatter3A_1972] : memref<4x32x129xf32, #tpu.memory_space<vmem>> -> memref<1x32x129xf32, #tpu.memory_space<vmem>>
      %scatter3A_1974 = tpu.memref_squeeze %scatter3A_1973 : memref<1x32x129xf32, #tpu.memory_space<vmem>> -> memref<32x129xf32, #tpu.memory_space<vmem>>
      tpu.vector_store_idx %scatter3A_1974[%add3A_80, %broadcast_in_dim3A_1966], %get3A_1964 : memref<32x129xf32, #tpu.memory_space<vmem>>[vector<16xi32>, vector<16xi32>], vector<16xf32>,
      %get3A_1975 = arith.constant 89 : i32
      %get3A_1976 = arith.index_cast %rem3A_179 : i32 to index
      %get3A_1977 = arith.index_cast %get3A_1975 : i32 to index
      %get3A_1978 = arith.constant 0 : index
      %get3A_1979 = tpu.vector_load %arg6[%get3A_1976, %get3A_1977, %get3A_1978] {strides = array<i32>} : memref<4x128x32xf32, #tpu.memory_space<vmem>>, vector<16xf32>,
      %get3A_1980 = arith.constant 89 : i32
      %get3A_1981 = arith.index_cast %rem3A_179 : i32 to index
      %get3A_1982 = arith.index_cast %get3A_1980 : i32 to index
      %get3A_1983 = arith.constant 16 : index
      %get3A_1984 = tpu.vector_load %arg6[%get3A_1981, %get3A_1982, %get3A_1983] {strides = array<i32>} : memref<4x128x32xf32, #tpu.memory_space<vmem>>, vector<16xf32>,
      %broadcast_in_dim3A_1985 = arith.constant 89 : i32
      %broadcast_in_dim3A_1986 = vector.broadcast %broadcast_in_dim3A_1985 : i32 to vector<16xi32>
      %scatter3A_1987 = arith.constant 0 : i32
      %scatter3A_1988 = arith.constant 0 : i32
      %scatter3A_1989 = tpu.memref_slice %arg7[%rem3A_179, %scatter3A_1987, %scatter3A_1988] : memref<4x32x129xf32, #tpu.memory_space<vmem>> -> memref<1x32x129xf32, #tpu.memory_space<vmem>>
      %scatter3A_1990 = tpu.memref_squeeze %scatter3A_1989 : memref<1x32x129xf32, #tpu.memory_space<vmem>> -> memref<32x129xf32, #tpu.memory_space<vmem>>
      tpu.vector_store_idx %scatter3A_1990[%iota3A, %broadcast_in_dim3A_1986], %get3A_1979 : memref<32x129xf32, #tpu.memory_space<vmem>>[vector<16xi32>, vector<16xi32>], vector<16xf32>,
      %scatter3A_1991 = arith.constant 0 : i32
      %scatter3A_1992 = arith.constant 0 : i32
      %scatter3A_1993 = tpu.memref_slice %arg7[%rem3A_179, %scatter3A_1991, %scatter3A_1992] : memref<4x32x129xf32, #tpu.memory_space<vmem>> -> memref<1x32x129xf32, #tpu.memory_space<vmem>>
      %scatter3A_1994 = tpu.memref_squeeze %scatter3A_1993 : memref<1x32x129xf32, #tpu.memory_space<vmem>> -> memref<32x129xf32, #tpu.memory_space<vmem>>
      tpu.vector_store_idx %scatter3A_1994[%add3A_80, %broadcast_in_dim3A_1986], %get3A_1984 : memref<32x129xf32, #tpu.memory_space<vmem>>[vector<16xi32>, vector<16xi32>], vector<16xf32>,
      %get3A_1995 = arith.constant 90 : i32
      %get3A_1996 = arith.index_cast %rem3A_179 : i32 to index
      %get3A_1997 = arith.index_cast %get3A_1995 : i32 to index
      %get3A_1998 = arith.constant 0 : index
      %get3A_1999 = tpu.vector_load %arg6[%get3A_1996, %get3A_1997, %get3A_1998] {strides = array<i32>} : memref<4x128x32xf32, #tpu.memory_space<vmem>>, vector<16xf32>,
      %get3A_2000 = arith.constant 90 : i32
      %get3A_2001 = arith.index_cast %rem3A_179 : i32 to index
      %get3A_2002 = arith.index_cast %get3A_2000 : i32 to index
      %get3A_2003 = arith.constant 16 : index
      %get3A_2004 = tpu.vector_load %arg6[%get3A_2001, %get3A_2002, %get3A_2003] {strides = array<i32>} : memref<4x128x32xf32, #tpu.memory_space<vmem>>, vector<16xf32>,
      %broadcast_in_dim3A_2005 = arith.constant 90 : i32
      %broadcast_in_dim3A_2006 = vector.broadcast %broadcast_in_dim3A_2005 : i32 to vector<16xi32>
      %scatter3A_2007 = arith.constant 0 : i32
      %scatter3A_2008 = arith.constant 0 : i32
      %scatter3A_2009 = tpu.memref_slice %arg7[%rem3A_179, %scatter3A_2007, %scatter3A_2008] : memref<4x32x129xf32, #tpu.memory_space<vmem>> -> memref<1x32x129xf32, #tpu.memory_space<vmem>>
      %scatter3A_2010 = tpu.memref_squeeze %scatter3A_2009 : memref<1x32x129xf32, #tpu.memory_space<vmem>> -> memref<32x129xf32, #tpu.memory_space<vmem>>
      tpu.vector_store_idx %scatter3A_2010[%iota3A, %broadcast_in_dim3A_2006], %get3A_1999 : memref<32x129xf32, #tpu.memory_space<vmem>>[vector<16xi32>, vector<16xi32>], vector<16xf32>,
      %scatter3A_2011 = arith.constant 0 : i32
      %scatter3A_2012 = arith.constant 0 : i32
      %scatter3A_2013 = tpu.memref_slice %arg7[%rem3A_179, %scatter3A_2011, %scatter3A_2012] : memref<4x32x129xf32, #tpu.memory_space<vmem>> -> memref<1x32x129xf32, #tpu.memory_space<vmem>>
      %scatter3A_2014 = tpu.memref_squeeze %scatter3A_2013 : memref<1x32x129xf32, #tpu.memory_space<vmem>> -> memref<32x129xf32, #tpu.memory_space<vmem>>
      tpu.vector_store_idx %scatter3A_2014[%add3A_80, %broadcast_in_dim3A_2006], %get3A_2004 : memref<32x129xf32, #tpu.memory_space<vmem>>[vector<16xi32>, vector<16xi32>], vector<16xf32>,
      %get3A_2015 = arith.constant 91 : i32
      %get3A_2016 = arith.index_cast %rem3A_179 : i32 to index
      %get3A_2017 = arith.index_cast %get3A_2015 : i32 to index
      %get3A_2018 = arith.constant 0 : index
      %get3A_2019 = tpu.vector_load %arg6[%get3A_2016, %get3A_2017, %get3A_2018] {strides = array<i32>} : memref<4x128x32xf32, #tpu.memory_space<vmem>>, vector<16xf32>,
      %get3A_2020 = arith.constant 91 : i32
      %get3A_2021 = arith.index_cast %rem3A_179 : i32 to index
      %get3A_2022 = arith.index_cast %get3A_2020 : i32 to index
      %get3A_2023 = arith.constant 16 : index
      %get3A_2024 = tpu.vector_load %arg6[%get3A_2021, %get3A_2022, %get3A_2023] {strides = array<i32>} : memref<4x128x32xf32, #tpu.memory_space<vmem>>, vector<16xf32>,
      %broadcast_in_dim3A_2025 = arith.constant 91 : i32
      %broadcast_in_dim3A_2026 = vector.broadcast %broadcast_in_dim3A_2025 : i32 to vector<16xi32>
      %scatter3A_2027 = arith.constant 0 : i32
      %scatter3A_2028 = arith.constant 0 : i32
      %scatter3A_2029 = tpu.memref_slice %arg7[%rem3A_179, %scatter3A_2027, %scatter3A_2028] : memref<4x32x129xf32, #tpu.memory_space<vmem>> -> memref<1x32x129xf32, #tpu.memory_space<vmem>>
      %scatter3A_2030 = tpu.memref_squeeze %scatter3A_2029 : memref<1x32x129xf32, #tpu.memory_space<vmem>> -> memref<32x129xf32, #tpu.memory_space<vmem>>
      tpu.vector_store_idx %scatter3A_2030[%iota3A, %broadcast_in_dim3A_2026], %get3A_2019 : memref<32x129xf32, #tpu.memory_space<vmem>>[vector<16xi32>, vector<16xi32>], vector<16xf32>,
      %scatter3A_2031 = arith.constant 0 : i32
      %scatter3A_2032 = arith.constant 0 : i32
      %scatter3A_2033 = tpu.memref_slice %arg7[%rem3A_179, %scatter3A_2031, %scatter3A_2032] : memref<4x32x129xf32, #tpu.memory_space<vmem>> -> memref<1x32x129xf32, #tpu.memory_space<vmem>>
      %scatter3A_2034 = tpu.memref_squeeze %scatter3A_2033 : memref<1x32x129xf32, #tpu.memory_space<vmem>> -> memref<32x129xf32, #tpu.memory_space<vmem>>
      tpu.vector_store_idx %scatter3A_2034[%add3A_80, %broadcast_in_dim3A_2026], %get3A_2024 : memref<32x129xf32, #tpu.memory_space<vmem>>[vector<16xi32>, vector<16xi32>], vector<16xf32>,
      %get3A_2035 = arith.constant 92 : i32
      %get3A_2036 = arith.index_cast %rem3A_179 : i32 to index
      %get3A_2037 = arith.index_cast %get3A_2035 : i32 to index
      %get3A_2038 = arith.constant 0 : index
      %get3A_2039 = tpu.vector_load %arg6[%get3A_2036, %get3A_2037, %get3A_2038] {strides = array<i32>} : memref<4x128x32xf32, #tpu.memory_space<vmem>>, vector<16xf32>,
      %get3A_2040 = arith.constant 92 : i32
      %get3A_2041 = arith.index_cast %rem3A_179 : i32 to index
      %get3A_2042 = arith.index_cast %get3A_2040 : i32 to index
      %get3A_2043 = arith.constant 16 : index
      %get3A_2044 = tpu.vector_load %arg6[%get3A_2041, %get3A_2042, %get3A_2043] {strides = array<i32>} : memref<4x128x32xf32, #tpu.memory_space<vmem>>, vector<16xf32>,
      %broadcast_in_dim3A_2045 = arith.constant 92 : i32
      %broadcast_in_dim3A_2046 = vector.broadcast %broadcast_in_dim3A_2045 : i32 to vector<16xi32>
      %scatter3A_2047 = arith.constant 0 : i32
      %scatter3A_2048 = arith.constant 0 : i32
      %scatter3A_2049 = tpu.memref_slice %arg7[%rem3A_179, %scatter3A_2047, %scatter3A_2048] : memref<4x32x129xf32, #tpu.memory_space<vmem>> -> memref<1x32x129xf32, #tpu.memory_space<vmem>>
      %scatter3A_2050 = tpu.memref_squeeze %scatter3A_2049 : memref<1x32x129xf32, #tpu.memory_space<vmem>> -> memref<32x129xf32, #tpu.memory_space<vmem>>
      tpu.vector_store_idx %scatter3A_2050[%iota3A, %broadcast_in_dim3A_2046], %get3A_2039 : memref<32x129xf32, #tpu.memory_space<vmem>>[vector<16xi32>, vector<16xi32>], vector<16xf32>,
      %scatter3A_2051 = arith.constant 0 : i32
      %scatter3A_2052 = arith.constant 0 : i32
      %scatter3A_2053 = tpu.memref_slice %arg7[%rem3A_179, %scatter3A_2051, %scatter3A_2052] : memref<4x32x129xf32, #tpu.memory_space<vmem>> -> memref<1x32x129xf32, #tpu.memory_space<vmem>>
      %scatter3A_2054 = tpu.memref_squeeze %scatter3A_2053 : memref<1x32x129xf32, #tpu.memory_space<vmem>> -> memref<32x129xf32, #tpu.memory_space<vmem>>
      tpu.vector_store_idx %scatter3A_2054[%add3A_80, %broadcast_in_dim3A_2046], %get3A_2044 : memref<32x129xf32, #tpu.memory_space<vmem>>[vector<16xi32>, vector<16xi32>], vector<16xf32>,
      %get3A_2055 = arith.constant 93 : i32
      %get3A_2056 = arith.index_cast %rem3A_179 : i32 to index
      %get3A_2057 = arith.index_cast %get3A_2055 : i32 to index
      %get3A_2058 = arith.constant 0 : index
      %get3A_2059 = tpu.vector_load %arg6[%get3A_2056, %get3A_2057, %get3A_2058] {strides = array<i32>} : memref<4x128x32xf32, #tpu.memory_space<vmem>>, vector<16xf32>,
      %get3A_2060 = arith.constant 93 : i32
      %get3A_2061 = arith.index_cast %rem3A_179 : i32 to index
      %get3A_2062 = arith.index_cast %get3A_2060 : i32 to index
      %get3A_2063 = arith.constant 16 : index
      %get3A_2064 = tpu.vector_load %arg6[%get3A_2061, %get3A_2062, %get3A_2063] {strides = array<i32>} : memref<4x128x32xf32, #tpu.memory_space<vmem>>, vector<16xf32>,
      %broadcast_in_dim3A_2065 = arith.constant 93 : i32
      %broadcast_in_dim3A_2066 = vector.broadcast %broadcast_in_dim3A_2065 : i32 to vector<16xi32>
      %scatter3A_2067 = arith.constant 0 : i32
      %scatter3A_2068 = arith.constant 0 : i32
      %scatter3A_2069 = tpu.memref_slice %arg7[%rem3A_179, %scatter3A_2067, %scatter3A_2068] : memref<4x32x129xf32, #tpu.memory_space<vmem>> -> memref<1x32x129xf32, #tpu.memory_space<vmem>>
      %scatter3A_2070 = tpu.memref_squeeze %scatter3A_2069 : memref<1x32x129xf32, #tpu.memory_space<vmem>> -> memref<32x129xf32, #tpu.memory_space<vmem>>
      tpu.vector_store_idx %scatter3A_2070[%iota3A, %broadcast_in_dim3A_2066], %get3A_2059 : memref<32x129xf32, #tpu.memory_space<vmem>>[vector<16xi32>, vector<16xi32>], vector<16xf32>,
      %scatter3A_2071 = arith.constant 0 : i32
      %scatter3A_2072 = arith.constant 0 : i32
      %scatter3A_2073 = tpu.memref_slice %arg7[%rem3A_179, %scatter3A_2071, %scatter3A_2072] : memref<4x32x129xf32, #tpu.memory_space<vmem>> -> memref<1x32x129xf32, #tpu.memory_space<vmem>>
      %scatter3A_2074 = tpu.memref_squeeze %scatter3A_2073 : memref<1x32x129xf32, #tpu.memory_space<vmem>> -> memref<32x129xf32, #tpu.memory_space<vmem>>
      tpu.vector_store_idx %scatter3A_2074[%add3A_80, %broadcast_in_dim3A_2066], %get3A_2064 : memref<32x129xf32, #tpu.memory_space<vmem>>[vector<16xi32>, vector<16xi32>], vector<16xf32>,
      %get3A_2075 = arith.constant 94 : i32
      %get3A_2076 = arith.index_cast %rem3A_179 : i32 to index
      %get3A_2077 = arith.index_cast %get3A_2075 : i32 to index
      %get3A_2078 = arith.constant 0 : index
      %get3A_2079 = tpu.vector_load %arg6[%get3A_2076, %get3A_2077, %get3A_2078] {strides = array<i32>} : memref<4x128x32xf32, #tpu.memory_space<vmem>>, vector<16xf32>,
      %get3A_2080 = arith.constant 94 : i32
      %get3A_2081 = arith.index_cast %rem3A_179 : i32 to index
      %get3A_2082 = arith.index_cast %get3A_2080 : i32 to index
      %get3A_2083 = arith.constant 16 : index
      %get3A_2084 = tpu.vector_load %arg6[%get3A_2081, %get3A_2082, %get3A_2083] {strides = array<i32>} : memref<4x128x32xf32, #tpu.memory_space<vmem>>, vector<16xf32>,
      %broadcast_in_dim3A_2085 = arith.constant 94 : i32
      %broadcast_in_dim3A_2086 = vector.broadcast %broadcast_in_dim3A_2085 : i32 to vector<16xi32>
      %scatter3A_2087 = arith.constant 0 : i32
      %scatter3A_2088 = arith.constant 0 : i32
      %scatter3A_2089 = tpu.memref_slice %arg7[%rem3A_179, %scatter3A_2087, %scatter3A_2088] : memref<4x32x129xf32, #tpu.memory_space<vmem>> -> memref<1x32x129xf32, #tpu.memory_space<vmem>>
      %scatter3A_2090 = tpu.memref_squeeze %scatter3A_2089 : memref<1x32x129xf32, #tpu.memory_space<vmem>> -> memref<32x129xf32, #tpu.memory_space<vmem>>
      tpu.vector_store_idx %scatter3A_2090[%iota3A, %broadcast_in_dim3A_2086], %get3A_2079 : memref<32x129xf32, #tpu.memory_space<vmem>>[vector<16xi32>, vector<16xi32>], vector<16xf32>,
      %scatter3A_2091 = arith.constant 0 : i32
      %scatter3A_2092 = arith.constant 0 : i32
      %scatter3A_2093 = tpu.memref_slice %arg7[%rem3A_179, %scatter3A_2091, %scatter3A_2092] : memref<4x32x129xf32, #tpu.memory_space<vmem>> -> memref<1x32x129xf32, #tpu.memory_space<vmem>>
      %scatter3A_2094 = tpu.memref_squeeze %scatter3A_2093 : memref<1x32x129xf32, #tpu.memory_space<vmem>> -> memref<32x129xf32, #tpu.memory_space<vmem>>
      tpu.vector_store_idx %scatter3A_2094[%add3A_80, %broadcast_in_dim3A_2086], %get3A_2084 : memref<32x129xf32, #tpu.memory_space<vmem>>[vector<16xi32>, vector<16xi32>], vector<16xf32>,
      %get3A_2095 = arith.constant 95 : i32
      %get3A_2096 = arith.index_cast %rem3A_179 : i32 to index
      %get3A_2097 = arith.index_cast %get3A_2095 : i32 to index
      %get3A_2098 = arith.constant 0 : index
      %get3A_2099 = tpu.vector_load %arg6[%get3A_2096, %get3A_2097, %get3A_2098] {strides = array<i32>} : memref<4x128x32xf32, #tpu.memory_space<vmem>>, vector<16xf32>,
      %get3A_2100 = arith.constant 95 : i32
      %get3A_2101 = arith.index_cast %rem3A_179 : i32 to index
      %get3A_2102 = arith.index_cast %get3A_2100 : i32 to index
      %get3A_2103 = arith.constant 16 : index
      %get3A_2104 = tpu.vector_load %arg6[%get3A_2101, %get3A_2102, %get3A_2103] {strides = array<i32>} : memref<4x128x32xf32, #tpu.memory_space<vmem>>, vector<16xf32>,
      %broadcast_in_dim3A_2105 = arith.constant 95 : i32
      %broadcast_in_dim3A_2106 = vector.broadcast %broadcast_in_dim3A_2105 : i32 to vector<16xi32>
      %scatter3A_2107 = arith.constant 0 : i32
      %scatter3A_2108 = arith.constant 0 : i32
      %scatter3A_2109 = tpu.memref_slice %arg7[%rem3A_179, %scatter3A_2107, %scatter3A_2108] : memref<4x32x129xf32, #tpu.memory_space<vmem>> -> memref<1x32x129xf32, #tpu.memory_space<vmem>>
      %scatter3A_2110 = tpu.memref_squeeze %scatter3A_2109 : memref<1x32x129xf32, #tpu.memory_space<vmem>> -> memref<32x129xf32, #tpu.memory_space<vmem>>
      tpu.vector_store_idx %scatter3A_2110[%iota3A, %broadcast_in_dim3A_2106], %get3A_2099 : memref<32x129xf32, #tpu.memory_space<vmem>>[vector<16xi32>, vector<16xi32>], vector<16xf32>,
      %scatter3A_2111 = arith.constant 0 : i32
      %scatter3A_2112 = arith.constant 0 : i32
      %scatter3A_2113 = tpu.memref_slice %arg7[%rem3A_179, %scatter3A_2111, %scatter3A_2112] : memref<4x32x129xf32, #tpu.memory_space<vmem>> -> memref<1x32x129xf32, #tpu.memory_space<vmem>>
      %scatter3A_2114 = tpu.memref_squeeze %scatter3A_2113 : memref<1x32x129xf32, #tpu.memory_space<vmem>> -> memref<32x129xf32, #tpu.memory_space<vmem>>
      tpu.vector_store_idx %scatter3A_2114[%add3A_80, %broadcast_in_dim3A_2106], %get3A_2104 : memref<32x129xf32, #tpu.memory_space<vmem>>[vector<16xi32>, vector<16xi32>], vector<16xf32>,
      %get3A_2115 = arith.constant 96 : i32
      %get3A_2116 = arith.index_cast %rem3A_179 : i32 to index
      %get3A_2117 = arith.index_cast %get3A_2115 : i32 to index
      %get3A_2118 = arith.constant 0 : index
      %get3A_2119 = tpu.vector_load %arg6[%get3A_2116, %get3A_2117, %get3A_2118] {strides = array<i32>} : memref<4x128x32xf32, #tpu.memory_space<vmem>>, vector<16xf32>,
      %get3A_2120 = arith.constant 96 : i32
      %get3A_2121 = arith.index_cast %rem3A_179 : i32 to index
      %get3A_2122 = arith.index_cast %get3A_2120 : i32 to index
      %get3A_2123 = arith.constant 16 : index
      %get3A_2124 = tpu.vector_load %arg6[%get3A_2121, %get3A_2122, %get3A_2123] {strides = array<i32>} : memref<4x128x32xf32, #tpu.memory_space<vmem>>, vector<16xf32>,
      %broadcast_in_dim3A_2125 = arith.constant 96 : i32
      %broadcast_in_dim3A_2126 = vector.broadcast %broadcast_in_dim3A_2125 : i32 to vector<16xi32>
      %scatter3A_2127 = arith.constant 0 : i32
      %scatter3A_2128 = arith.constant 0 : i32
      %scatter3A_2129 = tpu.memref_slice %arg7[%rem3A_179, %scatter3A_2127, %scatter3A_2128] : memref<4x32x129xf32, #tpu.memory_space<vmem>> -> memref<1x32x129xf32, #tpu.memory_space<vmem>>
      %scatter3A_2130 = tpu.memref_squeeze %scatter3A_2129 : memref<1x32x129xf32, #tpu.memory_space<vmem>> -> memref<32x129xf32, #tpu.memory_space<vmem>>
      tpu.vector_store_idx %scatter3A_2130[%iota3A, %broadcast_in_dim3A_2126], %get3A_2119 : memref<32x129xf32, #tpu.memory_space<vmem>>[vector<16xi32>, vector<16xi32>], vector<16xf32>,
      %scatter3A_2131 = arith.constant 0 : i32
      %scatter3A_2132 = arith.constant 0 : i32
      %scatter3A_2133 = tpu.memref_slice %arg7[%rem3A_179, %scatter3A_2131, %scatter3A_2132] : memref<4x32x129xf32, #tpu.memory_space<vmem>> -> memref<1x32x129xf32, #tpu.memory_space<vmem>>
      %scatter3A_2134 = tpu.memref_squeeze %scatter3A_2133 : memref<1x32x129xf32, #tpu.memory_space<vmem>> -> memref<32x129xf32, #tpu.memory_space<vmem>>
      tpu.vector_store_idx %scatter3A_2134[%add3A_80, %broadcast_in_dim3A_2126], %get3A_2124 : memref<32x129xf32, #tpu.memory_space<vmem>>[vector<16xi32>, vector<16xi32>], vector<16xf32>,
      %get3A_2135 = arith.constant 97 : i32
      %get3A_2136 = arith.index_cast %rem3A_179 : i32 to index
      %get3A_2137 = arith.index_cast %get3A_2135 : i32 to index
      %get3A_2138 = arith.constant 0 : index
      %get3A_2139 = tpu.vector_load %arg6[%get3A_2136, %get3A_2137, %get3A_2138] {strides = array<i32>} : memref<4x128x32xf32, #tpu.memory_space<vmem>>, vector<16xf32>,
      %get3A_2140 = arith.constant 97 : i32
      %get3A_2141 = arith.index_cast %rem3A_179 : i32 to index
      %get3A_2142 = arith.index_cast %get3A_2140 : i32 to index
      %get3A_2143 = arith.constant 16 : index
      %get3A_2144 = tpu.vector_load %arg6[%get3A_2141, %get3A_2142, %get3A_2143] {strides = array<i32>} : memref<4x128x32xf32, #tpu.memory_space<vmem>>, vector<16xf32>,
      %broadcast_in_dim3A_2145 = arith.constant 97 : i32
      %broadcast_in_dim3A_2146 = vector.broadcast %broadcast_in_dim3A_2145 : i32 to vector<16xi32>
      %scatter3A_2147 = arith.constant 0 : i32
      %scatter3A_2148 = arith.constant 0 : i32
      %scatter3A_2149 = tpu.memref_slice %arg7[%rem3A_179, %scatter3A_2147, %scatter3A_2148] : memref<4x32x129xf32, #tpu.memory_space<vmem>> -> memref<1x32x129xf32, #tpu.memory_space<vmem>>
      %scatter3A_2150 = tpu.memref_squeeze %scatter3A_2149 : memref<1x32x129xf32, #tpu.memory_space<vmem>> -> memref<32x129xf32, #tpu.memory_space<vmem>>
      tpu.vector_store_idx %scatter3A_2150[%iota3A, %broadcast_in_dim3A_2146], %get3A_2139 : memref<32x129xf32, #tpu.memory_space<vmem>>[vector<16xi32>, vector<16xi32>], vector<16xf32>,
      %scatter3A_2151 = arith.constant 0 : i32
      %scatter3A_2152 = arith.constant 0 : i32
      %scatter3A_2153 = tpu.memref_slice %arg7[%rem3A_179, %scatter3A_2151, %scatter3A_2152] : memref<4x32x129xf32, #tpu.memory_space<vmem>> -> memref<1x32x129xf32, #tpu.memory_space<vmem>>
      %scatter3A_2154 = tpu.memref_squeeze %scatter3A_2153 : memref<1x32x129xf32, #tpu.memory_space<vmem>> -> memref<32x129xf32, #tpu.memory_space<vmem>>
      tpu.vector_store_idx %scatter3A_2154[%add3A_80, %broadcast_in_dim3A_2146], %get3A_2144 : memref<32x129xf32, #tpu.memory_space<vmem>>[vector<16xi32>, vector<16xi32>], vector<16xf32>,
      %get3A_2155 = arith.constant 98 : i32
      %get3A_2156 = arith.index_cast %rem3A_179 : i32 to index
      %get3A_2157 = arith.index_cast %get3A_2155 : i32 to index
      %get3A_2158 = arith.constant 0 : index
      %get3A_2159 = tpu.vector_load %arg6[%get3A_2156, %get3A_2157, %get3A_2158] {strides = array<i32>} : memref<4x128x32xf32, #tpu.memory_space<vmem>>, vector<16xf32>,
      %get3A_2160 = arith.constant 98 : i32
      %get3A_2161 = arith.index_cast %rem3A_179 : i32 to index
      %get3A_2162 = arith.index_cast %get3A_2160 : i32 to index
      %get3A_2163 = arith.constant 16 : index
      %get3A_2164 = tpu.vector_load %arg6[%get3A_2161, %get3A_2162, %get3A_2163] {strides = array<i32>} : memref<4x128x32xf32, #tpu.memory_space<vmem>>, vector<16xf32>,
      %broadcast_in_dim3A_2165 = arith.constant 98 : i32
      %broadcast_in_dim3A_2166 = vector.broadcast %broadcast_in_dim3A_2165 : i32 to vector<16xi32>
      %scatter3A_2167 = arith.constant 0 : i32
      %scatter3A_2168 = arith.constant 0 : i32
      %scatter3A_2169 = tpu.memref_slice %arg7[%rem3A_179, %scatter3A_2167, %scatter3A_2168] : memref<4x32x129xf32, #tpu.memory_space<vmem>> -> memref<1x32x129xf32, #tpu.memory_space<vmem>>
      %scatter3A_2170 = tpu.memref_squeeze %scatter3A_2169 : memref<1x32x129xf32, #tpu.memory_space<vmem>> -> memref<32x129xf32, #tpu.memory_space<vmem>>
      tpu.vector_store_idx %scatter3A_2170[%iota3A, %broadcast_in_dim3A_2166], %get3A_2159 : memref<32x129xf32, #tpu.memory_space<vmem>>[vector<16xi32>, vector<16xi32>], vector<16xf32>,
      %scatter3A_2171 = arith.constant 0 : i32
      %scatter3A_2172 = arith.constant 0 : i32
      %scatter3A_2173 = tpu.memref_slice %arg7[%rem3A_179, %scatter3A_2171, %scatter3A_2172] : memref<4x32x129xf32, #tpu.memory_space<vmem>> -> memref<1x32x129xf32, #tpu.memory_space<vmem>>
      %scatter3A_2174 = tpu.memref_squeeze %scatter3A_2173 : memref<1x32x129xf32, #tpu.memory_space<vmem>> -> memref<32x129xf32, #tpu.memory_space<vmem>>
      tpu.vector_store_idx %scatter3A_2174[%add3A_80, %broadcast_in_dim3A_2166], %get3A_2164 : memref<32x129xf32, #tpu.memory_space<vmem>>[vector<16xi32>, vector<16xi32>], vector<16xf32>,
      %get3A_2175 = arith.constant 99 : i32
      %get3A_2176 = arith.index_cast %rem3A_179 : i32 to index
      %get3A_2177 = arith.index_cast %get3A_2175 : i32 to index
      %get3A_2178 = arith.constant 0 : index
      %get3A_2179 = tpu.vector_load %arg6[%get3A_2176, %get3A_2177, %get3A_2178] {strides = array<i32>} : memref<4x128x32xf32, #tpu.memory_space<vmem>>, vector<16xf32>,
      %get3A_2180 = arith.constant 99 : i32
      %get3A_2181 = arith.index_cast %rem3A_179 : i32 to index
      %get3A_2182 = arith.index_cast %get3A_2180 : i32 to index
      %get3A_2183 = arith.constant 16 : index
      %get3A_2184 = tpu.vector_load %arg6[%get3A_2181, %get3A_2182, %get3A_2183] {strides = array<i32>} : memref<4x128x32xf32, #tpu.memory_space<vmem>>, vector<16xf32>,
      %broadcast_in_dim3A_2185 = arith.constant 99 : i32
      %broadcast_in_dim3A_2186 = vector.broadcast %broadcast_in_dim3A_2185 : i32 to vector<16xi32>
      %scatter3A_2187 = arith.constant 0 : i32
      %scatter3A_2188 = arith.constant 0 : i32
      %scatter3A_2189 = tpu.memref_slice %arg7[%rem3A_179, %scatter3A_2187, %scatter3A_2188] : memref<4x32x129xf32, #tpu.memory_space<vmem>> -> memref<1x32x129xf32, #tpu.memory_space<vmem>>
      %scatter3A_2190 = tpu.memref_squeeze %scatter3A_2189 : memref<1x32x129xf32, #tpu.memory_space<vmem>> -> memref<32x129xf32, #tpu.memory_space<vmem>>
      tpu.vector_store_idx %scatter3A_2190[%iota3A, %broadcast_in_dim3A_2186], %get3A_2179 : memref<32x129xf32, #tpu.memory_space<vmem>>[vector<16xi32>, vector<16xi32>], vector<16xf32>,
      %scatter3A_2191 = arith.constant 0 : i32
      %scatter3A_2192 = arith.constant 0 : i32
      %scatter3A_2193 = tpu.memref_slice %arg7[%rem3A_179, %scatter3A_2191, %scatter3A_2192] : memref<4x32x129xf32, #tpu.memory_space<vmem>> -> memref<1x32x129xf32, #tpu.memory_space<vmem>>
      %scatter3A_2194 = tpu.memref_squeeze %scatter3A_2193 : memref<1x32x129xf32, #tpu.memory_space<vmem>> -> memref<32x129xf32, #tpu.memory_space<vmem>>
      tpu.vector_store_idx %scatter3A_2194[%add3A_80, %broadcast_in_dim3A_2186], %get3A_2184 : memref<32x129xf32, #tpu.memory_space<vmem>>[vector<16xi32>, vector<16xi32>], vector<16xf32>,
      %get3A_2195 = arith.constant 100 : i32
      %get3A_2196 = arith.index_cast %rem3A_179 : i32 to index
      %get3A_2197 = arith.index_cast %get3A_2195 : i32 to index
      %get3A_2198 = arith.constant 0 : index
      %get3A_2199 = tpu.vector_load %arg6[%get3A_2196, %get3A_2197, %get3A_2198] {strides = array<i32>} : memref<4x128x32xf32, #tpu.memory_space<vmem>>, vector<16xf32>,
      %get3A_2200 = arith.constant 100 : i32
      %get3A_2201 = arith.index_cast %rem3A_179 : i32 to index
      %get3A_2202 = arith.index_cast %get3A_2200 : i32 to index
      %get3A_2203 = arith.constant 16 : index
      %get3A_2204 = tpu.vector_load %arg6[%get3A_2201, %get3A_2202, %get3A_2203] {strides = array<i32>} : memref<4x128x32xf32, #tpu.memory_space<vmem>>, vector<16xf32>,
      %broadcast_in_dim3A_2205 = arith.constant 100 : i32
      %broadcast_in_dim3A_2206 = vector.broadcast %broadcast_in_dim3A_2205 : i32 to vector<16xi32>
      %scatter3A_2207 = arith.constant 0 : i32
      %scatter3A_2208 = arith.constant 0 : i32
      %scatter3A_2209 = tpu.memref_slice %arg7[%rem3A_179, %scatter3A_2207, %scatter3A_2208] : memref<4x32x129xf32, #tpu.memory_space<vmem>> -> memref<1x32x129xf32, #tpu.memory_space<vmem>>
      %scatter3A_2210 = tpu.memref_squeeze %scatter3A_2209 : memref<1x32x129xf32, #tpu.memory_space<vmem>> -> memref<32x129xf32, #tpu.memory_space<vmem>>
      tpu.vector_store_idx %scatter3A_2210[%iota3A, %broadcast_in_dim3A_2206], %get3A_2199 : memref<32x129xf32, #tpu.memory_space<vmem>>[vector<16xi32>, vector<16xi32>], vector<16xf32>,
      %scatter3A_2211 = arith.constant 0 : i32
      %scatter3A_2212 = arith.constant 0 : i32
      %scatter3A_2213 = tpu.memref_slice %arg7[%rem3A_179, %scatter3A_2211, %scatter3A_2212] : memref<4x32x129xf32, #tpu.memory_space<vmem>> -> memref<1x32x129xf32, #tpu.memory_space<vmem>>
      %scatter3A_2214 = tpu.memref_squeeze %scatter3A_2213 : memref<1x32x129xf32, #tpu.memory_space<vmem>> -> memref<32x129xf32, #tpu.memory_space<vmem>>
      tpu.vector_store_idx %scatter3A_2214[%add3A_80, %broadcast_in_dim3A_2206], %get3A_2204 : memref<32x129xf32, #tpu.memory_space<vmem>>[vector<16xi32>, vector<16xi32>], vector<16xf32>,
      %get3A_2215 = arith.constant 101 : i32
      %get3A_2216 = arith.index_cast %rem3A_179 : i32 to index
      %get3A_2217 = arith.index_cast %get3A_2215 : i32 to index
      %get3A_2218 = arith.constant 0 : index
      %get3A_2219 = tpu.vector_load %arg6[%get3A_2216, %get3A_2217, %get3A_2218] {strides = array<i32>} : memref<4x128x32xf32, #tpu.memory_space<vmem>>, vector<16xf32>,
      %get3A_2220 = arith.constant 101 : i32
      %get3A_2221 = arith.index_cast %rem3A_179 : i32 to index
      %get3A_2222 = arith.index_cast %get3A_2220 : i32 to index
      %get3A_2223 = arith.constant 16 : index
      %get3A_2224 = tpu.vector_load %arg6[%get3A_2221, %get3A_2222, %get3A_2223] {strides = array<i32>} : memref<4x128x32xf32, #tpu.memory_space<vmem>>, vector<16xf32>,
      %broadcast_in_dim3A_2225 = arith.constant 101 : i32
      %broadcast_in_dim3A_2226 = vector.broadcast %broadcast_in_dim3A_2225 : i32 to vector<16xi32>
      %scatter3A_2227 = arith.constant 0 : i32
      %scatter3A_2228 = arith.constant 0 : i32
      %scatter3A_2229 = tpu.memref_slice %arg7[%rem3A_179, %scatter3A_2227, %scatter3A_2228] : memref<4x32x129xf32, #tpu.memory_space<vmem>> -> memref<1x32x129xf32, #tpu.memory_space<vmem>>
      %scatter3A_2230 = tpu.memref_squeeze %scatter3A_2229 : memref<1x32x129xf32, #tpu.memory_space<vmem>> -> memref<32x129xf32, #tpu.memory_space<vmem>>
      tpu.vector_store_idx %scatter3A_2230[%iota3A, %broadcast_in_dim3A_2226], %get3A_2219 : memref<32x129xf32, #tpu.memory_space<vmem>>[vector<16xi32>, vector<16xi32>], vector<16xf32>,
      %scatter3A_2231 = arith.constant 0 : i32
      %scatter3A_2232 = arith.constant 0 : i32
      %scatter3A_2233 = tpu.memref_slice %arg7[%rem3A_179, %scatter3A_2231, %scatter3A_2232] : memref<4x32x129xf32, #tpu.memory_space<vmem>> -> memref<1x32x129xf32, #tpu.memory_space<vmem>>
      %scatter3A_2234 = tpu.memref_squeeze %scatter3A_2233 : memref<1x32x129xf32, #tpu.memory_space<vmem>> -> memref<32x129xf32, #tpu.memory_space<vmem>>
      tpu.vector_store_idx %scatter3A_2234[%add3A_80, %broadcast_in_dim3A_2226], %get3A_2224 : memref<32x129xf32, #tpu.memory_space<vmem>>[vector<16xi32>, vector<16xi32>], vector<16xf32>,
      %get3A_2235 = arith.constant 102 : i32
      %get3A_2236 = arith.index_cast %rem3A_179 : i32 to index
      %get3A_2237 = arith.index_cast %get3A_2235 : i32 to index
      %get3A_2238 = arith.constant 0 : index
      %get3A_2239 = tpu.vector_load %arg6[%get3A_2236, %get3A_2237, %get3A_2238] {strides = array<i32>} : memref<4x128x32xf32, #tpu.memory_space<vmem>>, vector<16xf32>,
      %get3A_2240 = arith.constant 102 : i32
      %get3A_2241 = arith.index_cast %rem3A_179 : i32 to index
      %get3A_2242 = arith.index_cast %get3A_2240 : i32 to index
      %get3A_2243 = arith.constant 16 : index
      %get3A_2244 = tpu.vector_load %arg6[%get3A_2241, %get3A_2242, %get3A_2243] {strides = array<i32>} : memref<4x128x32xf32, #tpu.memory_space<vmem>>, vector<16xf32>,
      %broadcast_in_dim3A_2245 = arith.constant 102 : i32
      %broadcast_in_dim3A_2246 = vector.broadcast %broadcast_in_dim3A_2245 : i32 to vector<16xi32>
      %scatter3A_2247 = arith.constant 0 : i32
      %scatter3A_2248 = arith.constant 0 : i32
      %scatter3A_2249 = tpu.memref_slice %arg7[%rem3A_179, %scatter3A_2247, %scatter3A_2248] : memref<4x32x129xf32, #tpu.memory_space<vmem>> -> memref<1x32x129xf32, #tpu.memory_space<vmem>>
      %scatter3A_2250 = tpu.memref_squeeze %scatter3A_2249 : memref<1x32x129xf32, #tpu.memory_space<vmem>> -> memref<32x129xf32, #tpu.memory_space<vmem>>
      tpu.vector_store_idx %scatter3A_2250[%iota3A, %broadcast_in_dim3A_2246], %get3A_2239 : memref<32x129xf32, #tpu.memory_space<vmem>>[vector<16xi32>, vector<16xi32>], vector<16xf32>,
      %scatter3A_2251 = arith.constant 0 : i32
      %scatter3A_2252 = arith.constant 0 : i32
      %scatter3A_2253 = tpu.memref_slice %arg7[%rem3A_179, %scatter3A_2251, %scatter3A_2252] : memref<4x32x129xf32, #tpu.memory_space<vmem>> -> memref<1x32x129xf32, #tpu.memory_space<vmem>>
      %scatter3A_2254 = tpu.memref_squeeze %scatter3A_2253 : memref<1x32x129xf32, #tpu.memory_space<vmem>> -> memref<32x129xf32, #tpu.memory_space<vmem>>
      tpu.vector_store_idx %scatter3A_2254[%add3A_80, %broadcast_in_dim3A_2246], %get3A_2244 : memref<32x129xf32, #tpu.memory_space<vmem>>[vector<16xi32>, vector<16xi32>], vector<16xf32>,
      %get3A_2255 = arith.constant 103 : i32
      %get3A_2256 = arith.index_cast %rem3A_179 : i32 to index
      %get3A_2257 = arith.index_cast %get3A_2255 : i32 to index
      %get3A_2258 = arith.constant 0 : index
      %get3A_2259 = tpu.vector_load %arg6[%get3A_2256, %get3A_2257, %get3A_2258] {strides = array<i32>} : memref<4x128x32xf32, #tpu.memory_space<vmem>>, vector<16xf32>,
      %get3A_2260 = arith.constant 103 : i32
      %get3A_2261 = arith.index_cast %rem3A_179 : i32 to index
      %get3A_2262 = arith.index_cast %get3A_2260 : i32 to index
      %get3A_2263 = arith.constant 16 : index
      %get3A_2264 = tpu.vector_load %arg6[%get3A_2261, %get3A_2262, %get3A_2263] {strides = array<i32>} : memref<4x128x32xf32, #tpu.memory_space<vmem>>, vector<16xf32>,
      %broadcast_in_dim3A_2265 = arith.constant 103 : i32
      %broadcast_in_dim3A_2266 = vector.broadcast %broadcast_in_dim3A_2265 : i32 to vector<16xi32>
      %scatter3A_2267 = arith.constant 0 : i32
      %scatter3A_2268 = arith.constant 0 : i32
      %scatter3A_2269 = tpu.memref_slice %arg7[%rem3A_179, %scatter3A_2267, %scatter3A_2268] : memref<4x32x129xf32, #tpu.memory_space<vmem>> -> memref<1x32x129xf32, #tpu.memory_space<vmem>>
      %scatter3A_2270 = tpu.memref_squeeze %scatter3A_2269 : memref<1x32x129xf32, #tpu.memory_space<vmem>> -> memref<32x129xf32, #tpu.memory_space<vmem>>
      tpu.vector_store_idx %scatter3A_2270[%iota3A, %broadcast_in_dim3A_2266], %get3A_2259 : memref<32x129xf32, #tpu.memory_space<vmem>>[vector<16xi32>, vector<16xi32>], vector<16xf32>,
      %scatter3A_2271 = arith.constant 0 : i32
      %scatter3A_2272 = arith.constant 0 : i32
      %scatter3A_2273 = tpu.memref_slice %arg7[%rem3A_179, %scatter3A_2271, %scatter3A_2272] : memref<4x32x129xf32, #tpu.memory_space<vmem>> -> memref<1x32x129xf32, #tpu.memory_space<vmem>>
      %scatter3A_2274 = tpu.memref_squeeze %scatter3A_2273 : memref<1x32x129xf32, #tpu.memory_space<vmem>> -> memref<32x129xf32, #tpu.memory_space<vmem>>
      tpu.vector_store_idx %scatter3A_2274[%add3A_80, %broadcast_in_dim3A_2266], %get3A_2264 : memref<32x129xf32, #tpu.memory_space<vmem>>[vector<16xi32>, vector<16xi32>], vector<16xf32>,
      %get3A_2275 = arith.constant 104 : i32
      %get3A_2276 = arith.index_cast %rem3A_179 : i32 to index
      %get3A_2277 = arith.index_cast %get3A_2275 : i32 to index
      %get3A_2278 = arith.constant 0 : index
      %get3A_2279 = tpu.vector_load %arg6[%get3A_2276, %get3A_2277, %get3A_2278] {strides = array<i32>} : memref<4x128x32xf32, #tpu.memory_space<vmem>>, vector<16xf32>,
      %get3A_2280 = arith.constant 104 : i32
      %get3A_2281 = arith.index_cast %rem3A_179 : i32 to index
      %get3A_2282 = arith.index_cast %get3A_2280 : i32 to index
      %get3A_2283 = arith.constant 16 : index
      %get3A_2284 = tpu.vector_load %arg6[%get3A_2281, %get3A_2282, %get3A_2283] {strides = array<i32>} : memref<4x128x32xf32, #tpu.memory_space<vmem>>, vector<16xf32>,
      %broadcast_in_dim3A_2285 = arith.constant 104 : i32
      %broadcast_in_dim3A_2286 = vector.broadcast %broadcast_in_dim3A_2285 : i32 to vector<16xi32>
      %scatter3A_2287 = arith.constant 0 : i32
      %scatter3A_2288 = arith.constant 0 : i32
      %scatter3A_2289 = tpu.memref_slice %arg7[%rem3A_179, %scatter3A_2287, %scatter3A_2288] : memref<4x32x129xf32, #tpu.memory_space<vmem>> -> memref<1x32x129xf32, #tpu.memory_space<vmem>>
      %scatter3A_2290 = tpu.memref_squeeze %scatter3A_2289 : memref<1x32x129xf32, #tpu.memory_space<vmem>> -> memref<32x129xf32, #tpu.memory_space<vmem>>
      tpu.vector_store_idx %scatter3A_2290[%iota3A, %broadcast_in_dim3A_2286], %get3A_2279 : memref<32x129xf32, #tpu.memory_space<vmem>>[vector<16xi32>, vector<16xi32>], vector<16xf32>,
      %scatter3A_2291 = arith.constant 0 : i32
      %scatter3A_2292 = arith.constant 0 : i32
      %scatter3A_2293 = tpu.memref_slice %arg7[%rem3A_179, %scatter3A_2291, %scatter3A_2292] : memref<4x32x129xf32, #tpu.memory_space<vmem>> -> memref<1x32x129xf32, #tpu.memory_space<vmem>>
      %scatter3A_2294 = tpu.memref_squeeze %scatter3A_2293 : memref<1x32x129xf32, #tpu.memory_space<vmem>> -> memref<32x129xf32, #tpu.memory_space<vmem>>
      tpu.vector_store_idx %scatter3A_2294[%add3A_80, %broadcast_in_dim3A_2286], %get3A_2284 : memref<32x129xf32, #tpu.memory_space<vmem>>[vector<16xi32>, vector<16xi32>], vector<16xf32>,
      %get3A_2295 = arith.constant 105 : i32
      %get3A_2296 = arith.index_cast %rem3A_179 : i32 to index
      %get3A_2297 = arith.index_cast %get3A_2295 : i32 to index
      %get3A_2298 = arith.constant 0 : index
      %get3A_2299 = tpu.vector_load %arg6[%get3A_2296, %get3A_2297, %get3A_2298] {strides = array<i32>} : memref<4x128x32xf32, #tpu.memory_space<vmem>>, vector<16xf32>,
      %get3A_2300 = arith.constant 105 : i32
      %get3A_2301 = arith.index_cast %rem3A_179 : i32 to index
      %get3A_2302 = arith.index_cast %get3A_2300 : i32 to index
      %get3A_2303 = arith.constant 16 : index
      %get3A_2304 = tpu.vector_load %arg6[%get3A_2301, %get3A_2302, %get3A_2303] {strides = array<i32>} : memref<4x128x32xf32, #tpu.memory_space<vmem>>, vector<16xf32>,
      %broadcast_in_dim3A_2305 = arith.constant 105 : i32
      %broadcast_in_dim3A_2306 = vector.broadcast %broadcast_in_dim3A_2305 : i32 to vector<16xi32>
      %scatter3A_2307 = arith.constant 0 : i32
      %scatter3A_2308 = arith.constant 0 : i32
      %scatter3A_2309 = tpu.memref_slice %arg7[%rem3A_179, %scatter3A_2307, %scatter3A_2308] : memref<4x32x129xf32, #tpu.memory_space<vmem>> -> memref<1x32x129xf32, #tpu.memory_space<vmem>>
      %scatter3A_2310 = tpu.memref_squeeze %scatter3A_2309 : memref<1x32x129xf32, #tpu.memory_space<vmem>> -> memref<32x129xf32, #tpu.memory_space<vmem>>
      tpu.vector_store_idx %scatter3A_2310[%iota3A, %broadcast_in_dim3A_2306], %get3A_2299 : memref<32x129xf32, #tpu.memory_space<vmem>>[vector<16xi32>, vector<16xi32>], vector<16xf32>,
      %scatter3A_2311 = arith.constant 0 : i32
      %scatter3A_2312 = arith.constant 0 : i32
      %scatter3A_2313 = tpu.memref_slice %arg7[%rem3A_179, %scatter3A_2311, %scatter3A_2312] : memref<4x32x129xf32, #tpu.memory_space<vmem>> -> memref<1x32x129xf32, #tpu.memory_space<vmem>>
      %scatter3A_2314 = tpu.memref_squeeze %scatter3A_2313 : memref<1x32x129xf32, #tpu.memory_space<vmem>> -> memref<32x129xf32, #tpu.memory_space<vmem>>
      tpu.vector_store_idx %scatter3A_2314[%add3A_80, %broadcast_in_dim3A_2306], %get3A_2304 : memref<32x129xf32, #tpu.memory_space<vmem>>[vector<16xi32>, vector<16xi32>], vector<16xf32>,
      %get3A_2315 = arith.constant 106 : i32
      %get3A_2316 = arith.index_cast %rem3A_179 : i32 to index
      %get3A_2317 = arith.index_cast %get3A_2315 : i32 to index
      %get3A_2318 = arith.constant 0 : index
      %get3A_2319 = tpu.vector_load %arg6[%get3A_2316, %get3A_2317, %get3A_2318] {strides = array<i32>} : memref<4x128x32xf32, #tpu.memory_space<vmem>>, vector<16xf32>,
      %get3A_2320 = arith.constant 106 : i32
      %get3A_2321 = arith.index_cast %rem3A_179 : i32 to index
      %get3A_2322 = arith.index_cast %get3A_2320 : i32 to index
      %get3A_2323 = arith.constant 16 : index
      %get3A_2324 = tpu.vector_load %arg6[%get3A_2321, %get3A_2322, %get3A_2323] {strides = array<i32>} : memref<4x128x32xf32, #tpu.memory_space<vmem>>, vector<16xf32>,
      %broadcast_in_dim3A_2325 = arith.constant 106 : i32
      %broadcast_in_dim3A_2326 = vector.broadcast %broadcast_in_dim3A_2325 : i32 to vector<16xi32>
      %scatter3A_2327 = arith.constant 0 : i32
      %scatter3A_2328 = arith.constant 0 : i32
      %scatter3A_2329 = tpu.memref_slice %arg7[%rem3A_179, %scatter3A_2327, %scatter3A_2328] : memref<4x32x129xf32, #tpu.memory_space<vmem>> -> memref<1x32x129xf32, #tpu.memory_space<vmem>>
      %scatter3A_2330 = tpu.memref_squeeze %scatter3A_2329 : memref<1x32x129xf32, #tpu.memory_space<vmem>> -> memref<32x129xf32, #tpu.memory_space<vmem>>
      tpu.vector_store_idx %scatter3A_2330[%iota3A, %broadcast_in_dim3A_2326], %get3A_2319 : memref<32x129xf32, #tpu.memory_space<vmem>>[vector<16xi32>, vector<16xi32>], vector<16xf32>,
      %scatter3A_2331 = arith.constant 0 : i32
      %scatter3A_2332 = arith.constant 0 : i32
      %scatter3A_2333 = tpu.memref_slice %arg7[%rem3A_179, %scatter3A_2331, %scatter3A_2332] : memref<4x32x129xf32, #tpu.memory_space<vmem>> -> memref<1x32x129xf32, #tpu.memory_space<vmem>>
      %scatter3A_2334 = tpu.memref_squeeze %scatter3A_2333 : memref<1x32x129xf32, #tpu.memory_space<vmem>> -> memref<32x129xf32, #tpu.memory_space<vmem>>
      tpu.vector_store_idx %scatter3A_2334[%add3A_80, %broadcast_in_dim3A_2326], %get3A_2324 : memref<32x129xf32, #tpu.memory_space<vmem>>[vector<16xi32>, vector<16xi32>], vector<16xf32>,
      %get3A_2335 = arith.constant 107 : i32
      %get3A_2336 = arith.index_cast %rem3A_179 : i32 to index
      %get3A_2337 = arith.index_cast %get3A_2335 : i32 to index
      %get3A_2338 = arith.constant 0 : index
      %get3A_2339 = tpu.vector_load %arg6[%get3A_2336, %get3A_2337, %get3A_2338] {strides = array<i32>} : memref<4x128x32xf32, #tpu.memory_space<vmem>>, vector<16xf32>,
      %get3A_2340 = arith.constant 107 : i32
      %get3A_2341 = arith.index_cast %rem3A_179 : i32 to index
      %get3A_2342 = arith.index_cast %get3A_2340 : i32 to index
      %get3A_2343 = arith.constant 16 : index
      %get3A_2344 = tpu.vector_load %arg6[%get3A_2341, %get3A_2342, %get3A_2343] {strides = array<i32>} : memref<4x128x32xf32, #tpu.memory_space<vmem>>, vector<16xf32>,
      %broadcast_in_dim3A_2345 = arith.constant 107 : i32
      %broadcast_in_dim3A_2346 = vector.broadcast %broadcast_in_dim3A_2345 : i32 to vector<16xi32>
      %scatter3A_2347 = arith.constant 0 : i32
      %scatter3A_2348 = arith.constant 0 : i32
      %scatter3A_2349 = tpu.memref_slice %arg7[%rem3A_179, %scatter3A_2347, %scatter3A_2348] : memref<4x32x129xf32, #tpu.memory_space<vmem>> -> memref<1x32x129xf32, #tpu.memory_space<vmem>>
      %scatter3A_2350 = tpu.memref_squeeze %scatter3A_2349 : memref<1x32x129xf32, #tpu.memory_space<vmem>> -> memref<32x129xf32, #tpu.memory_space<vmem>>
      tpu.vector_store_idx %scatter3A_2350[%iota3A, %broadcast_in_dim3A_2346], %get3A_2339 : memref<32x129xf32, #tpu.memory_space<vmem>>[vector<16xi32>, vector<16xi32>], vector<16xf32>,
      %scatter3A_2351 = arith.constant 0 : i32
      %scatter3A_2352 = arith.constant 0 : i32
      %scatter3A_2353 = tpu.memref_slice %arg7[%rem3A_179, %scatter3A_2351, %scatter3A_2352] : memref<4x32x129xf32, #tpu.memory_space<vmem>> -> memref<1x32x129xf32, #tpu.memory_space<vmem>>
      %scatter3A_2354 = tpu.memref_squeeze %scatter3A_2353 : memref<1x32x129xf32, #tpu.memory_space<vmem>> -> memref<32x129xf32, #tpu.memory_space<vmem>>
      tpu.vector_store_idx %scatter3A_2354[%add3A_80, %broadcast_in_dim3A_2346], %get3A_2344 : memref<32x129xf32, #tpu.memory_space<vmem>>[vector<16xi32>, vector<16xi32>], vector<16xf32>,
      %get3A_2355 = arith.constant 108 : i32
      %get3A_2356 = arith.index_cast %rem3A_179 : i32 to index
      %get3A_2357 = arith.index_cast %get3A_2355 : i32 to index
      %get3A_2358 = arith.constant 0 : index
      %get3A_2359 = tpu.vector_load %arg6[%get3A_2356, %get3A_2357, %get3A_2358] {strides = array<i32>} : memref<4x128x32xf32, #tpu.memory_space<vmem>>, vector<16xf32>,
      %get3A_2360 = arith.constant 108 : i32
      %get3A_2361 = arith.index_cast %rem3A_179 : i32 to index
      %get3A_2362 = arith.index_cast %get3A_2360 : i32 to index
      %get3A_2363 = arith.constant 16 : index
      %get3A_2364 = tpu.vector_load %arg6[%get3A_2361, %get3A_2362, %get3A_2363] {strides = array<i32>} : memref<4x128x32xf32, #tpu.memory_space<vmem>>, vector<16xf32>,
      %broadcast_in_dim3A_2365 = arith.constant 108 : i32
      %broadcast_in_dim3A_2366 = vector.broadcast %broadcast_in_dim3A_2365 : i32 to vector<16xi32>
      %scatter3A_2367 = arith.constant 0 : i32
      %scatter3A_2368 = arith.constant 0 : i32
      %scatter3A_2369 = tpu.memref_slice %arg7[%rem3A_179, %scatter3A_2367, %scatter3A_2368] : memref<4x32x129xf32, #tpu.memory_space<vmem>> -> memref<1x32x129xf32, #tpu.memory_space<vmem>>
      %scatter3A_2370 = tpu.memref_squeeze %scatter3A_2369 : memref<1x32x129xf32, #tpu.memory_space<vmem>> -> memref<32x129xf32, #tpu.memory_space<vmem>>
      tpu.vector_store_idx %scatter3A_2370[%iota3A, %broadcast_in_dim3A_2366], %get3A_2359 : memref<32x129xf32, #tpu.memory_space<vmem>>[vector<16xi32>, vector<16xi32>], vector<16xf32>,
      %scatter3A_2371 = arith.constant 0 : i32
      %scatter3A_2372 = arith.constant 0 : i32
      %scatter3A_2373 = tpu.memref_slice %arg7[%rem3A_179, %scatter3A_2371, %scatter3A_2372] : memref<4x32x129xf32, #tpu.memory_space<vmem>> -> memref<1x32x129xf32, #tpu.memory_space<vmem>>
      %scatter3A_2374 = tpu.memref_squeeze %scatter3A_2373 : memref<1x32x129xf32, #tpu.memory_space<vmem>> -> memref<32x129xf32, #tpu.memory_space<vmem>>
      tpu.vector_store_idx %scatter3A_2374[%add3A_80, %broadcast_in_dim3A_2366], %get3A_2364 : memref<32x129xf32, #tpu.memory_space<vmem>>[vector<16xi32>, vector<16xi32>], vector<16xf32>,
      %get3A_2375 = arith.constant 109 : i32
      %get3A_2376 = arith.index_cast %rem3A_179 : i32 to index
      %get3A_2377 = arith.index_cast %get3A_2375 : i32 to index
      %get3A_2378 = arith.constant 0 : index
      %get3A_2379 = tpu.vector_load %arg6[%get3A_2376, %get3A_2377, %get3A_2378] {strides = array<i32>} : memref<4x128x32xf32, #tpu.memory_space<vmem>>, vector<16xf32>,
      %get3A_2380 = arith.constant 109 : i32
      %get3A_2381 = arith.index_cast %rem3A_179 : i32 to index
      %get3A_2382 = arith.index_cast %get3A_2380 : i32 to index
      %get3A_2383 = arith.constant 16 : index
      %get3A_2384 = tpu.vector_load %arg6[%get3A_2381, %get3A_2382, %get3A_2383] {strides = array<i32>} : memref<4x128x32xf32, #tpu.memory_space<vmem>>, vector<16xf32>,
      %broadcast_in_dim3A_2385 = arith.constant 109 : i32
      %broadcast_in_dim3A_2386 = vector.broadcast %broadcast_in_dim3A_2385 : i32 to vector<16xi32>
      %scatter3A_2387 = arith.constant 0 : i32
      %scatter3A_2388 = arith.constant 0 : i32
      %scatter3A_2389 = tpu.memref_slice %arg7[%rem3A_179, %scatter3A_2387, %scatter3A_2388] : memref<4x32x129xf32, #tpu.memory_space<vmem>> -> memref<1x32x129xf32, #tpu.memory_space<vmem>>
      %scatter3A_2390 = tpu.memref_squeeze %scatter3A_2389 : memref<1x32x129xf32, #tpu.memory_space<vmem>> -> memref<32x129xf32, #tpu.memory_space<vmem>>
      tpu.vector_store_idx %scatter3A_2390[%iota3A, %broadcast_in_dim3A_2386], %get3A_2379 : memref<32x129xf32, #tpu.memory_space<vmem>>[vector<16xi32>, vector<16xi32>], vector<16xf32>,
      %scatter3A_2391 = arith.constant 0 : i32
      %scatter3A_2392 = arith.constant 0 : i32
      %scatter3A_2393 = tpu.memref_slice %arg7[%rem3A_179, %scatter3A_2391, %scatter3A_2392] : memref<4x32x129xf32, #tpu.memory_space<vmem>> -> memref<1x32x129xf32, #tpu.memory_space<vmem>>
      %scatter3A_2394 = tpu.memref_squeeze %scatter3A_2393 : memref<1x32x129xf32, #tpu.memory_space<vmem>> -> memref<32x129xf32, #tpu.memory_space<vmem>>
      tpu.vector_store_idx %scatter3A_2394[%add3A_80, %broadcast_in_dim3A_2386], %get3A_2384 : memref<32x129xf32, #tpu.memory_space<vmem>>[vector<16xi32>, vector<16xi32>], vector<16xf32>,
      %get3A_2395 = arith.constant 110 : i32
      %get3A_2396 = arith.index_cast %rem3A_179 : i32 to index
      %get3A_2397 = arith.index_cast %get3A_2395 : i32 to index
      %get3A_2398 = arith.constant 0 : index
      %get3A_2399 = tpu.vector_load %arg6[%get3A_2396, %get3A_2397, %get3A_2398] {strides = array<i32>} : memref<4x128x32xf32, #tpu.memory_space<vmem>>, vector<16xf32>,
      %get3A_2400 = arith.constant 110 : i32
      %get3A_2401 = arith.index_cast %rem3A_179 : i32 to index
      %get3A_2402 = arith.index_cast %get3A_2400 : i32 to index
      %get3A_2403 = arith.constant 16 : index
      %get3A_2404 = tpu.vector_load %arg6[%get3A_2401, %get3A_2402, %get3A_2403] {strides = array<i32>} : memref<4x128x32xf32, #tpu.memory_space<vmem>>, vector<16xf32>,
      %broadcast_in_dim3A_2405 = arith.constant 110 : i32
      %broadcast_in_dim3A_2406 = vector.broadcast %broadcast_in_dim3A_2405 : i32 to vector<16xi32>
      %scatter3A_2407 = arith.constant 0 : i32
      %scatter3A_2408 = arith.constant 0 : i32
      %scatter3A_2409 = tpu.memref_slice %arg7[%rem3A_179, %scatter3A_2407, %scatter3A_2408] : memref<4x32x129xf32, #tpu.memory_space<vmem>> -> memref<1x32x129xf32, #tpu.memory_space<vmem>>
      %scatter3A_2410 = tpu.memref_squeeze %scatter3A_2409 : memref<1x32x129xf32, #tpu.memory_space<vmem>> -> memref<32x129xf32, #tpu.memory_space<vmem>>
      tpu.vector_store_idx %scatter3A_2410[%iota3A, %broadcast_in_dim3A_2406], %get3A_2399 : memref<32x129xf32, #tpu.memory_space<vmem>>[vector<16xi32>, vector<16xi32>], vector<16xf32>,
      %scatter3A_2411 = arith.constant 0 : i32
      %scatter3A_2412 = arith.constant 0 : i32
      %scatter3A_2413 = tpu.memref_slice %arg7[%rem3A_179, %scatter3A_2411, %scatter3A_2412] : memref<4x32x129xf32, #tpu.memory_space<vmem>> -> memref<1x32x129xf32, #tpu.memory_space<vmem>>
      %scatter3A_2414 = tpu.memref_squeeze %scatter3A_2413 : memref<1x32x129xf32, #tpu.memory_space<vmem>> -> memref<32x129xf32, #tpu.memory_space<vmem>>
      tpu.vector_store_idx %scatter3A_2414[%add3A_80, %broadcast_in_dim3A_2406], %get3A_2404 : memref<32x129xf32, #tpu.memory_space<vmem>>[vector<16xi32>, vector<16xi32>], vector<16xf32>,
      %get3A_2415 = arith.constant 111 : i32
      %get3A_2416 = arith.index_cast %rem3A_179 : i32 to index
      %get3A_2417 = arith.index_cast %get3A_2415 : i32 to index
      %get3A_2418 = arith.constant 0 : index
      %get3A_2419 = tpu.vector_load %arg6[%get3A_2416, %get3A_2417, %get3A_2418] {strides = array<i32>} : memref<4x128x32xf32, #tpu.memory_space<vmem>>, vector<16xf32>,
      %get3A_2420 = arith.constant 111 : i32
      %get3A_2421 = arith.index_cast %rem3A_179 : i32 to index
      %get3A_2422 = arith.index_cast %get3A_2420 : i32 to index
      %get3A_2423 = arith.constant 16 : index
      %get3A_2424 = tpu.vector_load %arg6[%get3A_2421, %get3A_2422, %get3A_2423] {strides = array<i32>} : memref<4x128x32xf32, #tpu.memory_space<vmem>>, vector<16xf32>,
      %broadcast_in_dim3A_2425 = arith.constant 111 : i32
      %broadcast_in_dim3A_2426 = vector.broadcast %broadcast_in_dim3A_2425 : i32 to vector<16xi32>
      %scatter3A_2427 = arith.constant 0 : i32
      %scatter3A_2428 = arith.constant 0 : i32
      %scatter3A_2429 = tpu.memref_slice %arg7[%rem3A_179, %scatter3A_2427, %scatter3A_2428] : memref<4x32x129xf32, #tpu.memory_space<vmem>> -> memref<1x32x129xf32, #tpu.memory_space<vmem>>
      %scatter3A_2430 = tpu.memref_squeeze %scatter3A_2429 : memref<1x32x129xf32, #tpu.memory_space<vmem>> -> memref<32x129xf32, #tpu.memory_space<vmem>>
      tpu.vector_store_idx %scatter3A_2430[%iota3A, %broadcast_in_dim3A_2426], %get3A_2419 : memref<32x129xf32, #tpu.memory_space<vmem>>[vector<16xi32>, vector<16xi32>], vector<16xf32>,
      %scatter3A_2431 = arith.constant 0 : i32
      %scatter3A_2432 = arith.constant 0 : i32
      %scatter3A_2433 = tpu.memref_slice %arg7[%rem3A_179, %scatter3A_2431, %scatter3A_2432] : memref<4x32x129xf32, #tpu.memory_space<vmem>> -> memref<1x32x129xf32, #tpu.memory_space<vmem>>
      %scatter3A_2434 = tpu.memref_squeeze %scatter3A_2433 : memref<1x32x129xf32, #tpu.memory_space<vmem>> -> memref<32x129xf32, #tpu.memory_space<vmem>>
      tpu.vector_store_idx %scatter3A_2434[%add3A_80, %broadcast_in_dim3A_2426], %get3A_2424 : memref<32x129xf32, #tpu.memory_space<vmem>>[vector<16xi32>, vector<16xi32>], vector<16xf32>,
      %get3A_2435 = arith.constant 112 : i32
      %get3A_2436 = arith.index_cast %rem3A_179 : i32 to index
      %get3A_2437 = arith.index_cast %get3A_2435 : i32 to index
      %get3A_2438 = arith.constant 0 : index
      %get3A_2439 = tpu.vector_load %arg6[%get3A_2436, %get3A_2437, %get3A_2438] {strides = array<i32>} : memref<4x128x32xf32, #tpu.memory_space<vmem>>, vector<16xf32>,
      %get3A_2440 = arith.constant 112 : i32
      %get3A_2441 = arith.index_cast %rem3A_179 : i32 to index
      %get3A_2442 = arith.index_cast %get3A_2440 : i32 to index
      %get3A_2443 = arith.constant 16 : index
      %get3A_2444 = tpu.vector_load %arg6[%get3A_2441, %get3A_2442, %get3A_2443] {strides = array<i32>} : memref<4x128x32xf32, #tpu.memory_space<vmem>>, vector<16xf32>,
      %broadcast_in_dim3A_2445 = arith.constant 112 : i32
      %broadcast_in_dim3A_2446 = vector.broadcast %broadcast_in_dim3A_2445 : i32 to vector<16xi32>
      %scatter3A_2447 = arith.constant 0 : i32
      %scatter3A_2448 = arith.constant 0 : i32
      %scatter3A_2449 = tpu.memref_slice %arg7[%rem3A_179, %scatter3A_2447, %scatter3A_2448] : memref<4x32x129xf32, #tpu.memory_space<vmem>> -> memref<1x32x129xf32, #tpu.memory_space<vmem>>
      %scatter3A_2450 = tpu.memref_squeeze %scatter3A_2449 : memref<1x32x129xf32, #tpu.memory_space<vmem>> -> memref<32x129xf32, #tpu.memory_space<vmem>>
      tpu.vector_store_idx %scatter3A_2450[%iota3A, %broadcast_in_dim3A_2446], %get3A_2439 : memref<32x129xf32, #tpu.memory_space<vmem>>[vector<16xi32>, vector<16xi32>], vector<16xf32>,
      %scatter3A_2451 = arith.constant 0 : i32
      %scatter3A_2452 = arith.constant 0 : i32
      %scatter3A_2453 = tpu.memref_slice %arg7[%rem3A_179, %scatter3A_2451, %scatter3A_2452] : memref<4x32x129xf32, #tpu.memory_space<vmem>> -> memref<1x32x129xf32, #tpu.memory_space<vmem>>
      %scatter3A_2454 = tpu.memref_squeeze %scatter3A_2453 : memref<1x32x129xf32, #tpu.memory_space<vmem>> -> memref<32x129xf32, #tpu.memory_space<vmem>>
      tpu.vector_store_idx %scatter3A_2454[%add3A_80, %broadcast_in_dim3A_2446], %get3A_2444 : memref<32x129xf32, #tpu.memory_space<vmem>>[vector<16xi32>, vector<16xi32>], vector<16xf32>,
      %get3A_2455 = arith.constant 113 : i32
      %get3A_2456 = arith.index_cast %rem3A_179 : i32 to index
      %get3A_2457 = arith.index_cast %get3A_2455 : i32 to index
      %get3A_2458 = arith.constant 0 : index
      %get3A_2459 = tpu.vector_load %arg6[%get3A_2456, %get3A_2457, %get3A_2458] {strides = array<i32>} : memref<4x128x32xf32, #tpu.memory_space<vmem>>, vector<16xf32>,
      %get3A_2460 = arith.constant 113 : i32
      %get3A_2461 = arith.index_cast %rem3A_179 : i32 to index
      %get3A_2462 = arith.index_cast %get3A_2460 : i32 to index
      %get3A_2463 = arith.constant 16 : index
      %get3A_2464 = tpu.vector_load %arg6[%get3A_2461, %get3A_2462, %get3A_2463] {strides = array<i32>} : memref<4x128x32xf32, #tpu.memory_space<vmem>>, vector<16xf32>,
      %broadcast_in_dim3A_2465 = arith.constant 113 : i32
      %broadcast_in_dim3A_2466 = vector.broadcast %broadcast_in_dim3A_2465 : i32 to vector<16xi32>
      %scatter3A_2467 = arith.constant 0 : i32
      %scatter3A_2468 = arith.constant 0 : i32
      %scatter3A_2469 = tpu.memref_slice %arg7[%rem3A_179, %scatter3A_2467, %scatter3A_2468] : memref<4x32x129xf32, #tpu.memory_space<vmem>> -> memref<1x32x129xf32, #tpu.memory_space<vmem>>
      %scatter3A_2470 = tpu.memref_squeeze %scatter3A_2469 : memref<1x32x129xf32, #tpu.memory_space<vmem>> -> memref<32x129xf32, #tpu.memory_space<vmem>>
      tpu.vector_store_idx %scatter3A_2470[%iota3A, %broadcast_in_dim3A_2466], %get3A_2459 : memref<32x129xf32, #tpu.memory_space<vmem>>[vector<16xi32>, vector<16xi32>], vector<16xf32>,
      %scatter3A_2471 = arith.constant 0 : i32
      %scatter3A_2472 = arith.constant 0 : i32
      %scatter3A_2473 = tpu.memref_slice %arg7[%rem3A_179, %scatter3A_2471, %scatter3A_2472] : memref<4x32x129xf32, #tpu.memory_space<vmem>> -> memref<1x32x129xf32, #tpu.memory_space<vmem>>
      %scatter3A_2474 = tpu.memref_squeeze %scatter3A_2473 : memref<1x32x129xf32, #tpu.memory_space<vmem>> -> memref<32x129xf32, #tpu.memory_space<vmem>>
      tpu.vector_store_idx %scatter3A_2474[%add3A_80, %broadcast_in_dim3A_2466], %get3A_2464 : memref<32x129xf32, #tpu.memory_space<vmem>>[vector<16xi32>, vector<16xi32>], vector<16xf32>,
      %get3A_2475 = arith.constant 114 : i32
      %get3A_2476 = arith.index_cast %rem3A_179 : i32 to index
      %get3A_2477 = arith.index_cast %get3A_2475 : i32 to index
      %get3A_2478 = arith.constant 0 : index
      %get3A_2479 = tpu.vector_load %arg6[%get3A_2476, %get3A_2477, %get3A_2478] {strides = array<i32>} : memref<4x128x32xf32, #tpu.memory_space<vmem>>, vector<16xf32>,
      %get3A_2480 = arith.constant 114 : i32
      %get3A_2481 = arith.index_cast %rem3A_179 : i32 to index
      %get3A_2482 = arith.index_cast %get3A_2480 : i32 to index
      %get3A_2483 = arith.constant 16 : index
      %get3A_2484 = tpu.vector_load %arg6[%get3A_2481, %get3A_2482, %get3A_2483] {strides = array<i32>} : memref<4x128x32xf32, #tpu.memory_space<vmem>>, vector<16xf32>,
      %broadcast_in_dim3A_2485 = arith.constant 114 : i32
      %broadcast_in_dim3A_2486 = vector.broadcast %broadcast_in_dim3A_2485 : i32 to vector<16xi32>
      %scatter3A_2487 = arith.constant 0 : i32
      %scatter3A_2488 = arith.constant 0 : i32
      %scatter3A_2489 = tpu.memref_slice %arg7[%rem3A_179, %scatter3A_2487, %scatter3A_2488] : memref<4x32x129xf32, #tpu.memory_space<vmem>> -> memref<1x32x129xf32, #tpu.memory_space<vmem>>
      %scatter3A_2490 = tpu.memref_squeeze %scatter3A_2489 : memref<1x32x129xf32, #tpu.memory_space<vmem>> -> memref<32x129xf32, #tpu.memory_space<vmem>>
      tpu.vector_store_idx %scatter3A_2490[%iota3A, %broadcast_in_dim3A_2486], %get3A_2479 : memref<32x129xf32, #tpu.memory_space<vmem>>[vector<16xi32>, vector<16xi32>], vector<16xf32>,
      %scatter3A_2491 = arith.constant 0 : i32
      %scatter3A_2492 = arith.constant 0 : i32
      %scatter3A_2493 = tpu.memref_slice %arg7[%rem3A_179, %scatter3A_2491, %scatter3A_2492] : memref<4x32x129xf32, #tpu.memory_space<vmem>> -> memref<1x32x129xf32, #tpu.memory_space<vmem>>
      %scatter3A_2494 = tpu.memref_squeeze %scatter3A_2493 : memref<1x32x129xf32, #tpu.memory_space<vmem>> -> memref<32x129xf32, #tpu.memory_space<vmem>>
      tpu.vector_store_idx %scatter3A_2494[%add3A_80, %broadcast_in_dim3A_2486], %get3A_2484 : memref<32x129xf32, #tpu.memory_space<vmem>>[vector<16xi32>, vector<16xi32>], vector<16xf32>,
      %get3A_2495 = arith.constant 115 : i32
      %get3A_2496 = arith.index_cast %rem3A_179 : i32 to index
      %get3A_2497 = arith.index_cast %get3A_2495 : i32 to index
      %get3A_2498 = arith.constant 0 : index
      %get3A_2499 = tpu.vector_load %arg6[%get3A_2496, %get3A_2497, %get3A_2498] {strides = array<i32>} : memref<4x128x32xf32, #tpu.memory_space<vmem>>, vector<16xf32>,
      %get3A_2500 = arith.constant 115 : i32
      %get3A_2501 = arith.index_cast %rem3A_179 : i32 to index
      %get3A_2502 = arith.index_cast %get3A_2500 : i32 to index
      %get3A_2503 = arith.constant 16 : index
      %get3A_2504 = tpu.vector_load %arg6[%get3A_2501, %get3A_2502, %get3A_2503] {strides = array<i32>} : memref<4x128x32xf32, #tpu.memory_space<vmem>>, vector<16xf32>,
      %broadcast_in_dim3A_2505 = arith.constant 115 : i32
      %broadcast_in_dim3A_2506 = vector.broadcast %broadcast_in_dim3A_2505 : i32 to vector<16xi32>
      %scatter3A_2507 = arith.constant 0 : i32
      %scatter3A_2508 = arith.constant 0 : i32
      %scatter3A_2509 = tpu.memref_slice %arg7[%rem3A_179, %scatter3A_2507, %scatter3A_2508] : memref<4x32x129xf32, #tpu.memory_space<vmem>> -> memref<1x32x129xf32, #tpu.memory_space<vmem>>
      %scatter3A_2510 = tpu.memref_squeeze %scatter3A_2509 : memref<1x32x129xf32, #tpu.memory_space<vmem>> -> memref<32x129xf32, #tpu.memory_space<vmem>>
      tpu.vector_store_idx %scatter3A_2510[%iota3A, %broadcast_in_dim3A_2506], %get3A_2499 : memref<32x129xf32, #tpu.memory_space<vmem>>[vector<16xi32>, vector<16xi32>], vector<16xf32>,
      %scatter3A_2511 = arith.constant 0 : i32
      %scatter3A_2512 = arith.constant 0 : i32
      %scatter3A_2513 = tpu.memref_slice %arg7[%rem3A_179, %scatter3A_2511, %scatter3A_2512] : memref<4x32x129xf32, #tpu.memory_space<vmem>> -> memref<1x32x129xf32, #tpu.memory_space<vmem>>
      %scatter3A_2514 = tpu.memref_squeeze %scatter3A_2513 : memref<1x32x129xf32, #tpu.memory_space<vmem>> -> memref<32x129xf32, #tpu.memory_space<vmem>>
      tpu.vector_store_idx %scatter3A_2514[%add3A_80, %broadcast_in_dim3A_2506], %get3A_2504 : memref<32x129xf32, #tpu.memory_space<vmem>>[vector<16xi32>, vector<16xi32>], vector<16xf32>,
      %get3A_2515 = arith.constant 116 : i32
      %get3A_2516 = arith.index_cast %rem3A_179 : i32 to index
      %get3A_2517 = arith.index_cast %get3A_2515 : i32 to index
      %get3A_2518 = arith.constant 0 : index
      %get3A_2519 = tpu.vector_load %arg6[%get3A_2516, %get3A_2517, %get3A_2518] {strides = array<i32>} : memref<4x128x32xf32, #tpu.memory_space<vmem>>, vector<16xf32>,
      %get3A_2520 = arith.constant 116 : i32
      %get3A_2521 = arith.index_cast %rem3A_179 : i32 to index
      %get3A_2522 = arith.index_cast %get3A_2520 : i32 to index
      %get3A_2523 = arith.constant 16 : index
      %get3A_2524 = tpu.vector_load %arg6[%get3A_2521, %get3A_2522, %get3A_2523] {strides = array<i32>} : memref<4x128x32xf32, #tpu.memory_space<vmem>>, vector<16xf32>,
      %broadcast_in_dim3A_2525 = arith.constant 116 : i32
      %broadcast_in_dim3A_2526 = vector.broadcast %broadcast_in_dim3A_2525 : i32 to vector<16xi32>
      %scatter3A_2527 = arith.constant 0 : i32
      %scatter3A_2528 = arith.constant 0 : i32
      %scatter3A_2529 = tpu.memref_slice %arg7[%rem3A_179, %scatter3A_2527, %scatter3A_2528] : memref<4x32x129xf32, #tpu.memory_space<vmem>> -> memref<1x32x129xf32, #tpu.memory_space<vmem>>
      %scatter3A_2530 = tpu.memref_squeeze %scatter3A_2529 : memref<1x32x129xf32, #tpu.memory_space<vmem>> -> memref<32x129xf32, #tpu.memory_space<vmem>>
      tpu.vector_store_idx %scatter3A_2530[%iota3A, %broadcast_in_dim3A_2526], %get3A_2519 : memref<32x129xf32, #tpu.memory_space<vmem>>[vector<16xi32>, vector<16xi32>], vector<16xf32>,
      %scatter3A_2531 = arith.constant 0 : i32
      %scatter3A_2532 = arith.constant 0 : i32
      %scatter3A_2533 = tpu.memref_slice %arg7[%rem3A_179, %scatter3A_2531, %scatter3A_2532] : memref<4x32x129xf32, #tpu.memory_space<vmem>> -> memref<1x32x129xf32, #tpu.memory_space<vmem>>
      %scatter3A_2534 = tpu.memref_squeeze %scatter3A_2533 : memref<1x32x129xf32, #tpu.memory_space<vmem>> -> memref<32x129xf32, #tpu.memory_space<vmem>>
      tpu.vector_store_idx %scatter3A_2534[%add3A_80, %broadcast_in_dim3A_2526], %get3A_2524 : memref<32x129xf32, #tpu.memory_space<vmem>>[vector<16xi32>, vector<16xi32>], vector<16xf32>,
      %get3A_2535 = arith.constant 117 : i32
      %get3A_2536 = arith.index_cast %rem3A_179 : i32 to index
      %get3A_2537 = arith.index_cast %get3A_2535 : i32 to index
      %get3A_2538 = arith.constant 0 : index
      %get3A_2539 = tpu.vector_load %arg6[%get3A_2536, %get3A_2537, %get3A_2538] {strides = array<i32>} : memref<4x128x32xf32, #tpu.memory_space<vmem>>, vector<16xf32>,
      %get3A_2540 = arith.constant 117 : i32
      %get3A_2541 = arith.index_cast %rem3A_179 : i32 to index
      %get3A_2542 = arith.index_cast %get3A_2540 : i32 to index
      %get3A_2543 = arith.constant 16 : index
      %get3A_2544 = tpu.vector_load %arg6[%get3A_2541, %get3A_2542, %get3A_2543] {strides = array<i32>} : memref<4x128x32xf32, #tpu.memory_space<vmem>>, vector<16xf32>,
      %broadcast_in_dim3A_2545 = arith.constant 117 : i32
      %broadcast_in_dim3A_2546 = vector.broadcast %broadcast_in_dim3A_2545 : i32 to vector<16xi32>
      %scatter3A_2547 = arith.constant 0 : i32
      %scatter3A_2548 = arith.constant 0 : i32
      %scatter3A_2549 = tpu.memref_slice %arg7[%rem3A_179, %scatter3A_2547, %scatter3A_2548] : memref<4x32x129xf32, #tpu.memory_space<vmem>> -> memref<1x32x129xf32, #tpu.memory_space<vmem>>
      %scatter3A_2550 = tpu.memref_squeeze %scatter3A_2549 : memref<1x32x129xf32, #tpu.memory_space<vmem>> -> memref<32x129xf32, #tpu.memory_space<vmem>>
      tpu.vector_store_idx %scatter3A_2550[%iota3A, %broadcast_in_dim3A_2546], %get3A_2539 : memref<32x129xf32, #tpu.memory_space<vmem>>[vector<16xi32>, vector<16xi32>], vector<16xf32>,
      %scatter3A_2551 = arith.constant 0 : i32
      %scatter3A_2552 = arith.constant 0 : i32
      %scatter3A_2553 = tpu.memref_slice %arg7[%rem3A_179, %scatter3A_2551, %scatter3A_2552] : memref<4x32x129xf32, #tpu.memory_space<vmem>> -> memref<1x32x129xf32, #tpu.memory_space<vmem>>
      %scatter3A_2554 = tpu.memref_squeeze %scatter3A_2553 : memref<1x32x129xf32, #tpu.memory_space<vmem>> -> memref<32x129xf32, #tpu.memory_space<vmem>>
      tpu.vector_store_idx %scatter3A_2554[%add3A_80, %broadcast_in_dim3A_2546], %get3A_2544 : memref<32x129xf32, #tpu.memory_space<vmem>>[vector<16xi32>, vector<16xi32>], vector<16xf32>,
      %get3A_2555 = arith.constant 118 : i32
      %get3A_2556 = arith.index_cast %rem3A_179 : i32 to index
      %get3A_2557 = arith.index_cast %get3A_2555 : i32 to index
      %get3A_2558 = arith.constant 0 : index
      %get3A_2559 = tpu.vector_load %arg6[%get3A_2556, %get3A_2557, %get3A_2558] {strides = array<i32>} : memref<4x128x32xf32, #tpu.memory_space<vmem>>, vector<16xf32>,
      %get3A_2560 = arith.constant 118 : i32
      %get3A_2561 = arith.index_cast %rem3A_179 : i32 to index
      %get3A_2562 = arith.index_cast %get3A_2560 : i32 to index
      %get3A_2563 = arith.constant 16 : index
      %get3A_2564 = tpu.vector_load %arg6[%get3A_2561, %get3A_2562, %get3A_2563] {strides = array<i32>} : memref<4x128x32xf32, #tpu.memory_space<vmem>>, vector<16xf32>,
      %broadcast_in_dim3A_2565 = arith.constant 118 : i32
      %broadcast_in_dim3A_2566 = vector.broadcast %broadcast_in_dim3A_2565 : i32 to vector<16xi32>
      %scatter3A_2567 = arith.constant 0 : i32
      %scatter3A_2568 = arith.constant 0 : i32
      %scatter3A_2569 = tpu.memref_slice %arg7[%rem3A_179, %scatter3A_2567, %scatter3A_2568] : memref<4x32x129xf32, #tpu.memory_space<vmem>> -> memref<1x32x129xf32, #tpu.memory_space<vmem>>
      %scatter3A_2570 = tpu.memref_squeeze %scatter3A_2569 : memref<1x32x129xf32, #tpu.memory_space<vmem>> -> memref<32x129xf32, #tpu.memory_space<vmem>>
      tpu.vector_store_idx %scatter3A_2570[%iota3A, %broadcast_in_dim3A_2566], %get3A_2559 : memref<32x129xf32, #tpu.memory_space<vmem>>[vector<16xi32>, vector<16xi32>], vector<16xf32>,
      %scatter3A_2571 = arith.constant 0 : i32
      %scatter3A_2572 = arith.constant 0 : i32
      %scatter3A_2573 = tpu.memref_slice %arg7[%rem3A_179, %scatter3A_2571, %scatter3A_2572] : memref<4x32x129xf32, #tpu.memory_space<vmem>> -> memref<1x32x129xf32, #tpu.memory_space<vmem>>
      %scatter3A_2574 = tpu.memref_squeeze %scatter3A_2573 : memref<1x32x129xf32, #tpu.memory_space<vmem>> -> memref<32x129xf32, #tpu.memory_space<vmem>>
      tpu.vector_store_idx %scatter3A_2574[%add3A_80, %broadcast_in_dim3A_2566], %get3A_2564 : memref<32x129xf32, #tpu.memory_space<vmem>>[vector<16xi32>, vector<16xi32>], vector<16xf32>,
      %get3A_2575 = arith.constant 119 : i32
      %get3A_2576 = arith.index_cast %rem3A_179 : i32 to index
      %get3A_2577 = arith.index_cast %get3A_2575 : i32 to index
      %get3A_2578 = arith.constant 0 : index
      %get3A_2579 = tpu.vector_load %arg6[%get3A_2576, %get3A_2577, %get3A_2578] {strides = array<i32>} : memref<4x128x32xf32, #tpu.memory_space<vmem>>, vector<16xf32>,
      %get3A_2580 = arith.constant 119 : i32
      %get3A_2581 = arith.index_cast %rem3A_179 : i32 to index
      %get3A_2582 = arith.index_cast %get3A_2580 : i32 to index
      %get3A_2583 = arith.constant 16 : index
      %get3A_2584 = tpu.vector_load %arg6[%get3A_2581, %get3A_2582, %get3A_2583] {strides = array<i32>} : memref<4x128x32xf32, #tpu.memory_space<vmem>>, vector<16xf32>,
      %broadcast_in_dim3A_2585 = arith.constant 119 : i32
      %broadcast_in_dim3A_2586 = vector.broadcast %broadcast_in_dim3A_2585 : i32 to vector<16xi32>
      %scatter3A_2587 = arith.constant 0 : i32
      %scatter3A_2588 = arith.constant 0 : i32
      %scatter3A_2589 = tpu.memref_slice %arg7[%rem3A_179, %scatter3A_2587, %scatter3A_2588] : memref<4x32x129xf32, #tpu.memory_space<vmem>> -> memref<1x32x129xf32, #tpu.memory_space<vmem>>
      %scatter3A_2590 = tpu.memref_squeeze %scatter3A_2589 : memref<1x32x129xf32, #tpu.memory_space<vmem>> -> memref<32x129xf32, #tpu.memory_space<vmem>>
      tpu.vector_store_idx %scatter3A_2590[%iota3A, %broadcast_in_dim3A_2586], %get3A_2579 : memref<32x129xf32, #tpu.memory_space<vmem>>[vector<16xi32>, vector<16xi32>], vector<16xf32>,
      %scatter3A_2591 = arith.constant 0 : i32
      %scatter3A_2592 = arith.constant 0 : i32
      %scatter3A_2593 = tpu.memref_slice %arg7[%rem3A_179, %scatter3A_2591, %scatter3A_2592] : memref<4x32x129xf32, #tpu.memory_space<vmem>> -> memref<1x32x129xf32, #tpu.memory_space<vmem>>
      %scatter3A_2594 = tpu.memref_squeeze %scatter3A_2593 : memref<1x32x129xf32, #tpu.memory_space<vmem>> -> memref<32x129xf32, #tpu.memory_space<vmem>>
      tpu.vector_store_idx %scatter3A_2594[%add3A_80, %broadcast_in_dim3A_2586], %get3A_2584 : memref<32x129xf32, #tpu.memory_space<vmem>>[vector<16xi32>, vector<16xi32>], vector<16xf32>,
      %get3A_2595 = arith.constant 120 : i32
      %get3A_2596 = arith.index_cast %rem3A_179 : i32 to index
      %get3A_2597 = arith.index_cast %get3A_2595 : i32 to index
      %get3A_2598 = arith.constant 0 : index
      %get3A_2599 = tpu.vector_load %arg6[%get3A_2596, %get3A_2597, %get3A_2598] {strides = array<i32>} : memref<4x128x32xf32, #tpu.memory_space<vmem>>, vector<16xf32>,
      %get3A_2600 = arith.constant 120 : i32
      %get3A_2601 = arith.index_cast %rem3A_179 : i32 to index
      %get3A_2602 = arith.index_cast %get3A_2600 : i32 to index
      %get3A_2603 = arith.constant 16 : index
      %get3A_2604 = tpu.vector_load %arg6[%get3A_2601, %get3A_2602, %get3A_2603] {strides = array<i32>} : memref<4x128x32xf32, #tpu.memory_space<vmem>>, vector<16xf32>,
      %broadcast_in_dim3A_2605 = arith.constant 120 : i32
      %broadcast_in_dim3A_2606 = vector.broadcast %broadcast_in_dim3A_2605 : i32 to vector<16xi32>
      %scatter3A_2607 = arith.constant 0 : i32
      %scatter3A_2608 = arith.constant 0 : i32
      %scatter3A_2609 = tpu.memref_slice %arg7[%rem3A_179, %scatter3A_2607, %scatter3A_2608] : memref<4x32x129xf32, #tpu.memory_space<vmem>> -> memref<1x32x129xf32, #tpu.memory_space<vmem>>
      %scatter3A_2610 = tpu.memref_squeeze %scatter3A_2609 : memref<1x32x129xf32, #tpu.memory_space<vmem>> -> memref<32x129xf32, #tpu.memory_space<vmem>>
      tpu.vector_store_idx %scatter3A_2610[%iota3A, %broadcast_in_dim3A_2606], %get3A_2599 : memref<32x129xf32, #tpu.memory_space<vmem>>[vector<16xi32>, vector<16xi32>], vector<16xf32>,
      %scatter3A_2611 = arith.constant 0 : i32
      %scatter3A_2612 = arith.constant 0 : i32
      %scatter3A_2613 = tpu.memref_slice %arg7[%rem3A_179, %scatter3A_2611, %scatter3A_2612] : memref<4x32x129xf32, #tpu.memory_space<vmem>> -> memref<1x32x129xf32, #tpu.memory_space<vmem>>
      %scatter3A_2614 = tpu.memref_squeeze %scatter3A_2613 : memref<1x32x129xf32, #tpu.memory_space<vmem>> -> memref<32x129xf32, #tpu.memory_space<vmem>>
      tpu.vector_store_idx %scatter3A_2614[%add3A_80, %broadcast_in_dim3A_2606], %get3A_2604 : memref<32x129xf32, #tpu.memory_space<vmem>>[vector<16xi32>, vector<16xi32>], vector<16xf32>,
      %get3A_2615 = arith.constant 121 : i32
      %get3A_2616 = arith.index_cast %rem3A_179 : i32 to index
      %get3A_2617 = arith.index_cast %get3A_2615 : i32 to index
      %get3A_2618 = arith.constant 0 : index
      %get3A_2619 = tpu.vector_load %arg6[%get3A_2616, %get3A_2617, %get3A_2618] {strides = array<i32>} : memref<4x128x32xf32, #tpu.memory_space<vmem>>, vector<16xf32>,
      %get3A_2620 = arith.constant 121 : i32
      %get3A_2621 = arith.index_cast %rem3A_179 : i32 to index
      %get3A_2622 = arith.index_cast %get3A_2620 : i32 to index
      %get3A_2623 = arith.constant 16 : index
      %get3A_2624 = tpu.vector_load %arg6[%get3A_2621, %get3A_2622, %get3A_2623] {strides = array<i32>} : memref<4x128x32xf32, #tpu.memory_space<vmem>>, vector<16xf32>,
      %broadcast_in_dim3A_2625 = arith.constant 121 : i32
      %broadcast_in_dim3A_2626 = vector.broadcast %broadcast_in_dim3A_2625 : i32 to vector<16xi32>
      %scatter3A_2627 = arith.constant 0 : i32
      %scatter3A_2628 = arith.constant 0 : i32
      %scatter3A_2629 = tpu.memref_slice %arg7[%rem3A_179, %scatter3A_2627, %scatter3A_2628] : memref<4x32x129xf32, #tpu.memory_space<vmem>> -> memref<1x32x129xf32, #tpu.memory_space<vmem>>
      %scatter3A_2630 = tpu.memref_squeeze %scatter3A_2629 : memref<1x32x129xf32, #tpu.memory_space<vmem>> -> memref<32x129xf32, #tpu.memory_space<vmem>>
      tpu.vector_store_idx %scatter3A_2630[%iota3A, %broadcast_in_dim3A_2626], %get3A_2619 : memref<32x129xf32, #tpu.memory_space<vmem>>[vector<16xi32>, vector<16xi32>], vector<16xf32>,
      %scatter3A_2631 = arith.constant 0 : i32
      %scatter3A_2632 = arith.constant 0 : i32
      %scatter3A_2633 = tpu.memref_slice %arg7[%rem3A_179, %scatter3A_2631, %scatter3A_2632] : memref<4x32x129xf32, #tpu.memory_space<vmem>> -> memref<1x32x129xf32, #tpu.memory_space<vmem>>
      %scatter3A_2634 = tpu.memref_squeeze %scatter3A_2633 : memref<1x32x129xf32, #tpu.memory_space<vmem>> -> memref<32x129xf32, #tpu.memory_space<vmem>>
      tpu.vector_store_idx %scatter3A_2634[%add3A_80, %broadcast_in_dim3A_2626], %get3A_2624 : memref<32x129xf32, #tpu.memory_space<vmem>>[vector<16xi32>, vector<16xi32>], vector<16xf32>,
      %get3A_2635 = arith.constant 122 : i32
      %get3A_2636 = arith.index_cast %rem3A_179 : i32 to index
      %get3A_2637 = arith.index_cast %get3A_2635 : i32 to index
      %get3A_2638 = arith.constant 0 : index
      %get3A_2639 = tpu.vector_load %arg6[%get3A_2636, %get3A_2637, %get3A_2638] {strides = array<i32>} : memref<4x128x32xf32, #tpu.memory_space<vmem>>, vector<16xf32>,
      %get3A_2640 = arith.constant 122 : i32
      %get3A_2641 = arith.index_cast %rem3A_179 : i32 to index
      %get3A_2642 = arith.index_cast %get3A_2640 : i32 to index
      %get3A_2643 = arith.constant 16 : index
      %get3A_2644 = tpu.vector_load %arg6[%get3A_2641, %get3A_2642, %get3A_2643] {strides = array<i32>} : memref<4x128x32xf32, #tpu.memory_space<vmem>>, vector<16xf32>,
      %broadcast_in_dim3A_2645 = arith.constant 122 : i32
      %broadcast_in_dim3A_2646 = vector.broadcast %broadcast_in_dim3A_2645 : i32 to vector<16xi32>
      %scatter3A_2647 = arith.constant 0 : i32
      %scatter3A_2648 = arith.constant 0 : i32
      %scatter3A_2649 = tpu.memref_slice %arg7[%rem3A_179, %scatter3A_2647, %scatter3A_2648] : memref<4x32x129xf32, #tpu.memory_space<vmem>> -> memref<1x32x129xf32, #tpu.memory_space<vmem>>
      %scatter3A_2650 = tpu.memref_squeeze %scatter3A_2649 : memref<1x32x129xf32, #tpu.memory_space<vmem>> -> memref<32x129xf32, #tpu.memory_space<vmem>>
      tpu.vector_store_idx %scatter3A_2650[%iota3A, %broadcast_in_dim3A_2646], %get3A_2639 : memref<32x129xf32, #tpu.memory_space<vmem>>[vector<16xi32>, vector<16xi32>], vector<16xf32>,
      %scatter3A_2651 = arith.constant 0 : i32
      %scatter3A_2652 = arith.constant 0 : i32
      %scatter3A_2653 = tpu.memref_slice %arg7[%rem3A_179, %scatter3A_2651, %scatter3A_2652] : memref<4x32x129xf32, #tpu.memory_space<vmem>> -> memref<1x32x129xf32, #tpu.memory_space<vmem>>
      %scatter3A_2654 = tpu.memref_squeeze %scatter3A_2653 : memref<1x32x129xf32, #tpu.memory_space<vmem>> -> memref<32x129xf32, #tpu.memory_space<vmem>>
      tpu.vector_store_idx %scatter3A_2654[%add3A_80, %broadcast_in_dim3A_2646], %get3A_2644 : memref<32x129xf32, #tpu.memory_space<vmem>>[vector<16xi32>, vector<16xi32>], vector<16xf32>,
      %get3A_2655 = arith.constant 123 : i32
      %get3A_2656 = arith.index_cast %rem3A_179 : i32 to index
      %get3A_2657 = arith.index_cast %get3A_2655 : i32 to index
      %get3A_2658 = arith.constant 0 : index
      %get3A_2659 = tpu.vector_load %arg6[%get3A_2656, %get3A_2657, %get3A_2658] {strides = array<i32>} : memref<4x128x32xf32, #tpu.memory_space<vmem>>, vector<16xf32>,
      %get3A_2660 = arith.constant 123 : i32
      %get3A_2661 = arith.index_cast %rem3A_179 : i32 to index
      %get3A_2662 = arith.index_cast %get3A_2660 : i32 to index
      %get3A_2663 = arith.constant 16 : index
      %get3A_2664 = tpu.vector_load %arg6[%get3A_2661, %get3A_2662, %get3A_2663] {strides = array<i32>} : memref<4x128x32xf32, #tpu.memory_space<vmem>>, vector<16xf32>,
      %broadcast_in_dim3A_2665 = arith.constant 123 : i32
      %broadcast_in_dim3A_2666 = vector.broadcast %broadcast_in_dim3A_2665 : i32 to vector<16xi32>
      %scatter3A_2667 = arith.constant 0 : i32
      %scatter3A_2668 = arith.constant 0 : i32
      %scatter3A_2669 = tpu.memref_slice %arg7[%rem3A_179, %scatter3A_2667, %scatter3A_2668] : memref<4x32x129xf32, #tpu.memory_space<vmem>> -> memref<1x32x129xf32, #tpu.memory_space<vmem>>
      %scatter3A_2670 = tpu.memref_squeeze %scatter3A_2669 : memref<1x32x129xf32, #tpu.memory_space<vmem>> -> memref<32x129xf32, #tpu.memory_space<vmem>>
      tpu.vector_store_idx %scatter3A_2670[%iota3A, %broadcast_in_dim3A_2666], %get3A_2659 : memref<32x129xf32, #tpu.memory_space<vmem>>[vector<16xi32>, vector<16xi32>], vector<16xf32>,
      %scatter3A_2671 = arith.constant 0 : i32
      %scatter3A_2672 = arith.constant 0 : i32
      %scatter3A_2673 = tpu.memref_slice %arg7[%rem3A_179, %scatter3A_2671, %scatter3A_2672] : memref<4x32x129xf32, #tpu.memory_space<vmem>> -> memref<1x32x129xf32, #tpu.memory_space<vmem>>
      %scatter3A_2674 = tpu.memref_squeeze %scatter3A_2673 : memref<1x32x129xf32, #tpu.memory_space<vmem>> -> memref<32x129xf32, #tpu.memory_space<vmem>>
      tpu.vector_store_idx %scatter3A_2674[%add3A_80, %broadcast_in_dim3A_2666], %get3A_2664 : memref<32x129xf32, #tpu.memory_space<vmem>>[vector<16xi32>, vector<16xi32>], vector<16xf32>,
      %get3A_2675 = arith.constant 124 : i32
      %get3A_2676 = arith.index_cast %rem3A_179 : i32 to index
      %get3A_2677 = arith.index_cast %get3A_2675 : i32 to index
      %get3A_2678 = arith.constant 0 : index
      %get3A_2679 = tpu.vector_load %arg6[%get3A_2676, %get3A_2677, %get3A_2678] {strides = array<i32>} : memref<4x128x32xf32, #tpu.memory_space<vmem>>, vector<16xf32>,
      %get3A_2680 = arith.constant 124 : i32
      %get3A_2681 = arith.index_cast %rem3A_179 : i32 to index
      %get3A_2682 = arith.index_cast %get3A_2680 : i32 to index
      %get3A_2683 = arith.constant 16 : index
      %get3A_2684 = tpu.vector_load %arg6[%get3A_2681, %get3A_2682, %get3A_2683] {strides = array<i32>} : memref<4x128x32xf32, #tpu.memory_space<vmem>>, vector<16xf32>,
      %broadcast_in_dim3A_2685 = arith.constant 124 : i32
      %broadcast_in_dim3A_2686 = vector.broadcast %broadcast_in_dim3A_2685 : i32 to vector<16xi32>
      %scatter3A_2687 = arith.constant 0 : i32
      %scatter3A_2688 = arith.constant 0 : i32
      %scatter3A_2689 = tpu.memref_slice %arg7[%rem3A_179, %scatter3A_2687, %scatter3A_2688] : memref<4x32x129xf32, #tpu.memory_space<vmem>> -> memref<1x32x129xf32, #tpu.memory_space<vmem>>
      %scatter3A_2690 = tpu.memref_squeeze %scatter3A_2689 : memref<1x32x129xf32, #tpu.memory_space<vmem>> -> memref<32x129xf32, #tpu.memory_space<vmem>>
      tpu.vector_store_idx %scatter3A_2690[%iota3A, %broadcast_in_dim3A_2686], %get3A_2679 : memref<32x129xf32, #tpu.memory_space<vmem>>[vector<16xi32>, vector<16xi32>], vector<16xf32>,
      %scatter3A_2691 = arith.constant 0 : i32
      %scatter3A_2692 = arith.constant 0 : i32
      %scatter3A_2693 = tpu.memref_slice %arg7[%rem3A_179, %scatter3A_2691, %scatter3A_2692] : memref<4x32x129xf32, #tpu.memory_space<vmem>> -> memref<1x32x129xf32, #tpu.memory_space<vmem>>
      %scatter3A_2694 = tpu.memref_squeeze %scatter3A_2693 : memref<1x32x129xf32, #tpu.memory_space<vmem>> -> memref<32x129xf32, #tpu.memory_space<vmem>>
      tpu.vector_store_idx %scatter3A_2694[%add3A_80, %broadcast_in_dim3A_2686], %get3A_2684 : memref<32x129xf32, #tpu.memory_space<vmem>>[vector<16xi32>, vector<16xi32>], vector<16xf32>,
      %get3A_2695 = arith.constant 125 : i32
      %get3A_2696 = arith.index_cast %rem3A_179 : i32 to index
      %get3A_2697 = arith.index_cast %get3A_2695 : i32 to index
      %get3A_2698 = arith.constant 0 : index
      %get3A_2699 = tpu.vector_load %arg6[%get3A_2696, %get3A_2697, %get3A_2698] {strides = array<i32>} : memref<4x128x32xf32, #tpu.memory_space<vmem>>, vector<16xf32>,
      %get3A_2700 = arith.constant 125 : i32
      %get3A_2701 = arith.index_cast %rem3A_179 : i32 to index
      %get3A_2702 = arith.index_cast %get3A_2700 : i32 to index
      %get3A_2703 = arith.constant 16 : index
      %get3A_2704 = tpu.vector_load %arg6[%get3A_2701, %get3A_2702, %get3A_2703] {strides = array<i32>} : memref<4x128x32xf32, #tpu.memory_space<vmem>>, vector<16xf32>,
      %broadcast_in_dim3A_2705 = arith.constant 125 : i32
      %broadcast_in_dim3A_2706 = vector.broadcast %broadcast_in_dim3A_2705 : i32 to vector<16xi32>
      %scatter3A_2707 = arith.constant 0 : i32
      %scatter3A_2708 = arith.constant 0 : i32
      %scatter3A_2709 = tpu.memref_slice %arg7[%rem3A_179, %scatter3A_2707, %scatter3A_2708] : memref<4x32x129xf32, #tpu.memory_space<vmem>> -> memref<1x32x129xf32, #tpu.memory_space<vmem>>
      %scatter3A_2710 = tpu.memref_squeeze %scatter3A_2709 : memref<1x32x129xf32, #tpu.memory_space<vmem>> -> memref<32x129xf32, #tpu.memory_space<vmem>>
      tpu.vector_store_idx %scatter3A_2710[%iota3A, %broadcast_in_dim3A_2706], %get3A_2699 : memref<32x129xf32, #tpu.memory_space<vmem>>[vector<16xi32>, vector<16xi32>], vector<16xf32>,
      %scatter3A_2711 = arith.constant 0 : i32
      %scatter3A_2712 = arith.constant 0 : i32
      %scatter3A_2713 = tpu.memref_slice %arg7[%rem3A_179, %scatter3A_2711, %scatter3A_2712] : memref<4x32x129xf32, #tpu.memory_space<vmem>> -> memref<1x32x129xf32, #tpu.memory_space<vmem>>
      %scatter3A_2714 = tpu.memref_squeeze %scatter3A_2713 : memref<1x32x129xf32, #tpu.memory_space<vmem>> -> memref<32x129xf32, #tpu.memory_space<vmem>>
      tpu.vector_store_idx %scatter3A_2714[%add3A_80, %broadcast_in_dim3A_2706], %get3A_2704 : memref<32x129xf32, #tpu.memory_space<vmem>>[vector<16xi32>, vector<16xi32>], vector<16xf32>,
      %get3A_2715 = arith.constant 126 : i32
      %get3A_2716 = arith.index_cast %rem3A_179 : i32 to index
      %get3A_2717 = arith.index_cast %get3A_2715 : i32 to index
      %get3A_2718 = arith.constant 0 : index
      %get3A_2719 = tpu.vector_load %arg6[%get3A_2716, %get3A_2717, %get3A_2718] {strides = array<i32>} : memref<4x128x32xf32, #tpu.memory_space<vmem>>, vector<16xf32>,
      %get3A_2720 = arith.constant 126 : i32
      %get3A_2721 = arith.index_cast %rem3A_179 : i32 to index
      %get3A_2722 = arith.index_cast %get3A_2720 : i32 to index
      %get3A_2723 = arith.constant 16 : index
      %get3A_2724 = tpu.vector_load %arg6[%get3A_2721, %get3A_2722, %get3A_2723] {strides = array<i32>} : memref<4x128x32xf32, #tpu.memory_space<vmem>>, vector<16xf32>,
      %broadcast_in_dim3A_2725 = arith.constant 126 : i32
      %broadcast_in_dim3A_2726 = vector.broadcast %broadcast_in_dim3A_2725 : i32 to vector<16xi32>
      %scatter3A_2727 = arith.constant 0 : i32
      %scatter3A_2728 = arith.constant 0 : i32
      %scatter3A_2729 = tpu.memref_slice %arg7[%rem3A_179, %scatter3A_2727, %scatter3A_2728] : memref<4x32x129xf32, #tpu.memory_space<vmem>> -> memref<1x32x129xf32, #tpu.memory_space<vmem>>
      %scatter3A_2730 = tpu.memref_squeeze %scatter3A_2729 : memref<1x32x129xf32, #tpu.memory_space<vmem>> -> memref<32x129xf32, #tpu.memory_space<vmem>>
      tpu.vector_store_idx %scatter3A_2730[%iota3A, %broadcast_in_dim3A_2726], %get3A_2719 : memref<32x129xf32, #tpu.memory_space<vmem>>[vector<16xi32>, vector<16xi32>], vector<16xf32>,
      %scatter3A_2731 = arith.constant 0 : i32
      %scatter3A_2732 = arith.constant 0 : i32
      %scatter3A_2733 = tpu.memref_slice %arg7[%rem3A_179, %scatter3A_2731, %scatter3A_2732] : memref<4x32x129xf32, #tpu.memory_space<vmem>> -> memref<1x32x129xf32, #tpu.memory_space<vmem>>
      %scatter3A_2734 = tpu.memref_squeeze %scatter3A_2733 : memref<1x32x129xf32, #tpu.memory_space<vmem>> -> memref<32x129xf32, #tpu.memory_space<vmem>>
      tpu.vector_store_idx %scatter3A_2734[%add3A_80, %broadcast_in_dim3A_2726], %get3A_2724 : memref<32x129xf32, #tpu.memory_space<vmem>>[vector<16xi32>, vector<16xi32>], vector<16xf32>,
      %get3A_2735 = arith.constant 127 : i32
      %get3A_2736 = arith.index_cast %rem3A_179 : i32 to index
      %get3A_2737 = arith.index_cast %get3A_2735 : i32 to index
      %get3A_2738 = arith.constant 0 : index
      %get3A_2739 = tpu.vector_load %arg6[%get3A_2736, %get3A_2737, %get3A_2738] {strides = array<i32>} : memref<4x128x32xf32, #tpu.memory_space<vmem>>, vector<16xf32>,
      %get3A_2740 = arith.constant 127 : i32
      %get3A_2741 = arith.index_cast %rem3A_179 : i32 to index
      %get3A_2742 = arith.index_cast %get3A_2740 : i32 to index
      %get3A_2743 = arith.constant 16 : index
      %get3A_2744 = tpu.vector_load %arg6[%get3A_2741, %get3A_2742, %get3A_2743] {strides = array<i32>} : memref<4x128x32xf32, #tpu.memory_space<vmem>>, vector<16xf32>,
      %broadcast_in_dim3A_2745 = arith.constant 127 : i32
      %broadcast_in_dim3A_2746 = vector.broadcast %broadcast_in_dim3A_2745 : i32 to vector<16xi32>
      %scatter3A_2747 = arith.constant 0 : i32
      %scatter3A_2748 = arith.constant 0 : i32
      %scatter3A_2749 = tpu.memref_slice %arg7[%rem3A_179, %scatter3A_2747, %scatter3A_2748] : memref<4x32x129xf32, #tpu.memory_space<vmem>> -> memref<1x32x129xf32, #tpu.memory_space<vmem>>
      %scatter3A_2750 = tpu.memref_squeeze %scatter3A_2749 : memref<1x32x129xf32, #tpu.memory_space<vmem>> -> memref<32x129xf32, #tpu.memory_space<vmem>>
      tpu.vector_store_idx %scatter3A_2750[%iota3A, %broadcast_in_dim3A_2746], %get3A_2739 : memref<32x129xf32, #tpu.memory_space<vmem>>[vector<16xi32>, vector<16xi32>], vector<16xf32>,
      %scatter3A_2751 = arith.constant 0 : i32
      %scatter3A_2752 = arith.constant 0 : i32
      %scatter3A_2753 = tpu.memref_slice %arg7[%rem3A_179, %scatter3A_2751, %scatter3A_2752] : memref<4x32x129xf32, #tpu.memory_space<vmem>> -> memref<1x32x129xf32, #tpu.memory_space<vmem>>
      %scatter3A_2754 = tpu.memref_squeeze %scatter3A_2753 : memref<1x32x129xf32, #tpu.memory_space<vmem>> -> memref<32x129xf32, #tpu.memory_space<vmem>>
      tpu.vector_store_idx %scatter3A_2754[%add3A_80, %broadcast_in_dim3A_2746], %get3A_2744 : memref<32x129xf32, #tpu.memory_space<vmem>>[vector<16xi32>, vector<16xi32>], vector<16xf32>,
      %add3A_2755 = arith.constant 4 : i32
      %add3A_2756 = arith.addi %scan3A_177, %add3A_2755 : i32
      %lt3A = arith.constant 200 : i32
      %lt3A_2757 = arith.cmpi slt, %add3A_2756, %lt3A : i32
      %convert_element_type3A_2758 = arith.extui %lt3A_2757 : i1 to i32
      %cond3A_2759 = arith.constant 0 : i32
      %cond3A_2760 = arith.cmpi ne, %convert_element_type3A_2758, %cond3A_2759 : i32
      scf.if %cond3A_2760 {
        %add3A_2783 = arith.constant 4 : i32
        %add3A_2784 = arith.addi %scan3A_177, %add3A_2783 : i32
        %div3A_2785 = arith.constant 8 : i32
        %div3A_2786 = arith.divsi %add3A_2784, %div3A_2785 : i32
        %rem3A_2787 = arith.constant 8 : i32
        %rem3A_2788 = arith.remsi %add3A_2784, %rem3A_2787 : i32
        %dma_start3A_2789 = arith.constant 0 : i32
        %dma_start3A_2790 = arith.constant 0 : i32
        %dma_start3A_2791 = tpu.memref_slice %arg6[%rem3A_179, %dma_start3A_2789, %dma_start3A_2790] : memref<4x128x32xf32, #tpu.memory_space<vmem>> -> memref<1x128x32xf32, #tpu.memory_space<vmem>>
        %dma_start3A_2792 = tpu.memref_squeeze %dma_start3A_2791 : memref<1x128x32xf32, #tpu.memory_space<vmem>> -> memref<128x32xf32, #tpu.memory_space<vmem>>
        %dma_start3A_2793 = arith.constant 0 : i32
        %dma_start3A_2794 = tpu.memref_slice %arg5[%div3A_2786, %rem3A_2788, %dma_start3A_2793] : memref<25x8x128xi32, #tpu.memory_space<vmem>> -> memref<1x1x128xi32, #tpu.memory_space<vmem>>
        %dma_start3A_2795 = tpu.memref_squeeze %dma_start3A_2794 : memref<1x1x128xi32, #tpu.memory_space<vmem>> -> memref<128xi32, #tpu.memory_space<vmem>>
        %dma_start3A_2796 = arith.constant 0 : i32
        %dma_start3A_2797 = arith.constant 0 : i32
        %dma_start3A_2798 = tpu.memref_slice %arg3[%dma_start3A_2796, %dma_start3A_2797] : memref<1000000x32xf32, #tpu.memory_space<hbm>> -> memref<1000000x32xf32, #tpu.memory_space<hbm>>
        %dma_start3A_2799 = tpu.memref_slice %arg8[%rem3A_179] : memref<4x!tpu.dma_semaphore, #tpu.memory_space<semaphore_mem>> -> memref<1x!tpu.dma_semaphore, #tpu.memory_space<semaphore_mem>>
        %dma_start3A_2800 = tpu.memref_squeeze %dma_start3A_2799 : memref<1x!tpu.dma_semaphore, #tpu.memory_space<semaphore_mem>> -> memref<!tpu.dma_semaphore, #tpu.memory_space<semaphore_mem>>
        tpu.enqueue_indirect_dma source(%dma_start3A_2798 : memref<1000000x32xf32, #tpu.memory_space<hbm>>) target(%dma_start3A_2792 : memref<128x32xf32, #tpu.memory_space<vmem>>) offsets(%dma_start3A_2795 : memref<128xi32, #tpu.memory_space<vmem>>) semaphore(%dma_start3A_2800 : memref<!tpu.dma_semaphore, #tpu.memory_space<semaphore_mem>>)
      } else {
      }
      %div3A_2761 = arith.constant 8 : i32
      %div3A_2762 = arith.divsi %scan3A_177, %div3A_2761 : i32
      %rem3A_2763 = arith.constant 8 : i32
      %rem3A_2764 = arith.remsi %scan3A_177, %rem3A_2763 : i32
      %dma_start3A_2765 = arith.constant 0 : i32
      %dma_start3A_2766 = arith.constant 0 : i32
      %dma_start3A_2767 = tpu.memref_slice %arg7[%rem3A_179, %dma_start3A_2765, %dma_start3A_2766] : memref<4x32x129xf32, #tpu.memory_space<vmem>> -> memref<1x32x128xf32, #tpu.memory_space<vmem>>
      %dma_start3A_2768 = tpu.memref_squeeze %dma_start3A_2767 : memref<1x32x128xf32, #tpu.memory_space<vmem>> -> memref<32x128xf32, #tpu.memory_space<vmem>>
      %dma_start3A_2769 = arith.constant 0 : i32
      %dma_start3A_2770 = arith.constant 0 : i32
      %dma_start3A_2771 = tpu.memref_slice %arg4[%dma_start3A_2769, %div3A_2762, %add3A, %rem3A_2764, %dma_start3A_2770] : memref<32x25x32x8x128xf32, #tpu.memory_space<hbm>> -> memref<32x1x1x1x128xf32, #tpu.memory_space<hbm>>
      %dma_start3A_2772 = tpu.memref_squeeze %dma_start3A_2771 : memref<32x1x1x1x128xf32, #tpu.memory_space<hbm>> -> memref<32x128xf32, #tpu.memory_space<hbm>>
      %dma_start3A_2773 = tpu.memref_slice %arg9[%rem3A_179] : memref<4x!tpu.dma_semaphore, #tpu.memory_space<semaphore_mem>> -> memref<1x!tpu.dma_semaphore, #tpu.memory_space<semaphore_mem>>
      %dma_start3A_2774 = tpu.memref_squeeze %dma_start3A_2773 : memref<1x!tpu.dma_semaphore, #tpu.memory_space<semaphore_mem>> -> memref<!tpu.dma_semaphore, #tpu.memory_space<semaphore_mem>>
      %dma_start3A_2775 = arith.constant 0 : i32
      %dma_start3A_2776 = arith.constant 0 : i32
      %dma_start3A_2777 = tpu.memref_slice %arg4[%dma_start3A_2775, %div3A_2762, %add3A, %rem3A_2764, %dma_start3A_2776] : memref<32x25x32x8x128xf32, #tpu.memory_space<hbm>> -> memref<32x1x1x1x128xf32, #tpu.memory_space<hbm>>
      %dma_start3A_2778 = tpu.memref_squeeze %dma_start3A_2777 : memref<32x1x1x1x128xf32, #tpu.memory_space<hbm>> -> memref<32x128xf32, #tpu.memory_space<hbm>>
      %dma_start3A_2779 = arith.constant 0 : i32
      %dma_start3A_2780 = arith.constant 0 : i32
      %dma_start3A_2781 = tpu.memref_slice %arg7[%rem3A_179, %dma_start3A_2779, %dma_start3A_2780] : memref<4x32x129xf32, #tpu.memory_space<vmem>> -> memref<1x32x128xf32, #tpu.memory_space<vmem>>
      %dma_start3A_2782 = tpu.memref_squeeze %dma_start3A_2781 : memref<1x32x128xf32, #tpu.memory_space<vmem>> -> memref<32x128xf32, #tpu.memory_space<vmem>>
      tpu.enqueue_dma source(%dma_start3A_2782 : memref<32x128xf32, #tpu.memory_space<vmem>>) target(%dma_start3A_2778 : memref<32x128xf32, #tpu.memory_space<hbm>>) target_semaphore(%dma_start3A_2774 : memref<!tpu.dma_semaphore, #tpu.memory_space<semaphore_mem>>)
    }
    %scan3A_85 = arith.constant 200 : i32
    %dma_wait3A = arith.constant 0 : i32
    %dma_wait3A_86 = arith.constant 0 : i32
    %dma_wait3A_87 = arith.constant 0 : i32
    %dma_wait3A_88 = arith.constant 0 : i32
    %dma_wait3A_89 = arith.constant 0 : i32
    %dma_wait3A_90 = arith.constant 0 : i32
    %dma_wait3A_91 = arith.constant 0 : i32
    %dma_wait3A_92 = tpu.memref_slice %arg7[%dma_wait3A, %dma_wait3A_90, %dma_wait3A_91] : memref<4x32x129xf32, #tpu.memory_space<vmem>> -> memref<1x32x128xf32, #tpu.memory_space<vmem>>
    %dma_wait3A_93 = tpu.memref_squeeze %dma_wait3A_92 : memref<1x32x128xf32, #tpu.memory_space<vmem>> -> memref<32x128xf32, #tpu.memory_space<vmem>>
    %dma_wait3A_94 = arith.constant 0 : i32
    %dma_wait3A_95 = arith.constant 0 : i32
    %dma_wait3A_96 = tpu.memref_slice %arg4[%dma_wait3A_94, %dma_wait3A_86, %dma_wait3A_87, %dma_wait3A_88, %dma_wait3A_95] : memref<32x25x32x8x128xf32, #tpu.memory_space<hbm>> -> memref<32x1x1x1x128xf32, #tpu.memory_space<hbm>>
    %dma_wait3A_97 = tpu.memref_squeeze %dma_wait3A_96 : memref<32x1x1x1x128xf32, #tpu.memory_space<hbm>> -> memref<32x128xf32, #tpu.memory_space<hbm>>
    %dma_wait3A_98 = tpu.memref_slice %arg9[%dma_wait3A_89] : memref<4x!tpu.dma_semaphore, #tpu.memory_space<semaphore_mem>> -> memref<1x!tpu.dma_semaphore, #tpu.memory_space<semaphore_mem>>
    %dma_wait3A_99 = tpu.memref_squeeze %dma_wait3A_98 : memref<1x!tpu.dma_semaphore, #tpu.memory_space<semaphore_mem>> -> memref<!tpu.dma_semaphore, #tpu.memory_space<semaphore_mem>>
    %dma_wait3A_100 = arith.constant 0 : i32
    %dma_wait3A_101 = arith.constant 0 : i32
    %dma_wait3A_102 = tpu.memref_slice %arg4[%dma_wait3A_100, %dma_wait3A_86, %dma_wait3A_87, %dma_wait3A_88, %dma_wait3A_101] : memref<32x25x32x8x128xf32, #tpu.memory_space<hbm>> -> memref<32x1x1x1x128xf32, #tpu.memory_space<hbm>>
    %dma_wait3A_103 = tpu.memref_squeeze %dma_wait3A_102 : memref<32x1x1x1x128xf32, #tpu.memory_space<hbm>> -> memref<32x128xf32, #tpu.memory_space<hbm>>
    %dma_wait3A_104 = arith.constant 0 : i32
    %dma_wait3A_105 = arith.constant 0 : i32
    %dma_wait3A_106 = tpu.memref_slice %arg7[%dma_wait3A, %dma_wait3A_104, %dma_wait3A_105] : memref<4x32x129xf32, #tpu.memory_space<vmem>> -> memref<1x32x128xf32, #tpu.memory_space<vmem>>
    %dma_wait3A_107 = tpu.memref_squeeze %dma_wait3A_106 : memref<1x32x128xf32, #tpu.memory_space<vmem>> -> memref<32x128xf32, #tpu.memory_space<vmem>>
    tpu.wait_dma2 semaphore(%dma_wait3A_99 : memref<!tpu.dma_semaphore, #tpu.memory_space<semaphore_mem>>) src(%dma_wait3A_107 : memref<32x128xf32, #tpu.memory_space<vmem>>) dst(%dma_wait3A_103 : memref<32x128xf32, #tpu.memory_space<hbm>>)
    %dma_wait3A_108 = arith.constant 1 : i32
    %dma_wait3A_109 = arith.constant 0 : i32
    %dma_wait3A_110 = arith.constant 0 : i32
    %dma_wait3A_111 = arith.constant 0 : i32
    %dma_wait3A_112 = arith.constant 1 : i32
    %dma_wait3A_113 = arith.constant 0 : i32
    %dma_wait3A_114 = arith.constant 0 : i32
    %dma_wait3A_115 = tpu.memref_slice %arg7[%dma_wait3A_108, %dma_wait3A_113, %dma_wait3A_114] : memref<4x32x129xf32, #tpu.memory_space<vmem>> -> memref<1x32x128xf32, #tpu.memory_space<vmem>>
    %dma_wait3A_116 = tpu.memref_squeeze %dma_wait3A_115 : memref<1x32x128xf32, #tpu.memory_space<vmem>> -> memref<32x128xf32, #tpu.memory_space<vmem>>
    %dma_wait3A_117 = arith.constant 0 : i32
    %dma_wait3A_118 = arith.constant 0 : i32
    %dma_wait3A_119 = tpu.memref_slice %arg4[%dma_wait3A_117, %dma_wait3A_109, %dma_wait3A_110, %dma_wait3A_111, %dma_wait3A_118] : memref<32x25x32x8x128xf32, #tpu.memory_space<hbm>> -> memref<32x1x1x1x128xf32, #tpu.memory_space<hbm>>
    %dma_wait3A_120 = tpu.memref_squeeze %dma_wait3A_119 : memref<32x1x1x1x128xf32, #tpu.memory_space<hbm>> -> memref<32x128xf32, #tpu.memory_space<hbm>>
    %dma_wait3A_121 = tpu.memref_slice %arg9[%dma_wait3A_112] : memref<4x!tpu.dma_semaphore, #tpu.memory_space<semaphore_mem>> -> memref<1x!tpu.dma_semaphore, #tpu.memory_space<semaphore_mem>>
    %dma_wait3A_122 = tpu.memref_squeeze %dma_wait3A_121 : memref<1x!tpu.dma_semaphore, #tpu.memory_space<semaphore_mem>> -> memref<!tpu.dma_semaphore, #tpu.memory_space<semaphore_mem>>
    %dma_wait3A_123 = arith.constant 0 : i32
    %dma_wait3A_124 = arith.constant 0 : i32
    %dma_wait3A_125 = tpu.memref_slice %arg4[%dma_wait3A_123, %dma_wait3A_109, %dma_wait3A_110, %dma_wait3A_111, %dma_wait3A_124] : memref<32x25x32x8x128xf32, #tpu.memory_space<hbm>> -> memref<32x1x1x1x128xf32, #tpu.memory_space<hbm>>
    %dma_wait3A_126 = tpu.memref_squeeze %dma_wait3A_125 : memref<32x1x1x1x128xf32, #tpu.memory_space<hbm>> -> memref<32x128xf32, #tpu.memory_space<hbm>>
    %dma_wait3A_127 = arith.constant 0 : i32
    %dma_wait3A_128 = arith.constant 0 : i32
    %dma_wait3A_129 = tpu.memref_slice %arg7[%dma_wait3A_108, %dma_wait3A_127, %dma_wait3A_128] : memref<4x32x129xf32, #tpu.memory_space<vmem>> -> memref<1x32x128xf32, #tpu.memory_space<vmem>>
    %dma_wait3A_130 = tpu.memref_squeeze %dma_wait3A_129 : memref<1x32x128xf32, #tpu.memory_space<vmem>> -> memref<32x128xf32, #tpu.memory_space<vmem>>
    tpu.wait_dma2 semaphore(%dma_wait3A_122 : memref<!tpu.dma_semaphore, #tpu.memory_space<semaphore_mem>>) src(%dma_wait3A_130 : memref<32x128xf32, #tpu.memory_space<vmem>>) dst(%dma_wait3A_126 : memref<32x128xf32, #tpu.memory_space<hbm>>)
    %dma_wait3A_131 = arith.constant 2 : i32
    %dma_wait3A_132 = arith.constant 0 : i32
    %dma_wait3A_133 = arith.constant 0 : i32
    %dma_wait3A_134 = arith.constant 0 : i32
    %dma_wait3A_135 = arith.constant 2 : i32
    %dma_wait3A_136 = arith.constant 0 : i32
    %dma_wait3A_137 = arith.constant 0 : i32
    %dma_wait3A_138 = tpu.memref_slice %arg7[%dma_wait3A_131, %dma_wait3A_136, %dma_wait3A_137] : memref<4x32x129xf32, #tpu.memory_space<vmem>> -> memref<1x32x128xf32, #tpu.memory_space<vmem>>
    %dma_wait3A_139 = tpu.memref_squeeze %dma_wait3A_138 : memref<1x32x128xf32, #tpu.memory_space<vmem>> -> memref<32x128xf32, #tpu.memory_space<vmem>>
    %dma_wait3A_140 = arith.constant 0 : i32
    %dma_wait3A_141 = arith.constant 0 : i32
    %dma_wait3A_142 = tpu.memref_slice %arg4[%dma_wait3A_140, %dma_wait3A_132, %dma_wait3A_133, %dma_wait3A_134, %dma_wait3A_141] : memref<32x25x32x8x128xf32, #tpu.memory_space<hbm>> -> memref<32x1x1x1x128xf32, #tpu.memory_space<hbm>>
    %dma_wait3A_143 = tpu.memref_squeeze %dma_wait3A_142 : memref<32x1x1x1x128xf32, #tpu.memory_space<hbm>> -> memref<32x128xf32, #tpu.memory_space<hbm>>
    %dma_wait3A_144 = tpu.memref_slice %arg9[%dma_wait3A_135] : memref<4x!tpu.dma_semaphore, #tpu.memory_space<semaphore_mem>> -> memref<1x!tpu.dma_semaphore, #tpu.memory_space<semaphore_mem>>
    %dma_wait3A_145 = tpu.memref_squeeze %dma_wait3A_144 : memref<1x!tpu.dma_semaphore, #tpu.memory_space<semaphore_mem>> -> memref<!tpu.dma_semaphore, #tpu.memory_space<semaphore_mem>>
    %dma_wait3A_146 = arith.constant 0 : i32
    %dma_wait3A_147 = arith.constant 0 : i32
    %dma_wait3A_148 = tpu.memref_slice %arg4[%dma_wait3A_146, %dma_wait3A_132, %dma_wait3A_133, %dma_wait3A_134, %dma_wait3A_147] : memref<32x25x32x8x128xf32, #tpu.memory_space<hbm>> -> memref<32x1x1x1x128xf32, #tpu.memory_space<hbm>>
    %dma_wait3A_149 = tpu.memref_squeeze %dma_wait3A_148 : memref<32x1x1x1x128xf32, #tpu.memory_space<hbm>> -> memref<32x128xf32, #tpu.memory_space<hbm>>
    %dma_wait3A_150 = arith.constant 0 : i32
    %dma_wait3A_151 = arith.constant 0 : i32
    %dma_wait3A_152 = tpu.memref_slice %arg7[%dma_wait3A_131, %dma_wait3A_150, %dma_wait3A_151] : memref<4x32x129xf32, #tpu.memory_space<vmem>> -> memref<1x32x128xf32, #tpu.memory_space<vmem>>
    %dma_wait3A_153 = tpu.memref_squeeze %dma_wait3A_152 : memref<1x32x128xf32, #tpu.memory_space<vmem>> -> memref<32x128xf32, #tpu.memory_space<vmem>>
    tpu.wait_dma2 semaphore(%dma_wait3A_145 : memref<!tpu.dma_semaphore, #tpu.memory_space<semaphore_mem>>) src(%dma_wait3A_153 : memref<32x128xf32, #tpu.memory_space<vmem>>) dst(%dma_wait3A_149 : memref<32x128xf32, #tpu.memory_space<hbm>>)
    %dma_wait3A_154 = arith.constant 3 : i32
    %dma_wait3A_155 = arith.constant 0 : i32
    %dma_wait3A_156 = arith.constant 0 : i32
    %dma_wait3A_157 = arith.constant 0 : i32
    %dma_wait3A_158 = arith.constant 3 : i32
    %dma_wait3A_159 = arith.constant 0 : i32
    %dma_wait3A_160 = arith.constant 0 : i32
    %dma_wait3A_161 = tpu.memref_slice %arg7[%dma_wait3A_154, %dma_wait3A_159, %dma_wait3A_160] : memref<4x32x129xf32, #tpu.memory_space<vmem>> -> memref<1x32x128xf32, #tpu.memory_space<vmem>>
    %dma_wait3A_162 = tpu.memref_squeeze %dma_wait3A_161 : memref<1x32x128xf32, #tpu.memory_space<vmem>> -> memref<32x128xf32, #tpu.memory_space<vmem>>
    %dma_wait3A_163 = arith.constant 0 : i32
    %dma_wait3A_164 = arith.constant 0 : i32
    %dma_wait3A_165 = tpu.memref_slice %arg4[%dma_wait3A_163, %dma_wait3A_155, %dma_wait3A_156, %dma_wait3A_157, %dma_wait3A_164] : memref<32x25x32x8x128xf32, #tpu.memory_space<hbm>> -> memref<32x1x1x1x128xf32, #tpu.memory_space<hbm>>
    %dma_wait3A_166 = tpu.memref_squeeze %dma_wait3A_165 : memref<32x1x1x1x128xf32, #tpu.memory_space<hbm>> -> memref<32x128xf32, #tpu.memory_space<hbm>>
    %dma_wait3A_167 = tpu.memref_slice %arg9[%dma_wait3A_158] : memref<4x!tpu.dma_semaphore, #tpu.memory_space<semaphore_mem>> -> memref<1x!tpu.dma_semaphore, #tpu.memory_space<semaphore_mem>>
    %dma_wait3A_168 = tpu.memref_squeeze %dma_wait3A_167 : memref<1x!tpu.dma_semaphore, #tpu.memory_space<semaphore_mem>> -> memref<!tpu.dma_semaphore, #tpu.memory_space<semaphore_mem>>
    %dma_wait3A_169 = arith.constant 0 : i32
    %dma_wait3A_170 = arith.constant 0 : i32
    %dma_wait3A_171 = tpu.memref_slice %arg4[%dma_wait3A_169, %dma_wait3A_155, %dma_wait3A_156, %dma_wait3A_157, %dma_wait3A_170] : memref<32x25x32x8x128xf32, #tpu.memory_space<hbm>> -> memref<32x1x1x1x128xf32, #tpu.memory_space<hbm>>
    %dma_wait3A_172 = tpu.memref_squeeze %dma_wait3A_171 : memref<32x1x1x1x128xf32, #tpu.memory_space<hbm>> -> memref<32x128xf32, #tpu.memory_space<hbm>>
    %dma_wait3A_173 = arith.constant 0 : i32
    %dma_wait3A_174 = arith.constant 0 : i32
    %dma_wait3A_175 = tpu.memref_slice %arg7[%dma_wait3A_154, %dma_wait3A_173, %dma_wait3A_174] : memref<4x32x129xf32, #tpu.memory_space<vmem>> -> memref<1x32x128xf32, #tpu.memory_space<vmem>>
    %dma_wait3A_176 = tpu.memref_squeeze %dma_wait3A_175 : memref<1x32x128xf32, #tpu.memory_space<vmem>> -> memref<32x128xf32, #tpu.memory_space<vmem>>
    tpu.wait_dma2 semaphore(%dma_wait3A_168 : memref<!tpu.dma_semaphore, #tpu.memory_space<semaphore_mem>>) src(%dma_wait3A_176 : memref<32x128xf32, #tpu.memory_space<vmem>>) dst(%dma_wait3A_172 : memref<32x128xf32, #tpu.memory_space<hbm>>)
    return
  }
}

</mosaic_0001>

<sc_bundles>
// kernel: kernel.3.cloned.1.call-start
scs
__scs_entry_jumppad:
0x0: {  	(pc) =	sbr.rel $0x88, $3  }
0x1: {  	(tag) =	ssettag $0x0;
	lr =	simm.s32 $0x1  }
0x2: {  	[smem:$0x3F9F] =	sst lr;
	_ =	strace $0xD0000000  }
0x3: {  	_ = 	snop  }
0x4: {  	_ = 	snop  }
0x5: {  	_ = 	snop  }
0x6: {  	_ = 	snop  }
0x7: {  	_ = 	snop  }
__scs_overlays_trampoline_lowered:
0x8: {  	[smem:$0x3FAE] =	sst s0  }
0x9: {  	[smem:$0x3FAF] =	sst s1  }
0xa: {  	[smem:$0x3FB0] =	sst s2  }
0xb: {  	[smem:$0x3FB1] =	sst s3  }
0xc: {  	[smem:$0x3FB2] =	sst s4  }
0xd: {  	[smem:$0x3FB3] =	sst s5  }
0xe: {  	[smem:$0x3FB4] =	sst s6  }
0xf: {  	[smem:$0x3FB5] =	sst s7  }
0x10: {  	[smem:$0x3FB6] =	sst s8  }
0x11: {  	[smem:$0x3FB7] =	sst s9;
	s0 =	simm.s32 @!p0 $0x0  }
0x12: {  	s1 =	sld [smem:$0x3F9D];
	s0 =	simm.s32 @p0 $0x1  }
0x13: {  	[smem:$0x3FB8] =	sst s0;
	s0 =	simm.s32 @!p1 $0x0  }
0x14: {  	s2 =	sld [smem:$0x3F9C];
	s0 =	simm.s32 @p1 $0x1  }
0x15: {  	[smem:$0x3FB9] =	sst s0;
	s0 =	simm.s32 @!p2 $0x0  }
0x16: {  	s3 =	sld [smem:$0x3FDB];
	s0 =	simm.s32 @p2 $0x1  }
0x17: {  	s4 =	simm.s32 $0x1BF5;
	[smem:$0x3FBB] =	sst s0  }
0x18: {  	s0 =	sld [smem:$0x3F9E];
	_ =	swait.ge [sflag:s4], $0x0  }
0x19: {  	s7 =	sld [smem:$0x3F9F]  }
0x1a: {  	s8 =	sadd.s32 $0xFFFFE003, lr  }
0x1b: {  	s9 =	sadd.s32 $0xFFFFFEF7, lr;
	s5 =	simm.s32 $0xFFFFFFFF;
	p2 =	slt.u32 s8, $0xFFFFF086  }
0x1c: {  	p1 =	slt.u32 s9, $0xF7A;
	s5 =	simm.s32 @!p2 $0x0  }
0x1d: {  	s5 =	simm.s32 @p1 $0x1;
	p0 =	seq.s32 s7, s2  }
0x1e: {  	s7 =	smul.u32 @!p0 $0xF7A, s2;
	p2 =	seq.s32 @!p0 s5, $0x0  }
0x1f: {  	s9 =	smul.u32 $0xF7A, s1;
	s8 =	simm.s32 @!p0 $0x1BF5;
	p2 =	por !p2, p0  }
0x20: {  	[sflag:s8] =	ssyncset.s32 @!p0 $0xFFFFF086;
	s6 =	sadd.s32 @!p0 s3, s7;
	s7 =	simm.s32 @!p0 $0x108  }
0x21: {  	s3 =	sadd.s32 s3, s9;
	s6 =	sadd.s32 @!p0 $0x88, s6;
	s7 =	simm.s32 @p2 $0x1082  }
0x22: {  	[simem:s7], [sflag:s8] =	dma.local @!p0 [hbm:s6], $0xF7A  }
0x23: {  	s9 =	sor.u32 $0xD0000000, s2;
	s6 =	simm.s32 $0x108;
	_ =	swait.ge @!p0 [sflag:s8], $0x0  }
0x24: {  	s3 =	sadd.s32 $0x88, s3;
	s6 =	simm.s32 @!p1 $0x1082;
	[sflag:s4] =	ssyncset.s32 $0xFFFFF086  }
0x25: {  	[simem:s6], [sflag:s4] =	dma.local [hbm:s3], $0xF7A  }
0x26: {  	[smem:$0x3F9F] =	sst s1;
	(tag) =	ssettag s2;
	_ =	strace s9  }
0x27: {  	s1 =	sld [smem:$0x3FAF]  }
0x28: {  	s2 =	sld [smem:$0x3FB0]  }
0x29: {  	s4 =	sld [smem:$0x3FB2]  }
0x2a: {  	p0 =	seq.s32 s5, $0x0;
	s5 =	sld [smem:$0x3FB3]  }
0x2b: {  	s6 =	sld [smem:$0x3FB4]  }
0x2c: {  	s7 =	sld [smem:$0x3FB5]  }
0x2d: {  	s3 =	simm.s32 $0x108;
	s8 =	sld [smem:$0x3FB6]  }
0x2e: {  	s3 =	simm.s32 @!p0 $0x1082;
	s9 =	sld [smem:$0x3FB7]  }
0x2f: {  	lr =	sadd.s32 s0, s3;
	s0 =	sld [smem:$0x3FAE]  }
0x30: {  	s3 =	sld [smem:$0x3FB1]  }
0x31: {  	[smem:$0x3FBA] =	sst s10  }
0x32: {  	s10 =	sld [smem:$0x3FB8];
	_ =	sdelay $0x3  }
0x33: {  	p0 =	seq.s32 s10, $0x1;
	s10 =	sld [smem:$0x3FBA];
	_ =	sdelay $0x3  }
0x34: {  	[smem:$0x3FBA] =	sst s10  }
0x35: {  	s10 =	sld [smem:$0x3FB9];
	_ =	sdelay $0x3  }
0x36: {  	p1 =	seq.s32 s10, $0x1;
	s10 =	sld [smem:$0x3FBA];
	_ =	sdelay $0x3  }
0x37: {  	[smem:$0x3FBA] =	sst s10  }
0x38: {  	s10 =	sld [smem:$0x3FBB]  }
0x39: {  	_ = 	snop;
	(pc) =	sbr.ind lr, $3  }
0x3a: {  	_ = 	snop  }
0x3b: {  	_ = 	snop  }
0x3c: {  	p2 =	seq.s32 s10, $0x1;
	s10 =	sld [smem:$0x3FBA]  }
0x3d: {  	_ =	shalt  }
0x3e: {  	_ =	shalt  }
0x3f: {  	_ =	shalt  }
0x40: {  	_ =	shalt  }
0x41: {  	_ =	shalt  }
0x42: {  	_ =	shalt  }
0x43: {  	_ =	shalt  }
0x44: {  	_ =	shalt  }
0x45: {  	_ =	shalt  }
0x46: {  	_ =	shalt  }
0x47: {  	_ =	shalt  }
0x48: {  	_ =	shalt  }
0x49: {  	_ =	shalt  }
0x4a: {  	_ =	shalt  }
0x4b: {  	_ =	shalt  }
0x4c: {  	_ =	shalt  }
0x4d: {  	_ =	shalt  }
0x4e: {  	_ =	shalt  }
0x4f: {  	_ =	shalt  }
0x50: {  	_ =	shalt  }
0x51: {  	_ =	shalt  }
0x52: {  	_ =	shalt  }
0x53: {  	_ =	shalt  }
0x54: {  	_ =	shalt  }
0x55: {  	_ =	shalt  }
0x56: {  	_ =	shalt  }
0x57: {  	_ =	shalt  }
0x58: {  	_ =	shalt  }
0x59: {  	_ =	shalt  }
0x5a: {  	_ =	shalt  }
0x5b: {  	_ =	shalt  }
0x5c: {  	_ =	shalt  }
0x5d: {  	_ =	shalt  }
0x5e: {  	_ =	shalt  }
0x5f: {  	_ =	shalt  }
0x60: {  	_ =	shalt  }
0x61: {  	_ =	shalt  }
0x62: {  	_ =	shalt  }
0x63: {  	_ =	shalt  }
0x64: {  	_ =	shalt  }
0x65: {  	_ =	shalt  }
0x66: {  	_ =	shalt  }
0x67: {  	_ =	shalt  }
0x68: {  	_ =	shalt  }
0x69: {  	_ =	shalt  }
0x6a: {  	_ =	shalt  }
0x6b: {  	_ =	shalt  }
0x6c: {  	_ =	shalt  }
0x6d: {  	_ =	shalt  }
0x6e: {  	_ =	shalt  }
0x6f: {  	_ =	shalt  }
0x70: {  	_ =	shalt  }
0x71: {  	_ =	shalt  }
0x72: {  	_ =	shalt  }
0x73: {  	_ =	shalt  }
0x74: {  	_ =	shalt  }
0x75: {  	_ =	shalt  }
0x76: {  	_ =	shalt  }
0x77: {  	_ =	shalt  }
0x78: {  	_ =	shalt  }
0x79: {  	_ =	shalt  }
0x7a: {  	_ =	shalt  }
0x7b: {  	_ =	shalt  }
0x7c: {  	_ =	shalt  }
0x7d: {  	_ =	shalt  }
0x7e: {  	_ =	shalt  }
0x7f: {  	_ =	shalt  }
0x80: {  	_ =	shalt  }
0x81: {  	_ =	shalt  }
0x82: {  	_ =	shalt  }
0x83: {  	_ =	shalt  }
0x84: {  	_ =	shalt  }
0x85: {  	_ =	shalt  }
0x86: {  	_ =	shalt  }
0x87: {  	_ =	shalt  }
.Lfunc_end0:
.L_simem_size_0:
called_computation_lowered:
.L_overlay_start_0:
0x88: {  	s2 =	sld [smem:$0x3FD9]  }
0x89: {  	s3 =	sld [smem:$0x3FFE];
	_ =	sdelay $0x1  }
0x8a: {  	s1 =	srdreg.scid  }
0x8b: {  	s0 =	sand.u32 $0x1, s1  }
0x8c: {  	s17 =	sshll.u32 s0, $0xA;
	s2 =	sadd.s32 s3, s2  }
0x8d: {  	s2 =	sadd.s32 s2, s17  }
0x8e: {  	[smem:$0x3FC6] =	sst s2  }
0x8f: {  	_ = 	snop  }
0x90: {  	s2 =	sld [smem:$0x3FC9]  }
0x91: {  	s18 =	sld [smem:$0x3FD0];
	(tm) =	ssettm $0x1  }
0x92: {  	s4 =	sld [smem:$0x3FFB];
	_ =	sdelay $0x3  }
0x93: {  	_ =	strace s4  }
0x94: {  	s4 =	sld [smem:$0x3FFC];
	_ =	sdelay $0x3  }
0x95: {  	_ =	strace s4  }
0x96: {  	s4 =	sld [smem:$0x3FFD];
	_ =	sdelay $0x3  }
0x97: {  	_ =	strace s4  }
0x98: {  	_ =	strace $0x8FFFFFFF  }
0x99: {  	s19 =	sld [smem:$0x3FDB];
	_ =	sdelay $0x1  }
0x9a: {  	s5 =	simm.s32 $_scs_section_size  }
0x9b: {  	s6 =	simm.s32 $_size__tile_overlayer_lowered;
	s7 =	simm.s32 $_tile_overlayer_lowered  }
0x9c: {  	s22 =	simm.s32 $0x1BFF;
	s21 =	sshll.u32 s7, $0x1;
	s4 =	sadd.s32 s5, s19  }
0x9d: {  	s8 =	simm.s32 $0x0;
	s20 =	sshll.u32 s6, $0x1;
	s6 =	sadd.s32 s21, s4  }
0x9e: {  	[timem:s8], [sflag:s22] =	dma.local [hbm:s6], s20  }
0x9f: {  	_ =	swait.ge [sflag:s22], s20  }
0xa0: {  	s5 =	ssub.s32 $0x0, s20;
	[sflag:s22] =	ssyncset.done $0x0  }
0xa1: {  	[sflag:s22] =	ssyncadd.s32 s5;
	_ =	sdelay $0x1  }
0xa2: {  	s23 =	simm.s32 $0x1B8B  }
0xa3: {  	_ =	swait.ge [sflag:s23], $0x1  }
0xa4: {  	[sflag:s23] =	ssyncset.done $0x0  }
0xa5: {  	s25 =	simm.s32 $0x1B8E;
	s24 =	sld [smem:$0x3FFE];
	[sflag:s23] =	ssyncadd.s32 $0xFFFFFFFF  }
0xa6: {  	s26 =	simm.s32 $execute0_lowered;
	[smem:$0x3FD2] =	sst s25  }
0xa7: {  	s6 =	sshll.u32 s26, $0x1;
	_ =	strace $0x80000046;
	[dreg:$0x1] =	wrdreg $0xFFFFFFFF  }
0xa8: {  	s28 =	simm.s32 $_size_execute0_lowered;
	s4 =	sadd.s32 s4, s6;
	[dreg:$0x0] =	wrdreg $0x0  }
0xa9: {  	s6 =	sshll.u32 s28, $0x1;
	[dreg:$0x2] =	wrdreg s4  }
0xaa: {  	[dreg:$0x3] =	wrdreg s6  }
0xab: {  	[dreg:$0x4] =	wrdreg $0xC0  }
0xac: {  	_ =	task [dreg:s8], $0x5FFFF  }
0xad: {  	[dreg:$0x1] =	wrdreg $0xFFFFFFFF  }
0xae: {  	[dreg:$0x0] =	wrdreg $0x60  }
0xaf: {  	[dreg:$0x2] =	wrdreg s2  }
0xb0: {  	[dreg:$0x3] =	wrdreg s24  }
0xb1: {  	[dreg:$0x4] =	wrdreg s18  }
0xb2: {  	[dreg:$0x5] =	wrdreg $0x9  }
0xb3: {  	_ =	task.clear_ibuf [dreg:s8], $0x6FFFF;
	_ =	strace $0x90000046  }
0xb4: {  	s29 =	simm.s32 $0x9;
	_ =	strace $0x80000048  }
0xb5: {  	_ =	swait.ge [sflag:s29], $0x1  }
0xb6: {  	[sflag:s29] =	ssyncadd.s32 $0xFFFFFFFF  }
0xb7: {  	_ =	strace $0x90000048  }
0xb8: {  	_ =	sfence  }
0xb9: {  	s30 =	sld [smem:$0x0];
	_ =	sdelay $0x2  }
0xba: {  	s31 =	sshll.u32 s1, $0xD;
	s1 =	sshrl.u32 s1, $0x2  }
0xbb: {  	s3 =	sand.u32 $0x4000, s31;
	s1 =	sadd.s32 s1, s30  }
0xbc: {  	s0 =	sor.u32 s3, s0;
	s1 =	sshll.u32 s1, $0x11  }
0xbd: {  	s0 =	sor.u32 s1, s0  }
0xbe: {  	s0 =	sadd.s32 $0x8F2B, s0  }
0xbf: {  	[sflag:s0] =	ssyncadd.remote.s32 $0x1  }
0xc0: {  	_ =	sfence.sel $0xFFFF  }
0xc1: {  	[dreg:$0x0] =	wrdreg $0xFFFFFFFF;
	(pc) =	sbr.abs _section_cstart, $3  }
0xc2: {  	[dreg:$0x1] =	wrdreg $0xFFFFFFFF  }
0xc3: {  	_ =	task.clear_ibuf [dreg:s8], $0x2FFFF;
	_ =	strace $0x9FFFFFFF  }
0xc4: {  	(tm) =	ssettm $0x7FFFFFFF  }
0xc5: {  	_ =	shalt  }
tec
execute0_lowered:
.L_overlay_start_1:
0x0: {  	(tag) =	ssettag $0x1  }
0x1: {  	v0 =	vlaneseq.u32  }
0x2: {  	v0 =	vmul.u32 $0x88, v0;
	_ =	sdelay $0x1  }
0x3: {  	v1 =	vadd.s32 $0x880, v0;
	v5 =	vadd.s32 $0x882, v0;
	v6 =	vor.u32 $0x3, v0  }
0x4: {  	v7 =	vadd.s32 $0x883, v0;
	v8 =	vor.u32 $0x4, v0;
	v9 =	vadd.s32 $0x884, v0  }
0x5: {  	v10 =	vor.u32 $0x5, v0;
	v11 =	vadd.s32 $0x885, v0;
	v12 =	vor.u32 $0x6, v0  }
0x6: {  	v13 =	vadd.s32 $0x886, v0;
	v14 =	vor.u32 $0x7, v0;
	v15 =	vadd.s32 $0x887, v0  }
0x7: {  	v16 =	vadd.s32 $0x8, v0;
	v17 =	vadd.s32 $0x888, v0;
	v18 =	vadd.s32 $0x9, v0  }
0x8: {  	v19 =	vadd.s32 $0x889, v0;
	v20 =	vadd.s32 $0xA, v0;
	v21 =	vadd.s32 $0x88A, v0  }
0x9: {  	v22 =	vadd.s32 $0xB, v0;
	v23 =	vadd.s32 $0x88B, v0;
	v24 =	vadd.s32 $0xC, v0  }
0xa: {  	s6 =	rddreg [dreg:$0x0];
	v25 =	vadd.s32 $0x88C, v0;
	v26 =	vadd.s32 $0xD, v0;
	v27 =	vadd.s32 $0x88D, v0  }
0xb: {  	s5 =	rddreg [dreg:$0x1];
	v28 =	vadd.s32 $0xE, v0;
	v29 =	vadd.s32 $0x88E, v0;
	v30 =	vadd.s32 $0xF, v0  }
0xc: {  	s1 =	rddreg [dreg:$0x2];
	v31 =	vadd.s32 $0x88F, v0;
	v32 =	vadd.s32 $0x10, v0;
	v33 =	vadd.s32 $0x890, v0  }
0xd: {  	s0 =	rddreg [dreg:$0x3];
	s4 =	srdreg.scid;
	v34 =	vadd.s32 $0x11, v0;
	v35 =	vadd.s32 $0x891, v0;
	v36 =	vadd.s32 $0x12, v0  }
0xe: {  	s3 =	simm.s32 $0x0;
	s2 =	stileid.u32;
	s10 =	simm.s32 $0x9;
	v37 =	vadd.s32 $0x892, v0;
	v38 =	vadd.s32 $0x13, v0;
	v39 =	vadd.s32 $0x893, v0  }
0xf: {  	s11 =	simm.s32 $0x80;
	s12 =	simm.s32 $0x6400;
	s13 =	simm.s32 $0x7400;
	v40 =	vadd.s32 $0x14, v0;
	v41 =	vadd.s32 $0x894, v0;
	v42 =	vadd.s32 $0x15, v0  }
0x10: {  	s14 =	simm.s32 $0x100;
	s15 =	simm.s32 $0x8400;
	s16 =	simm.s32 $0x180;
	v43 =	vadd.s32 $0x895, v0;
	v44 =	vadd.s32 $0x16, v0;
	v45 =	vadd.s32 $0x896, v0  }
0x11: {  	s17 =	simm.s32 $0x9400;
	s18 =	simm.s32 $0x5;
	s19 =	simm.s32 $0x6;
	v46 =	vadd.s32 $0x17, v0;
	v47 =	vadd.s32 $0x897, v0;
	v48 =	vadd.s32 $0x18, v0  }
0x12: {  	s20 =	simm.s32 $0x7;
	s21 =	simm.s32 $0x8;
	s4 =	sand.u32 $0x1, s4;
	v49 =	vadd.s32 $0x898, v0;
	v50 =	vadd.s32 $0x19, v0;
	v51 =	vadd.s32 $0x899, v0  }
0x13: {  	s8 =	sshll.u32 s2, $0xB;
	s7 =	ssub.s32 $0x2, s4;
	s4 =	sshll.u32 s4, $0xA;
	v52 =	vadd.s32 $0x1A, v0;
	v53 =	vadd.s32 $0x89A, v0;
	[tilespmem:$0x1FFC0] =	vst v1;
	v1 =	vor.u32 $0x1, v0  }
0x14: {  	s22 =	simm.s32 $0x0;
	[smem:$0x7FF] =	sst s3;
	s4 =	sor.u32 s4, s8;
	v54 =	vadd.s32 $0x1B, v0;
	v55 =	vadd.s32 $0x89B, v0;
	[tilespmem:$0x1FFD0] =	vst v1;
	v1 =	vadd.s32 $0x881, v0  }
0x15: {  	s5 =	sadd.s32 $0xF42800, s5;
	s9 =	sshrl.u32 s7, $0x1;
	v56 =	vadd.s32 $0x1C, v0;
	v57 =	vadd.s32 $0x89C, v0;
	s8 =	sshrl.u32 s4, $0x3;
	[tilespmem:$0x1FFE0] =	vst v1;
	v1 =	vor.u32 $0x2, v0  }
0x16: {  	v58 =	vadd.s32 $0x1D, v0;
	v59 =	vadd.s32 $0x89D, v0;
	v60 =	vadd.s32 $0x1E, v0;
	s7 =	ssub.s32 s7, s9;
	s9 =	simm.s32 $0x8000;
	s6 =	sadd.s32 s6, s8;
	[tilespmem:$0x1FFF0] =	vst v1  }
0x17: {  	v61 =	vadd.s32 $0x89E, v0;
	v62 =	vadd.s32 $0x1F, v0;
	v63 =	vadd.s32 $0x89F, v0;
	s7 =	smax.u32 s7, $0x1;
	s8 =	simm.s32 $0x400;
	_ =	strace $0x80000047  }
.LBB2_1:
0x18: {  	[tilespmem:s3], [sflag:$0x9] =	stream.strided.gather [hbm4b:s6+s8], $0x6400, s9, s8, $0x38;
	[tilespmem:$0xE800] =	vst v63  }
0x19: {  	_ =	swait.ge [sflag:s10], $0x6400  }
0x1a: {  	[sflag:s10] =	ssyncset.done $0x0  }
0x1b: {  	[sflag:s10] =	ssyncadd.s32 $0xFFFF9C00  }
0x1c: {  	[tilespmem:s12], [sflag:$0x1] =	stream.indirect.gather [hbm4b:s5+s11], $0x20, s3, s11, $0xb8;
	[tilespmem:$0xE800] =	vst v63  }
0x1d: {  	_ = 	snop  }
0x1e: {  	[tilespmem:s13], [sflag:$0x2] =	stream.indirect.gather [hbm4b:s5+s11], $0x20, s11, s11, $0xb8;
	[tilespmem:$0xE800] =	vst v63  }
0x1f: {  	_ = 	snop  }
0x20: {  	[tilespmem:s15], [sflag:$0x3] =	stream.indirect.gather [hbm4b:s5+s11], $0x20, s14, s11, $0xb8;
	[tilespmem:$0xE800] =	vst v63  }
0x21: {  	s23 =	simm.s32 $0x0;
	s24 =	simm.s32 $0x0  }
0x22: {  	[tilespmem:s17], [sflag:$0x4] =	stream.indirect.gather [hbm4b:s5+s11], $0x20, s16, s11, $0xb8;
	[tilespmem:$0xE800] =	vst v63  }
.LBB2_2:
0x23: {  	s25 =	sand.u32 $0x3, s24  }
0x24: {  	s26 =	sadd.s32 $0x1, s25  }
0x25: {  	_ =	swait.ge [sflag:s26], $0x1000  }
0x26: {  	p0 =	slt.u32 s24, $0x4;
	[sflag:s26] =	ssyncset.done $0x0  }
0x27: {  	s29 =	sadd.s32 @!p0 $0x5, s25;
	[sflag:s26] =	ssyncadd.s32 $0xFFFFF000  }
0x28: {  	_ =	swait.ge @!p0 [sflag:s29], $0x1000  }
0x29: {  	[sflag:s29] =	ssyncset.done @!p0 $0x0  }
0x2a: {  	s28 =	sshll.u32 s25, $0xC;
	[sflag:s29] =	ssyncadd.s32 @!p0 $0xFFFFF000  }
0x2b: {  	v1 =	vld [tilespmem:s28+$0x6400];
	_ =	sdelay $0x1  }
0x2c: {  	s29 =	smul.u32 $0x4400, s25;
	_ =	sdelay $0x1  }
0x2d: {  	v2 =	vld [tilespmem:s28+$0x6410];
	s29 =	sshrl.u32 s29, $0x2  }
0x2e: {  	[tilespmem:v0+s29+$0xA400] =	vst.idx.msk $0xffff, v1;
	v1 =	vld [tilespmem:$0x1FFC0];
	_ =	sdelay $0x5  }
0x2f: {  	v3 =	vld [tilespmem:$0x1FFD0];
	_ =	sdelay $0x1  }
0x30: {  	[tilespmem:v1+s29+$0xA400] =	vst.idx.msk $0xffff, v2  }
0x31: {  	v1 =	vld [tilespmem:s28+$0x6420];
	_ =	sdelay $0x3  }
0x32: {  	v2 =	vld [tilespmem:s28+$0x6430]  }
0x33: {  	[tilespmem:v3+s29+$0xA400] =	vst.idx.msk $0xffff, v1;
	v1 =	vld [tilespmem:$0x1FFE0];
	_ =	sdelay $0x5  }
0x34: {  	v3 =	vld [tilespmem:$0x1FFF0];
	_ =	sdelay $0x1  }
0x35: {  	[tilespmem:v1+s29+$0xA400] =	vst.idx.msk $0xffff, v2  }
0x36: {  	v1 =	vld [tilespmem:s28+$0x6440]  }
0x37: {  	v2 =	vld [tilespmem:s28+$0x6450];
	_ =	sdelay $0x3  }
0x38: {  	[tilespmem:v3+s29+$0xA400] =	vst.idx.msk $0xffff, v1  }
0x39: {  	[tilespmem:v5+s29+$0xA400] =	vst.idx.msk $0xffff, v2  }
0x3a: {  	v1 =	vld [tilespmem:s28+$0x6460]  }
0x3b: {  	v2 =	vld [tilespmem:s28+$0x6470];
	_ =	sdelay $0x3  }
0x3c: {  	[tilespmem:v6+s29+$0xA400] =	vst.idx.msk $0xffff, v1  }
0x3d: {  	[tilespmem:v7+s29+$0xA400] =	vst.idx.msk $0xffff, v2  }
0x3e: {  	v1 =	vld [tilespmem:s28+$0x6480]  }
0x3f: {  	v2 =	vld [tilespmem:s28+$0x6490];
	_ =	sdelay $0x3  }
0x40: {  	[tilespmem:v8+s29+$0xA400] =	vst.idx.msk $0xffff, v1  }
0x41: {  	[tilespmem:v9+s29+$0xA400] =	vst.idx.msk $0xffff, v2  }
0x42: {  	v1 =	vld [tilespmem:s28+$0x64A0]  }
0x43: {  	v2 =	vld [tilespmem:s28+$0x64B0];
	_ =	sdelay $0x3  }
0x44: {  	[tilespmem:v10+s29+$0xA400] =	vst.idx.msk $0xffff, v1  }
0x45: {  	[tilespmem:v11+s29+$0xA400] =	vst.idx.msk $0xffff, v2  }
0x46: {  	v1 =	vld [tilespmem:s28+$0x64C0]  }
0x47: {  	v2 =	vld [tilespmem:s28+$0x64D0];
	_ =	sdelay $0x3  }
0x48: {  	[tilespmem:v12+s29+$0xA400] =	vst.idx.msk $0xffff, v1  }
0x49: {  	[tilespmem:v13+s29+$0xA400] =	vst.idx.msk $0xffff, v2  }
0x4a: {  	v1 =	vld [tilespmem:s28+$0x64E0]  }
0x4b: {  	v2 =	vld [tilespmem:s28+$0x64F0];
	_ =	sdelay $0x3  }
0x4c: {  	[tilespmem:v14+s29+$0xA400] =	vst.idx.msk $0xffff, v1  }
0x4d: {  	[tilespmem:v15+s29+$0xA400] =	vst.idx.msk $0xffff, v2  }
0x4e: {  	v1 =	vld [tilespmem:s28+$0x6500]  }
0x4f: {  	v2 =	vld [tilespmem:s28+$0x6510];
	_ =	sdelay $0x3  }
0x50: {  	[tilespmem:v16+s29+$0xA400] =	vst.idx.msk $0xffff, v1  }
0x51: {  	[tilespmem:v17+s29+$0xA400] =	vst.idx.msk $0xffff, v2  }
0x52: {  	v1 =	vld [tilespmem:s28+$0x6520]  }
0x53: {  	v2 =	vld [tilespmem:s28+$0x6530];
	_ =	sdelay $0x3  }
0x54: {  	[tilespmem:v18+s29+$0xA400] =	vst.idx.msk $0xffff, v1  }
0x55: {  	[tilespmem:v19+s29+$0xA400] =	vst.idx.msk $0xffff, v2  }
0x56: {  	v1 =	vld [tilespmem:s28+$0x6540]  }
0x57: {  	v2 =	vld [tilespmem:s28+$0x6550];
	_ =	sdelay $0x3  }
0x58: {  	[tilespmem:v20+s29+$0xA400] =	vst.idx.msk $0xffff, v1  }
0x59: {  	[tilespmem:v21+s29+$0xA400] =	vst.idx.msk $0xffff, v2  }
0x5a: {  	v1 =	vld [tilespmem:s28+$0x6560]  }
0x5b: {  	v2 =	vld [tilespmem:s28+$0x6570];
	_ =	sdelay $0x3  }
0x5c: {  	[tilespmem:v22+s29+$0xA400] =	vst.idx.msk $0xffff, v1  }
0x5d: {  	[tilespmem:v23+s29+$0xA400] =	vst.idx.msk $0xffff, v2  }
0x5e: {  	v1 =	vld [tilespmem:s28+$0x6580]  }
0x5f: {  	v2 =	vld [tilespmem:s28+$0x6590];
	_ =	sdelay $0x3  }
0x60: {  	[tilespmem:v24+s29+$0xA400] =	vst.idx.msk $0xffff, v1  }
0x61: {  	[tilespmem:v25+s29+$0xA400] =	vst.idx.msk $0xffff, v2  }
0x62: {  	v1 =	vld [tilespmem:s28+$0x65A0]  }
0x63: {  	v2 =	vld [tilespmem:s28+$0x65B0];
	_ =	sdelay $0x3  }
0x64: {  	[tilespmem:v26+s29+$0xA400] =	vst.idx.msk $0xffff, v1  }
0x65: {  	[tilespmem:v27+s29+$0xA400] =	vst.idx.msk $0xffff, v2  }
0x66: {  	v1 =	vld [tilespmem:s28+$0x65C0]  }
0x67: {  	v2 =	vld [tilespmem:s28+$0x65D0];
	_ =	sdelay $0x3  }
0x68: {  	[tilespmem:v28+s29+$0xA400] =	vst.idx.msk $0xffff, v1  }
0x69: {  	[tilespmem:v29+s29+$0xA400] =	vst.idx.msk $0xffff, v2  }
0x6a: {  	v1 =	vld [tilespmem:s28+$0x65E0]  }
0x6b: {  	v2 =	vld [tilespmem:s28+$0x65F0];
	_ =	sdelay $0x3  }
0x6c: {  	[tilespmem:v30+s29+$0xA400] =	vst.idx.msk $0xffff, v1  }
0x6d: {  	[tilespmem:v31+s29+$0xA400] =	vst.idx.msk $0xffff, v2  }
0x6e: {  	v1 =	vld [tilespmem:s28+$0x6600]  }
0x6f: {  	v2 =	vld [tilespmem:s28+$0x6610];
	_ =	sdelay $0x3  }
0x70: {  	[tilespmem:v32+s29+$0xA400] =	vst.idx.msk $0xffff, v1  }
0x71: {  	[tilespmem:v33+s29+$0xA400] =	vst.idx.msk $0xffff, v2  }
0x72: {  	v1 =	vld [tilespmem:s28+$0x6620]  }
0x73: {  	v2 =	vld [tilespmem:s28+$0x6630];
	_ =	sdelay $0x3  }
0x74: {  	[tilespmem:v34+s29+$0xA400] =	vst.idx.msk $0xffff, v1  }
0x75: {  	[tilespmem:v35+s29+$0xA400] =	vst.idx.msk $0xffff, v2  }
0x76: {  	v1 =	vld [tilespmem:s28+$0x6640]  }
0x77: {  	v2 =	vld [tilespmem:s28+$0x6650];
	_ =	sdelay $0x3  }
0x78: {  	[tilespmem:v36+s29+$0xA400] =	vst.idx.msk $0xffff, v1  }
0x79: {  	[tilespmem:v37+s29+$0xA400] =	vst.idx.msk $0xffff, v2  }
0x7a: {  	v1 =	vld [tilespmem:s28+$0x6660]  }
0x7b: {  	v2 =	vld [tilespmem:s28+$0x6670];
	_ =	sdelay $0x3  }
0x7c: {  	[tilespmem:v38+s29+$0xA400] =	vst.idx.msk $0xffff, v1  }
0x7d: {  	[tilespmem:v39+s29+$0xA400] =	vst.idx.msk $0xffff, v2  }
0x7e: {  	v1 =	vld [tilespmem:s28+$0x6680]  }
0x7f: {  	v2 =	vld [tilespmem:s28+$0x6690];
	_ =	sdelay $0x3  }
0x80: {  	[tilespmem:v40+s29+$0xA400] =	vst.idx.msk $0xffff, v1  }
0x81: {  	[tilespmem:v41+s29+$0xA400] =	vst.idx.msk $0xffff, v2  }
0x82: {  	v1 =	vld [tilespmem:s28+$0x66A0]  }
0x83: {  	v2 =	vld [tilespmem:s28+$0x66B0];
	_ =	sdelay $0x3  }
0x84: {  	[tilespmem:v42+s29+$0xA400] =	vst.idx.msk $0xffff, v1  }
0x85: {  	[tilespmem:v43+s29+$0xA400] =	vst.idx.msk $0xffff, v2  }
0x86: {  	v1 =	vld [tilespmem:s28+$0x66C0]  }
0x87: {  	v2 =	vld [tilespmem:s28+$0x66D0];
	_ =	sdelay $0x3  }
0x88: {  	[tilespmem:v44+s29+$0xA400] =	vst.idx.msk $0xffff, v1  }
0x89: {  	[tilespmem:v45+s29+$0xA400] =	vst.idx.msk $0xffff, v2  }
0x8a: {  	v1 =	vld [tilespmem:s28+$0x66E0]  }
0x8b: {  	v2 =	vld [tilespmem:s28+$0x66F0];
	_ =	sdelay $0x3  }
0x8c: {  	[tilespmem:v46+s29+$0xA400] =	vst.idx.msk $0xffff, v1  }
0x8d: {  	[tilespmem:v47+s29+$0xA400] =	vst.idx.msk $0xffff, v2  }
0x8e: {  	v1 =	vld [tilespmem:s28+$0x6700]  }
0x8f: {  	v2 =	vld [tilespmem:s28+$0x6710];
	_ =	sdelay $0x3  }
0x90: {  	[tilespmem:v48+s29+$0xA400] =	vst.idx.msk $0xffff, v1  }
0x91: {  	[tilespmem:v49+s29+$0xA400] =	vst.idx.msk $0xffff, v2  }
0x92: {  	v1 =	vld [tilespmem:s28+$0x6720]  }
0x93: {  	v2 =	vld [tilespmem:s28+$0x6730];
	_ =	sdelay $0x3  }
0x94: {  	[tilespmem:v50+s29+$0xA400] =	vst.idx.msk $0xffff, v1  }
0x95: {  	[tilespmem:v51+s29+$0xA400] =	vst.idx.msk $0xffff, v2  }
0x96: {  	v1 =	vld [tilespmem:s28+$0x6740]  }
0x97: {  	v2 =	vld [tilespmem:s28+$0x6750];
	_ =	sdelay $0x3  }
0x98: {  	[tilespmem:v52+s29+$0xA400] =	vst.idx.msk $0xffff, v1  }
0x99: {  	[tilespmem:v53+s29+$0xA400] =	vst.idx.msk $0xffff, v2  }
0x9a: {  	v1 =	vld [tilespmem:s28+$0x6760]  }
0x9b: {  	v2 =	vld [tilespmem:s28+$0x6770];
	_ =	sdelay $0x3  }
0x9c: {  	[tilespmem:v54+s29+$0xA400] =	vst.idx.msk $0xffff, v1  }
0x9d: {  	[tilespmem:v55+s29+$0xA400] =	vst.idx.msk $0xffff, v2  }
0x9e: {  	v1 =	vld [tilespmem:s28+$0x6780]  }
0x9f: {  	v2 =	vld [tilespmem:s28+$0x6790];
	_ =	sdelay $0x3  }
0xa0: {  	[tilespmem:v56+s29+$0xA400] =	vst.idx.msk $0xffff, v1  }
0xa1: {  	[tilespmem:v57+s29+$0xA400] =	vst.idx.msk $0xffff, v2  }
0xa2: {  	v1 =	vld [tilespmem:s28+$0x67A0]  }
0xa3: {  	v2 =	vld [tilespmem:s28+$0x67B0];
	_ =	sdelay $0x3  }
0xa4: {  	[tilespmem:v58+s29+$0xA400] =	vst.idx.msk $0xffff, v1  }
0xa5: {  	[tilespmem:v59+s29+$0xA400] =	vst.idx.msk $0xffff, v2  }
0xa6: {  	v1 =	vld [tilespmem:s28+$0x67C0]  }
0xa7: {  	v2 =	vld [tilespmem:s28+$0x67D0];
	_ =	sdelay $0x3  }
0xa8: {  	[tilespmem:v60+s29+$0xA400] =	vst.idx.msk $0xffff, v1  }
0xa9: {  	[tilespmem:v61+s29+$0xA400] =	vst.idx.msk $0xffff, v2  }
0xaa: {  	v1 =	vld [tilespmem:s28+$0x67E0]  }
0xab: {  	v2 =	vld [tilespmem:s28+$0x67F0];
	_ =	sdelay $0x3  }
0xac: {  	[tilespmem:v62+s29+$0xA400] =	vst.idx.msk $0xffff, v1  }
0xad: {  	[tilespmem:v63+s29+$0xA400] =	vst.idx.msk $0xffff, v2  }
0xae: {  	v2 =	vadd.s32 $0x20, v0;
	v1 =	vld [tilespmem:s28+$0x6800]  }
0xaf: {  	v4 =	vadd.s32 $0x8A0, v0;
	v3 =	vld [tilespmem:s28+$0x6810];
	_ =	sdelay $0x3  }
0xb0: {  	[tilespmem:v2+s29+$0xA400] =	vst.idx.msk $0xffff, v1  }
0xb1: {  	[tilespmem:v4+s29+$0xA400] =	vst.idx.msk $0xffff, v3  }
0xb2: {  	v2 =	vadd.s32 $0x21, v0;
	v1 =	vld [tilespmem:s28+$0x6820]  }
0xb3: {  	v4 =	vadd.s32 $0x8A1, v0;
	v3 =	vld [tilespmem:s28+$0x6830];
	_ =	sdelay $0x3  }
0xb4: {  	[tilespmem:v2+s29+$0xA400] =	vst.idx.msk $0xffff, v1  }
0xb5: {  	[tilespmem:v4+s29+$0xA400] =	vst.idx.msk $0xffff, v3  }
0xb6: {  	v2 =	vadd.s32 $0x22, v0;
	v1 =	vld [tilespmem:s28+$0x6840]  }
0xb7: {  	v4 =	vadd.s32 $0x8A2, v0;
	v3 =	vld [tilespmem:s28+$0x6850];
	_ =	sdelay $0x3  }
0xb8: {  	[tilespmem:v2+s29+$0xA400] =	vst.idx.msk $0xffff, v1  }
0xb9: {  	[tilespmem:v4+s29+$0xA400] =	vst.idx.msk $0xffff, v3  }
0xba: {  	v2 =	vadd.s32 $0x23, v0;
	v1 =	vld [tilespmem:s28+$0x6860]  }
0xbb: {  	v4 =	vadd.s32 $0x8A3, v0;
	v3 =	vld [tilespmem:s28+$0x6870];
	_ =	sdelay $0x3  }
0xbc: {  	[tilespmem:v2+s29+$0xA400] =	vst.idx.msk $0xffff, v1  }
0xbd: {  	[tilespmem:v4+s29+$0xA400] =	vst.idx.msk $0xffff, v3  }
0xbe: {  	v2 =	vadd.s32 $0x24, v0;
	v1 =	vld [tilespmem:s28+$0x6880]  }
0xbf: {  	v4 =	vadd.s32 $0x8A4, v0;
	v3 =	vld [tilespmem:s28+$0x6890];
	_ =	sdelay $0x3  }
0xc0: {  	[tilespmem:v2+s29+$0xA400] =	vst.idx.msk $0xffff, v1  }
0xc1: {  	[tilespmem:v4+s29+$0xA400] =	vst.idx.msk $0xffff, v3  }
0xc2: {  	v2 =	vadd.s32 $0x25, v0;
	v1 =	vld [tilespmem:s28+$0x68A0]  }
0xc3: {  	v4 =	vadd.s32 $0x8A5, v0;
	v3 =	vld [tilespmem:s28+$0x68B0];
	_ =	sdelay $0x3  }
0xc4: {  	[tilespmem:v2+s29+$0xA400] =	vst.idx.msk $0xffff, v1  }
0xc5: {  	[tilespmem:v4+s29+$0xA400] =	vst.idx.msk $0xffff, v3  }
0xc6: {  	v2 =	vadd.s32 $0x26, v0;
	v1 =	vld [tilespmem:s28+$0x68C0]  }
0xc7: {  	v4 =	vadd.s32 $0x8A6, v0;
	v3 =	vld [tilespmem:s28+$0x68D0];
	_ =	sdelay $0x3  }
0xc8: {  	[tilespmem:v2+s29+$0xA400] =	vst.idx.msk $0xffff, v1  }
0xc9: {  	[tilespmem:v4+s29+$0xA400] =	vst.idx.msk $0xffff, v3  }
0xca: {  	v2 =	vadd.s32 $0x27, v0;
	v1 =	vld [tilespmem:s28+$0x68E0]  }
0xcb: {  	v4 =	vadd.s32 $0x8A7, v0;
	v3 =	vld [tilespmem:s28+$0x68F0];
	_ =	sdelay $0x3  }
0xcc: {  	[tilespmem:v2+s29+$0xA400] =	vst.idx.msk $0xffff, v1  }
0xcd: {  	[tilespmem:v4+s29+$0xA400] =	vst.idx.msk $0xffff, v3  }
0xce: {  	v2 =	vadd.s32 $0x28, v0;
	v1 =	vld [tilespmem:s28+$0x6900]  }
0xcf: {  	v4 =	vadd.s32 $0x8A8, v0;
	v3 =	vld [tilespmem:s28+$0x6910];
	_ =	sdelay $0x3  }
0xd0: {  	[tilespmem:v2+s29+$0xA400] =	vst.idx.msk $0xffff, v1  }
0xd1: {  	[tilespmem:v4+s29+$0xA400] =	vst.idx.msk $0xffff, v3  }
0xd2: {  	v2 =	vadd.s32 $0x29, v0;
	v1 =	vld [tilespmem:s28+$0x6920]  }
0xd3: {  	v4 =	vadd.s32 $0x8A9, v0;
	v3 =	vld [tilespmem:s28+$0x6930];
	_ =	sdelay $0x3  }
0xd4: {  	[tilespmem:v2+s29+$0xA400] =	vst.idx.msk $0xffff, v1  }
0xd5: {  	[tilespmem:v4+s29+$0xA400] =	vst.idx.msk $0xffff, v3  }
0xd6: {  	v2 =	vadd.s32 $0x2A, v0;
	v1 =	vld [tilespmem:s28+$0x6940]  }
0xd7: {  	v4 =	vadd.s32 $0x8AA, v0;
	v3 =	vld [tilespmem:s28+$0x6950];
	_ =	sdelay $0x3  }
0xd8: {  	[tilespmem:v2+s29+$0xA400] =	vst.idx.msk $0xffff, v1  }
0xd9: {  	[tilespmem:v4+s29+$0xA400] =	vst.idx.msk $0xffff, v3  }
0xda: {  	v2 =	vadd.s32 $0x2B, v0;
	v1 =	vld [tilespmem:s28+$0x6960]  }
0xdb: {  	v4 =	vadd.s32 $0x8AB, v0;
	v3 =	vld [tilespmem:s28+$0x6970];
	_ =	sdelay $0x3  }
0xdc: {  	[tilespmem:v2+s29+$0xA400] =	vst.idx.msk $0xffff, v1  }
0xdd: {  	[tilespmem:v4+s29+$0xA400] =	vst.idx.msk $0xffff, v3  }
0xde: {  	v2 =	vadd.s32 $0x2C, v0;
	v1 =	vld [tilespmem:s28+$0x6980]  }
0xdf: {  	v4 =	vadd.s32 $0x8AC, v0;
	v3 =	vld [tilespmem:s28+$0x6990];
	_ =	sdelay $0x3  }
0xe0: {  	[tilespmem:v2+s29+$0xA400] =	vst.idx.msk $0xffff, v1  }
0xe1: {  	[tilespmem:v4+s29+$0xA400] =	vst.idx.msk $0xffff, v3  }
0xe2: {  	v2 =	vadd.s32 $0x2D, v0;
	v1 =	vld [tilespmem:s28+$0x69A0]  }
0xe3: {  	v4 =	vadd.s32 $0x8AD, v0;
	v3 =	vld [tilespmem:s28+$0x69B0];
	_ =	sdelay $0x3  }
0xe4: {  	[tilespmem:v2+s29+$0xA400] =	vst.idx.msk $0xffff, v1  }
0xe5: {  	[tilespmem:v4+s29+$0xA400] =	vst.idx.msk $0xffff, v3  }
0xe6: {  	v2 =	vadd.s32 $0x2E, v0;
	v1 =	vld [tilespmem:s28+$0x69C0]  }
0xe7: {  	v4 =	vadd.s32 $0x8AE, v0;
	v3 =	vld [tilespmem:s28+$0x69D0];
	_ =	sdelay $0x3  }
0xe8: {  	[tilespmem:v2+s29+$0xA400] =	vst.idx.msk $0xffff, v1  }
0xe9: {  	[tilespmem:v4+s29+$0xA400] =	vst.idx.msk $0xffff, v3  }
0xea: {  	v2 =	vadd.s32 $0x2F, v0;
	v1 =	vld [tilespmem:s28+$0x69E0]  }
0xeb: {  	v4 =	vadd.s32 $0x8AF, v0;
	v3 =	vld [tilespmem:s28+$0x69F0];
	_ =	sdelay $0x3  }
0xec: {  	[tilespmem:v2+s29+$0xA400] =	vst.idx.msk $0xffff, v1  }
0xed: {  	[tilespmem:v4+s29+$0xA400] =	vst.idx.msk $0xffff, v3  }
0xee: {  	v2 =	vadd.s32 $0x30, v0;
	v1 =	vld [tilespmem:s28+$0x6A00]  }
0xef: {  	v4 =	vadd.s32 $0x8B0, v0;
	v3 =	vld [tilespmem:s28+$0x6A10];
	_ =	sdelay $0x3  }
0xf0: {  	[tilespmem:v2+s29+$0xA400] =	vst.idx.msk $0xffff, v1  }
0xf1: {  	[tilespmem:v4+s29+$0xA400] =	vst.idx.msk $0xffff, v3  }
0xf2: {  	v2 =	vadd.s32 $0x31, v0;
	v1 =	vld [tilespmem:s28+$0x6A20]  }
0xf3: {  	v4 =	vadd.s32 $0x8B1, v0;
	v3 =	vld [tilespmem:s28+$0x6A30];
	_ =	sdelay $0x3  }
0xf4: {  	[tilespmem:v2+s29+$0xA400] =	vst.idx.msk $0xffff, v1  }
0xf5: {  	[tilespmem:v4+s29+$0xA400] =	vst.idx.msk $0xffff, v3  }
0xf6: {  	v2 =	vadd.s32 $0x32, v0;
	v1 =	vld [tilespmem:s28+$0x6A40]  }
0xf7: {  	v4 =	vadd.s32 $0x8B2, v0;
	v3 =	vld [tilespmem:s28+$0x6A50];
	_ =	sdelay $0x3  }
0xf8: {  	[tilespmem:v2+s29+$0xA400] =	vst.idx.msk $0xffff, v1  }
0xf9: {  	[tilespmem:v4+s29+$0xA400] =	vst.idx.msk $0xffff, v3  }
0xfa: {  	v2 =	vadd.s32 $0x33, v0;
	v1 =	vld [tilespmem:s28+$0x6A60]  }
0xfb: {  	v4 =	vadd.s32 $0x8B3, v0;
	v3 =	vld [tilespmem:s28+$0x6A70];
	_ =	sdelay $0x3  }
0xfc: {  	[tilespmem:v2+s29+$0xA400] =	vst.idx.msk $0xffff, v1  }
0xfd: {  	[tilespmem:v4+s29+$0xA400] =	vst.idx.msk $0xffff, v3  }
0xfe: {  	v2 =	vadd.s32 $0x34, v0;
	v1 =	vld [tilespmem:s28+$0x6A80]  }
0xff: {  	v4 =	vadd.s32 $0x8B4, v0;
	v3 =	vld [tilespmem:s28+$0x6A90];
	_ =	sdelay $0x3  }
0x100: {  	[tilespmem:v2+s29+$0xA400] =	vst.idx.msk $0xffff, v1  }
0x101: {  	[tilespmem:v4+s29+$0xA400] =	vst.idx.msk $0xffff, v3  }
0x102: {  	v2 =	vadd.s32 $0x35, v0;
	v1 =	vld [tilespmem:s28+$0x6AA0]  }
0x103: {  	v4 =	vadd.s32 $0x8B5, v0;
	v3 =	vld [tilespmem:s28+$0x6AB0];
	_ =	sdelay $0x3  }
0x104: {  	[tilespmem:v2+s29+$0xA400] =	vst.idx.msk $0xffff, v1  }
0x105: {  	[tilespmem:v4+s29+$0xA400] =	vst.idx.msk $0xffff, v3  }
0x106: {  	v2 =	vadd.s32 $0x36, v0;
	v1 =	vld [tilespmem:s28+$0x6AC0]  }
0x107: {  	v4 =	vadd.s32 $0x8B6, v0;
	v3 =	vld [tilespmem:s28+$0x6AD0];
	_ =	sdelay $0x3  }
0x108: {  	[tilespmem:v2+s29+$0xA400] =	vst.idx.msk $0xffff, v1  }
0x109: {  	[tilespmem:v4+s29+$0xA400] =	vst.idx.msk $0xffff, v3  }
0x10a: {  	v2 =	vadd.s32 $0x37, v0;
	v1 =	vld [tilespmem:s28+$0x6AE0]  }
0x10b: {  	v4 =	vadd.s32 $0x8B7, v0;
	v3 =	vld [tilespmem:s28+$0x6AF0];
	_ =	sdelay $0x3  }
0x10c: {  	[tilespmem:v2+s29+$0xA400] =	vst.idx.msk $0xffff, v1  }
0x10d: {  	[tilespmem:v4+s29+$0xA400] =	vst.idx.msk $0xffff, v3  }
0x10e: {  	v2 =	vadd.s32 $0x38, v0;
	v1 =	vld [tilespmem:s28+$0x6B00]  }
0x10f: {  	v4 =	vadd.s32 $0x8B8, v0;
	v3 =	vld [tilespmem:s28+$0x6B10];
	_ =	sdelay $0x3  }
0x110: {  	[tilespmem:v2+s29+$0xA400] =	vst.idx.msk $0xffff, v1  }
0x111: {  	[tilespmem:v4+s29+$0xA400] =	vst.idx.msk $0xffff, v3  }
0x112: {  	v2 =	vadd.s32 $0x39, v0;
	v1 =	vld [tilespmem:s28+$0x6B20]  }
0x113: {  	v4 =	vadd.s32 $0x8B9, v0;
	v3 =	vld [tilespmem:s28+$0x6B30];
	_ =	sdelay $0x3  }
0x114: {  	[tilespmem:v2+s29+$0xA400] =	vst.idx.msk $0xffff, v1  }
0x115: {  	[tilespmem:v4+s29+$0xA400] =	vst.idx.msk $0xffff, v3  }
0x116: {  	v2 =	vadd.s32 $0x3A, v0;
	v1 =	vld [tilespmem:s28+$0x6B40]  }
0x117: {  	v4 =	vadd.s32 $0x8BA, v0;
	v3 =	vld [tilespmem:s28+$0x6B50];
	_ =	sdelay $0x3  }
0x118: {  	[tilespmem:v2+s29+$0xA400] =	vst.idx.msk $0xffff, v1  }
0x119: {  	[tilespmem:v4+s29+$0xA400] =	vst.idx.msk $0xffff, v3  }
0x11a: {  	v2 =	vadd.s32 $0x3B, v0;
	v1 =	vld [tilespmem:s28+$0x6B60]  }
0x11b: {  	v4 =	vadd.s32 $0x8BB, v0;
	v3 =	vld [tilespmem:s28+$0x6B70];
	_ =	sdelay $0x3  }
0x11c: {  	[tilespmem:v2+s29+$0xA400] =	vst.idx.msk $0xffff, v1  }
0x11d: {  	[tilespmem:v4+s29+$0xA400] =	vst.idx.msk $0xffff, v3  }
0x11e: {  	v2 =	vadd.s32 $0x3C, v0;
	v1 =	vld [tilespmem:s28+$0x6B80]  }
0x11f: {  	v4 =	vadd.s32 $0x8BC, v0;
	v3 =	vld [tilespmem:s28+$0x6B90];
	_ =	sdelay $0x3  }
0x120: {  	[tilespmem:v2+s29+$0xA400] =	vst.idx.msk $0xffff, v1  }
0x121: {  	[tilespmem:v4+s29+$0xA400] =	vst.idx.msk $0xffff, v3  }
0x122: {  	v2 =	vadd.s32 $0x3D, v0;
	v1 =	vld [tilespmem:s28+$0x6BA0]  }
0x123: {  	v4 =	vadd.s32 $0x8BD, v0;
	v3 =	vld [tilespmem:s28+$0x6BB0];
	_ =	sdelay $0x3  }
0x124: {  	[tilespmem:v2+s29+$0xA400] =	vst.idx.msk $0xffff, v1  }
0x125: {  	[tilespmem:v4+s29+$0xA400] =	vst.idx.msk $0xffff, v3  }
0x126: {  	v2 =	vadd.s32 $0x3E, v0;
	v1 =	vld [tilespmem:s28+$0x6BC0]  }
0x127: {  	v4 =	vadd.s32 $0x8BE, v0;
	v3 =	vld [tilespmem:s28+$0x6BD0];
	_ =	sdelay $0x3  }
0x128: {  	[tilespmem:v2+s29+$0xA400] =	vst.idx.msk $0xffff, v1  }
0x129: {  	[tilespmem:v4+s29+$0xA400] =	vst.idx.msk $0xffff, v3  }
0x12a: {  	v2 =	vadd.s32 $0x3F, v0;
	v1 =	vld [tilespmem:s28+$0x6BE0]  }
0x12b: {  	v4 =	vadd.s32 $0x8BF, v0;
	v3 =	vld [tilespmem:s28+$0x6BF0];
	_ =	sdelay $0x3  }
0x12c: {  	[tilespmem:v2+s29+$0xA400] =	vst.idx.msk $0xffff, v1  }
0x12d: {  	[tilespmem:v4+s29+$0xA400] =	vst.idx.msk $0xffff, v3  }
0x12e: {  	v2 =	vadd.s32 $0x40, v0;
	v1 =	vld [tilespmem:s28+$0x6C00]  }
0x12f: {  	v4 =	vadd.s32 $0x8C0, v0;
	v3 =	vld [tilespmem:s28+$0x6C10];
	_ =	sdelay $0x3  }
0x130: {  	[tilespmem:v2+s29+$0xA400] =	vst.idx.msk $0xffff, v1  }
0x131: {  	[tilespmem:v4+s29+$0xA400] =	vst.idx.msk $0xffff, v3  }
0x132: {  	v2 =	vadd.s32 $0x41, v0;
	v1 =	vld [tilespmem:s28+$0x6C20]  }
0x133: {  	v4 =	vadd.s32 $0x8C1, v0;
	v3 =	vld [tilespmem:s28+$0x6C30];
	_ =	sdelay $0x3  }
0x134: {  	[tilespmem:v2+s29+$0xA400] =	vst.idx.msk $0xffff, v1  }
0x135: {  	[tilespmem:v4+s29+$0xA400] =	vst.idx.msk $0xffff, v3  }
0x136: {  	v2 =	vadd.s32 $0x42, v0;
	v1 =	vld [tilespmem:s28+$0x6C40]  }
0x137: {  	v4 =	vadd.s32 $0x8C2, v0;
	v3 =	vld [tilespmem:s28+$0x6C50];
	_ =	sdelay $0x3  }
0x138: {  	[tilespmem:v2+s29+$0xA400] =	vst.idx.msk $0xffff, v1  }
0x139: {  	[tilespmem:v4+s29+$0xA400] =	vst.idx.msk $0xffff, v3  }
0x13a: {  	v2 =	vadd.s32 $0x43, v0;
	v1 =	vld [tilespmem:s28+$0x6C60]  }
0x13b: {  	v4 =	vadd.s32 $0x8C3, v0;
	v3 =	vld [tilespmem:s28+$0x6C70];
	_ =	sdelay $0x3  }
0x13c: {  	[tilespmem:v2+s29+$0xA400] =	vst.idx.msk $0xffff, v1  }
0x13d: {  	[tilespmem:v4+s29+$0xA400] =	vst.idx.msk $0xffff, v3  }
0x13e: {  	v2 =	vadd.s32 $0x44, v0;
	v1 =	vld [tilespmem:s28+$0x6C80]  }
0x13f: {  	v4 =	vadd.s32 $0x8C4, v0;
	v3 =	vld [tilespmem:s28+$0x6C90];
	_ =	sdelay $0x3  }
0x140: {  	[tilespmem:v2+s29+$0xA400] =	vst.idx.msk $0xffff, v1  }
0x141: {  	[tilespmem:v4+s29+$0xA400] =	vst.idx.msk $0xffff, v3  }
0x142: {  	v2 =	vadd.s32 $0x45, v0;
	v1 =	vld [tilespmem:s28+$0x6CA0]  }
0x143: {  	v4 =	vadd.s32 $0x8C5, v0;
	v3 =	vld [tilespmem:s28+$0x6CB0];
	_ =	sdelay $0x3  }
0x144: {  	[tilespmem:v2+s29+$0xA400] =	vst.idx.msk $0xffff, v1  }
0x145: {  	[tilespmem:v4+s29+$0xA400] =	vst.idx.msk $0xffff, v3  }
0x146: {  	v2 =	vadd.s32 $0x46, v0;
	v1 =	vld [tilespmem:s28+$0x6CC0]  }
0x147: {  	v4 =	vadd.s32 $0x8C6, v0;
	v3 =	vld [tilespmem:s28+$0x6CD0];
	_ =	sdelay $0x3  }
0x148: {  	[tilespmem:v2+s29+$0xA400] =	vst.idx.msk $0xffff, v1  }
0x149: {  	[tilespmem:v4+s29+$0xA400] =	vst.idx.msk $0xffff, v3  }
0x14a: {  	v2 =	vadd.s32 $0x47, v0;
	v1 =	vld [tilespmem:s28+$0x6CE0]  }
0x14b: {  	v4 =	vadd.s32 $0x8C7, v0;
	v3 =	vld [tilespmem:s28+$0x6CF0];
	_ =	sdelay $0x3  }
0x14c: {  	[tilespmem:v2+s29+$0xA400] =	vst.idx.msk $0xffff, v1  }
0x14d: {  	[tilespmem:v4+s29+$0xA400] =	vst.idx.msk $0xffff, v3  }
0x14e: {  	v2 =	vadd.s32 $0x48, v0;
	v1 =	vld [tilespmem:s28+$0x6D00]  }
0x14f: {  	v4 =	vadd.s32 $0x8C8, v0;
	v3 =	vld [tilespmem:s28+$0x6D10];
	_ =	sdelay $0x3  }
0x150: {  	[tilespmem:v2+s29+$0xA400] =	vst.idx.msk $0xffff, v1  }
0x151: {  	[tilespmem:v4+s29+$0xA400] =	vst.idx.msk $0xffff, v3  }
0x152: {  	v2 =	vadd.s32 $0x49, v0;
	v1 =	vld [tilespmem:s28+$0x6D20]  }
0x153: {  	v4 =	vadd.s32 $0x8C9, v0;
	v3 =	vld [tilespmem:s28+$0x6D30];
	_ =	sdelay $0x3  }
0x154: {  	[tilespmem:v2+s29+$0xA400] =	vst.idx.msk $0xffff, v1  }
0x155: {  	[tilespmem:v4+s29+$0xA400] =	vst.idx.msk $0xffff, v3  }
0x156: {  	v2 =	vadd.s32 $0x4A, v0;
	v1 =	vld [tilespmem:s28+$0x6D40]  }
0x157: {  	v4 =	vadd.s32 $0x8CA, v0;
	v3 =	vld [tilespmem:s28+$0x6D50];
	_ =	sdelay $0x3  }
0x158: {  	[tilespmem:v2+s29+$0xA400] =	vst.idx.msk $0xffff, v1  }
0x159: {  	[tilespmem:v4+s29+$0xA400] =	vst.idx.msk $0xffff, v3  }
0x15a: {  	v2 =	vadd.s32 $0x4B, v0;
	v1 =	vld [tilespmem:s28+$0x6D60]  }
0x15b: {  	v4 =	vadd.s32 $0x8CB, v0;
	v3 =	vld [tilespmem:s28+$0x6D70];
	_ =	sdelay $0x3  }
0x15c: {  	[tilespmem:v2+s29+$0xA400] =	vst.idx.msk $0xffff, v1  }
0x15d: {  	[tilespmem:v4+s29+$0xA400] =	vst.idx.msk $0xffff, v3  }
0x15e: {  	v2 =	vadd.s32 $0x4C, v0;
	v1 =	vld [tilespmem:s28+$0x6D80]  }
0x15f: {  	v4 =	vadd.s32 $0x8CC, v0;
	v3 =	vld [tilespmem:s28+$0x6D90];
	_ =	sdelay $0x3  }
0x160: {  	[tilespmem:v2+s29+$0xA400] =	vst.idx.msk $0xffff, v1  }
0x161: {  	[tilespmem:v4+s29+$0xA400] =	vst.idx.msk $0xffff, v3  }
0x162: {  	v2 =	vadd.s32 $0x4D, v0;
	v1 =	vld [tilespmem:s28+$0x6DA0]  }
0x163: {  	v4 =	vadd.s32 $0x8CD, v0;
	v3 =	vld [tilespmem:s28+$0x6DB0];
	_ =	sdelay $0x3  }
0x164: {  	[tilespmem:v2+s29+$0xA400] =	vst.idx.msk $0xffff, v1  }
0x165: {  	[tilespmem:v4+s29+$0xA400] =	vst.idx.msk $0xffff, v3  }
0x166: {  	v2 =	vadd.s32 $0x4E, v0;
	v1 =	vld [tilespmem:s28+$0x6DC0]  }
0x167: {  	v4 =	vadd.s32 $0x8CE, v0;
	v3 =	vld [tilespmem:s28+$0x6DD0];
	_ =	sdelay $0x3  }
0x168: {  	[tilespmem:v2+s29+$0xA400] =	vst.idx.msk $0xffff, v1  }
0x169: {  	[tilespmem:v4+s29+$0xA400] =	vst.idx.msk $0xffff, v3  }
0x16a: {  	v2 =	vadd.s32 $0x4F, v0;
	v1 =	vld [tilespmem:s28+$0x6DE0]  }
0x16b: {  	v4 =	vadd.s32 $0x8CF, v0;
	v3 =	vld [tilespmem:s28+$0x6DF0];
	_ =	sdelay $0x3  }
0x16c: {  	[tilespmem:v2+s29+$0xA400] =	vst.idx.msk $0xffff, v1  }
0x16d: {  	[tilespmem:v4+s29+$0xA400] =	vst.idx.msk $0xffff, v3  }
0x16e: {  	v2 =	vadd.s32 $0x50, v0;
	v1 =	vld [tilespmem:s28+$0x6E00]  }
0x16f: {  	v4 =	vadd.s32 $0x8D0, v0;
	v3 =	vld [tilespmem:s28+$0x6E10];
	_ =	sdelay $0x3  }
0x170: {  	[tilespmem:v2+s29+$0xA400] =	vst.idx.msk $0xffff, v1  }
0x171: {  	[tilespmem:v4+s29+$0xA400] =	vst.idx.msk $0xffff, v3  }
0x172: {  	v2 =	vadd.s32 $0x51, v0;
	v1 =	vld [tilespmem:s28+$0x6E20]  }
0x173: {  	v4 =	vadd.s32 $0x8D1, v0;
	v3 =	vld [tilespmem:s28+$0x6E30];
	_ =	sdelay $0x3  }
0x174: {  	[tilespmem:v2+s29+$0xA400] =	vst.idx.msk $0xffff, v1  }
0x175: {  	[tilespmem:v4+s29+$0xA400] =	vst.idx.msk $0xffff, v3  }
0x176: {  	v2 =	vadd.s32 $0x52, v0;
	v1 =	vld [tilespmem:s28+$0x6E40]  }
0x177: {  	v4 =	vadd.s32 $0x8D2, v0;
	v3 =	vld [tilespmem:s28+$0x6E50];
	_ =	sdelay $0x3  }
0x178: {  	[tilespmem:v2+s29+$0xA400] =	vst.idx.msk $0xffff, v1  }
0x179: {  	[tilespmem:v4+s29+$0xA400] =	vst.idx.msk $0xffff, v3  }
0x17a: {  	v2 =	vadd.s32 $0x53, v0;
	v1 =	vld [tilespmem:s28+$0x6E60]  }
0x17b: {  	v4 =	vadd.s32 $0x8D3, v0;
	v3 =	vld [tilespmem:s28+$0x6E70];
	_ =	sdelay $0x3  }
0x17c: {  	[tilespmem:v2+s29+$0xA400] =	vst.idx.msk $0xffff, v1  }
0x17d: {  	[tilespmem:v4+s29+$0xA400] =	vst.idx.msk $0xffff, v3  }
0x17e: {  	v2 =	vadd.s32 $0x54, v0;
	v1 =	vld [tilespmem:s28+$0x6E80]  }
0x17f: {  	v4 =	vadd.s32 $0x8D4, v0;
	v3 =	vld [tilespmem:s28+$0x6E90];
	_ =	sdelay $0x3  }
0x180: {  	[tilespmem:v2+s29+$0xA400] =	vst.idx.msk $0xffff, v1  }
0x181: {  	[tilespmem:v4+s29+$0xA400] =	vst.idx.msk $0xffff, v3  }
0x182: {  	v2 =	vadd.s32 $0x55, v0;
	v1 =	vld [tilespmem:s28+$0x6EA0]  }
0x183: {  	v4 =	vadd.s32 $0x8D5, v0;
	v3 =	vld [tilespmem:s28+$0x6EB0];
	_ =	sdelay $0x3  }
0x184: {  	[tilespmem:v2+s29+$0xA400] =	vst.idx.msk $0xffff, v1  }
0x185: {  	[tilespmem:v4+s29+$0xA400] =	vst.idx.msk $0xffff, v3  }
0x186: {  	v2 =	vadd.s32 $0x56, v0;
	v1 =	vld [tilespmem:s28+$0x6EC0]  }
0x187: {  	v4 =	vadd.s32 $0x8D6, v0;
	v3 =	vld [tilespmem:s28+$0x6ED0];
	_ =	sdelay $0x3  }
0x188: {  	[tilespmem:v2+s29+$0xA400] =	vst.idx.msk $0xffff, v1  }
0x189: {  	[tilespmem:v4+s29+$0xA400] =	vst.idx.msk $0xffff, v3  }
0x18a: {  	v2 =	vadd.s32 $0x57, v0;
	v1 =	vld [tilespmem:s28+$0x6EE0]  }
0x18b: {  	v4 =	vadd.s32 $0x8D7, v0;
	v3 =	vld [tilespmem:s28+$0x6EF0];
	_ =	sdelay $0x3  }
0x18c: {  	[tilespmem:v2+s29+$0xA400] =	vst.idx.msk $0xffff, v1  }
0x18d: {  	[tilespmem:v4+s29+$0xA400] =	vst.idx.msk $0xffff, v3  }
0x18e: {  	v2 =	vadd.s32 $0x58, v0;
	v1 =	vld [tilespmem:s28+$0x6F00]  }
0x18f: {  	v4 =	vadd.s32 $0x8D8, v0;
	v3 =	vld [tilespmem:s28+$0x6F10];
	_ =	sdelay $0x3  }
0x190: {  	[tilespmem:v2+s29+$0xA400] =	vst.idx.msk $0xffff, v1  }
0x191: {  	[tilespmem:v4+s29+$0xA400] =	vst.idx.msk $0xffff, v3  }
0x192: {  	v2 =	vadd.s32 $0x59, v0;
	v1 =	vld [tilespmem:s28+$0x6F20]  }
0x193: {  	v4 =	vadd.s32 $0x8D9, v0;
	v3 =	vld [tilespmem:s28+$0x6F30];
	_ =	sdelay $0x3  }
0x194: {  	[tilespmem:v2+s29+$0xA400] =	vst.idx.msk $0xffff, v1  }
0x195: {  	[tilespmem:v4+s29+$0xA400] =	vst.idx.msk $0xffff, v3  }
0x196: {  	v2 =	vadd.s32 $0x5A, v0;
	v1 =	vld [tilespmem:s28+$0x6F40]  }
0x197: {  	v4 =	vadd.s32 $0x8DA, v0;
	v3 =	vld [tilespmem:s28+$0x6F50];
	_ =	sdelay $0x3  }
0x198: {  	[tilespmem:v2+s29+$0xA400] =	vst.idx.msk $0xffff, v1  }
0x199: {  	[tilespmem:v4+s29+$0xA400] =	vst.idx.msk $0xffff, v3  }
0x19a: {  	v2 =	vadd.s32 $0x5B, v0;
	v1 =	vld [tilespmem:s28+$0x6F60]  }
0x19b: {  	v4 =	vadd.s32 $0x8DB, v0;
	v3 =	vld [tilespmem:s28+$0x6F70];
	_ =	sdelay $0x3  }
0x19c: {  	[tilespmem:v2+s29+$0xA400] =	vst.idx.msk $0xffff, v1  }
0x19d: {  	[tilespmem:v4+s29+$0xA400] =	vst.idx.msk $0xffff, v3  }
0x19e: {  	v2 =	vadd.s32 $0x5C, v0;
	v1 =	vld [tilespmem:s28+$0x6F80]  }
0x19f: {  	v4 =	vadd.s32 $0x8DC, v0;
	v3 =	vld [tilespmem:s28+$0x6F90];
	_ =	sdelay $0x3  }
0x1a0: {  	[tilespmem:v2+s29+$0xA400] =	vst.idx.msk $0xffff, v1  }
0x1a1: {  	[tilespmem:v4+s29+$0xA400] =	vst.idx.msk $0xffff, v3  }
0x1a2: {  	v2 =	vadd.s32 $0x5D, v0;
	v1 =	vld [tilespmem:s28+$0x6FA0]  }
0x1a3: {  	v4 =	vadd.s32 $0x8DD, v0;
	v3 =	vld [tilespmem:s28+$0x6FB0];
	_ =	sdelay $0x3  }
0x1a4: {  	[tilespmem:v2+s29+$0xA400] =	vst.idx.msk $0xffff, v1  }
0x1a5: {  	[tilespmem:v4+s29+$0xA400] =	vst.idx.msk $0xffff, v3  }
0x1a6: {  	v2 =	vadd.s32 $0x5E, v0;
	v1 =	vld [tilespmem:s28+$0x6FC0]  }
0x1a7: {  	v4 =	vadd.s32 $0x8DE, v0;
	v3 =	vld [tilespmem:s28+$0x6FD0];
	_ =	sdelay $0x3  }
0x1a8: {  	[tilespmem:v2+s29+$0xA400] =	vst.idx.msk $0xffff, v1  }
0x1a9: {  	[tilespmem:v4+s29+$0xA400] =	vst.idx.msk $0xffff, v3  }
0x1aa: {  	v2 =	vadd.s32 $0x5F, v0;
	v1 =	vld [tilespmem:s28+$0x6FE0]  }
0x1ab: {  	v4 =	vadd.s32 $0x8DF, v0;
	v3 =	vld [tilespmem:s28+$0x6FF0];
	_ =	sdelay $0x3  }
0x1ac: {  	[tilespmem:v2+s29+$0xA400] =	vst.idx.msk $0xffff, v1  }
0x1ad: {  	[tilespmem:v4+s29+$0xA400] =	vst.idx.msk $0xffff, v3  }
0x1ae: {  	v2 =	vadd.s32 $0x60, v0;
	v1 =	vld [tilespmem:s28+$0x7000]  }
0x1af: {  	v4 =	vadd.s32 $0x8E0, v0;
	v3 =	vld [tilespmem:s28+$0x7010];
	_ =	sdelay $0x3  }
0x1b0: {  	[tilespmem:v2+s29+$0xA400] =	vst.idx.msk $0xffff, v1  }
0x1b1: {  	[tilespmem:v4+s29+$0xA400] =	vst.idx.msk $0xffff, v3  }
0x1b2: {  	v2 =	vadd.s32 $0x61, v0;
	v1 =	vld [tilespmem:s28+$0x7020]  }
0x1b3: {  	v4 =	vadd.s32 $0x8E1, v0;
	v3 =	vld [tilespmem:s28+$0x7030];
	_ =	sdelay $0x3  }
0x1b4: {  	[tilespmem:v2+s29+$0xA400] =	vst.idx.msk $0xffff, v1  }
0x1b5: {  	[tilespmem:v4+s29+$0xA400] =	vst.idx.msk $0xffff, v3  }
0x1b6: {  	v2 =	vadd.s32 $0x62, v0;
	v1 =	vld [tilespmem:s28+$0x7040]  }
0x1b7: {  	v4 =	vadd.s32 $0x8E2, v0;
	v3 =	vld [tilespmem:s28+$0x7050];
	_ =	sdelay $0x3  }
0x1b8: {  	[tilespmem:v2+s29+$0xA400] =	vst.idx.msk $0xffff, v1  }
0x1b9: {  	[tilespmem:v4+s29+$0xA400] =	vst.idx.msk $0xffff, v3  }
0x1ba: {  	v2 =	vadd.s32 $0x63, v0;
	v1 =	vld [tilespmem:s28+$0x7060]  }
0x1bb: {  	v4 =	vadd.s32 $0x8E3, v0;
	v3 =	vld [tilespmem:s28+$0x7070];
	_ =	sdelay $0x3  }
0x1bc: {  	[tilespmem:v2+s29+$0xA400] =	vst.idx.msk $0xffff, v1  }
0x1bd: {  	[tilespmem:v4+s29+$0xA400] =	vst.idx.msk $0xffff, v3  }
0x1be: {  	v2 =	vadd.s32 $0x64, v0;
	v1 =	vld [tilespmem:s28+$0x7080]  }
0x1bf: {  	v4 =	vadd.s32 $0x8E4, v0;
	v3 =	vld [tilespmem:s28+$0x7090];
	_ =	sdelay $0x3  }
0x1c0: {  	[tilespmem:v2+s29+$0xA400] =	vst.idx.msk $0xffff, v1  }
0x1c1: {  	[tilespmem:v4+s29+$0xA400] =	vst.idx.msk $0xffff, v3  }
0x1c2: {  	v2 =	vadd.s32 $0x65, v0;
	v1 =	vld [tilespmem:s28+$0x70A0]  }
0x1c3: {  	v4 =	vadd.s32 $0x8E5, v0;
	v3 =	vld [tilespmem:s28+$0x70B0];
	_ =	sdelay $0x3  }
0x1c4: {  	[tilespmem:v2+s29+$0xA400] =	vst.idx.msk $0xffff, v1  }
0x1c5: {  	[tilespmem:v4+s29+$0xA400] =	vst.idx.msk $0xffff, v3  }
0x1c6: {  	v2 =	vadd.s32 $0x66, v0;
	v1 =	vld [tilespmem:s28+$0x70C0]  }
0x1c7: {  	v4 =	vadd.s32 $0x8E6, v0;
	v3 =	vld [tilespmem:s28+$0x70D0];
	_ =	sdelay $0x3  }
0x1c8: {  	[tilespmem:v2+s29+$0xA400] =	vst.idx.msk $0xffff, v1  }
0x1c9: {  	[tilespmem:v4+s29+$0xA400] =	vst.idx.msk $0xffff, v3  }
0x1ca: {  	v2 =	vadd.s32 $0x67, v0;
	v1 =	vld [tilespmem:s28+$0x70E0]  }
0x1cb: {  	v4 =	vadd.s32 $0x8E7, v0;
	v3 =	vld [tilespmem:s28+$0x70F0];
	_ =	sdelay $0x3  }
0x1cc: {  	[tilespmem:v2+s29+$0xA400] =	vst.idx.msk $0xffff, v1  }
0x1cd: {  	[tilespmem:v4+s29+$0xA400] =	vst.idx.msk $0xffff, v3  }
0x1ce: {  	v2 =	vadd.s32 $0x68, v0;
	v1 =	vld [tilespmem:s28+$0x7100]  }
0x1cf: {  	v4 =	vadd.s32 $0x8E8, v0;
	v3 =	vld [tilespmem:s28+$0x7110];
	_ =	sdelay $0x3  }
0x1d0: {  	[tilespmem:v2+s29+$0xA400] =	vst.idx.msk $0xffff, v1  }
0x1d1: {  	[tilespmem:v4+s29+$0xA400] =	vst.idx.msk $0xffff, v3  }
0x1d2: {  	v2 =	vadd.s32 $0x69, v0;
	v1 =	vld [tilespmem:s28+$0x7120]  }
0x1d3: {  	v4 =	vadd.s32 $0x8E9, v0;
	v3 =	vld [tilespmem:s28+$0x7130];
	_ =	sdelay $0x3  }
0x1d4: {  	[tilespmem:v2+s29+$0xA400] =	vst.idx.msk $0xffff, v1  }
0x1d5: {  	[tilespmem:v4+s29+$0xA400] =	vst.idx.msk $0xffff, v3  }
0x1d6: {  	v2 =	vadd.s32 $0x6A, v0;
	v1 =	vld [tilespmem:s28+$0x7140]  }
0x1d7: {  	v4 =	vadd.s32 $0x8EA, v0;
	v3 =	vld [tilespmem:s28+$0x7150];
	_ =	sdelay $0x3  }
0x1d8: {  	[tilespmem:v2+s29+$0xA400] =	vst.idx.msk $0xffff, v1  }
0x1d9: {  	[tilespmem:v4+s29+$0xA400] =	vst.idx.msk $0xffff, v3  }
0x1da: {  	v2 =	vadd.s32 $0x6B, v0;
	v1 =	vld [tilespmem:s28+$0x7160]  }
0x1db: {  	v4 =	vadd.s32 $0x8EB, v0;
	v3 =	vld [tilespmem:s28+$0x7170];
	_ =	sdelay $0x3  }
0x1dc: {  	[tilespmem:v2+s29+$0xA400] =	vst.idx.msk $0xffff, v1  }
0x1dd: {  	[tilespmem:v4+s29+$0xA400] =	vst.idx.msk $0xffff, v3  }
0x1de: {  	v2 =	vadd.s32 $0x6C, v0;
	v1 =	vld [tilespmem:s28+$0x7180]  }
0x1df: {  	v4 =	vadd.s32 $0x8EC, v0;
	v3 =	vld [tilespmem:s28+$0x7190];
	_ =	sdelay $0x3  }
0x1e0: {  	[tilespmem:v2+s29+$0xA400] =	vst.idx.msk $0xffff, v1  }
0x1e1: {  	[tilespmem:v4+s29+$0xA400] =	vst.idx.msk $0xffff, v3  }
0x1e2: {  	v2 =	vadd.s32 $0x6D, v0;
	v1 =	vld [tilespmem:s28+$0x71A0]  }
0x1e3: {  	v4 =	vadd.s32 $0x8ED, v0;
	v3 =	vld [tilespmem:s28+$0x71B0];
	_ =	sdelay $0x3  }
0x1e4: {  	[tilespmem:v2+s29+$0xA400] =	vst.idx.msk $0xffff, v1  }
0x1e5: {  	[tilespmem:v4+s29+$0xA400] =	vst.idx.msk $0xffff, v3  }
0x1e6: {  	v2 =	vadd.s32 $0x6E, v0;
	v1 =	vld [tilespmem:s28+$0x71C0]  }
0x1e7: {  	v4 =	vadd.s32 $0x8EE, v0;
	v3 =	vld [tilespmem:s28+$0x71D0];
	_ =	sdelay $0x3  }
0x1e8: {  	[tilespmem:v2+s29+$0xA400] =	vst.idx.msk $0xffff, v1  }
0x1e9: {  	[tilespmem:v4+s29+$0xA400] =	vst.idx.msk $0xffff, v3  }
0x1ea: {  	v2 =	vadd.s32 $0x6F, v0;
	v1 =	vld [tilespmem:s28+$0x71E0]  }
0x1eb: {  	v4 =	vadd.s32 $0x8EF, v0;
	v3 =	vld [tilespmem:s28+$0x71F0];
	_ =	sdelay $0x3  }
0x1ec: {  	[tilespmem:v2+s29+$0xA400] =	vst.idx.msk $0xffff, v1  }
0x1ed: {  	[tilespmem:v4+s29+$0xA400] =	vst.idx.msk $0xffff, v3  }
0x1ee: {  	v2 =	vadd.s32 $0x70, v0;
	v1 =	vld [tilespmem:s28+$0x7200]  }
0x1ef: {  	v4 =	vadd.s32 $0x8F0, v0;
	v3 =	vld [tilespmem:s28+$0x7210];
	_ =	sdelay $0x3  }
0x1f0: {  	[tilespmem:v2+s29+$0xA400] =	vst.idx.msk $0xffff, v1  }
0x1f1: {  	[tilespmem:v4+s29+$0xA400] =	vst.idx.msk $0xffff, v3  }
0x1f2: {  	v2 =	vadd.s32 $0x71, v0;
	v1 =	vld [tilespmem:s28+$0x7220]  }
0x1f3: {  	v4 =	vadd.s32 $0x8F1, v0;
	v3 =	vld [tilespmem:s28+$0x7230];
	_ =	sdelay $0x3  }
0x1f4: {  	[tilespmem:v2+s29+$0xA400] =	vst.idx.msk $0xffff, v1  }
0x1f5: {  	[tilespmem:v4+s29+$0xA400] =	vst.idx.msk $0xffff, v3  }
0x1f6: {  	v2 =	vadd.s32 $0x72, v0;
	v1 =	vld [tilespmem:s28+$0x7240]  }
0x1f7: {  	v4 =	vadd.s32 $0x8F2, v0;
	v3 =	vld [tilespmem:s28+$0x7250];
	_ =	sdelay $0x3  }
0x1f8: {  	[tilespmem:v2+s29+$0xA400] =	vst.idx.msk $0xffff, v1  }
0x1f9: {  	[tilespmem:v4+s29+$0xA400] =	vst.idx.msk $0xffff, v3  }
0x1fa: {  	v2 =	vadd.s32 $0x73, v0;
	v1 =	vld [tilespmem:s28+$0x7260]  }
0x1fb: {  	v4 =	vadd.s32 $0x8F3, v0;
	v3 =	vld [tilespmem:s28+$0x7270];
	_ =	sdelay $0x3  }
0x1fc: {  	[tilespmem:v2+s29+$0xA400] =	vst.idx.msk $0xffff, v1  }
0x1fd: {  	[tilespmem:v4+s29+$0xA400] =	vst.idx.msk $0xffff, v3  }
0x1fe: {  	v2 =	vadd.s32 $0x74, v0;
	v1 =	vld [tilespmem:s28+$0x7280]  }
0x1ff: {  	v4 =	vadd.s32 $0x8F4, v0;
	v3 =	vld [tilespmem:s28+$0x7290];
	_ =	sdelay $0x3  }
0x200: {  	[tilespmem:v2+s29+$0xA400] =	vst.idx.msk $0xffff, v1  }
0x201: {  	[tilespmem:v4+s29+$0xA400] =	vst.idx.msk $0xffff, v3  }
0x202: {  	v2 =	vadd.s32 $0x75, v0;
	v1 =	vld [tilespmem:s28+$0x72A0]  }
0x203: {  	v4 =	vadd.s32 $0x8F5, v0;
	v3 =	vld [tilespmem:s28+$0x72B0];
	_ =	sdelay $0x3  }
0x204: {  	[tilespmem:v2+s29+$0xA400] =	vst.idx.msk $0xffff, v1  }
0x205: {  	[tilespmem:v4+s29+$0xA400] =	vst.idx.msk $0xffff, v3  }
0x206: {  	v2 =	vadd.s32 $0x76, v0;
	v1 =	vld [tilespmem:s28+$0x72C0]  }
0x207: {  	v4 =	vadd.s32 $0x8F6, v0;
	v3 =	vld [tilespmem:s28+$0x72D0];
	_ =	sdelay $0x3  }
0x208: {  	[tilespmem:v2+s29+$0xA400] =	vst.idx.msk $0xffff, v1  }
0x209: {  	[tilespmem:v4+s29+$0xA400] =	vst.idx.msk $0xffff, v3  }
0x20a: {  	v2 =	vadd.s32 $0x77, v0;
	v1 =	vld [tilespmem:s28+$0x72E0]  }
0x20b: {  	v4 =	vadd.s32 $0x8F7, v0;
	v3 =	vld [tilespmem:s28+$0x72F0];
	_ =	sdelay $0x3  }
0x20c: {  	[tilespmem:v2+s29+$0xA400] =	vst.idx.msk $0xffff, v1  }
0x20d: {  	[tilespmem:v4+s29+$0xA400] =	vst.idx.msk $0xffff, v3  }
0x20e: {  	v2 =	vadd.s32 $0x78, v0;
	v1 =	vld [tilespmem:s28+$0x7300]  }
0x20f: {  	v4 =	vadd.s32 $0x8F8, v0;
	v3 =	vld [tilespmem:s28+$0x7310];
	_ =	sdelay $0x3  }
0x210: {  	[tilespmem:v2+s29+$0xA400] =	vst.idx.msk $0xffff, v1  }
0x211: {  	[tilespmem:v4+s29+$0xA400] =	vst.idx.msk $0xffff, v3  }
0x212: {  	v2 =	vadd.s32 $0x79, v0;
	v1 =	vld [tilespmem:s28+$0x7320]  }
0x213: {  	v4 =	vadd.s32 $0x8F9, v0;
	v3 =	vld [tilespmem:s28+$0x7330];
	_ =	sdelay $0x3  }
0x214: {  	[tilespmem:v2+s29+$0xA400] =	vst.idx.msk $0xffff, v1  }
0x215: {  	[tilespmem:v4+s29+$0xA400] =	vst.idx.msk $0xffff, v3  }
0x216: {  	v2 =	vadd.s32 $0x7A, v0;
	v1 =	vld [tilespmem:s28+$0x7340]  }
0x217: {  	v4 =	vadd.s32 $0x8FA, v0;
	v3 =	vld [tilespmem:s28+$0x7350];
	_ =	sdelay $0x3  }
0x218: {  	[tilespmem:v2+s29+$0xA400] =	vst.idx.msk $0xffff, v1  }
0x219: {  	[tilespmem:v4+s29+$0xA400] =	vst.idx.msk $0xffff, v3  }
0x21a: {  	v2 =	vadd.s32 $0x7B, v0;
	v1 =	vld [tilespmem:s28+$0x7360]  }
0x21b: {  	v4 =	vadd.s32 $0x8FB, v0;
	v3 =	vld [tilespmem:s28+$0x7370];
	_ =	sdelay $0x3  }
0x21c: {  	[tilespmem:v2+s29+$0xA400] =	vst.idx.msk $0xffff, v1  }
0x21d: {  	[tilespmem:v4+s29+$0xA400] =	vst.idx.msk $0xffff, v3  }
0x21e: {  	v2 =	vadd.s32 $0x7C, v0;
	v1 =	vld [tilespmem:s28+$0x7380]  }
0x21f: {  	v4 =	vadd.s32 $0x8FC, v0;
	v3 =	vld [tilespmem:s28+$0x7390];
	_ =	sdelay $0x3  }
0x220: {  	[tilespmem:v2+s29+$0xA400] =	vst.idx.msk $0xffff, v1  }
0x221: {  	[tilespmem:v4+s29+$0xA400] =	vst.idx.msk $0xffff, v3  }
0x222: {  	v2 =	vadd.s32 $0x7D, v0;
	v1 =	vld [tilespmem:s28+$0x73A0]  }
0x223: {  	v4 =	vadd.s32 $0x8FD, v0;
	v3 =	vld [tilespmem:s28+$0x73B0];
	_ =	sdelay $0x3  }
0x224: {  	[tilespmem:v2+s29+$0xA400] =	vst.idx.msk $0xffff, v1  }
0x225: {  	[tilespmem:v4+s29+$0xA400] =	vst.idx.msk $0xffff, v3  }
0x226: {  	v2 =	vadd.s32 $0x7E, v0;
	v1 =	vld [tilespmem:s28+$0x73C0]  }
0x227: {  	v4 =	vadd.s32 $0x8FE, v0;
	v3 =	vld [tilespmem:s28+$0x73D0];
	_ =	sdelay $0x3  }
0x228: {  	[tilespmem:v2+s29+$0xA400] =	vst.idx.msk $0xffff, v1  }
0x229: {  	[tilespmem:v4+s29+$0xA400] =	vst.idx.msk $0xffff, v3  }
0x22a: {  	v2 =	vadd.s32 $0x7F, v0;
	v1 =	vld [tilespmem:s28+$0x73E0]  }
0x22b: {  	v4 =	vadd.s32 $0x8FF, v0;
	v3 =	vld [tilespmem:s28+$0x73F0]  }
0x22c: {  	p0 =	sgt.u32 s24, $0xC3  }
0x22d: {  	s30 =	sshll.u32 @!p0 s24, $0x9  }
0x22e: {  	s30 =	sadd.s32 @!p0 $0x800, s30  }
0x22f: {  	s30 =	sand.u32 @!p0 $0x3FE00, s30;
	[tilespmem:v2+s29+$0xA400] =	vst.idx.msk $0xffff, v1  }
0x230: {  	s28 =	sadd.s32 $0x6400, s28;
	[tilespmem:v4+s29+$0xA400] =	vst.idx.msk $0xffff, v3;
	s29 =	sshrl.u32 @!p0 s30, $0x2;
	s30 =	simm.s32 @!p0 $0x80  }
0x231: {  	[tilespmem:s28], [sflag:s26] =	stream.indirect.gather @!p0 [hbm4b:s5+s30], $0x20, s29, s30, $0xb8;
	[tilespmem:$0xE800] =	vst v63  }
0x232: {  	s31 =	sand.u32 $0x3, s23;
	s28 =	sshll.u32 s24, $0x7;
	s29 =	sshll.u32 s24, $0xC  }
0x233: {  	s26 =	smul.u32 $0x4400, s31;
	s28 =	sand.u32 $0x380, s28;
	s29 =	sand.u32 $0xF8000, s29  }
0x234: {  	s28 =	sor.u32 s29, s28  }
0x235: {  	s26 =	sshrl.u32 s26, $0x2;
	s28 =	sor.u32 s4, s28  }
0x236: {  	s26 =	sadd.s32 $0xA400, s26;
	s28 =	sshrl.u32 s28, $0x3  }
0x237: {  	s25 =	sadd.s32 $0x5, s25;
	s29 =	sadd.s32 $0x0, s26;
	s28 =	sadd.s32 s1, s28  }
0x238: {  	[hbm4b:s28+s3] =	stream.linear.scatter [tilespmem:s29], [sflag:s25], $0x80, $0x38;
	[tilespmem:$0xE800] =	vst v63  }
0x239: {  	s29 =	simm.s32 $0x220  }
.LBB2_3:
0x23a: {  	p0 =	sne.s32 s29, $0x41E0  }
.Ltmp0:
0x23b: {  	_ = 	snop;
	(pc) =	sbr.rel @p0 .LBB2_3-.Ltmp0, $4  }
0x23c: {  	_ = 	snop  }
0x23d: {  	s30 =	sshra.s32 s29, $0x2;
	s29 =	sadd.s32 $0x220, s29  }
0x23e: {  	s28 =	sadd.s32 $0x19000, s28;
	s30 =	sadd.s32 s30, s26  }
0x23f: {  	[hbm4b:s28+s3] =	stream.linear.scatter [tilespmem:s30], [sflag:s25], $0x80, $0x38;
	[tilespmem:$0xE800] =	vst v63  }
0x240: {  	s24 =	sadd.s32 $0x1, s24  }
0x241: {  	p0 =	sne.s32 s24, $0xC8  }
.Ltmp1:
0x242: {  	_ = 	snop;
	(pc) =	sbr.rel @p0 .LBB2_2-.Ltmp1, $2  }
0x243: {  	_ =	sdelay $0x2  }
0x244: {  	s23 =	sadd.s32 $0x1, s23  }
0x245: {  	_ =	swait.ge [sflag:s18], $0x1000  }
0x246: {  	[sflag:s18] =	ssyncset.done $0x0  }
0x247: {  	[sflag:s18] =	ssyncadd.s32 $0xFFFFF000  }
0x248: {  	_ =	swait.ge [sflag:s19], $0x1000  }
0x249: {  	[sflag:s19] =	ssyncset.done $0x0  }
0x24a: {  	s22 =	sadd.s32 $0x1, s22;
	[sflag:s19] =	ssyncadd.s32 $0xFFFFF000  }
0x24b: {  	p0 =	sne.s32 s22, s7;
	_ =	swait.ge [sflag:s20], $0x1000  }
.Ltmp2:
0x24c: {  	[sflag:s20] =	ssyncset.done $0x0;
	(pc) =	sbr.rel @p0 .LBB2_1-.Ltmp2, $4  }
0x24d: {  	[sflag:s20] =	ssyncadd.s32 $0xFFFFF000  }
0x24e: {  	_ =	swait.ge [sflag:s21], $0x1000  }
0x24f: {  	[sflag:s21] =	ssyncset.done $0x0  }
0x250: {  	[sflag:s21] =	ssyncadd.s32 $0xFFFFF000  }
0x251: {  	_ =	sfence.sel $0x180000  }
0x252: {  	[bflag:$0x0] =	sbarrier.arrive $0xFFFF  }
0x253: {  	p0 =	sne.s32 s2, $0x0;
	_ =	strace $0x90000047  }
0x254: {  	s0 =	sadd.s32 @!p0 $0x100000, s0;
	[bflag:$0x2] =	sbarrier.arrive $0xFFFF  }
0x255: {  	[sflag:s0] =	ssyncadd.tile.s32 @!p0 $0x1;
	_ =	shalt  }
.Lfunc_end2:
_tile_overlayer_lowered:
.L_overlay_start_2:
0x256: {  	(tag) =	ssettag $0x2  }
0x257: {  	s0 =	rddreg [dreg:$0x0];
	s2 =	stileid.u32  }
0x258: {  	s1 =	rddreg [dreg:$0x1];
	p0 =	sne.s32 s2, $0x0  }
0x259: {  	s3 =	rddreg [dreg:$0x2];
	[bflag:$0x3] =	sbarrier.arrive $0xFFFF;
	s2 =	simm.s32 @!p0 $0x1C09  }
0x25a: {  	[timem:s3], [sflag:s2] =	dma.local @!p0 [hbm:s0], s1  }
0x25b: {  	s0 =	simm.s32 @!p0 $0x9  }
0x25c: {  	_ =	swait.ge @!p0 [sflag:s0], s1  }
0x25d: {  	s1 =	ssub.s32 @!p0 $0x0, s1;
	[sflag:s0] =	ssyncset.done @!p0 $0x0  }
0x25e: {  	[sflag:s0] =	ssyncadd.s32 @!p0 s1  }
0x25f: {  	[bflag:$0x3] =	sbarrier.arrive $0xFFFF  }
0x260: {  	_ =	shalt  }

</sc_bundles>
